<compile_context>
chip_gen: v7x
topology: tpu7x:2x2x1
jax: 0.10.2.dev20260603
libtpu: 0.0.44.dev20260713+nightly
codegen_flags: <defaults>
</compile_context>

<pallas_src>
import functools

import jax
import jax.numpy as jnp
from jax import lax
from jax.experimental import pallas as pl
from jax.experimental.pallas import tpu as pltpu
from jax.experimental.pallas import tpu_sc as plsc

P = 16
B = 32
H = 512
W = 512
C = 3
NH = H // P
NW = W // P
N = NH * NW
PR = P * P * C
PZ = PR
L = 16
CH = 128
NC = N // CH
QW = 128
QP = QW // P
NQS = NH * 4
NB = PR // L


def _sc_patch_compact(x):
    @functools.partial(
        pl.kernel,
        mesh=plsc.VectorSubcoreMesh(core_axis_name="c", subcore_axis_name="s"),
        out_type=jax.ShapeDtypeStruct((B, PR, N), jnp.float32),
        scratch_types=[
            pltpu.VMEM((2, C, P, QW), jnp.float32),
            pltpu.VMEM((PR, CH), jnp.float32),
            pltpu.VMEM((L, PZ), jnp.float32),
            pltpu.SemaphoreType.DMA((2,)),
        ],
        compiler_params=pltpu.CompilerParams(needs_layout_passes=False),
    )
    def k(img, y, bufs, stg, pbuf, sems):
        b = lax.axis_index("s") * 2 + lax.axis_index("c")
        qv = lax.iota(jnp.int32, L)
        zv = jnp.zeros((L,), jnp.float32)
        perms = [qv ^ (1 << s) for s in range(4)]
        masks = [(qv & (1 << s)) != 0 for s in range(4)]
        gd = lax.GatherDimensionNumbers(
            offset_dims=(), collapsed_slice_dims=(0,), start_index_map=(0,)
        )

        def lperm(vx, idx):
            return lax.gather(
                vx, idx[:, None], gd, slice_sizes=(1,),
                mode=lax.GatherScatterMode.PROMISE_IN_BOUNDS,
            )

        def src(hh):
            return img.at[
                b, :, pl.ds((hh // 4) * P, P), pl.ds((hh % 4) * QW, QW)
            ]

        def group_flush(l0):
            def blk_body(rc, carry):
                w = [pbuf[i, pl.ds(rc * L, L)] for i in range(L)]
                for s in range(4):
                    kk = 1 << s
                    nw = list(w)
                    for i in range(L):
                        if i & kk == 0:
                            a, bb = w[i], w[i | kk]
                            bx = lperm(bb, perms[s])
                            ax = lperm(a, perms[s])
                            nw[i] = jnp.where(masks[s], bx, a)
                            nw[i | kk] = jnp.where(masks[s], bb, ax)
                    w = nw
                for q in range(L):
                    stg[rc * L + q, pl.ds(l0, L)] = w[q]
                return carry

            lax.fori_loop(0, NB, blk_body, 0)

        pltpu.async_copy(src(0), bufs.at[0], sems.at[0])

        def quarter_body(hh, cnt0):
            bi = hh % 2
            pltpu.make_async_copy(src(hh), bufs.at[bi], sems.at[bi]).wait()

            @pl.when(hh + 1 < NQS)
            def _():
                nb = (hh + 1) % 2
                pltpu.async_copy(src(hh + 1), bufs.at[nb], sems.at[nb])

            def patch_body(j, cnt):
                lg = cnt % L
                accs = []
                for c in range(C):
                    acc = jnp.full((L,), -1.0, jnp.float32)
                    for r in range(P):
                        v = bufs[bi, c, r, pl.ds(j * P, L)]
                        acc = jnp.maximum(acc, v)
                        pbuf[lg, pl.ds((r * C + c) * P, L)] = v
                    accs.append(acc)
                m = jnp.maximum(jnp.maximum(accs[0], accs[1]), accs[2])
                pv = plsc.all_reduce_population_count(m > 0.0)
                keep = (pv[0] > 0).astype(jnp.int32)
                cnt1 = cnt + keep

                @pl.when((keep == 1) & (cnt1 % L == 0))
                def _():
                    group_flush((cnt1 - L) % CH)

                    @pl.when(cnt1 % CH == 0)
                    def _():
                        pltpu.sync_copy(
                            stg,
                            y.at[b, :, pl.ds((cnt1 // CH - 1) * CH, CH)],
                        )

                return cnt1

            return lax.fori_loop(0, QP, patch_body, cnt0)

        count = lax.fori_loop(0, NQS, quarter_body, jnp.int32(0))

        fill = count % CH
        f16 = count % L
        mfull = count // CH
        fillp = fill - f16 + jnp.where(f16 > 0, L, 0)

        def zero_grp(g, carry):
            def zg_body(o, carry2):
                for kk in range(L):
                    stg[o * L + kk, pl.ds(g * L, L)] = zv
                return carry2

            lax.fori_loop(0, NB, zg_body, 0)
            return carry

        def tail_body(m2, carry):
            pltpu.sync_copy(stg, y.at[b, :, pl.ds(m2 * CH, CH)])
            return carry

        @pl.when(count < N)
        def _():
            @pl.when(f16 > 0)
            def _():
                def pad_row(l2, carry):
                    for rc in range(NB):
                        pbuf[l2, pl.ds(rc * L, L)] = zv
                    return carry

                lax.fori_loop(f16, L, pad_row, 0)
                group_flush(fill - f16)

            lax.fori_loop(fillp // L, CH // L, zero_grp, 0)

            @pl.when(fillp > 0)
            def _():
                pltpu.sync_copy(stg, y.at[b, :, pl.ds(mfull * CH, CH)])

            nfl = mfull + (fillp > 0).astype(jnp.int32)

            @pl.when(nfl < NC)
            def _():
                lax.fori_loop(0, fillp // L, zero_grp, 0)
                lax.fori_loop(nfl, NC, tail_body, 0)

    return k(x)


def kernel(images):
    x = images.transpose(0, 3, 1, 2)
    y = _sc_patch_compact(x)
    return y.reshape(B, P, C, P, N).transpose(0, 4, 1, 3, 2)

# --- scband reference (transcript-rebuilt; emitter-appended) ---
"""Pipeline reference for scband-patch-extractor-11725260718482 (READ-ONLY COPY).

The authoritative reference and input builder live on the scoring server;
editing this copy changes nothing except your own understanding.
"""

import jax, jax.numpy as jnp
import numpy as np

PATCH_SIZE = 16


def setup_inputs(seed: int = 0) -> dict:
    key = jax.random.key(seed)
    images = jax.random.normal(key, (32, 512, 512, 3), dtype=jnp.float32)
    return {"images": images}


def reference(images):
    p = PATCH_SIZE
    B, H, W, C = images.shape
    nh, nw = H // p, W // p
    N = nh * nw
    # tf.image.extract_patches with sizes=strides=[1,p,p,1], VALID padding,
    # followed by reshape to (B, N, p, p, C) is equivalent to block-reshaping:
    patches = images.reshape(B, nh, p, nw, p, C)
    patches = patches.transpose(0, 1, 3, 2, 4, 5).reshape(B, N, p, p, C)
    # non-empty mask: any element > 0 within each patch
    mask = jnp.any(patches > 0, axis=(2, 3, 4))
    # tf.ragged.boolean_mask compacts kept patches to the front (stable order)
    order = jnp.argsort(jnp.logical_not(mask), axis=1, stable=True)
    gathered = jnp.take_along_axis(patches, order[:, :, None, None, None], axis=1)
    counts = jnp.sum(mask.astype(jnp.int32), axis=1)
    valid = jnp.arange(N)[None, :] < counts[:, None]
    out = gathered * valid[:, :, None, None, None].astype(patches.dtype)
    # .to_tensor(default_value=0) pads to the max row length across the batch
    max_count = N
    return out[:, :max_count]

if __name__ == "__main__":
    import jax
    _d = setup_inputs()
    print(jax.jit(kernel)(*tuple(_d.values())))

</pallas_src>

<mosaic_0001>
#map = affine_map<(d0, d1) -> (0, 0, 0, 0)>
#map1 = affine_map<(d0, d1) -> (0, 0, 0)>
module attributes {stable_mosaic.version = 14 : i64} {
  func.func @k(%arg0: i32, %arg1: i32, %arg2: memref<32x3x512x512xf32, #tpu.memory_space<hbm>>, %arg3: memref<32x768x1024xf32, #tpu.memory_space<hbm>>, %arg4: memref<2x3x16x128xf32, #tpu.memory_space<vmem>>, %arg5: memref<768x128xf32, #tpu.memory_space<vmem>>, %arg6: memref<16x768xf32, #tpu.memory_space<vmem>>, %arg7: memref<2x!tpu.dma_semaphore, #tpu.memory_space<semaphore_mem>>) attributes {dimension_semantics = [#tpu.dimension_semantics<core_parallel>, #tpu.dimension_semantics<subcore_parallel>], iteration_bounds = array<i64: 2, 16>, scalar_prefetch = 0 : i64, scratch_operands = 4 : i64, tpu.core_type = #tpu.core_type<sc_vector_subcore>, window_params = [{transform_indices = #map}, {transform_indices = #map1}]} {
    %mul3A = arith.constant 2 : i32
    %mul3A_0 = arith.muli %arg1, %mul3A : i32
    %add3A = arith.addi %mul3A_0, %arg0 : i32
    %iota3A = tpu.iota {dimensions = array<i32: 0>} : vector<16xi32>
    %broadcast_in_dim3A = arith.constant 0.000000e+00 : f32
    %broadcast_in_dim3A_1 = vector.broadcast %broadcast_in_dim3A : f32 to vector<16xf32>
    %xor3A = arith.constant 1 : i32
    %xor3A_2 = vector.broadcast %xor3A : i32 to vector<16xi32>
    %xor3A_3 = arith.xori %iota3A, %xor3A_2 : vector<16xi32>
    %xor3A_4 = arith.constant 2 : i32
    %xor3A_5 = vector.broadcast %xor3A_4 : i32 to vector<16xi32>
    %xor3A_6 = arith.xori %iota3A, %xor3A_5 : vector<16xi32>
    %xor3A_7 = arith.constant 4 : i32
    %xor3A_8 = vector.broadcast %xor3A_7 : i32 to vector<16xi32>
    %xor3A_9 = arith.xori %iota3A, %xor3A_8 : vector<16xi32>
    %xor3A_10 = arith.constant 8 : i32
    %xor3A_11 = vector.broadcast %xor3A_10 : i32 to vector<16xi32>
    %xor3A_12 = arith.xori %iota3A, %xor3A_11 : vector<16xi32>
    %and3A = arith.constant 1 : i32
    %and3A_13 = vector.broadcast %and3A : i32 to vector<16xi32>
    %and3A_14 = arith.andi %iota3A, %and3A_13 : vector<16xi32>
    %ne3A = arith.constant 0 : i32
    %ne3A_15 = vector.broadcast %ne3A : i32 to vector<16xi32>
    %ne3A_16 = arith.cmpi ne, %and3A_14, %ne3A_15 : vector<16xi32>
    %and3A_17 = arith.constant 2 : i32
    %and3A_18 = vector.broadcast %and3A_17 : i32 to vector<16xi32>
    %and3A_19 = arith.andi %iota3A, %and3A_18 : vector<16xi32>
    %ne3A_20 = arith.constant 0 : i32
    %ne3A_21 = vector.broadcast %ne3A_20 : i32 to vector<16xi32>
    %ne3A_22 = arith.cmpi ne, %and3A_19, %ne3A_21 : vector<16xi32>
    %and3A_23 = arith.constant 4 : i32
    %and3A_24 = vector.broadcast %and3A_23 : i32 to vector<16xi32>
    %and3A_25 = arith.andi %iota3A, %and3A_24 : vector<16xi32>
    %ne3A_26 = arith.constant 0 : i32
    %ne3A_27 = vector.broadcast %ne3A_26 : i32 to vector<16xi32>
    %ne3A_28 = arith.cmpi ne, %and3A_25, %ne3A_27 : vector<16xi32>
    %and3A_29 = arith.constant 8 : i32
    %and3A_30 = vector.broadcast %and3A_29 : i32 to vector<16xi32>
    %and3A_31 = arith.andi %iota3A, %and3A_30 : vector<16xi32>
    %ne3A_32 = arith.constant 0 : i32
    %ne3A_33 = vector.broadcast %ne3A_32 : i32 to vector<16xi32>
    %ne3A_34 = arith.cmpi ne, %and3A_31, %ne3A_33 : vector<16xi32>
    %dma_start3A = arith.constant 0 : i32
    %dma_start3A_35 = arith.constant 0 : i32
    %dma_start3A_36 = arith.constant 0 : i32
    %dma_start3A_37 = arith.constant 0 : i32
    %dma_start3A_38 = arith.constant 0 : i32
    %dma_start3A_39 = tpu.memref_slice %arg4[%dma_start3A, %dma_start3A_36, %dma_start3A_37, %dma_start3A_38] : memref<2x3x16x128xf32, #tpu.memory_space<vmem>> -> memref<1x3x16x128xf32, #tpu.memory_space<vmem>>
    %dma_start3A_40 = tpu.memref_squeeze %dma_start3A_39 : memref<1x3x16x128xf32, #tpu.memory_space<vmem>> -> memref<3x16x128xf32, #tpu.memory_space<vmem>>
    %dma_start3A_41 = arith.constant 0 : i32
    %dma_start3A_42 = arith.constant 0 : i32
    %dma_start3A_43 = arith.constant 0 : i32
    %dma_start3A_44 = tpu.memref_slice %arg2[%add3A, %dma_start3A_41, %dma_start3A_42, %dma_start3A_43] : memref<32x3x512x512xf32, #tpu.memory_space<hbm>> -> memref<1x3x16x128xf32, #tpu.memory_space<hbm>>
    %dma_start3A_45 = tpu.memref_squeeze %dma_start3A_44 : memref<1x3x16x128xf32, #tpu.memory_space<hbm>> -> memref<3x16x128xf32, #tpu.memory_space<hbm>>
    %dma_start3A_46 = tpu.memref_slice %arg7[%dma_start3A_35] : memref<2x!tpu.dma_semaphore, #tpu.memory_space<semaphore_mem>> -> memref<1x!tpu.dma_semaphore, #tpu.memory_space<semaphore_mem>>
    %dma_start3A_47 = tpu.memref_squeeze %dma_start3A_46 : memref<1x!tpu.dma_semaphore, #tpu.memory_space<semaphore_mem>> -> memref<!tpu.dma_semaphore, #tpu.memory_space<semaphore_mem>>
    %dma_start3A_48 = arith.constant 0 : i32
    %dma_start3A_49 = arith.constant 0 : i32
    %dma_start3A_50 = arith.constant 0 : i32
    %dma_start3A_51 = tpu.memref_slice %arg4[%dma_start3A, %dma_start3A_48, %dma_start3A_49, %dma_start3A_50] : memref<2x3x16x128xf32, #tpu.memory_space<vmem>> -> memref<1x3x16x128xf32, #tpu.memory_space<vmem>>
    %dma_start3A_52 = tpu.memref_squeeze %dma_start3A_51 : memref<1x3x16x128xf32, #tpu.memory_space<vmem>> -> memref<3x16x128xf32, #tpu.memory_space<vmem>>
    %dma_start3A_53 = arith.constant 0 : i32
    %dma_start3A_54 = arith.constant 0 : i32
    %dma_start3A_55 = arith.constant 0 : i32
    %dma_start3A_56 = tpu.memref_slice %arg2[%add3A, %dma_start3A_53, %dma_start3A_54, %dma_start3A_55] : memref<32x3x512x512xf32, #tpu.memory_space<hbm>> -> memref<1x3x16x128xf32, #tpu.memory_space<hbm>>
    %dma_start3A_57 = tpu.memref_squeeze %dma_start3A_56 : memref<1x3x16x128xf32, #tpu.memory_space<hbm>> -> memref<3x16x128xf32, #tpu.memory_space<hbm>>
    tpu.enqueue_dma source(%dma_start3A_57 : memref<3x16x128xf32, #tpu.memory_space<hbm>>) target(%dma_start3A_52 : memref<3x16x128xf32, #tpu.memory_space<vmem>>) target_semaphore(%dma_start3A_47 : memref<!tpu.dma_semaphore, #tpu.memory_space<semaphore_mem>>)
    %scan3A = arith.constant 0 : i32
    %scan3A_58 = arith.constant 0 : i32
    %scan3A_59 = arith.constant 128 : i32
    %scan3A_60 = arith.addi %scan3A_58, %scan3A_59 : i32
    %scan3A_61 = arith.constant 1 : i32
    %scan3A_62 = scf.for %scan3A_121 = %scan3A_58 to %scan3A_60 step %scan3A_61 iter_args(%scan3A_122 = %scan3A) -> (i32)  : i32 {
      %jit3A_123 = arith.constant 2 : i32
      %eq3A_124 = arith.constant 0 : i32
      %eq3A_125 = arith.cmpi eq, %jit3A_123, %eq3A_124 : i32
      %jit3A_126 = arith.constant 1 : i32
      %select_n3A_127 = arith.select %eq3A_125, %jit3A_126, %jit3A_123 : i32
      %rem3A_128 = arith.remsi %scan3A_121, %select_n3A_127 : i32
      %ne3A_129 = arith.constant 0 : i32
      %ne3A_130 = arith.cmpi ne, %rem3A_128, %ne3A_129 : i32
      %lt3A_131 = arith.constant 0 : i32
      %lt3A_132 = arith.cmpi slt, %rem3A_128, %lt3A_131 : i32
      %lt3A_133 = arith.constant 0 : i32
      %lt3A_134 = arith.cmpi slt, %select_n3A_127, %lt3A_133 : i32
      %ne3A_135 = arith.xori %lt3A_132, %lt3A_134 : i1
      %and3A_136 = arith.andi %ne3A_135, %ne3A_130 : i1
      %add3A_137 = arith.addi %rem3A_128, %select_n3A_127 : i32
      %select_n3A_138 = arith.select %and3A_136, %add3A_137, %rem3A_128 : i32
      %jit3A_139 = arith.constant 4 : i32
      %div3A_140 = arith.divsi %scan3A_121, %jit3A_139 : i32
      %sign3A_141 = arith.constant 0 : i32
      %sign3A_142 = arith.cmpi sgt, %scan3A_121, %sign3A_141 : i32
      %sign3A_143 = arith.extui %sign3A_142 : i1 to i32
      %sign3A_144 = arith.constant 0 : i32
      %sign3A_145 = arith.cmpi slt, %scan3A_121, %sign3A_144 : i32
      %sign3A_146 = arith.extui %sign3A_145 : i1 to i32
      %sign3A_147 = arith.subi %sign3A_143, %sign3A_146 : i32
      %sign3A_148 = arith.constant 0 : i32
      %sign3A_149 = arith.cmpi sgt, %jit3A_139, %sign3A_148 : i32
      %sign3A_150 = arith.extui %sign3A_149 : i1 to i32
      %sign3A_151 = arith.constant 0 : i32
      %sign3A_152 = arith.cmpi slt, %jit3A_139, %sign3A_151 : i32
      %sign3A_153 = arith.extui %sign3A_152 : i1 to i32
      %sign3A_154 = arith.subi %sign3A_150, %sign3A_153 : i32
      %ne3A_155 = arith.cmpi ne, %sign3A_147, %sign3A_154 : i32
      %rem3A_156 = arith.remsi %scan3A_121, %jit3A_139 : i32
      %ne3A_157 = arith.constant 0 : i32
      %ne3A_158 = arith.cmpi ne, %rem3A_156, %ne3A_157 : i32
      %and3A_159 = arith.andi %ne3A_155, %ne3A_158 : i1
      %sub3A_160 = arith.constant 1 : i32
      %sub3A_161 = arith.subi %div3A_140, %sub3A_160 : i32
      %select_n3A_162 = arith.select %and3A_159, %sub3A_161, %div3A_140 : i32
      %mul3A_163 = arith.constant 16 : i32
      %mul3A_164 = arith.muli %select_n3A_162, %mul3A_163 : i32
      %jit3A_165 = arith.constant 4 : i32
      %eq3A_166 = arith.constant 0 : i32
      %eq3A_167 = arith.cmpi eq, %jit3A_165, %eq3A_166 : i32
      %jit3A_168 = arith.constant 1 : i32
      %select_n3A_169 = arith.select %eq3A_167, %jit3A_168, %jit3A_165 : i32
      %rem3A_170 = arith.remsi %scan3A_121, %select_n3A_169 : i32
      %ne3A_171 = arith.constant 0 : i32
      %ne3A_172 = arith.cmpi ne, %rem3A_170, %ne3A_171 : i32
      %lt3A_173 = arith.constant 0 : i32
      %lt3A_174 = arith.cmpi slt, %rem3A_170, %lt3A_173 : i32
      %lt3A_175 = arith.constant 0 : i32
      %lt3A_176 = arith.cmpi slt, %select_n3A_169, %lt3A_175 : i32
      %ne3A_177 = arith.xori %lt3A_174, %lt3A_176 : i1
      %and3A_178 = arith.andi %ne3A_177, %ne3A_172 : i1
      %add3A_179 = arith.addi %rem3A_170, %select_n3A_169 : i32
      %select_n3A_180 = arith.select %and3A_178, %add3A_179, %rem3A_170 : i32
      %mul3A_181 = arith.constant 128 : i32
      %mul3A_182 = arith.muli %select_n3A_180, %mul3A_181 : i32
      %dma_wait3A = arith.constant 0 : i32
      %dma_wait3A_183 = arith.constant 0 : i32
      %dma_wait3A_184 = arith.constant 0 : i32
      %dma_wait3A_185 = tpu.memref_slice %arg4[%select_n3A_138, %dma_wait3A, %dma_wait3A_183, %dma_wait3A_184] : memref<2x3x16x128xf32, #tpu.memory_space<vmem>> -> memref<1x3x16x128xf32, #tpu.memory_space<vmem>>
      %dma_wait3A_186 = tpu.memref_squeeze %dma_wait3A_185 : memref<1x3x16x128xf32, #tpu.memory_space<vmem>> -> memref<3x16x128xf32, #tpu.memory_space<vmem>>
      %dma_wait3A_187 = arith.constant 0 : i32
      %dma_wait3A_188 = tpu.memref_slice %arg2[%add3A, %dma_wait3A_187, %mul3A_164, %mul3A_182] : memref<32x3x512x512xf32, #tpu.memory_space<hbm>> -> memref<1x3x16x128xf32, #tpu.memory_space<hbm>>
      %dma_wait3A_189 = tpu.memref_squeeze %dma_wait3A_188 : memref<1x3x16x128xf32, #tpu.memory_space<hbm>> -> memref<3x16x128xf32, #tpu.memory_space<hbm>>
      %dma_wait3A_190 = tpu.memref_slice %arg7[%select_n3A_138] : memref<2x!tpu.dma_semaphore, #tpu.memory_space<semaphore_mem>> -> memref<1x!tpu.dma_semaphore, #tpu.memory_space<semaphore_mem>>
      %dma_wait3A_191 = tpu.memref_squeeze %dma_wait3A_190 : memref<1x!tpu.dma_semaphore, #tpu.memory_space<semaphore_mem>> -> memref<!tpu.dma_semaphore, #tpu.memory_space<semaphore_mem>>
      %dma_wait3A_192 = arith.constant 0 : i32
      %dma_wait3A_193 = arith.constant 0 : i32
      %dma_wait3A_194 = arith.constant 0 : i32
      %dma_wait3A_195 = tpu.memref_slice %arg4[%select_n3A_138, %dma_wait3A_192, %dma_wait3A_193, %dma_wait3A_194] : memref<2x3x16x128xf32, #tpu.memory_space<vmem>> -> memref<1x3x16x128xf32, #tpu.memory_space<vmem>>
      %dma_wait3A_196 = tpu.memref_squeeze %dma_wait3A_195 : memref<1x3x16x128xf32, #tpu.memory_space<vmem>> -> memref<3x16x128xf32, #tpu.memory_space<vmem>>
      %dma_wait3A_197 = arith.constant 0 : i32
      %dma_wait3A_198 = tpu.memref_slice %arg2[%add3A, %dma_wait3A_197, %mul3A_164, %mul3A_182] : memref<32x3x512x512xf32, #tpu.memory_space<hbm>> -> memref<1x3x16x128xf32, #tpu.memory_space<hbm>>
      %dma_wait3A_199 = tpu.memref_squeeze %dma_wait3A_198 : memref<1x3x16x128xf32, #tpu.memory_space<hbm>> -> memref<3x16x128xf32, #tpu.memory_space<hbm>>
      tpu.wait_dma2 semaphore(%dma_wait3A_191 : memref<!tpu.dma_semaphore, #tpu.memory_space<semaphore_mem>>) src(%dma_wait3A_199 : memref<3x16x128xf32, #tpu.memory_space<hbm>>) dst(%dma_wait3A_196 : memref<3x16x128xf32, #tpu.memory_space<vmem>>)
      %add3A_200 = arith.constant 1 : i32
      %add3A_201 = arith.addi %scan3A_121, %add3A_200 : i32
      %lt3A_202 = arith.constant 128 : i32
      %lt3A_203 = arith.cmpi slt, %add3A_201, %lt3A_202 : i32
      %convert_element_type3A_204 = arith.extui %lt3A_203 : i1 to i32
      %cond3A_205 = arith.constant 0 : i32
      %cond3A_206 = arith.cmpi ne, %convert_element_type3A_204, %cond3A_205 : i32
      scf.if %cond3A_206 {
        %add3A_213 = arith.constant 1 : i32
        %add3A_214 = arith.addi %scan3A_121, %add3A_213 : i32
        %jit3A_215 = arith.constant 2 : i32
        %eq3A_216 = arith.constant 0 : i32
        %eq3A_217 = arith.cmpi eq, %jit3A_215, %eq3A_216 : i32
        %jit3A_218 = arith.constant 1 : i32
        %select_n3A_219 = arith.select %eq3A_217, %jit3A_218, %jit3A_215 : i32
        %rem3A_220 = arith.remsi %add3A_214, %select_n3A_219 : i32
        %ne3A_221 = arith.constant 0 : i32
        %ne3A_222 = arith.cmpi ne, %rem3A_220, %ne3A_221 : i32
        %lt3A_223 = arith.constant 0 : i32
        %lt3A_224 = arith.cmpi slt, %rem3A_220, %lt3A_223 : i32
        %lt3A_225 = arith.constant 0 : i32
        %lt3A_226 = arith.cmpi slt, %select_n3A_219, %lt3A_225 : i32
        %ne3A_227 = arith.xori %lt3A_224, %lt3A_226 : i1
        %and3A_228 = arith.andi %ne3A_227, %ne3A_222 : i1
        %add3A_229 = arith.addi %rem3A_220, %select_n3A_219 : i32
        %select_n3A_230 = arith.select %and3A_228, %add3A_229, %rem3A_220 : i32
        %add3A_231 = arith.constant 1 : i32
        %add3A_232 = arith.addi %scan3A_121, %add3A_231 : i32
        %jit3A_233 = arith.constant 4 : i32
        %div3A_234 = arith.divsi %add3A_232, %jit3A_233 : i32
        %sign3A_235 = arith.constant 0 : i32
        %sign3A_236 = arith.cmpi sgt, %add3A_232, %sign3A_235 : i32
        %sign3A_237 = arith.extui %sign3A_236 : i1 to i32
        %sign3A_238 = arith.constant 0 : i32
        %sign3A_239 = arith.cmpi slt, %add3A_232, %sign3A_238 : i32
        %sign3A_240 = arith.extui %sign3A_239 : i1 to i32
        %sign3A_241 = arith.subi %sign3A_237, %sign3A_240 : i32
        %sign3A_242 = arith.constant 0 : i32
        %sign3A_243 = arith.cmpi sgt, %jit3A_233, %sign3A_242 : i32
        %sign3A_244 = arith.extui %sign3A_243 : i1 to i32
        %sign3A_245 = arith.constant 0 : i32
        %sign3A_246 = arith.cmpi slt, %jit3A_233, %sign3A_245 : i32
        %sign3A_247 = arith.extui %sign3A_246 : i1 to i32
        %sign3A_248 = arith.subi %sign3A_244, %sign3A_247 : i32
        %ne3A_249 = arith.cmpi ne, %sign3A_241, %sign3A_248 : i32
        %rem3A_250 = arith.remsi %add3A_232, %jit3A_233 : i32
        %ne3A_251 = arith.constant 0 : i32
        %ne3A_252 = arith.cmpi ne, %rem3A_250, %ne3A_251 : i32
        %and3A_253 = arith.andi %ne3A_249, %ne3A_252 : i1
        %sub3A_254 = arith.constant 1 : i32
        %sub3A_255 = arith.subi %div3A_234, %sub3A_254 : i32
        %select_n3A_256 = arith.select %and3A_253, %sub3A_255, %div3A_234 : i32
        %mul3A_257 = arith.constant 16 : i32
        %mul3A_258 = arith.muli %select_n3A_256, %mul3A_257 : i32
        %jit3A_259 = arith.constant 4 : i32
        %eq3A_260 = arith.constant 0 : i32
        %eq3A_261 = arith.cmpi eq, %jit3A_259, %eq3A_260 : i32
        %jit3A_262 = arith.constant 1 : i32
        %select_n3A_263 = arith.select %eq3A_261, %jit3A_262, %jit3A_259 : i32
        %rem3A_264 = arith.remsi %add3A_232, %select_n3A_263 : i32
        %ne3A_265 = arith.constant 0 : i32
        %ne3A_266 = arith.cmpi ne, %rem3A_264, %ne3A_265 : i32
        %lt3A_267 = arith.constant 0 : i32
        %lt3A_268 = arith.cmpi slt, %rem3A_264, %lt3A_267 : i32
        %lt3A_269 = arith.constant 0 : i32
        %lt3A_270 = arith.cmpi slt, %select_n3A_263, %lt3A_269 : i32
        %ne3A_271 = arith.xori %lt3A_268, %lt3A_270 : i1
        %and3A_272 = arith.andi %ne3A_271, %ne3A_266 : i1
        %add3A_273 = arith.addi %rem3A_264, %select_n3A_263 : i32
        %select_n3A_274 = arith.select %and3A_272, %add3A_273, %rem3A_264 : i32
        %mul3A_275 = arith.constant 128 : i32
        %mul3A_276 = arith.muli %select_n3A_274, %mul3A_275 : i32
        %dma_start3A_277 = arith.constant 0 : i32
        %dma_start3A_278 = arith.constant 0 : i32
        %dma_start3A_279 = arith.constant 0 : i32
        %dma_start3A_280 = tpu.memref_slice %arg4[%select_n3A_230, %dma_start3A_277, %dma_start3A_278, %dma_start3A_279] : memref<2x3x16x128xf32, #tpu.memory_space<vmem>> -> memref<1x3x16x128xf32, #tpu.memory_space<vmem>>
        %dma_start3A_281 = tpu.memref_squeeze %dma_start3A_280 : memref<1x3x16x128xf32, #tpu.memory_space<vmem>> -> memref<3x16x128xf32, #tpu.memory_space<vmem>>
        %dma_start3A_282 = arith.constant 0 : i32
        %dma_start3A_283 = tpu.memref_slice %arg2[%add3A, %dma_start3A_282, %mul3A_258, %mul3A_276] : memref<32x3x512x512xf32, #tpu.memory_space<hbm>> -> memref<1x3x16x128xf32, #tpu.memory_space<hbm>>
        %dma_start3A_284 = tpu.memref_squeeze %dma_start3A_283 : memref<1x3x16x128xf32, #tpu.memory_space<hbm>> -> memref<3x16x128xf32, #tpu.memory_space<hbm>>
        %dma_start3A_285 = tpu.memref_slice %arg7[%select_n3A_230] : memref<2x!tpu.dma_semaphore, #tpu.memory_space<semaphore_mem>> -> memref<1x!tpu.dma_semaphore, #tpu.memory_space<semaphore_mem>>
        %dma_start3A_286 = tpu.memref_squeeze %dma_start3A_285 : memref<1x!tpu.dma_semaphore, #tpu.memory_space<semaphore_mem>> -> memref<!tpu.dma_semaphore, #tpu.memory_space<semaphore_mem>>
        %dma_start3A_287 = arith.constant 0 : i32
        %dma_start3A_288 = arith.constant 0 : i32
        %dma_start3A_289 = arith.constant 0 : i32
        %dma_start3A_290 = tpu.memref_slice %arg4[%select_n3A_230, %dma_start3A_287, %dma_start3A_288, %dma_start3A_289] : memref<2x3x16x128xf32, #tpu.memory_space<vmem>> -> memref<1x3x16x128xf32, #tpu.memory_space<vmem>>
        %dma_start3A_291 = tpu.memref_squeeze %dma_start3A_290 : memref<1x3x16x128xf32, #tpu.memory_space<vmem>> -> memref<3x16x128xf32, #tpu.memory_space<vmem>>
        %dma_start3A_292 = arith.constant 0 : i32
        %dma_start3A_293 = tpu.memref_slice %arg2[%add3A, %dma_start3A_292, %mul3A_258, %mul3A_276] : memref<32x3x512x512xf32, #tpu.memory_space<hbm>> -> memref<1x3x16x128xf32, #tpu.memory_space<hbm>>
        %dma_start3A_294 = tpu.memref_squeeze %dma_start3A_293 : memref<1x3x16x128xf32, #tpu.memory_space<hbm>> -> memref<3x16x128xf32, #tpu.memory_space<hbm>>
        tpu.enqueue_dma source(%dma_start3A_294 : memref<3x16x128xf32, #tpu.memory_space<hbm>>) target(%dma_start3A_291 : memref<3x16x128xf32, #tpu.memory_space<vmem>>) target_semaphore(%dma_start3A_286 : memref<!tpu.dma_semaphore, #tpu.memory_space<semaphore_mem>>)
      } else {
      }
      %scan3A_207 = arith.constant 0 : i32
      %scan3A_208 = arith.constant 8 : i32
      %scan3A_209 = arith.addi %scan3A_207, %scan3A_208 : i32
      %scan3A_210 = arith.constant 1 : i32
      %scan3A_211 = scf.for %scan3A_213 = %scan3A_207 to %scan3A_209 step %scan3A_210 iter_args(%scan3A_214 = %scan3A_122) -> (i32)  : i32 {
        %jit3A_215 = arith.constant 16 : i32
        %eq3A_216 = arith.constant 0 : i32
        %eq3A_217 = arith.cmpi eq, %jit3A_215, %eq3A_216 : i32
        %jit3A_218 = arith.constant 1 : i32
        %select_n3A_219 = arith.select %eq3A_217, %jit3A_218, %jit3A_215 : i32
        %rem3A_220 = arith.remsi %scan3A_214, %select_n3A_219 : i32
        %ne3A_221 = arith.constant 0 : i32
        %ne3A_222 = arith.cmpi ne, %rem3A_220, %ne3A_221 : i32
        %lt3A_223 = arith.constant 0 : i32
        %lt3A_224 = arith.cmpi slt, %rem3A_220, %lt3A_223 : i32
        %lt3A_225 = arith.constant 0 : i32
        %lt3A_226 = arith.cmpi slt, %select_n3A_219, %lt3A_225 : i32
        %ne3A_227 = arith.xori %lt3A_224, %lt3A_226 : i1
        %and3A_228 = arith.andi %ne3A_227, %ne3A_222 : i1
        %add3A_229 = arith.addi %rem3A_220, %select_n3A_219 : i32
        %select_n3A_230 = arith.select %and3A_228, %add3A_229, %rem3A_220 : i32
        %broadcast_in_dim3A_231 = arith.constant -1.000000e+00 : f32
        %broadcast_in_dim3A_232 = vector.broadcast %broadcast_in_dim3A_231 : f32 to vector<16xf32>
        %mul3A_233 = arith.constant 16 : i32
        %mul3A_234 = arith.muli %scan3A_213, %mul3A_233 : i32
        %get3A = arith.constant 0 : i32
        %get3A_235 = arith.constant 0 : i32
        %get3A_236 = arith.index_cast %select_n3A_138 : i32 to index
        %get3A_237 = arith.index_cast %get3A : i32 to index
        %get3A_238 = arith.index_cast %get3A_235 : i32 to index
        %get3A_239 = arith.index_cast %mul3A_234 : i32 to index
        %get3A_240 = tpu.vector_load %arg4[%get3A_236, %get3A_237, %get3A_238, %get3A_239] {strides = array<i32>} : memref<2x3x16x128xf32, #tpu.memory_space<vmem>>, vector<16xf32>,
        %max3A = arith.maximumf %broadcast_in_dim3A_232, %get3A_240 : vector<16xf32>
        %swap3A = arith.index_cast %select_n3A_230 : i32 to index
        %swap3A_241 = arith.constant 0 : index
        %swap3A_242 = tpu.vector_load %arg6[%swap3A, %swap3A_241] {strides = array<i32>} : memref<16x768xf32, #tpu.memory_space<vmem>>, vector<16xf32>,
        tpu.vector_store %arg6[%swap3A, %swap3A_241], %get3A_240 {strides = array<i32>} : memref<16x768xf32, #tpu.memory_space<vmem>>, vector<16xf32>,
        %mul3A_243 = arith.constant 16 : i32
        %mul3A_244 = arith.muli %scan3A_213, %mul3A_243 : i32
        %get3A_245 = arith.constant 0 : i32
        %get3A_246 = arith.constant 1 : i32
        %get3A_247 = arith.index_cast %select_n3A_138 : i32 to index
        %get3A_248 = arith.index_cast %get3A_245 : i32 to index
        %get3A_249 = arith.index_cast %get3A_246 : i32 to index
        %get3A_250 = arith.index_cast %mul3A_244 : i32 to index
        %get3A_251 = tpu.vector_load %arg4[%get3A_247, %get3A_248, %get3A_249, %get3A_250] {strides = array<i32>} : memref<2x3x16x128xf32, #tpu.memory_space<vmem>>, vector<16xf32>,
        %max3A_252 = arith.maximumf %max3A, %get3A_251 : vector<16xf32>
        %swap3A_253 = arith.index_cast %select_n3A_230 : i32 to index
        %swap3A_254 = arith.constant 48 : index
        %swap3A_255 = tpu.vector_load %arg6[%swap3A_253, %swap3A_254] {strides = array<i32>} : memref<16x768xf32, #tpu.memory_space<vmem>>, vector<16xf32>,
        tpu.vector_store %arg6[%swap3A_253, %swap3A_254], %get3A_251 {strides = array<i32>} : memref<16x768xf32, #tpu.memory_space<vmem>>, vector<16xf32>,
        %mul3A_256 = arith.constant 16 : i32
        %mul3A_257 = arith.muli %scan3A_213, %mul3A_256 : i32
        %get3A_258 = arith.constant 0 : i32
        %get3A_259 = arith.constant 2 : i32
        %get3A_260 = arith.index_cast %select_n3A_138 : i32 to index
        %get3A_261 = arith.index_cast %get3A_258 : i32 to index
        %get3A_262 = arith.index_cast %get3A_259 : i32 to index
        %get3A_263 = arith.index_cast %mul3A_257 : i32 to index
        %get3A_264 = tpu.vector_load %arg4[%get3A_260, %get3A_261, %get3A_262, %get3A_263] {strides = array<i32>} : memref<2x3x16x128xf32, #tpu.memory_space<vmem>>, vector<16xf32>,
        %max3A_265 = arith.maximumf %max3A_252, %get3A_264 : vector<16xf32>
        %swap3A_266 = arith.index_cast %select_n3A_230 : i32 to index
        %swap3A_267 = arith.constant 96 : index
        %swap3A_268 = tpu.vector_load %arg6[%swap3A_266, %swap3A_267] {strides = array<i32>} : memref<16x768xf32, #tpu.memory_space<vmem>>, vector<16xf32>,
        tpu.vector_store %arg6[%swap3A_266, %swap3A_267], %get3A_264 {strides = array<i32>} : memref<16x768xf32, #tpu.memory_space<vmem>>, vector<16xf32>,
        %mul3A_269 = arith.constant 16 : i32
        %mul3A_270 = arith.muli %scan3A_213, %mul3A_269 : i32
        %get3A_271 = arith.constant 0 : i32
        %get3A_272 = arith.constant 3 : i32
        %get3A_273 = arith.index_cast %select_n3A_138 : i32 to index
        %get3A_274 = arith.index_cast %get3A_271 : i32 to index
        %get3A_275 = arith.index_cast %get3A_272 : i32 to index
        %get3A_276 = arith.index_cast %mul3A_270 : i32 to index
        %get3A_277 = tpu.vector_load %arg4[%get3A_273, %get3A_274, %get3A_275, %get3A_276] {strides = array<i32>} : memref<2x3x16x128xf32, #tpu.memory_space<vmem>>, vector<16xf32>,
        %max3A_278 = arith.maximumf %max3A_265, %get3A_277 : vector<16xf32>
        %swap3A_279 = arith.index_cast %select_n3A_230 : i32 to index
        %swap3A_280 = arith.constant 144 : index
        %swap3A_281 = tpu.vector_load %arg6[%swap3A_279, %swap3A_280] {strides = array<i32>} : memref<16x768xf32, #tpu.memory_space<vmem>>, vector<16xf32>,
        tpu.vector_store %arg6[%swap3A_279, %swap3A_280], %get3A_277 {strides = array<i32>} : memref<16x768xf32, #tpu.memory_space<vmem>>, vector<16xf32>,
        %mul3A_282 = arith.constant 16 : i32
        %mul3A_283 = arith.muli %scan3A_213, %mul3A_282 : i32
        %get3A_284 = arith.constant 0 : i32
        %get3A_285 = arith.constant 4 : i32
        %get3A_286 = arith.index_cast %select_n3A_138 : i32 to index
        %get3A_287 = arith.index_cast %get3A_284 : i32 to index
        %get3A_288 = arith.index_cast %get3A_285 : i32 to index
        %get3A_289 = arith.index_cast %mul3A_283 : i32 to index
        %get3A_290 = tpu.vector_load %arg4[%get3A_286, %get3A_287, %get3A_288, %get3A_289] {strides = array<i32>} : memref<2x3x16x128xf32, #tpu.memory_space<vmem>>, vector<16xf32>,
        %max3A_291 = arith.maximumf %max3A_278, %get3A_290 : vector<16xf32>
        %swap3A_292 = arith.index_cast %select_n3A_230 : i32 to index
        %swap3A_293 = arith.constant 192 : index
        %swap3A_294 = tpu.vector_load %arg6[%swap3A_292, %swap3A_293] {strides = array<i32>} : memref<16x768xf32, #tpu.memory_space<vmem>>, vector<16xf32>,
        tpu.vector_store %arg6[%swap3A_292, %swap3A_293], %get3A_290 {strides = array<i32>} : memref<16x768xf32, #tpu.memory_space<vmem>>, vector<16xf32>,
        %mul3A_295 = arith.constant 16 : i32
        %mul3A_296 = arith.muli %scan3A_213, %mul3A_295 : i32
        %get3A_297 = arith.constant 0 : i32
        %get3A_298 = arith.constant 5 : i32
        %get3A_299 = arith.index_cast %select_n3A_138 : i32 to index
        %get3A_300 = arith.index_cast %get3A_297 : i32 to index
        %get3A_301 = arith.index_cast %get3A_298 : i32 to index
        %get3A_302 = arith.index_cast %mul3A_296 : i32 to index
        %get3A_303 = tpu.vector_load %arg4[%get3A_299, %get3A_300, %get3A_301, %get3A_302] {strides = array<i32>} : memref<2x3x16x128xf32, #tpu.memory_space<vmem>>, vector<16xf32>,
        %max3A_304 = arith.maximumf %max3A_291, %get3A_303 : vector<16xf32>
        %swap3A_305 = arith.index_cast %select_n3A_230 : i32 to index
        %swap3A_306 = arith.constant 240 : index
        %swap3A_307 = tpu.vector_load %arg6[%swap3A_305, %swap3A_306] {strides = array<i32>} : memref<16x768xf32, #tpu.memory_space<vmem>>, vector<16xf32>,
        tpu.vector_store %arg6[%swap3A_305, %swap3A_306], %get3A_303 {strides = array<i32>} : memref<16x768xf32, #tpu.memory_space<vmem>>, vector<16xf32>,
        %mul3A_308 = arith.constant 16 : i32
        %mul3A_309 = arith.muli %scan3A_213, %mul3A_308 : i32
        %get3A_310 = arith.constant 0 : i32
        %get3A_311 = arith.constant 6 : i32
        %get3A_312 = arith.index_cast %select_n3A_138 : i32 to index
        %get3A_313 = arith.index_cast %get3A_310 : i32 to index
        %get3A_314 = arith.index_cast %get3A_311 : i32 to index
        %get3A_315 = arith.index_cast %mul3A_309 : i32 to index
        %get3A_316 = tpu.vector_load %arg4[%get3A_312, %get3A_313, %get3A_314, %get3A_315] {strides = array<i32>} : memref<2x3x16x128xf32, #tpu.memory_space<vmem>>, vector<16xf32>,
        %max3A_317 = arith.maximumf %max3A_304, %get3A_316 : vector<16xf32>
        %swap3A_318 = arith.index_cast %select_n3A_230 : i32 to index
        %swap3A_319 = arith.constant 288 : index
        %swap3A_320 = tpu.vector_load %arg6[%swap3A_318, %swap3A_319] {strides = array<i32>} : memref<16x768xf32, #tpu.memory_space<vmem>>, vector<16xf32>,
        tpu.vector_store %arg6[%swap3A_318, %swap3A_319], %get3A_316 {strides = array<i32>} : memref<16x768xf32, #tpu.memory_space<vmem>>, vector<16xf32>,
        %mul3A_321 = arith.constant 16 : i32
        %mul3A_322 = arith.muli %scan3A_213, %mul3A_321 : i32
        %get3A_323 = arith.constant 0 : i32
        %get3A_324 = arith.constant 7 : i32
        %get3A_325 = arith.index_cast %select_n3A_138 : i32 to index
        %get3A_326 = arith.index_cast %get3A_323 : i32 to index
        %get3A_327 = arith.index_cast %get3A_324 : i32 to index
        %get3A_328 = arith.index_cast %mul3A_322 : i32 to index
        %get3A_329 = tpu.vector_load %arg4[%get3A_325, %get3A_326, %get3A_327, %get3A_328] {strides = array<i32>} : memref<2x3x16x128xf32, #tpu.memory_space<vmem>>, vector<16xf32>,
        %max3A_330 = arith.maximumf %max3A_317, %get3A_329 : vector<16xf32>
        %swap3A_331 = arith.index_cast %select_n3A_230 : i32 to index
        %swap3A_332 = arith.constant 336 : index
        %swap3A_333 = tpu.vector_load %arg6[%swap3A_331, %swap3A_332] {strides = array<i32>} : memref<16x768xf32, #tpu.memory_space<vmem>>, vector<16xf32>,
        tpu.vector_store %arg6[%swap3A_331, %swap3A_332], %get3A_329 {strides = array<i32>} : memref<16x768xf32, #tpu.memory_space<vmem>>, vector<16xf32>,
        %mul3A_334 = arith.constant 16 : i32
        %mul3A_335 = arith.muli %scan3A_213, %mul3A_334 : i32
        %get3A_336 = arith.constant 0 : i32
        %get3A_337 = arith.constant 8 : i32
        %get3A_338 = arith.index_cast %select_n3A_138 : i32 to index
        %get3A_339 = arith.index_cast %get3A_336 : i32 to index
        %get3A_340 = arith.index_cast %get3A_337 : i32 to index
        %get3A_341 = arith.index_cast %mul3A_335 : i32 to index
        %get3A_342 = tpu.vector_load %arg4[%get3A_338, %get3A_339, %get3A_340, %get3A_341] {strides = array<i32>} : memref<2x3x16x128xf32, #tpu.memory_space<vmem>>, vector<16xf32>,
        %max3A_343 = arith.maximumf %max3A_330, %get3A_342 : vector<16xf32>
        %swap3A_344 = arith.index_cast %select_n3A_230 : i32 to index
        %swap3A_345 = arith.constant 384 : index
        %swap3A_346 = tpu.vector_load %arg6[%swap3A_344, %swap3A_345] {strides = array<i32>} : memref<16x768xf32, #tpu.memory_space<vmem>>, vector<16xf32>,
        tpu.vector_store %arg6[%swap3A_344, %swap3A_345], %get3A_342 {strides = array<i32>} : memref<16x768xf32, #tpu.memory_space<vmem>>, vector<16xf32>,
        %mul3A_347 = arith.constant 16 : i32
        %mul3A_348 = arith.muli %scan3A_213, %mul3A_347 : i32
        %get3A_349 = arith.constant 0 : i32
        %get3A_350 = arith.constant 9 : i32
        %get3A_351 = arith.index_cast %select_n3A_138 : i32 to index
        %get3A_352 = arith.index_cast %get3A_349 : i32 to index
        %get3A_353 = arith.index_cast %get3A_350 : i32 to index
        %get3A_354 = arith.index_cast %mul3A_348 : i32 to index
        %get3A_355 = tpu.vector_load %arg4[%get3A_351, %get3A_352, %get3A_353, %get3A_354] {strides = array<i32>} : memref<2x3x16x128xf32, #tpu.memory_space<vmem>>, vector<16xf32>,
        %max3A_356 = arith.maximumf %max3A_343, %get3A_355 : vector<16xf32>
        %swap3A_357 = arith.index_cast %select_n3A_230 : i32 to index
        %swap3A_358 = arith.constant 432 : index
        %swap3A_359 = tpu.vector_load %arg6[%swap3A_357, %swap3A_358] {strides = array<i32>} : memref<16x768xf32, #tpu.memory_space<vmem>>, vector<16xf32>,
        tpu.vector_store %arg6[%swap3A_357, %swap3A_358], %get3A_355 {strides = array<i32>} : memref<16x768xf32, #tpu.memory_space<vmem>>, vector<16xf32>,
        %mul3A_360 = arith.constant 16 : i32
        %mul3A_361 = arith.muli %scan3A_213, %mul3A_360 : i32
        %get3A_362 = arith.constant 0 : i32
        %get3A_363 = arith.constant 10 : i32
        %get3A_364 = arith.index_cast %select_n3A_138 : i32 to index
        %get3A_365 = arith.index_cast %get3A_362 : i32 to index
        %get3A_366 = arith.index_cast %get3A_363 : i32 to index
        %get3A_367 = arith.index_cast %mul3A_361 : i32 to index
        %get3A_368 = tpu.vector_load %arg4[%get3A_364, %get3A_365, %get3A_366, %get3A_367] {strides = array<i32>} : memref<2x3x16x128xf32, #tpu.memory_space<vmem>>, vector<16xf32>,
        %max3A_369 = arith.maximumf %max3A_356, %get3A_368 : vector<16xf32>
        %swap3A_370 = arith.index_cast %select_n3A_230 : i32 to index
        %swap3A_371 = arith.constant 480 : index
        %swap3A_372 = tpu.vector_load %arg6[%swap3A_370, %swap3A_371] {strides = array<i32>} : memref<16x768xf32, #tpu.memory_space<vmem>>, vector<16xf32>,
        tpu.vector_store %arg6[%swap3A_370, %swap3A_371], %get3A_368 {strides = array<i32>} : memref<16x768xf32, #tpu.memory_space<vmem>>, vector<16xf32>,
        %mul3A_373 = arith.constant 16 : i32
        %mul3A_374 = arith.muli %scan3A_213, %mul3A_373 : i32
        %get3A_375 = arith.constant 0 : i32
        %get3A_376 = arith.constant 11 : i32
        %get3A_377 = arith.index_cast %select_n3A_138 : i32 to index
        %get3A_378 = arith.index_cast %get3A_375 : i32 to index
        %get3A_379 = arith.index_cast %get3A_376 : i32 to index
        %get3A_380 = arith.index_cast %mul3A_374 : i32 to index
        %get3A_381 = tpu.vector_load %arg4[%get3A_377, %get3A_378, %get3A_379, %get3A_380] {strides = array<i32>} : memref<2x3x16x128xf32, #tpu.memory_space<vmem>>, vector<16xf32>,
        %max3A_382 = arith.maximumf %max3A_369, %get3A_381 : vector<16xf32>
        %swap3A_383 = arith.index_cast %select_n3A_230 : i32 to index
        %swap3A_384 = arith.constant 528 : index
        %swap3A_385 = tpu.vector_load %arg6[%swap3A_383, %swap3A_384] {strides = array<i32>} : memref<16x768xf32, #tpu.memory_space<vmem>>, vector<16xf32>,
        tpu.vector_store %arg6[%swap3A_383, %swap3A_384], %get3A_381 {strides = array<i32>} : memref<16x768xf32, #tpu.memory_space<vmem>>, vector<16xf32>,
        %mul3A_386 = arith.constant 16 : i32
        %mul3A_387 = arith.muli %scan3A_213, %mul3A_386 : i32
        %get3A_388 = arith.constant 0 : i32
        %get3A_389 = arith.constant 12 : i32
        %get3A_390 = arith.index_cast %select_n3A_138 : i32 to index
        %get3A_391 = arith.index_cast %get3A_388 : i32 to index
        %get3A_392 = arith.index_cast %get3A_389 : i32 to index
        %get3A_393 = arith.index_cast %mul3A_387 : i32 to index
        %get3A_394 = tpu.vector_load %arg4[%get3A_390, %get3A_391, %get3A_392, %get3A_393] {strides = array<i32>} : memref<2x3x16x128xf32, #tpu.memory_space<vmem>>, vector<16xf32>,
        %max3A_395 = arith.maximumf %max3A_382, %get3A_394 : vector<16xf32>
        %swap3A_396 = arith.index_cast %select_n3A_230 : i32 to index
        %swap3A_397 = arith.constant 576 : index
        %swap3A_398 = tpu.vector_load %arg6[%swap3A_396, %swap3A_397] {strides = array<i32>} : memref<16x768xf32, #tpu.memory_space<vmem>>, vector<16xf32>,
        tpu.vector_store %arg6[%swap3A_396, %swap3A_397], %get3A_394 {strides = array<i32>} : memref<16x768xf32, #tpu.memory_space<vmem>>, vector<16xf32>,
        %mul3A_399 = arith.constant 16 : i32
        %mul3A_400 = arith.muli %scan3A_213, %mul3A_399 : i32
        %get3A_401 = arith.constant 0 : i32
        %get3A_402 = arith.constant 13 : i32
        %get3A_403 = arith.index_cast %select_n3A_138 : i32 to index
        %get3A_404 = arith.index_cast %get3A_401 : i32 to index
        %get3A_405 = arith.index_cast %get3A_402 : i32 to index
        %get3A_406 = arith.index_cast %mul3A_400 : i32 to index
        %get3A_407 = tpu.vector_load %arg4[%get3A_403, %get3A_404, %get3A_405, %get3A_406] {strides = array<i32>} : memref<2x3x16x128xf32, #tpu.memory_space<vmem>>, vector<16xf32>,
        %max3A_408 = arith.maximumf %max3A_395, %get3A_407 : vector<16xf32>
        %swap3A_409 = arith.index_cast %select_n3A_230 : i32 to index
        %swap3A_410 = arith.constant 624 : index
        %swap3A_411 = tpu.vector_load %arg6[%swap3A_409, %swap3A_410] {strides = array<i32>} : memref<16x768xf32, #tpu.memory_space<vmem>>, vector<16xf32>,
        tpu.vector_store %arg6[%swap3A_409, %swap3A_410], %get3A_407 {strides = array<i32>} : memref<16x768xf32, #tpu.memory_space<vmem>>, vector<16xf32>,
        %mul3A_412 = arith.constant 16 : i32
        %mul3A_413 = arith.muli %scan3A_213, %mul3A_412 : i32
        %get3A_414 = arith.constant 0 : i32
        %get3A_415 = arith.constant 14 : i32
        %get3A_416 = arith.index_cast %select_n3A_138 : i32 to index
        %get3A_417 = arith.index_cast %get3A_414 : i32 to index
        %get3A_418 = arith.index_cast %get3A_415 : i32 to index
        %get3A_419 = arith.index_cast %mul3A_413 : i32 to index
        %get3A_420 = tpu.vector_load %arg4[%get3A_416, %get3A_417, %get3A_418, %get3A_419] {strides = array<i32>} : memref<2x3x16x128xf32, #tpu.memory_space<vmem>>, vector<16xf32>,
        %max3A_421 = arith.maximumf %max3A_408, %get3A_420 : vector<16xf32>
        %swap3A_422 = arith.index_cast %select_n3A_230 : i32 to index
        %swap3A_423 = arith.constant 672 : index
        %swap3A_424 = tpu.vector_load %arg6[%swap3A_422, %swap3A_423] {strides = array<i32>} : memref<16x768xf32, #tpu.memory_space<vmem>>, vector<16xf32>,
        tpu.vector_store %arg6[%swap3A_422, %swap3A_423], %get3A_420 {strides = array<i32>} : memref<16x768xf32, #tpu.memory_space<vmem>>, vector<16xf32>,
        %mul3A_425 = arith.constant 16 : i32
        %mul3A_426 = arith.muli %scan3A_213, %mul3A_425 : i32
        %get3A_427 = arith.constant 0 : i32
        %get3A_428 = arith.constant 15 : i32
        %get3A_429 = arith.index_cast %select_n3A_138 : i32 to index
        %get3A_430 = arith.index_cast %get3A_427 : i32 to index
        %get3A_431 = arith.index_cast %get3A_428 : i32 to index
        %get3A_432 = arith.index_cast %mul3A_426 : i32 to index
        %get3A_433 = tpu.vector_load %arg4[%get3A_429, %get3A_430, %get3A_431, %get3A_432] {strides = array<i32>} : memref<2x3x16x128xf32, #tpu.memory_space<vmem>>, vector<16xf32>,
        %max3A_434 = arith.maximumf %max3A_421, %get3A_433 : vector<16xf32>
        %swap3A_435 = arith.index_cast %select_n3A_230 : i32 to index
        %swap3A_436 = arith.constant 720 : index
        %swap3A_437 = tpu.vector_load %arg6[%swap3A_435, %swap3A_436] {strides = array<i32>} : memref<16x768xf32, #tpu.memory_space<vmem>>, vector<16xf32>,
        tpu.vector_store %arg6[%swap3A_435, %swap3A_436], %get3A_433 {strides = array<i32>} : memref<16x768xf32, #tpu.memory_space<vmem>>, vector<16xf32>,
        %broadcast_in_dim3A_438 = arith.constant -1.000000e+00 : f32
        %broadcast_in_dim3A_439 = vector.broadcast %broadcast_in_dim3A_438 : f32 to vector<16xf32>
        %mul3A_440 = arith.constant 16 : i32
        %mul3A_441 = arith.muli %scan3A_213, %mul3A_440 : i32
        %get3A_442 = arith.constant 1 : i32
        %get3A_443 = arith.constant 0 : i32
        %get3A_444 = arith.index_cast %select_n3A_138 : i32 to index
        %get3A_445 = arith.index_cast %get3A_442 : i32 to index
        %get3A_446 = arith.index_cast %get3A_443 : i32 to index
        %get3A_447 = arith.index_cast %mul3A_441 : i32 to index
        %get3A_448 = tpu.vector_load %arg4[%get3A_444, %get3A_445, %get3A_446, %get3A_447] {strides = array<i32>} : memref<2x3x16x128xf32, #tpu.memory_space<vmem>>, vector<16xf32>,
        %max3A_449 = arith.maximumf %broadcast_in_dim3A_439, %get3A_448 : vector<16xf32>
        %swap3A_450 = arith.index_cast %select_n3A_230 : i32 to index
        %swap3A_451 = arith.constant 16 : index
        %swap3A_452 = tpu.vector_load %arg6[%swap3A_450, %swap3A_451] {strides = array<i32>} : memref<16x768xf32, #tpu.memory_space<vmem>>, vector<16xf32>,
        tpu.vector_store %arg6[%swap3A_450, %swap3A_451], %get3A_448 {strides = array<i32>} : memref<16x768xf32, #tpu.memory_space<vmem>>, vector<16xf32>,
        %mul3A_453 = arith.constant 16 : i32
        %mul3A_454 = arith.muli %scan3A_213, %mul3A_453 : i32
        %get3A_455 = arith.constant 1 : i32
        %get3A_456 = arith.constant 1 : i32
        %get3A_457 = arith.index_cast %select_n3A_138 : i32 to index
        %get3A_458 = arith.index_cast %get3A_455 : i32 to index
        %get3A_459 = arith.index_cast %get3A_456 : i32 to index
        %get3A_460 = arith.index_cast %mul3A_454 : i32 to index
        %get3A_461 = tpu.vector_load %arg4[%get3A_457, %get3A_458, %get3A_459, %get3A_460] {strides = array<i32>} : memref<2x3x16x128xf32, #tpu.memory_space<vmem>>, vector<16xf32>,
        %max3A_462 = arith.maximumf %max3A_449, %get3A_461 : vector<16xf32>
        %swap3A_463 = arith.index_cast %select_n3A_230 : i32 to index
        %swap3A_464 = arith.constant 64 : index
        %swap3A_465 = tpu.vector_load %arg6[%swap3A_463, %swap3A_464] {strides = array<i32>} : memref<16x768xf32, #tpu.memory_space<vmem>>, vector<16xf32>,
        tpu.vector_store %arg6[%swap3A_463, %swap3A_464], %get3A_461 {strides = array<i32>} : memref<16x768xf32, #tpu.memory_space<vmem>>, vector<16xf32>,
        %mul3A_466 = arith.constant 16 : i32
        %mul3A_467 = arith.muli %scan3A_213, %mul3A_466 : i32
        %get3A_468 = arith.constant 1 : i32
        %get3A_469 = arith.constant 2 : i32
        %get3A_470 = arith.index_cast %select_n3A_138 : i32 to index
        %get3A_471 = arith.index_cast %get3A_468 : i32 to index
        %get3A_472 = arith.index_cast %get3A_469 : i32 to index
        %get3A_473 = arith.index_cast %mul3A_467 : i32 to index
        %get3A_474 = tpu.vector_load %arg4[%get3A_470, %get3A_471, %get3A_472, %get3A_473] {strides = array<i32>} : memref<2x3x16x128xf32, #tpu.memory_space<vmem>>, vector<16xf32>,
        %max3A_475 = arith.maximumf %max3A_462, %get3A_474 : vector<16xf32>
        %swap3A_476 = arith.index_cast %select_n3A_230 : i32 to index
        %swap3A_477 = arith.constant 112 : index
        %swap3A_478 = tpu.vector_load %arg6[%swap3A_476, %swap3A_477] {strides = array<i32>} : memref<16x768xf32, #tpu.memory_space<vmem>>, vector<16xf32>,
        tpu.vector_store %arg6[%swap3A_476, %swap3A_477], %get3A_474 {strides = array<i32>} : memref<16x768xf32, #tpu.memory_space<vmem>>, vector<16xf32>,
        %mul3A_479 = arith.constant 16 : i32
        %mul3A_480 = arith.muli %scan3A_213, %mul3A_479 : i32
        %get3A_481 = arith.constant 1 : i32
        %get3A_482 = arith.constant 3 : i32
        %get3A_483 = arith.index_cast %select_n3A_138 : i32 to index
        %get3A_484 = arith.index_cast %get3A_481 : i32 to index
        %get3A_485 = arith.index_cast %get3A_482 : i32 to index
        %get3A_486 = arith.index_cast %mul3A_480 : i32 to index
        %get3A_487 = tpu.vector_load %arg4[%get3A_483, %get3A_484, %get3A_485, %get3A_486] {strides = array<i32>} : memref<2x3x16x128xf32, #tpu.memory_space<vmem>>, vector<16xf32>,
        %max3A_488 = arith.maximumf %max3A_475, %get3A_487 : vector<16xf32>
        %swap3A_489 = arith.index_cast %select_n3A_230 : i32 to index
        %swap3A_490 = arith.constant 160 : index
        %swap3A_491 = tpu.vector_load %arg6[%swap3A_489, %swap3A_490] {strides = array<i32>} : memref<16x768xf32, #tpu.memory_space<vmem>>, vector<16xf32>,
        tpu.vector_store %arg6[%swap3A_489, %swap3A_490], %get3A_487 {strides = array<i32>} : memref<16x768xf32, #tpu.memory_space<vmem>>, vector<16xf32>,
        %mul3A_492 = arith.constant 16 : i32
        %mul3A_493 = arith.muli %scan3A_213, %mul3A_492 : i32
        %get3A_494 = arith.constant 1 : i32
        %get3A_495 = arith.constant 4 : i32
        %get3A_496 = arith.index_cast %select_n3A_138 : i32 to index
        %get3A_497 = arith.index_cast %get3A_494 : i32 to index
        %get3A_498 = arith.index_cast %get3A_495 : i32 to index
        %get3A_499 = arith.index_cast %mul3A_493 : i32 to index
        %get3A_500 = tpu.vector_load %arg4[%get3A_496, %get3A_497, %get3A_498, %get3A_499] {strides = array<i32>} : memref<2x3x16x128xf32, #tpu.memory_space<vmem>>, vector<16xf32>,
        %max3A_501 = arith.maximumf %max3A_488, %get3A_500 : vector<16xf32>
        %swap3A_502 = arith.index_cast %select_n3A_230 : i32 to index
        %swap3A_503 = arith.constant 208 : index
        %swap3A_504 = tpu.vector_load %arg6[%swap3A_502, %swap3A_503] {strides = array<i32>} : memref<16x768xf32, #tpu.memory_space<vmem>>, vector<16xf32>,
        tpu.vector_store %arg6[%swap3A_502, %swap3A_503], %get3A_500 {strides = array<i32>} : memref<16x768xf32, #tpu.memory_space<vmem>>, vector<16xf32>,
        %mul3A_505 = arith.constant 16 : i32
        %mul3A_506 = arith.muli %scan3A_213, %mul3A_505 : i32
        %get3A_507 = arith.constant 1 : i32
        %get3A_508 = arith.constant 5 : i32
        %get3A_509 = arith.index_cast %select_n3A_138 : i32 to index
        %get3A_510 = arith.index_cast %get3A_507 : i32 to index
        %get3A_511 = arith.index_cast %get3A_508 : i32 to index
        %get3A_512 = arith.index_cast %mul3A_506 : i32 to index
        %get3A_513 = tpu.vector_load %arg4[%get3A_509, %get3A_510, %get3A_511, %get3A_512] {strides = array<i32>} : memref<2x3x16x128xf32, #tpu.memory_space<vmem>>, vector<16xf32>,
        %max3A_514 = arith.maximumf %max3A_501, %get3A_513 : vector<16xf32>
        %swap3A_515 = arith.index_cast %select_n3A_230 : i32 to index
        %swap3A_516 = arith.constant 256 : index
        %swap3A_517 = tpu.vector_load %arg6[%swap3A_515, %swap3A_516] {strides = array<i32>} : memref<16x768xf32, #tpu.memory_space<vmem>>, vector<16xf32>,
        tpu.vector_store %arg6[%swap3A_515, %swap3A_516], %get3A_513 {strides = array<i32>} : memref<16x768xf32, #tpu.memory_space<vmem>>, vector<16xf32>,
        %mul3A_518 = arith.constant 16 : i32
        %mul3A_519 = arith.muli %scan3A_213, %mul3A_518 : i32
        %get3A_520 = arith.constant 1 : i32
        %get3A_521 = arith.constant 6 : i32
        %get3A_522 = arith.index_cast %select_n3A_138 : i32 to index
        %get3A_523 = arith.index_cast %get3A_520 : i32 to index
        %get3A_524 = arith.index_cast %get3A_521 : i32 to index
        %get3A_525 = arith.index_cast %mul3A_519 : i32 to index
        %get3A_526 = tpu.vector_load %arg4[%get3A_522, %get3A_523, %get3A_524, %get3A_525] {strides = array<i32>} : memref<2x3x16x128xf32, #tpu.memory_space<vmem>>, vector<16xf32>,
        %max3A_527 = arith.maximumf %max3A_514, %get3A_526 : vector<16xf32>
        %swap3A_528 = arith.index_cast %select_n3A_230 : i32 to index
        %swap3A_529 = arith.constant 304 : index
        %swap3A_530 = tpu.vector_load %arg6[%swap3A_528, %swap3A_529] {strides = array<i32>} : memref<16x768xf32, #tpu.memory_space<vmem>>, vector<16xf32>,
        tpu.vector_store %arg6[%swap3A_528, %swap3A_529], %get3A_526 {strides = array<i32>} : memref<16x768xf32, #tpu.memory_space<vmem>>, vector<16xf32>,
        %mul3A_531 = arith.constant 16 : i32
        %mul3A_532 = arith.muli %scan3A_213, %mul3A_531 : i32
        %get3A_533 = arith.constant 1 : i32
        %get3A_534 = arith.constant 7 : i32
        %get3A_535 = arith.index_cast %select_n3A_138 : i32 to index
        %get3A_536 = arith.index_cast %get3A_533 : i32 to index
        %get3A_537 = arith.index_cast %get3A_534 : i32 to index
        %get3A_538 = arith.index_cast %mul3A_532 : i32 to index
        %get3A_539 = tpu.vector_load %arg4[%get3A_535, %get3A_536, %get3A_537, %get3A_538] {strides = array<i32>} : memref<2x3x16x128xf32, #tpu.memory_space<vmem>>, vector<16xf32>,
        %max3A_540 = arith.maximumf %max3A_527, %get3A_539 : vector<16xf32>
        %swap3A_541 = arith.index_cast %select_n3A_230 : i32 to index
        %swap3A_542 = arith.constant 352 : index
        %swap3A_543 = tpu.vector_load %arg6[%swap3A_541, %swap3A_542] {strides = array<i32>} : memref<16x768xf32, #tpu.memory_space<vmem>>, vector<16xf32>,
        tpu.vector_store %arg6[%swap3A_541, %swap3A_542], %get3A_539 {strides = array<i32>} : memref<16x768xf32, #tpu.memory_space<vmem>>, vector<16xf32>,
        %mul3A_544 = arith.constant 16 : i32
        %mul3A_545 = arith.muli %scan3A_213, %mul3A_544 : i32
        %get3A_546 = arith.constant 1 : i32
        %get3A_547 = arith.constant 8 : i32
        %get3A_548 = arith.index_cast %select_n3A_138 : i32 to index
        %get3A_549 = arith.index_cast %get3A_546 : i32 to index
        %get3A_550 = arith.index_cast %get3A_547 : i32 to index
        %get3A_551 = arith.index_cast %mul3A_545 : i32 to index
        %get3A_552 = tpu.vector_load %arg4[%get3A_548, %get3A_549, %get3A_550, %get3A_551] {strides = array<i32>} : memref<2x3x16x128xf32, #tpu.memory_space<vmem>>, vector<16xf32>,
        %max3A_553 = arith.maximumf %max3A_540, %get3A_552 : vector<16xf32>
        %swap3A_554 = arith.index_cast %select_n3A_230 : i32 to index
        %swap3A_555 = arith.constant 400 : index
        %swap3A_556 = tpu.vector_load %arg6[%swap3A_554, %swap3A_555] {strides = array<i32>} : memref<16x768xf32, #tpu.memory_space<vmem>>, vector<16xf32>,
        tpu.vector_store %arg6[%swap3A_554, %swap3A_555], %get3A_552 {strides = array<i32>} : memref<16x768xf32, #tpu.memory_space<vmem>>, vector<16xf32>,
        %mul3A_557 = arith.constant 16 : i32
        %mul3A_558 = arith.muli %scan3A_213, %mul3A_557 : i32
        %get3A_559 = arith.constant 1 : i32
        %get3A_560 = arith.constant 9 : i32
        %get3A_561 = arith.index_cast %select_n3A_138 : i32 to index
        %get3A_562 = arith.index_cast %get3A_559 : i32 to index
        %get3A_563 = arith.index_cast %get3A_560 : i32 to index
        %get3A_564 = arith.index_cast %mul3A_558 : i32 to index
        %get3A_565 = tpu.vector_load %arg4[%get3A_561, %get3A_562, %get3A_563, %get3A_564] {strides = array<i32>} : memref<2x3x16x128xf32, #tpu.memory_space<vmem>>, vector<16xf32>,
        %max3A_566 = arith.maximumf %max3A_553, %get3A_565 : vector<16xf32>
        %swap3A_567 = arith.index_cast %select_n3A_230 : i32 to index
        %swap3A_568 = arith.constant 448 : index
        %swap3A_569 = tpu.vector_load %arg6[%swap3A_567, %swap3A_568] {strides = array<i32>} : memref<16x768xf32, #tpu.memory_space<vmem>>, vector<16xf32>,
        tpu.vector_store %arg6[%swap3A_567, %swap3A_568], %get3A_565 {strides = array<i32>} : memref<16x768xf32, #tpu.memory_space<vmem>>, vector<16xf32>,
        %mul3A_570 = arith.constant 16 : i32
        %mul3A_571 = arith.muli %scan3A_213, %mul3A_570 : i32
        %get3A_572 = arith.constant 1 : i32
        %get3A_573 = arith.constant 10 : i32
        %get3A_574 = arith.index_cast %select_n3A_138 : i32 to index
        %get3A_575 = arith.index_cast %get3A_572 : i32 to index
        %get3A_576 = arith.index_cast %get3A_573 : i32 to index
        %get3A_577 = arith.index_cast %mul3A_571 : i32 to index
        %get3A_578 = tpu.vector_load %arg4[%get3A_574, %get3A_575, %get3A_576, %get3A_577] {strides = array<i32>} : memref<2x3x16x128xf32, #tpu.memory_space<vmem>>, vector<16xf32>,
        %max3A_579 = arith.maximumf %max3A_566, %get3A_578 : vector<16xf32>
        %swap3A_580 = arith.index_cast %select_n3A_230 : i32 to index
        %swap3A_581 = arith.constant 496 : index
        %swap3A_582 = tpu.vector_load %arg6[%swap3A_580, %swap3A_581] {strides = array<i32>} : memref<16x768xf32, #tpu.memory_space<vmem>>, vector<16xf32>,
        tpu.vector_store %arg6[%swap3A_580, %swap3A_581], %get3A_578 {strides = array<i32>} : memref<16x768xf32, #tpu.memory_space<vmem>>, vector<16xf32>,
        %mul3A_583 = arith.constant 16 : i32
        %mul3A_584 = arith.muli %scan3A_213, %mul3A_583 : i32
        %get3A_585 = arith.constant 1 : i32
        %get3A_586 = arith.constant 11 : i32
        %get3A_587 = arith.index_cast %select_n3A_138 : i32 to index
        %get3A_588 = arith.index_cast %get3A_585 : i32 to index
        %get3A_589 = arith.index_cast %get3A_586 : i32 to index
        %get3A_590 = arith.index_cast %mul3A_584 : i32 to index
        %get3A_591 = tpu.vector_load %arg4[%get3A_587, %get3A_588, %get3A_589, %get3A_590] {strides = array<i32>} : memref<2x3x16x128xf32, #tpu.memory_space<vmem>>, vector<16xf32>,
        %max3A_592 = arith.maximumf %max3A_579, %get3A_591 : vector<16xf32>
        %swap3A_593 = arith.index_cast %select_n3A_230 : i32 to index
        %swap3A_594 = arith.constant 544 : index
        %swap3A_595 = tpu.vector_load %arg6[%swap3A_593, %swap3A_594] {strides = array<i32>} : memref<16x768xf32, #tpu.memory_space<vmem>>, vector<16xf32>,
        tpu.vector_store %arg6[%swap3A_593, %swap3A_594], %get3A_591 {strides = array<i32>} : memref<16x768xf32, #tpu.memory_space<vmem>>, vector<16xf32>,
        %mul3A_596 = arith.constant 16 : i32
        %mul3A_597 = arith.muli %scan3A_213, %mul3A_596 : i32
        %get3A_598 = arith.constant 1 : i32
        %get3A_599 = arith.constant 12 : i32
        %get3A_600 = arith.index_cast %select_n3A_138 : i32 to index
        %get3A_601 = arith.index_cast %get3A_598 : i32 to index
        %get3A_602 = arith.index_cast %get3A_599 : i32 to index
        %get3A_603 = arith.index_cast %mul3A_597 : i32 to index
        %get3A_604 = tpu.vector_load %arg4[%get3A_600, %get3A_601, %get3A_602, %get3A_603] {strides = array<i32>} : memref<2x3x16x128xf32, #tpu.memory_space<vmem>>, vector<16xf32>,
        %max3A_605 = arith.maximumf %max3A_592, %get3A_604 : vector<16xf32>
        %swap3A_606 = arith.index_cast %select_n3A_230 : i32 to index
        %swap3A_607 = arith.constant 592 : index
        %swap3A_608 = tpu.vector_load %arg6[%swap3A_606, %swap3A_607] {strides = array<i32>} : memref<16x768xf32, #tpu.memory_space<vmem>>, vector<16xf32>,
        tpu.vector_store %arg6[%swap3A_606, %swap3A_607], %get3A_604 {strides = array<i32>} : memref<16x768xf32, #tpu.memory_space<vmem>>, vector<16xf32>,
        %mul3A_609 = arith.constant 16 : i32
        %mul3A_610 = arith.muli %scan3A_213, %mul3A_609 : i32
        %get3A_611 = arith.constant 1 : i32
        %get3A_612 = arith.constant 13 : i32
        %get3A_613 = arith.index_cast %select_n3A_138 : i32 to index
        %get3A_614 = arith.index_cast %get3A_611 : i32 to index
        %get3A_615 = arith.index_cast %get3A_612 : i32 to index
        %get3A_616 = arith.index_cast %mul3A_610 : i32 to index
        %get3A_617 = tpu.vector_load %arg4[%get3A_613, %get3A_614, %get3A_615, %get3A_616] {strides = array<i32>} : memref<2x3x16x128xf32, #tpu.memory_space<vmem>>, vector<16xf32>,
        %max3A_618 = arith.maximumf %max3A_605, %get3A_617 : vector<16xf32>
        %swap3A_619 = arith.index_cast %select_n3A_230 : i32 to index
        %swap3A_620 = arith.constant 640 : index
        %swap3A_621 = tpu.vector_load %arg6[%swap3A_619, %swap3A_620] {strides = array<i32>} : memref<16x768xf32, #tpu.memory_space<vmem>>, vector<16xf32>,
        tpu.vector_store %arg6[%swap3A_619, %swap3A_620], %get3A_617 {strides = array<i32>} : memref<16x768xf32, #tpu.memory_space<vmem>>, vector<16xf32>,
        %mul3A_622 = arith.constant 16 : i32
        %mul3A_623 = arith.muli %scan3A_213, %mul3A_622 : i32
        %get3A_624 = arith.constant 1 : i32
        %get3A_625 = arith.constant 14 : i32
        %get3A_626 = arith.index_cast %select_n3A_138 : i32 to index
        %get3A_627 = arith.index_cast %get3A_624 : i32 to index
        %get3A_628 = arith.index_cast %get3A_625 : i32 to index
        %get3A_629 = arith.index_cast %mul3A_623 : i32 to index
        %get3A_630 = tpu.vector_load %arg4[%get3A_626, %get3A_627, %get3A_628, %get3A_629] {strides = array<i32>} : memref<2x3x16x128xf32, #tpu.memory_space<vmem>>, vector<16xf32>,
        %max3A_631 = arith.maximumf %max3A_618, %get3A_630 : vector<16xf32>
        %swap3A_632 = arith.index_cast %select_n3A_230 : i32 to index
        %swap3A_633 = arith.constant 688 : index
        %swap3A_634 = tpu.vector_load %arg6[%swap3A_632, %swap3A_633] {strides = array<i32>} : memref<16x768xf32, #tpu.memory_space<vmem>>, vector<16xf32>,
        tpu.vector_store %arg6[%swap3A_632, %swap3A_633], %get3A_630 {strides = array<i32>} : memref<16x768xf32, #tpu.memory_space<vmem>>, vector<16xf32>,
        %mul3A_635 = arith.constant 16 : i32
        %mul3A_636 = arith.muli %scan3A_213, %mul3A_635 : i32
        %get3A_637 = arith.constant 1 : i32
        %get3A_638 = arith.constant 15 : i32
        %get3A_639 = arith.index_cast %select_n3A_138 : i32 to index
        %get3A_640 = arith.index_cast %get3A_637 : i32 to index
        %get3A_641 = arith.index_cast %get3A_638 : i32 to index
        %get3A_642 = arith.index_cast %mul3A_636 : i32 to index
        %get3A_643 = tpu.vector_load %arg4[%get3A_639, %get3A_640, %get3A_641, %get3A_642] {strides = array<i32>} : memref<2x3x16x128xf32, #tpu.memory_space<vmem>>, vector<16xf32>,
        %max3A_644 = arith.maximumf %max3A_631, %get3A_643 : vector<16xf32>
        %swap3A_645 = arith.index_cast %select_n3A_230 : i32 to index
        %swap3A_646 = arith.constant 736 : index
        %swap3A_647 = tpu.vector_load %arg6[%swap3A_645, %swap3A_646] {strides = array<i32>} : memref<16x768xf32, #tpu.memory_space<vmem>>, vector<16xf32>,
        tpu.vector_store %arg6[%swap3A_645, %swap3A_646], %get3A_643 {strides = array<i32>} : memref<16x768xf32, #tpu.memory_space<vmem>>, vector<16xf32>,
        %broadcast_in_dim3A_648 = arith.constant -1.000000e+00 : f32
        %broadcast_in_dim3A_649 = vector.broadcast %broadcast_in_dim3A_648 : f32 to vector<16xf32>
        %mul3A_650 = arith.constant 16 : i32
        %mul3A_651 = arith.muli %scan3A_213, %mul3A_650 : i32
        %get3A_652 = arith.constant 2 : i32
        %get3A_653 = arith.constant 0 : i32
        %get3A_654 = arith.index_cast %select_n3A_138 : i32 to index
        %get3A_655 = arith.index_cast %get3A_652 : i32 to index
        %get3A_656 = arith.index_cast %get3A_653 : i32 to index
        %get3A_657 = arith.index_cast %mul3A_651 : i32 to index
        %get3A_658 = tpu.vector_load %arg4[%get3A_654, %get3A_655, %get3A_656, %get3A_657] {strides = array<i32>} : memref<2x3x16x128xf32, #tpu.memory_space<vmem>>, vector<16xf32>,
        %max3A_659 = arith.maximumf %broadcast_in_dim3A_649, %get3A_658 : vector<16xf32>
        %swap3A_660 = arith.index_cast %select_n3A_230 : i32 to index
        %swap3A_661 = arith.constant 32 : index
        %swap3A_662 = tpu.vector_load %arg6[%swap3A_660, %swap3A_661] {strides = array<i32>} : memref<16x768xf32, #tpu.memory_space<vmem>>, vector<16xf32>,
        tpu.vector_store %arg6[%swap3A_660, %swap3A_661], %get3A_658 {strides = array<i32>} : memref<16x768xf32, #tpu.memory_space<vmem>>, vector<16xf32>,
        %mul3A_663 = arith.constant 16 : i32
        %mul3A_664 = arith.muli %scan3A_213, %mul3A_663 : i32
        %get3A_665 = arith.constant 2 : i32
        %get3A_666 = arith.constant 1 : i32
        %get3A_667 = arith.index_cast %select_n3A_138 : i32 to index
        %get3A_668 = arith.index_cast %get3A_665 : i32 to index
        %get3A_669 = arith.index_cast %get3A_666 : i32 to index
        %get3A_670 = arith.index_cast %mul3A_664 : i32 to index
        %get3A_671 = tpu.vector_load %arg4[%get3A_667, %get3A_668, %get3A_669, %get3A_670] {strides = array<i32>} : memref<2x3x16x128xf32, #tpu.memory_space<vmem>>, vector<16xf32>,
        %max3A_672 = arith.maximumf %max3A_659, %get3A_671 : vector<16xf32>
        %swap3A_673 = arith.index_cast %select_n3A_230 : i32 to index
        %swap3A_674 = arith.constant 80 : index
        %swap3A_675 = tpu.vector_load %arg6[%swap3A_673, %swap3A_674] {strides = array<i32>} : memref<16x768xf32, #tpu.memory_space<vmem>>, vector<16xf32>,
        tpu.vector_store %arg6[%swap3A_673, %swap3A_674], %get3A_671 {strides = array<i32>} : memref<16x768xf32, #tpu.memory_space<vmem>>, vector<16xf32>,
        %mul3A_676 = arith.constant 16 : i32
        %mul3A_677 = arith.muli %scan3A_213, %mul3A_676 : i32
        %get3A_678 = arith.constant 2 : i32
        %get3A_679 = arith.constant 2 : i32
        %get3A_680 = arith.index_cast %select_n3A_138 : i32 to index
        %get3A_681 = arith.index_cast %get3A_678 : i32 to index
        %get3A_682 = arith.index_cast %get3A_679 : i32 to index
        %get3A_683 = arith.index_cast %mul3A_677 : i32 to index
        %get3A_684 = tpu.vector_load %arg4[%get3A_680, %get3A_681, %get3A_682, %get3A_683] {strides = array<i32>} : memref<2x3x16x128xf32, #tpu.memory_space<vmem>>, vector<16xf32>,
        %max3A_685 = arith.maximumf %max3A_672, %get3A_684 : vector<16xf32>
        %swap3A_686 = arith.index_cast %select_n3A_230 : i32 to index
        %swap3A_687 = arith.constant 128 : index
        %swap3A_688 = tpu.vector_load %arg6[%swap3A_686, %swap3A_687] {strides = array<i32>} : memref<16x768xf32, #tpu.memory_space<vmem>>, vector<16xf32>,
        tpu.vector_store %arg6[%swap3A_686, %swap3A_687], %get3A_684 {strides = array<i32>} : memref<16x768xf32, #tpu.memory_space<vmem>>, vector<16xf32>,
        %mul3A_689 = arith.constant 16 : i32
        %mul3A_690 = arith.muli %scan3A_213, %mul3A_689 : i32
        %get3A_691 = arith.constant 2 : i32
        %get3A_692 = arith.constant 3 : i32
        %get3A_693 = arith.index_cast %select_n3A_138 : i32 to index
        %get3A_694 = arith.index_cast %get3A_691 : i32 to index
        %get3A_695 = arith.index_cast %get3A_692 : i32 to index
        %get3A_696 = arith.index_cast %mul3A_690 : i32 to index
        %get3A_697 = tpu.vector_load %arg4[%get3A_693, %get3A_694, %get3A_695, %get3A_696] {strides = array<i32>} : memref<2x3x16x128xf32, #tpu.memory_space<vmem>>, vector<16xf32>,
        %max3A_698 = arith.maximumf %max3A_685, %get3A_697 : vector<16xf32>
        %swap3A_699 = arith.index_cast %select_n3A_230 : i32 to index
        %swap3A_700 = arith.constant 176 : index
        %swap3A_701 = tpu.vector_load %arg6[%swap3A_699, %swap3A_700] {strides = array<i32>} : memref<16x768xf32, #tpu.memory_space<vmem>>, vector<16xf32>,
        tpu.vector_store %arg6[%swap3A_699, %swap3A_700], %get3A_697 {strides = array<i32>} : memref<16x768xf32, #tpu.memory_space<vmem>>, vector<16xf32>,
        %mul3A_702 = arith.constant 16 : i32
        %mul3A_703 = arith.muli %scan3A_213, %mul3A_702 : i32
        %get3A_704 = arith.constant 2 : i32
        %get3A_705 = arith.constant 4 : i32
        %get3A_706 = arith.index_cast %select_n3A_138 : i32 to index
        %get3A_707 = arith.index_cast %get3A_704 : i32 to index
        %get3A_708 = arith.index_cast %get3A_705 : i32 to index
        %get3A_709 = arith.index_cast %mul3A_703 : i32 to index
        %get3A_710 = tpu.vector_load %arg4[%get3A_706, %get3A_707, %get3A_708, %get3A_709] {strides = array<i32>} : memref<2x3x16x128xf32, #tpu.memory_space<vmem>>, vector<16xf32>,
        %max3A_711 = arith.maximumf %max3A_698, %get3A_710 : vector<16xf32>
        %swap3A_712 = arith.index_cast %select_n3A_230 : i32 to index
        %swap3A_713 = arith.constant 224 : index
        %swap3A_714 = tpu.vector_load %arg6[%swap3A_712, %swap3A_713] {strides = array<i32>} : memref<16x768xf32, #tpu.memory_space<vmem>>, vector<16xf32>,
        tpu.vector_store %arg6[%swap3A_712, %swap3A_713], %get3A_710 {strides = array<i32>} : memref<16x768xf32, #tpu.memory_space<vmem>>, vector<16xf32>,
        %mul3A_715 = arith.constant 16 : i32
        %mul3A_716 = arith.muli %scan3A_213, %mul3A_715 : i32
        %get3A_717 = arith.constant 2 : i32
        %get3A_718 = arith.constant 5 : i32
        %get3A_719 = arith.index_cast %select_n3A_138 : i32 to index
        %get3A_720 = arith.index_cast %get3A_717 : i32 to index
        %get3A_721 = arith.index_cast %get3A_718 : i32 to index
        %get3A_722 = arith.index_cast %mul3A_716 : i32 to index
        %get3A_723 = tpu.vector_load %arg4[%get3A_719, %get3A_720, %get3A_721, %get3A_722] {strides = array<i32>} : memref<2x3x16x128xf32, #tpu.memory_space<vmem>>, vector<16xf32>,
        %max3A_724 = arith.maximumf %max3A_711, %get3A_723 : vector<16xf32>
        %swap3A_725 = arith.index_cast %select_n3A_230 : i32 to index
        %swap3A_726 = arith.constant 272 : index
        %swap3A_727 = tpu.vector_load %arg6[%swap3A_725, %swap3A_726] {strides = array<i32>} : memref<16x768xf32, #tpu.memory_space<vmem>>, vector<16xf32>,
        tpu.vector_store %arg6[%swap3A_725, %swap3A_726], %get3A_723 {strides = array<i32>} : memref<16x768xf32, #tpu.memory_space<vmem>>, vector<16xf32>,
        %mul3A_728 = arith.constant 16 : i32
        %mul3A_729 = arith.muli %scan3A_213, %mul3A_728 : i32
        %get3A_730 = arith.constant 2 : i32
        %get3A_731 = arith.constant 6 : i32
        %get3A_732 = arith.index_cast %select_n3A_138 : i32 to index
        %get3A_733 = arith.index_cast %get3A_730 : i32 to index
        %get3A_734 = arith.index_cast %get3A_731 : i32 to index
        %get3A_735 = arith.index_cast %mul3A_729 : i32 to index
        %get3A_736 = tpu.vector_load %arg4[%get3A_732, %get3A_733, %get3A_734, %get3A_735] {strides = array<i32>} : memref<2x3x16x128xf32, #tpu.memory_space<vmem>>, vector<16xf32>,
        %max3A_737 = arith.maximumf %max3A_724, %get3A_736 : vector<16xf32>
        %swap3A_738 = arith.index_cast %select_n3A_230 : i32 to index
        %swap3A_739 = arith.constant 320 : index
        %swap3A_740 = tpu.vector_load %arg6[%swap3A_738, %swap3A_739] {strides = array<i32>} : memref<16x768xf32, #tpu.memory_space<vmem>>, vector<16xf32>,
        tpu.vector_store %arg6[%swap3A_738, %swap3A_739], %get3A_736 {strides = array<i32>} : memref<16x768xf32, #tpu.memory_space<vmem>>, vector<16xf32>,
        %mul3A_741 = arith.constant 16 : i32
        %mul3A_742 = arith.muli %scan3A_213, %mul3A_741 : i32
        %get3A_743 = arith.constant 2 : i32
        %get3A_744 = arith.constant 7 : i32
        %get3A_745 = arith.index_cast %select_n3A_138 : i32 to index
        %get3A_746 = arith.index_cast %get3A_743 : i32 to index
        %get3A_747 = arith.index_cast %get3A_744 : i32 to index
        %get3A_748 = arith.index_cast %mul3A_742 : i32 to index
        %get3A_749 = tpu.vector_load %arg4[%get3A_745, %get3A_746, %get3A_747, %get3A_748] {strides = array<i32>} : memref<2x3x16x128xf32, #tpu.memory_space<vmem>>, vector<16xf32>,
        %max3A_750 = arith.maximumf %max3A_737, %get3A_749 : vector<16xf32>
        %swap3A_751 = arith.index_cast %select_n3A_230 : i32 to index
        %swap3A_752 = arith.constant 368 : index
        %swap3A_753 = tpu.vector_load %arg6[%swap3A_751, %swap3A_752] {strides = array<i32>} : memref<16x768xf32, #tpu.memory_space<vmem>>, vector<16xf32>,
        tpu.vector_store %arg6[%swap3A_751, %swap3A_752], %get3A_749 {strides = array<i32>} : memref<16x768xf32, #tpu.memory_space<vmem>>, vector<16xf32>,
        %mul3A_754 = arith.constant 16 : i32
        %mul3A_755 = arith.muli %scan3A_213, %mul3A_754 : i32
        %get3A_756 = arith.constant 2 : i32
        %get3A_757 = arith.constant 8 : i32
        %get3A_758 = arith.index_cast %select_n3A_138 : i32 to index
        %get3A_759 = arith.index_cast %get3A_756 : i32 to index
        %get3A_760 = arith.index_cast %get3A_757 : i32 to index
        %get3A_761 = arith.index_cast %mul3A_755 : i32 to index
        %get3A_762 = tpu.vector_load %arg4[%get3A_758, %get3A_759, %get3A_760, %get3A_761] {strides = array<i32>} : memref<2x3x16x128xf32, #tpu.memory_space<vmem>>, vector<16xf32>,
        %max3A_763 = arith.maximumf %max3A_750, %get3A_762 : vector<16xf32>
        %swap3A_764 = arith.index_cast %select_n3A_230 : i32 to index
        %swap3A_765 = arith.constant 416 : index
        %swap3A_766 = tpu.vector_load %arg6[%swap3A_764, %swap3A_765] {strides = array<i32>} : memref<16x768xf32, #tpu.memory_space<vmem>>, vector<16xf32>,
        tpu.vector_store %arg6[%swap3A_764, %swap3A_765], %get3A_762 {strides = array<i32>} : memref<16x768xf32, #tpu.memory_space<vmem>>, vector<16xf32>,
        %mul3A_767 = arith.constant 16 : i32
        %mul3A_768 = arith.muli %scan3A_213, %mul3A_767 : i32
        %get3A_769 = arith.constant 2 : i32
        %get3A_770 = arith.constant 9 : i32
        %get3A_771 = arith.index_cast %select_n3A_138 : i32 to index
        %get3A_772 = arith.index_cast %get3A_769 : i32 to index
        %get3A_773 = arith.index_cast %get3A_770 : i32 to index
        %get3A_774 = arith.index_cast %mul3A_768 : i32 to index
        %get3A_775 = tpu.vector_load %arg4[%get3A_771, %get3A_772, %get3A_773, %get3A_774] {strides = array<i32>} : memref<2x3x16x128xf32, #tpu.memory_space<vmem>>, vector<16xf32>,
        %max3A_776 = arith.maximumf %max3A_763, %get3A_775 : vector<16xf32>
        %swap3A_777 = arith.index_cast %select_n3A_230 : i32 to index
        %swap3A_778 = arith.constant 464 : index
        %swap3A_779 = tpu.vector_load %arg6[%swap3A_777, %swap3A_778] {strides = array<i32>} : memref<16x768xf32, #tpu.memory_space<vmem>>, vector<16xf32>,
        tpu.vector_store %arg6[%swap3A_777, %swap3A_778], %get3A_775 {strides = array<i32>} : memref<16x768xf32, #tpu.memory_space<vmem>>, vector<16xf32>,
        %mul3A_780 = arith.constant 16 : i32
        %mul3A_781 = arith.muli %scan3A_213, %mul3A_780 : i32
        %get3A_782 = arith.constant 2 : i32
        %get3A_783 = arith.constant 10 : i32
        %get3A_784 = arith.index_cast %select_n3A_138 : i32 to index
        %get3A_785 = arith.index_cast %get3A_782 : i32 to index
        %get3A_786 = arith.index_cast %get3A_783 : i32 to index
        %get3A_787 = arith.index_cast %mul3A_781 : i32 to index
        %get3A_788 = tpu.vector_load %arg4[%get3A_784, %get3A_785, %get3A_786, %get3A_787] {strides = array<i32>} : memref<2x3x16x128xf32, #tpu.memory_space<vmem>>, vector<16xf32>,
        %max3A_789 = arith.maximumf %max3A_776, %get3A_788 : vector<16xf32>
        %swap3A_790 = arith.index_cast %select_n3A_230 : i32 to index
        %swap3A_791 = arith.constant 512 : index
        %swap3A_792 = tpu.vector_load %arg6[%swap3A_790, %swap3A_791] {strides = array<i32>} : memref<16x768xf32, #tpu.memory_space<vmem>>, vector<16xf32>,
        tpu.vector_store %arg6[%swap3A_790, %swap3A_791], %get3A_788 {strides = array<i32>} : memref<16x768xf32, #tpu.memory_space<vmem>>, vector<16xf32>,
        %mul3A_793 = arith.constant 16 : i32
        %mul3A_794 = arith.muli %scan3A_213, %mul3A_793 : i32
        %get3A_795 = arith.constant 2 : i32
        %get3A_796 = arith.constant 11 : i32
        %get3A_797 = arith.index_cast %select_n3A_138 : i32 to index
        %get3A_798 = arith.index_cast %get3A_795 : i32 to index
        %get3A_799 = arith.index_cast %get3A_796 : i32 to index
        %get3A_800 = arith.index_cast %mul3A_794 : i32 to index
        %get3A_801 = tpu.vector_load %arg4[%get3A_797, %get3A_798, %get3A_799, %get3A_800] {strides = array<i32>} : memref<2x3x16x128xf32, #tpu.memory_space<vmem>>, vector<16xf32>,
        %max3A_802 = arith.maximumf %max3A_789, %get3A_801 : vector<16xf32>
        %swap3A_803 = arith.index_cast %select_n3A_230 : i32 to index
        %swap3A_804 = arith.constant 560 : index
        %swap3A_805 = tpu.vector_load %arg6[%swap3A_803, %swap3A_804] {strides = array<i32>} : memref<16x768xf32, #tpu.memory_space<vmem>>, vector<16xf32>,
        tpu.vector_store %arg6[%swap3A_803, %swap3A_804], %get3A_801 {strides = array<i32>} : memref<16x768xf32, #tpu.memory_space<vmem>>, vector<16xf32>,
        %mul3A_806 = arith.constant 16 : i32
        %mul3A_807 = arith.muli %scan3A_213, %mul3A_806 : i32
        %get3A_808 = arith.constant 2 : i32
        %get3A_809 = arith.constant 12 : i32
        %get3A_810 = arith.index_cast %select_n3A_138 : i32 to index
        %get3A_811 = arith.index_cast %get3A_808 : i32 to index
        %get3A_812 = arith.index_cast %get3A_809 : i32 to index
        %get3A_813 = arith.index_cast %mul3A_807 : i32 to index
        %get3A_814 = tpu.vector_load %arg4[%get3A_810, %get3A_811, %get3A_812, %get3A_813] {strides = array<i32>} : memref<2x3x16x128xf32, #tpu.memory_space<vmem>>, vector<16xf32>,
        %max3A_815 = arith.maximumf %max3A_802, %get3A_814 : vector<16xf32>
        %swap3A_816 = arith.index_cast %select_n3A_230 : i32 to index
        %swap3A_817 = arith.constant 608 : index
        %swap3A_818 = tpu.vector_load %arg6[%swap3A_816, %swap3A_817] {strides = array<i32>} : memref<16x768xf32, #tpu.memory_space<vmem>>, vector<16xf32>,
        tpu.vector_store %arg6[%swap3A_816, %swap3A_817], %get3A_814 {strides = array<i32>} : memref<16x768xf32, #tpu.memory_space<vmem>>, vector<16xf32>,
        %mul3A_819 = arith.constant 16 : i32
        %mul3A_820 = arith.muli %scan3A_213, %mul3A_819 : i32
        %get3A_821 = arith.constant 2 : i32
        %get3A_822 = arith.constant 13 : i32
        %get3A_823 = arith.index_cast %select_n3A_138 : i32 to index
        %get3A_824 = arith.index_cast %get3A_821 : i32 to index
        %get3A_825 = arith.index_cast %get3A_822 : i32 to index
        %get3A_826 = arith.index_cast %mul3A_820 : i32 to index
        %get3A_827 = tpu.vector_load %arg4[%get3A_823, %get3A_824, %get3A_825, %get3A_826] {strides = array<i32>} : memref<2x3x16x128xf32, #tpu.memory_space<vmem>>, vector<16xf32>,
        %max3A_828 = arith.maximumf %max3A_815, %get3A_827 : vector<16xf32>
        %swap3A_829 = arith.index_cast %select_n3A_230 : i32 to index
        %swap3A_830 = arith.constant 656 : index
        %swap3A_831 = tpu.vector_load %arg6[%swap3A_829, %swap3A_830] {strides = array<i32>} : memref<16x768xf32, #tpu.memory_space<vmem>>, vector<16xf32>,
        tpu.vector_store %arg6[%swap3A_829, %swap3A_830], %get3A_827 {strides = array<i32>} : memref<16x768xf32, #tpu.memory_space<vmem>>, vector<16xf32>,
        %mul3A_832 = arith.constant 16 : i32
        %mul3A_833 = arith.muli %scan3A_213, %mul3A_832 : i32
        %get3A_834 = arith.constant 2 : i32
        %get3A_835 = arith.constant 14 : i32
        %get3A_836 = arith.index_cast %select_n3A_138 : i32 to index
        %get3A_837 = arith.index_cast %get3A_834 : i32 to index
        %get3A_838 = arith.index_cast %get3A_835 : i32 to index
        %get3A_839 = arith.index_cast %mul3A_833 : i32 to index
        %get3A_840 = tpu.vector_load %arg4[%get3A_836, %get3A_837, %get3A_838, %get3A_839] {strides = array<i32>} : memref<2x3x16x128xf32, #tpu.memory_space<vmem>>, vector<16xf32>,
        %max3A_841 = arith.maximumf %max3A_828, %get3A_840 : vector<16xf32>
        %swap3A_842 = arith.index_cast %select_n3A_230 : i32 to index
        %swap3A_843 = arith.constant 704 : index
        %swap3A_844 = tpu.vector_load %arg6[%swap3A_842, %swap3A_843] {strides = array<i32>} : memref<16x768xf32, #tpu.memory_space<vmem>>, vector<16xf32>,
        tpu.vector_store %arg6[%swap3A_842, %swap3A_843], %get3A_840 {strides = array<i32>} : memref<16x768xf32, #tpu.memory_space<vmem>>, vector<16xf32>,
        %mul3A_845 = arith.constant 16 : i32
        %mul3A_846 = arith.muli %scan3A_213, %mul3A_845 : i32
        %get3A_847 = arith.constant 2 : i32
        %get3A_848 = arith.constant 15 : i32
        %get3A_849 = arith.index_cast %select_n3A_138 : i32 to index
        %get3A_850 = arith.index_cast %get3A_847 : i32 to index
        %get3A_851 = arith.index_cast %get3A_848 : i32 to index
        %get3A_852 = arith.index_cast %mul3A_846 : i32 to index
        %get3A_853 = tpu.vector_load %arg4[%get3A_849, %get3A_850, %get3A_851, %get3A_852] {strides = array<i32>} : memref<2x3x16x128xf32, #tpu.memory_space<vmem>>, vector<16xf32>,
        %max3A_854 = arith.maximumf %max3A_841, %get3A_853 : vector<16xf32>
        %swap3A_855 = arith.index_cast %select_n3A_230 : i32 to index
        %swap3A_856 = arith.constant 752 : index
        %swap3A_857 = tpu.vector_load %arg6[%swap3A_855, %swap3A_856] {strides = array<i32>} : memref<16x768xf32, #tpu.memory_space<vmem>>, vector<16xf32>,
        tpu.vector_store %arg6[%swap3A_855, %swap3A_856], %get3A_853 {strides = array<i32>} : memref<16x768xf32, #tpu.memory_space<vmem>>, vector<16xf32>,
        %max3A_858 = arith.maximumf %max3A_434, %max3A_644 : vector<16xf32>
        %max3A_859 = arith.maximumf %max3A_858, %max3A_854 : vector<16xf32>
        %gt3A_860 = arith.constant 0.000000e+00 : f32
        %gt3A_861 = vector.broadcast %gt3A_860 : f32 to vector<16xf32>
        %gt3A_862 = arith.cmpf ogt, %max3A_859, %gt3A_861 : vector<16xf32>
        %all_reduce_population_count3A = tpu.all_reduce %gt3A_862 {dim = 0 : i64, kind = #tpu.reduction_kind<sum>} : vector<16xi1> -> vector<16xi32>
        %slice3A = vector.extract_strided_slice %all_reduce_population_count3A {offsets = [0], sizes = [1], strides = [1]} : vector<16xi32> to vector<1xi32>
        %squeeze3A = vector.extract %slice3A[0] : i32 from vector<1xi32>
        %gt3A_863 = arith.constant 0 : i32
        %gt3A_864 = arith.cmpi sgt, %squeeze3A, %gt3A_863 : i32
        %convert_element_type3A_865 = arith.extui %gt3A_864 : i1 to i32
        %add3A_866 = arith.addi %scan3A_214, %convert_element_type3A_865 : i32
        %eq3A_867 = arith.constant 1 : i32
        %eq3A_868 = arith.cmpi eq, %convert_element_type3A_865, %eq3A_867 : i32
        %jit3A_869 = arith.constant 16 : i32
        %eq3A_870 = arith.constant 0 : i32
        %eq3A_871 = arith.cmpi eq, %jit3A_869, %eq3A_870 : i32
        %jit3A_872 = arith.constant 1 : i32
        %select_n3A_873 = arith.select %eq3A_871, %jit3A_872, %jit3A_869 : i32
        %rem3A_874 = arith.remsi %add3A_866, %select_n3A_873 : i32
        %ne3A_875 = arith.constant 0 : i32
        %ne3A_876 = arith.cmpi ne, %rem3A_874, %ne3A_875 : i32
        %lt3A_877 = arith.constant 0 : i32
        %lt3A_878 = arith.cmpi slt, %rem3A_874, %lt3A_877 : i32
        %lt3A_879 = arith.constant 0 : i32
        %lt3A_880 = arith.cmpi slt, %select_n3A_873, %lt3A_879 : i32
        %ne3A_881 = arith.xori %lt3A_878, %lt3A_880 : i1
        %and3A_882 = arith.andi %ne3A_881, %ne3A_876 : i1
        %add3A_883 = arith.addi %rem3A_874, %select_n3A_873 : i32
        %select_n3A_884 = arith.select %and3A_882, %add3A_883, %rem3A_874 : i32
        %eq3A_885 = arith.constant 0 : i32
        %eq3A_886 = arith.cmpi eq, %select_n3A_884, %eq3A_885 : i32
        %and3A_887 = arith.andi %eq3A_868, %eq3A_886 : i1
        %convert_element_type3A_888 = arith.extui %and3A_887 : i1 to i32
        %cond3A_889 = arith.constant 0 : i32
        %cond3A_890 = arith.cmpi ne, %convert_element_type3A_888, %cond3A_889 : i32
        scf.if %cond3A_890 {
          %sub3A_891 = arith.constant 16 : i32
          %sub3A_892 = arith.subi %add3A_866, %sub3A_891 : i32
          %jit3A_893 = arith.constant 128 : i32
          %eq3A_894 = arith.constant 0 : i32
          %eq3A_895 = arith.cmpi eq, %jit3A_893, %eq3A_894 : i32
          %jit3A_896 = arith.constant 1 : i32
          %select_n3A_897 = arith.select %eq3A_895, %jit3A_896, %jit3A_893 : i32
          %rem3A_898 = arith.remsi %sub3A_892, %select_n3A_897 : i32
          %ne3A_899 = arith.constant 0 : i32
          %ne3A_900 = arith.cmpi ne, %rem3A_898, %ne3A_899 : i32
          %lt3A_901 = arith.constant 0 : i32
          %lt3A_902 = arith.cmpi slt, %rem3A_898, %lt3A_901 : i32
          %lt3A_903 = arith.constant 0 : i32
          %lt3A_904 = arith.cmpi slt, %select_n3A_897, %lt3A_903 : i32
          %ne3A_905 = arith.xori %lt3A_902, %lt3A_904 : i1
          %and3A_906 = arith.andi %ne3A_905, %ne3A_900 : i1
          %add3A_907 = arith.addi %rem3A_898, %select_n3A_897 : i32
          %select_n3A_908 = arith.select %and3A_906, %add3A_907, %rem3A_898 : i32
          %scan3A_909 = arith.constant 0 : i32
          %scan3A_910 = arith.constant 0 : i32
          %scan3A_911 = arith.constant 48 : i32
          %scan3A_912 = arith.addi %scan3A_910, %scan3A_911 : i32
          %scan3A_913 = arith.constant 1 : i32
          scf.for %scan3A_936 = %scan3A_910 to %scan3A_912 step %scan3A_913  : i32 {
            %mul3A_937 = arith.constant 16 : i32
            %mul3A_938 = arith.muli %scan3A_936, %mul3A_937 : i32
            %get3A_939 = arith.constant 0 : i32
            %get3A_940 = arith.index_cast %get3A_939 : i32 to index
            %get3A_941 = arith.index_cast %mul3A_938 : i32 to index
            %get3A_942 = tpu.vector_load %arg6[%get3A_940, %get3A_941] {strides = array<i32>} : memref<16x768xf32, #tpu.memory_space<vmem>>, vector<16xf32>,
            %mul3A_943 = arith.constant 16 : i32
            %mul3A_944 = arith.muli %scan3A_936, %mul3A_943 : i32
            %get3A_945 = arith.constant 1 : i32
            %get3A_946 = arith.index_cast %get3A_945 : i32 to index
            %get3A_947 = arith.index_cast %mul3A_944 : i32 to index
            %get3A_948 = tpu.vector_load %arg6[%get3A_946, %get3A_947] {strides = array<i32>} : memref<16x768xf32, #tpu.memory_space<vmem>>, vector<16xf32>,
            %mul3A_949 = arith.constant 16 : i32
            %mul3A_950 = arith.muli %scan3A_936, %mul3A_949 : i32
            %get3A_951 = arith.constant 2 : i32
            %get3A_952 = arith.index_cast %get3A_951 : i32 to index
            %get3A_953 = arith.index_cast %mul3A_950 : i32 to index
            %get3A_954 = tpu.vector_load %arg6[%get3A_952, %get3A_953] {strides = array<i32>} : memref<16x768xf32, #tpu.memory_space<vmem>>, vector<16xf32>,
            %mul3A_955 = arith.constant 16 : i32
            %mul3A_956 = arith.muli %scan3A_936, %mul3A_955 : i32
            %get3A_957 = arith.constant 3 : i32
            %get3A_958 = arith.index_cast %get3A_957 : i32 to index
            %get3A_959 = arith.index_cast %mul3A_956 : i32 to index
            %get3A_960 = tpu.vector_load %arg6[%get3A_958, %get3A_959] {strides = array<i32>} : memref<16x768xf32, #tpu.memory_space<vmem>>, vector<16xf32>,
            %mul3A_961 = arith.constant 16 : i32
            %mul3A_962 = arith.muli %scan3A_936, %mul3A_961 : i32
            %get3A_963 = arith.constant 4 : i32
            %get3A_964 = arith.index_cast %get3A_963 : i32 to index
            %get3A_965 = arith.index_cast %mul3A_962 : i32 to index
            %get3A_966 = tpu.vector_load %arg6[%get3A_964, %get3A_965] {strides = array<i32>} : memref<16x768xf32, #tpu.memory_space<vmem>>, vector<16xf32>,
            %mul3A_967 = arith.constant 16 : i32
            %mul3A_968 = arith.muli %scan3A_936, %mul3A_967 : i32
            %get3A_969 = arith.constant 5 : i32
            %get3A_970 = arith.index_cast %get3A_969 : i32 to index
            %get3A_971 = arith.index_cast %mul3A_968 : i32 to index
            %get3A_972 = tpu.vector_load %arg6[%get3A_970, %get3A_971] {strides = array<i32>} : memref<16x768xf32, #tpu.memory_space<vmem>>, vector<16xf32>,
            %mul3A_973 = arith.constant 16 : i32
            %mul3A_974 = arith.muli %scan3A_936, %mul3A_973 : i32
            %get3A_975 = arith.constant 6 : i32
            %get3A_976 = arith.index_cast %get3A_975 : i32 to index
            %get3A_977 = arith.index_cast %mul3A_974 : i32 to index
            %get3A_978 = tpu.vector_load %arg6[%get3A_976, %get3A_977] {strides = array<i32>} : memref<16x768xf32, #tpu.memory_space<vmem>>, vector<16xf32>,
            %mul3A_979 = arith.constant 16 : i32
            %mul3A_980 = arith.muli %scan3A_936, %mul3A_979 : i32
            %get3A_981 = arith.constant 7 : i32
            %get3A_982 = arith.index_cast %get3A_981 : i32 to index
            %get3A_983 = arith.index_cast %mul3A_980 : i32 to index
            %get3A_984 = tpu.vector_load %arg6[%get3A_982, %get3A_983] {strides = array<i32>} : memref<16x768xf32, #tpu.memory_space<vmem>>, vector<16xf32>,
            %mul3A_985 = arith.constant 16 : i32
            %mul3A_986 = arith.muli %scan3A_936, %mul3A_985 : i32
            %get3A_987 = arith.constant 8 : i32
            %get3A_988 = arith.index_cast %get3A_987 : i32 to index
            %get3A_989 = arith.index_cast %mul3A_986 : i32 to index
            %get3A_990 = tpu.vector_load %arg6[%get3A_988, %get3A_989] {strides = array<i32>} : memref<16x768xf32, #tpu.memory_space<vmem>>, vector<16xf32>,
            %mul3A_991 = arith.constant 16 : i32
            %mul3A_992 = arith.muli %scan3A_936, %mul3A_991 : i32
            %get3A_993 = arith.constant 9 : i32
            %get3A_994 = arith.index_cast %get3A_993 : i32 to index
            %get3A_995 = arith.index_cast %mul3A_992 : i32 to index
            %get3A_996 = tpu.vector_load %arg6[%get3A_994, %get3A_995] {strides = array<i32>} : memref<16x768xf32, #tpu.memory_space<vmem>>, vector<16xf32>,
            %mul3A_997 = arith.constant 16 : i32
            %mul3A_998 = arith.muli %scan3A_936, %mul3A_997 : i32
            %get3A_999 = arith.constant 10 : i32
            %get3A_1000 = arith.index_cast %get3A_999 : i32 to index
            %get3A_1001 = arith.index_cast %mul3A_998 : i32 to index
            %get3A_1002 = tpu.vector_load %arg6[%get3A_1000, %get3A_1001] {strides = array<i32>} : memref<16x768xf32, #tpu.memory_space<vmem>>, vector<16xf32>,
            %mul3A_1003 = arith.constant 16 : i32
            %mul3A_1004 = arith.muli %scan3A_936, %mul3A_1003 : i32
            %get3A_1005 = arith.constant 11 : i32
            %get3A_1006 = arith.index_cast %get3A_1005 : i32 to index
            %get3A_1007 = arith.index_cast %mul3A_1004 : i32 to index
            %get3A_1008 = tpu.vector_load %arg6[%get3A_1006, %get3A_1007] {strides = array<i32>} : memref<16x768xf32, #tpu.memory_space<vmem>>, vector<16xf32>,
            %mul3A_1009 = arith.constant 16 : i32
            %mul3A_1010 = arith.muli %scan3A_936, %mul3A_1009 : i32
            %get3A_1011 = arith.constant 12 : i32
            %get3A_1012 = arith.index_cast %get3A_1011 : i32 to index
            %get3A_1013 = arith.index_cast %mul3A_1010 : i32 to index
            %get3A_1014 = tpu.vector_load %arg6[%get3A_1012, %get3A_1013] {strides = array<i32>} : memref<16x768xf32, #tpu.memory_space<vmem>>, vector<16xf32>,
            %mul3A_1015 = arith.constant 16 : i32
            %mul3A_1016 = arith.muli %scan3A_936, %mul3A_1015 : i32
            %get3A_1017 = arith.constant 13 : i32
            %get3A_1018 = arith.index_cast %get3A_1017 : i32 to index
            %get3A_1019 = arith.index_cast %mul3A_1016 : i32 to index
            %get3A_1020 = tpu.vector_load %arg6[%get3A_1018, %get3A_1019] {strides = array<i32>} : memref<16x768xf32, #tpu.memory_space<vmem>>, vector<16xf32>,
            %mul3A_1021 = arith.constant 16 : i32
            %mul3A_1022 = arith.muli %scan3A_936, %mul3A_1021 : i32
            %get3A_1023 = arith.constant 14 : i32
            %get3A_1024 = arith.index_cast %get3A_1023 : i32 to index
            %get3A_1025 = arith.index_cast %mul3A_1022 : i32 to index
            %get3A_1026 = tpu.vector_load %arg6[%get3A_1024, %get3A_1025] {strides = array<i32>} : memref<16x768xf32, #tpu.memory_space<vmem>>, vector<16xf32>,
            %mul3A_1027 = arith.constant 16 : i32
            %mul3A_1028 = arith.muli %scan3A_936, %mul3A_1027 : i32
            %get3A_1029 = arith.constant 15 : i32
            %get3A_1030 = arith.index_cast %get3A_1029 : i32 to index
            %get3A_1031 = arith.index_cast %mul3A_1028 : i32 to index
            %get3A_1032 = tpu.vector_load %arg6[%get3A_1030, %get3A_1031] {strides = array<i32>} : memref<16x768xf32, #tpu.memory_space<vmem>>, vector<16xf32>,
            %broadcast_in_dim3A_1033 = vector.shape_cast %xor3A_3 : vector<16xi32> to vector<16x1xi32>
            %gather3A = vector.shape_cast %broadcast_in_dim3A_1033 : vector<16x1xi32> to vector<16xi32>
            %gather3A_1034 = tpu.dynamic_gather %get3A_948[%gather3A] in [0] : vector<16xf32>, vector<16xi32> -> vector<16xf32>
            %broadcast_in_dim3A_1035 = vector.shape_cast %xor3A_3 : vector<16xi32> to vector<16x1xi32>
            %gather3A_1036 = vector.shape_cast %broadcast_in_dim3A_1035 : vector<16x1xi32> to vector<16xi32>
            %gather3A_1037 = tpu.dynamic_gather %get3A_942[%gather3A_1036] in [0] : vector<16xf32>, vector<16xi32> -> vector<16xf32>
            %select_n3A_1038 = arith.select %ne3A_16, %gather3A_1034, %get3A_942 : vector<16xi1>, vector<16xf32>
            %select_n3A_1039 = arith.select %ne3A_16, %get3A_948, %gather3A_1037 : vector<16xi1>, vector<16xf32>
            %broadcast_in_dim3A_1040 = vector.shape_cast %xor3A_3 : vector<16xi32> to vector<16x1xi32>
            %gather3A_1041 = vector.shape_cast %broadcast_in_dim3A_1040 : vector<16x1xi32> to vector<16xi32>
            %gather3A_1042 = tpu.dynamic_gather %get3A_960[%gather3A_1041] in [0] : vector<16xf32>, vector<16xi32> -> vector<16xf32>
            %broadcast_in_dim3A_1043 = vector.shape_cast %xor3A_3 : vector<16xi32> to vector<16x1xi32>
            %gather3A_1044 = vector.shape_cast %broadcast_in_dim3A_1043 : vector<16x1xi32> to vector<16xi32>
            %gather3A_1045 = tpu.dynamic_gather %get3A_954[%gather3A_1044] in [0] : vector<16xf32>, vector<16xi32> -> vector<16xf32>
            %select_n3A_1046 = arith.select %ne3A_16, %gather3A_1042, %get3A_954 : vector<16xi1>, vector<16xf32>
            %select_n3A_1047 = arith.select %ne3A_16, %get3A_960, %gather3A_1045 : vector<16xi1>, vector<16xf32>
            %broadcast_in_dim3A_1048 = vector.shape_cast %xor3A_3 : vector<16xi32> to vector<16x1xi32>
            %gather3A_1049 = vector.shape_cast %broadcast_in_dim3A_1048 : vector<16x1xi32> to vector<16xi32>
            %gather3A_1050 = tpu.dynamic_gather %get3A_972[%gather3A_1049] in [0] : vector<16xf32>, vector<16xi32> -> vector<16xf32>
            %broadcast_in_dim3A_1051 = vector.shape_cast %xor3A_3 : vector<16xi32> to vector<16x1xi32>
            %gather3A_1052 = vector.shape_cast %broadcast_in_dim3A_1051 : vector<16x1xi32> to vector<16xi32>
            %gather3A_1053 = tpu.dynamic_gather %get3A_966[%gather3A_1052] in [0] : vector<16xf32>, vector<16xi32> -> vector<16xf32>
            %select_n3A_1054 = arith.select %ne3A_16, %gather3A_1050, %get3A_966 : vector<16xi1>, vector<16xf32>
            %select_n3A_1055 = arith.select %ne3A_16, %get3A_972, %gather3A_1053 : vector<16xi1>, vector<16xf32>
            %broadcast_in_dim3A_1056 = vector.shape_cast %xor3A_3 : vector<16xi32> to vector<16x1xi32>
            %gather3A_1057 = vector.shape_cast %broadcast_in_dim3A_1056 : vector<16x1xi32> to vector<16xi32>
            %gather3A_1058 = tpu.dynamic_gather %get3A_984[%gather3A_1057] in [0] : vector<16xf32>, vector<16xi32> -> vector<16xf32>
            %broadcast_in_dim3A_1059 = vector.shape_cast %xor3A_3 : vector<16xi32> to vector<16x1xi32>
            %gather3A_1060 = vector.shape_cast %broadcast_in_dim3A_1059 : vector<16x1xi32> to vector<16xi32>
            %gather3A_1061 = tpu.dynamic_gather %get3A_978[%gather3A_1060] in [0] : vector<16xf32>, vector<16xi32> -> vector<16xf32>
            %select_n3A_1062 = arith.select %ne3A_16, %gather3A_1058, %get3A_978 : vector<16xi1>, vector<16xf32>
            %select_n3A_1063 = arith.select %ne3A_16, %get3A_984, %gather3A_1061 : vector<16xi1>, vector<16xf32>
            %broadcast_in_dim3A_1064 = vector.shape_cast %xor3A_3 : vector<16xi32> to vector<16x1xi32>
            %gather3A_1065 = vector.shape_cast %broadcast_in_dim3A_1064 : vector<16x1xi32> to vector<16xi32>
            %gather3A_1066 = tpu.dynamic_gather %get3A_996[%gather3A_1065] in [0] : vector<16xf32>, vector<16xi32> -> vector<16xf32>
            %broadcast_in_dim3A_1067 = vector.shape_cast %xor3A_3 : vector<16xi32> to vector<16x1xi32>
            %gather3A_1068 = vector.shape_cast %broadcast_in_dim3A_1067 : vector<16x1xi32> to vector<16xi32>
            %gather3A_1069 = tpu.dynamic_gather %get3A_990[%gather3A_1068] in [0] : vector<16xf32>, vector<16xi32> -> vector<16xf32>
            %select_n3A_1070 = arith.select %ne3A_16, %gather3A_1066, %get3A_990 : vector<16xi1>, vector<16xf32>
            %select_n3A_1071 = arith.select %ne3A_16, %get3A_996, %gather3A_1069 : vector<16xi1>, vector<16xf32>
            %broadcast_in_dim3A_1072 = vector.shape_cast %xor3A_3 : vector<16xi32> to vector<16x1xi32>
            %gather3A_1073 = vector.shape_cast %broadcast_in_dim3A_1072 : vector<16x1xi32> to vector<16xi32>
            %gather3A_1074 = tpu.dynamic_gather %get3A_1008[%gather3A_1073] in [0] : vector<16xf32>, vector<16xi32> -> vector<16xf32>
            %broadcast_in_dim3A_1075 = vector.shape_cast %xor3A_3 : vector<16xi32> to vector<16x1xi32>
            %gather3A_1076 = vector.shape_cast %broadcast_in_dim3A_1075 : vector<16x1xi32> to vector<16xi32>
            %gather3A_1077 = tpu.dynamic_gather %get3A_1002[%gather3A_1076] in [0] : vector<16xf32>, vector<16xi32> -> vector<16xf32>
            %select_n3A_1078 = arith.select %ne3A_16, %gather3A_1074, %get3A_1002 : vector<16xi1>, vector<16xf32>
            %select_n3A_1079 = arith.select %ne3A_16, %get3A_1008, %gather3A_1077 : vector<16xi1>, vector<16xf32>
            %broadcast_in_dim3A_1080 = vector.shape_cast %xor3A_3 : vector<16xi32> to vector<16x1xi32>
            %gather3A_1081 = vector.shape_cast %broadcast_in_dim3A_1080 : vector<16x1xi32> to vector<16xi32>
            %gather3A_1082 = tpu.dynamic_gather %get3A_1020[%gather3A_1081] in [0] : vector<16xf32>, vector<16xi32> -> vector<16xf32>
            %broadcast_in_dim3A_1083 = vector.shape_cast %xor3A_3 : vector<16xi32> to vector<16x1xi32>
            %gather3A_1084 = vector.shape_cast %broadcast_in_dim3A_1083 : vector<16x1xi32> to vector<16xi32>
            %gather3A_1085 = tpu.dynamic_gather %get3A_1014[%gather3A_1084] in [0] : vector<16xf32>, vector<16xi32> -> vector<16xf32>
            %select_n3A_1086 = arith.select %ne3A_16, %gather3A_1082, %get3A_1014 : vector<16xi1>, vector<16xf32>
            %select_n3A_1087 = arith.select %ne3A_16, %get3A_1020, %gather3A_1085 : vector<16xi1>, vector<16xf32>
            %broadcast_in_dim3A_1088 = vector.shape_cast %xor3A_3 : vector<16xi32> to vector<16x1xi32>
            %gather3A_1089 = vector.shape_cast %broadcast_in_dim3A_1088 : vector<16x1xi32> to vector<16xi32>
            %gather3A_1090 = tpu.dynamic_gather %get3A_1032[%gather3A_1089] in [0] : vector<16xf32>, vector<16xi32> -> vector<16xf32>
            %broadcast_in_dim3A_1091 = vector.shape_cast %xor3A_3 : vector<16xi32> to vector<16x1xi32>
            %gather3A_1092 = vector.shape_cast %broadcast_in_dim3A_1091 : vector<16x1xi32> to vector<16xi32>
            %gather3A_1093 = tpu.dynamic_gather %get3A_1026[%gather3A_1092] in [0] : vector<16xf32>, vector<16xi32> -> vector<16xf32>
            %select_n3A_1094 = arith.select %ne3A_16, %gather3A_1090, %get3A_1026 : vector<16xi1>, vector<16xf32>
            %select_n3A_1095 = arith.select %ne3A_16, %get3A_1032, %gather3A_1093 : vector<16xi1>, vector<16xf32>
            %broadcast_in_dim3A_1096 = vector.shape_cast %xor3A_6 : vector<16xi32> to vector<16x1xi32>
            %gather3A_1097 = vector.shape_cast %broadcast_in_dim3A_1096 : vector<16x1xi32> to vector<16xi32>
            %gather3A_1098 = tpu.dynamic_gather %select_n3A_1046[%gather3A_1097] in [0] : vector<16xf32>, vector<16xi32> -> vector<16xf32>
            %broadcast_in_dim3A_1099 = vector.shape_cast %xor3A_6 : vector<16xi32> to vector<16x1xi32>
            %gather3A_1100 = vector.shape_cast %broadcast_in_dim3A_1099 : vector<16x1xi32> to vector<16xi32>
            %gather3A_1101 = tpu.dynamic_gather %select_n3A_1038[%gather3A_1100] in [0] : vector<16xf32>, vector<16xi32> -> vector<16xf32>
            %select_n3A_1102 = arith.select %ne3A_22, %gather3A_1098, %select_n3A_1038 : vector<16xi1>, vector<16xf32>
            %select_n3A_1103 = arith.select %ne3A_22, %select_n3A_1046, %gather3A_1101 : vector<16xi1>, vector<16xf32>
            %broadcast_in_dim3A_1104 = vector.shape_cast %xor3A_6 : vector<16xi32> to vector<16x1xi32>
            %gather3A_1105 = vector.shape_cast %broadcast_in_dim3A_1104 : vector<16x1xi32> to vector<16xi32>
            %gather3A_1106 = tpu.dynamic_gather %select_n3A_1047[%gather3A_1105] in [0] : vector<16xf32>, vector<16xi32> -> vector<16xf32>
            %broadcast_in_dim3A_1107 = vector.shape_cast %xor3A_6 : vector<16xi32> to vector<16x1xi32>
            %gather3A_1108 = vector.shape_cast %broadcast_in_dim3A_1107 : vector<16x1xi32> to vector<16xi32>
            %gather3A_1109 = tpu.dynamic_gather %select_n3A_1039[%gather3A_1108] in [0] : vector<16xf32>, vector<16xi32> -> vector<16xf32>
            %select_n3A_1110 = arith.select %ne3A_22, %gather3A_1106, %select_n3A_1039 : vector<16xi1>, vector<16xf32>
            %select_n3A_1111 = arith.select %ne3A_22, %select_n3A_1047, %gather3A_1109 : vector<16xi1>, vector<16xf32>
            %broadcast_in_dim3A_1112 = vector.shape_cast %xor3A_6 : vector<16xi32> to vector<16x1xi32>
            %gather3A_1113 = vector.shape_cast %broadcast_in_dim3A_1112 : vector<16x1xi32> to vector<16xi32>
            %gather3A_1114 = tpu.dynamic_gather %select_n3A_1062[%gather3A_1113] in [0] : vector<16xf32>, vector<16xi32> -> vector<16xf32>
            %broadcast_in_dim3A_1115 = vector.shape_cast %xor3A_6 : vector<16xi32> to vector<16x1xi32>
            %gather3A_1116 = vector.shape_cast %broadcast_in_dim3A_1115 : vector<16x1xi32> to vector<16xi32>
            %gather3A_1117 = tpu.dynamic_gather %select_n3A_1054[%gather3A_1116] in [0] : vector<16xf32>, vector<16xi32> -> vector<16xf32>
            %select_n3A_1118 = arith.select %ne3A_22, %gather3A_1114, %select_n3A_1054 : vector<16xi1>, vector<16xf32>
            %select_n3A_1119 = arith.select %ne3A_22, %select_n3A_1062, %gather3A_1117 : vector<16xi1>, vector<16xf32>
            %broadcast_in_dim3A_1120 = vector.shape_cast %xor3A_6 : vector<16xi32> to vector<16x1xi32>
            %gather3A_1121 = vector.shape_cast %broadcast_in_dim3A_1120 : vector<16x1xi32> to vector<16xi32>
            %gather3A_1122 = tpu.dynamic_gather %select_n3A_1063[%gather3A_1121] in [0] : vector<16xf32>, vector<16xi32> -> vector<16xf32>
            %broadcast_in_dim3A_1123 = vector.shape_cast %xor3A_6 : vector<16xi32> to vector<16x1xi32>
            %gather3A_1124 = vector.shape_cast %broadcast_in_dim3A_1123 : vector<16x1xi32> to vector<16xi32>
            %gather3A_1125 = tpu.dynamic_gather %select_n3A_1055[%gather3A_1124] in [0] : vector<16xf32>, vector<16xi32> -> vector<16xf32>
            %select_n3A_1126 = arith.select %ne3A_22, %gather3A_1122, %select_n3A_1055 : vector<16xi1>, vector<16xf32>
            %select_n3A_1127 = arith.select %ne3A_22, %select_n3A_1063, %gather3A_1125 : vector<16xi1>, vector<16xf32>
            %broadcast_in_dim3A_1128 = vector.shape_cast %xor3A_6 : vector<16xi32> to vector<16x1xi32>
            %gather3A_1129 = vector.shape_cast %broadcast_in_dim3A_1128 : vector<16x1xi32> to vector<16xi32>
            %gather3A_1130 = tpu.dynamic_gather %select_n3A_1078[%gather3A_1129] in [0] : vector<16xf32>, vector<16xi32> -> vector<16xf32>
            %broadcast_in_dim3A_1131 = vector.shape_cast %xor3A_6 : vector<16xi32> to vector<16x1xi32>
            %gather3A_1132 = vector.shape_cast %broadcast_in_dim3A_1131 : vector<16x1xi32> to vector<16xi32>
            %gather3A_1133 = tpu.dynamic_gather %select_n3A_1070[%gather3A_1132] in [0] : vector<16xf32>, vector<16xi32> -> vector<16xf32>
            %select_n3A_1134 = arith.select %ne3A_22, %gather3A_1130, %select_n3A_1070 : vector<16xi1>, vector<16xf32>
            %select_n3A_1135 = arith.select %ne3A_22, %select_n3A_1078, %gather3A_1133 : vector<16xi1>, vector<16xf32>
            %broadcast_in_dim3A_1136 = vector.shape_cast %xor3A_6 : vector<16xi32> to vector<16x1xi32>
            %gather3A_1137 = vector.shape_cast %broadcast_in_dim3A_1136 : vector<16x1xi32> to vector<16xi32>
            %gather3A_1138 = tpu.dynamic_gather %select_n3A_1079[%gather3A_1137] in [0] : vector<16xf32>, vector<16xi32> -> vector<16xf32>
            %broadcast_in_dim3A_1139 = vector.shape_cast %xor3A_6 : vector<16xi32> to vector<16x1xi32>
            %gather3A_1140 = vector.shape_cast %broadcast_in_dim3A_1139 : vector<16x1xi32> to vector<16xi32>
            %gather3A_1141 = tpu.dynamic_gather %select_n3A_1071[%gather3A_1140] in [0] : vector<16xf32>, vector<16xi32> -> vector<16xf32>
            %select_n3A_1142 = arith.select %ne3A_22, %gather3A_1138, %select_n3A_1071 : vector<16xi1>, vector<16xf32>
            %select_n3A_1143 = arith.select %ne3A_22, %select_n3A_1079, %gather3A_1141 : vector<16xi1>, vector<16xf32>
            %broadcast_in_dim3A_1144 = vector.shape_cast %xor3A_6 : vector<16xi32> to vector<16x1xi32>
            %gather3A_1145 = vector.shape_cast %broadcast_in_dim3A_1144 : vector<16x1xi32> to vector<16xi32>
            %gather3A_1146 = tpu.dynamic_gather %select_n3A_1094[%gather3A_1145] in [0] : vector<16xf32>, vector<16xi32> -> vector<16xf32>
            %broadcast_in_dim3A_1147 = vector.shape_cast %xor3A_6 : vector<16xi32> to vector<16x1xi32>
            %gather3A_1148 = vector.shape_cast %broadcast_in_dim3A_1147 : vector<16x1xi32> to vector<16xi32>
            %gather3A_1149 = tpu.dynamic_gather %select_n3A_1086[%gather3A_1148] in [0] : vector<16xf32>, vector<16xi32> -> vector<16xf32>
            %select_n3A_1150 = arith.select %ne3A_22, %gather3A_1146, %select_n3A_1086 : vector<16xi1>, vector<16xf32>
            %select_n3A_1151 = arith.select %ne3A_22, %select_n3A_1094, %gather3A_1149 : vector<16xi1>, vector<16xf32>
            %broadcast_in_dim3A_1152 = vector.shape_cast %xor3A_6 : vector<16xi32> to vector<16x1xi32>
            %gather3A_1153 = vector.shape_cast %broadcast_in_dim3A_1152 : vector<16x1xi32> to vector<16xi32>
            %gather3A_1154 = tpu.dynamic_gather %select_n3A_1095[%gather3A_1153] in [0] : vector<16xf32>, vector<16xi32> -> vector<16xf32>
            %broadcast_in_dim3A_1155 = vector.shape_cast %xor3A_6 : vector<16xi32> to vector<16x1xi32>
            %gather3A_1156 = vector.shape_cast %broadcast_in_dim3A_1155 : vector<16x1xi32> to vector<16xi32>
            %gather3A_1157 = tpu.dynamic_gather %select_n3A_1087[%gather3A_1156] in [0] : vector<16xf32>, vector<16xi32> -> vector<16xf32>
            %select_n3A_1158 = arith.select %ne3A_22, %gather3A_1154, %select_n3A_1087 : vector<16xi1>, vector<16xf32>
            %select_n3A_1159 = arith.select %ne3A_22, %select_n3A_1095, %gather3A_1157 : vector<16xi1>, vector<16xf32>
            %broadcast_in_dim3A_1160 = vector.shape_cast %xor3A_9 : vector<16xi32> to vector<16x1xi32>
            %gather3A_1161 = vector.shape_cast %broadcast_in_dim3A_1160 : vector<16x1xi32> to vector<16xi32>
            %gather3A_1162 = tpu.dynamic_gather %select_n3A_1118[%gather3A_1161] in [0] : vector<16xf32>, vector<16xi32> -> vector<16xf32>
            %broadcast_in_dim3A_1163 = vector.shape_cast %xor3A_9 : vector<16xi32> to vector<16x1xi32>
            %gather3A_1164 = vector.shape_cast %broadcast_in_dim3A_1163 : vector<16x1xi32> to vector<16xi32>
            %gather3A_1165 = tpu.dynamic_gather %select_n3A_1102[%gather3A_1164] in [0] : vector<16xf32>, vector<16xi32> -> vector<16xf32>
            %select_n3A_1166 = arith.select %ne3A_28, %gather3A_1162, %select_n3A_1102 : vector<16xi1>, vector<16xf32>
            %select_n3A_1167 = arith.select %ne3A_28, %select_n3A_1118, %gather3A_1165 : vector<16xi1>, vector<16xf32>
            %broadcast_in_dim3A_1168 = vector.shape_cast %xor3A_9 : vector<16xi32> to vector<16x1xi32>
            %gather3A_1169 = vector.shape_cast %broadcast_in_dim3A_1168 : vector<16x1xi32> to vector<16xi32>
            %gather3A_1170 = tpu.dynamic_gather %select_n3A_1126[%gather3A_1169] in [0] : vector<16xf32>, vector<16xi32> -> vector<16xf32>
            %broadcast_in_dim3A_1171 = vector.shape_cast %xor3A_9 : vector<16xi32> to vector<16x1xi32>
            %gather3A_1172 = vector.shape_cast %broadcast_in_dim3A_1171 : vector<16x1xi32> to vector<16xi32>
            %gather3A_1173 = tpu.dynamic_gather %select_n3A_1110[%gather3A_1172] in [0] : vector<16xf32>, vector<16xi32> -> vector<16xf32>
            %select_n3A_1174 = arith.select %ne3A_28, %gather3A_1170, %select_n3A_1110 : vector<16xi1>, vector<16xf32>
            %select_n3A_1175 = arith.select %ne3A_28, %select_n3A_1126, %gather3A_1173 : vector<16xi1>, vector<16xf32>
            %broadcast_in_dim3A_1176 = vector.shape_cast %xor3A_9 : vector<16xi32> to vector<16x1xi32>
            %gather3A_1177 = vector.shape_cast %broadcast_in_dim3A_1176 : vector<16x1xi32> to vector<16xi32>
            %gather3A_1178 = tpu.dynamic_gather %select_n3A_1119[%gather3A_1177] in [0] : vector<16xf32>, vector<16xi32> -> vector<16xf32>
            %broadcast_in_dim3A_1179 = vector.shape_cast %xor3A_9 : vector<16xi32> to vector<16x1xi32>
            %gather3A_1180 = vector.shape_cast %broadcast_in_dim3A_1179 : vector<16x1xi32> to vector<16xi32>
            %gather3A_1181 = tpu.dynamic_gather %select_n3A_1103[%gather3A_1180] in [0] : vector<16xf32>, vector<16xi32> -> vector<16xf32>
            %select_n3A_1182 = arith.select %ne3A_28, %gather3A_1178, %select_n3A_1103 : vector<16xi1>, vector<16xf32>
            %select_n3A_1183 = arith.select %ne3A_28, %select_n3A_1119, %gather3A_1181 : vector<16xi1>, vector<16xf32>
            %broadcast_in_dim3A_1184 = vector.shape_cast %xor3A_9 : vector<16xi32> to vector<16x1xi32>
            %gather3A_1185 = vector.shape_cast %broadcast_in_dim3A_1184 : vector<16x1xi32> to vector<16xi32>
            %gather3A_1186 = tpu.dynamic_gather %select_n3A_1127[%gather3A_1185] in [0] : vector<16xf32>, vector<16xi32> -> vector<16xf32>
            %broadcast_in_dim3A_1187 = vector.shape_cast %xor3A_9 : vector<16xi32> to vector<16x1xi32>
            %gather3A_1188 = vector.shape_cast %broadcast_in_dim3A_1187 : vector<16x1xi32> to vector<16xi32>
            %gather3A_1189 = tpu.dynamic_gather %select_n3A_1111[%gather3A_1188] in [0] : vector<16xf32>, vector<16xi32> -> vector<16xf32>
            %select_n3A_1190 = arith.select %ne3A_28, %gather3A_1186, %select_n3A_1111 : vector<16xi1>, vector<16xf32>
            %select_n3A_1191 = arith.select %ne3A_28, %select_n3A_1127, %gather3A_1189 : vector<16xi1>, vector<16xf32>
            %broadcast_in_dim3A_1192 = vector.shape_cast %xor3A_9 : vector<16xi32> to vector<16x1xi32>
            %gather3A_1193 = vector.shape_cast %broadcast_in_dim3A_1192 : vector<16x1xi32> to vector<16xi32>
            %gather3A_1194 = tpu.dynamic_gather %select_n3A_1150[%gather3A_1193] in [0] : vector<16xf32>, vector<16xi32> -> vector<16xf32>
            %broadcast_in_dim3A_1195 = vector.shape_cast %xor3A_9 : vector<16xi32> to vector<16x1xi32>
            %gather3A_1196 = vector.shape_cast %broadcast_in_dim3A_1195 : vector<16x1xi32> to vector<16xi32>
            %gather3A_1197 = tpu.dynamic_gather %select_n3A_1134[%gather3A_1196] in [0] : vector<16xf32>, vector<16xi32> -> vector<16xf32>
            %select_n3A_1198 = arith.select %ne3A_28, %gather3A_1194, %select_n3A_1134 : vector<16xi1>, vector<16xf32>
            %select_n3A_1199 = arith.select %ne3A_28, %select_n3A_1150, %gather3A_1197 : vector<16xi1>, vector<16xf32>
            %broadcast_in_dim3A_1200 = vector.shape_cast %xor3A_9 : vector<16xi32> to vector<16x1xi32>
            %gather3A_1201 = vector.shape_cast %broadcast_in_dim3A_1200 : vector<16x1xi32> to vector<16xi32>
            %gather3A_1202 = tpu.dynamic_gather %select_n3A_1158[%gather3A_1201] in [0] : vector<16xf32>, vector<16xi32> -> vector<16xf32>
            %broadcast_in_dim3A_1203 = vector.shape_cast %xor3A_9 : vector<16xi32> to vector<16x1xi32>
            %gather3A_1204 = vector.shape_cast %broadcast_in_dim3A_1203 : vector<16x1xi32> to vector<16xi32>
            %gather3A_1205 = tpu.dynamic_gather %select_n3A_1142[%gather3A_1204] in [0] : vector<16xf32>, vector<16xi32> -> vector<16xf32>
            %select_n3A_1206 = arith.select %ne3A_28, %gather3A_1202, %select_n3A_1142 : vector<16xi1>, vector<16xf32>
            %select_n3A_1207 = arith.select %ne3A_28, %select_n3A_1158, %gather3A_1205 : vector<16xi1>, vector<16xf32>
            %broadcast_in_dim3A_1208 = vector.shape_cast %xor3A_9 : vector<16xi32> to vector<16x1xi32>
            %gather3A_1209 = vector.shape_cast %broadcast_in_dim3A_1208 : vector<16x1xi32> to vector<16xi32>
            %gather3A_1210 = tpu.dynamic_gather %select_n3A_1151[%gather3A_1209] in [0] : vector<16xf32>, vector<16xi32> -> vector<16xf32>
            %broadcast_in_dim3A_1211 = vector.shape_cast %xor3A_9 : vector<16xi32> to vector<16x1xi32>
            %gather3A_1212 = vector.shape_cast %broadcast_in_dim3A_1211 : vector<16x1xi32> to vector<16xi32>
            %gather3A_1213 = tpu.dynamic_gather %select_n3A_1135[%gather3A_1212] in [0] : vector<16xf32>, vector<16xi32> -> vector<16xf32>
            %select_n3A_1214 = arith.select %ne3A_28, %gather3A_1210, %select_n3A_1135 : vector<16xi1>, vector<16xf32>
            %select_n3A_1215 = arith.select %ne3A_28, %select_n3A_1151, %gather3A_1213 : vector<16xi1>, vector<16xf32>
            %broadcast_in_dim3A_1216 = vector.shape_cast %xor3A_9 : vector<16xi32> to vector<16x1xi32>
            %gather3A_1217 = vector.shape_cast %broadcast_in_dim3A_1216 : vector<16x1xi32> to vector<16xi32>
            %gather3A_1218 = tpu.dynamic_gather %select_n3A_1159[%gather3A_1217] in [0] : vector<16xf32>, vector<16xi32> -> vector<16xf32>
            %broadcast_in_dim3A_1219 = vector.shape_cast %xor3A_9 : vector<16xi32> to vector<16x1xi32>
            %gather3A_1220 = vector.shape_cast %broadcast_in_dim3A_1219 : vector<16x1xi32> to vector<16xi32>
            %gather3A_1221 = tpu.dynamic_gather %select_n3A_1143[%gather3A_1220] in [0] : vector<16xf32>, vector<16xi32> -> vector<16xf32>
            %select_n3A_1222 = arith.select %ne3A_28, %gather3A_1218, %select_n3A_1143 : vector<16xi1>, vector<16xf32>
            %select_n3A_1223 = arith.select %ne3A_28, %select_n3A_1159, %gather3A_1221 : vector<16xi1>, vector<16xf32>
            %broadcast_in_dim3A_1224 = vector.shape_cast %xor3A_12 : vector<16xi32> to vector<16x1xi32>
            %gather3A_1225 = vector.shape_cast %broadcast_in_dim3A_1224 : vector<16x1xi32> to vector<16xi32>
            %gather3A_1226 = tpu.dynamic_gather %select_n3A_1198[%gather3A_1225] in [0] : vector<16xf32>, vector<16xi32> -> vector<16xf32>
            %broadcast_in_dim3A_1227 = vector.shape_cast %xor3A_12 : vector<16xi32> to vector<16x1xi32>
            %gather3A_1228 = vector.shape_cast %broadcast_in_dim3A_1227 : vector<16x1xi32> to vector<16xi32>
            %gather3A_1229 = tpu.dynamic_gather %select_n3A_1166[%gather3A_1228] in [0] : vector<16xf32>, vector<16xi32> -> vector<16xf32>
            %select_n3A_1230 = arith.select %ne3A_34, %gather3A_1226, %select_n3A_1166 : vector<16xi1>, vector<16xf32>
            %select_n3A_1231 = arith.select %ne3A_34, %select_n3A_1198, %gather3A_1229 : vector<16xi1>, vector<16xf32>
            %broadcast_in_dim3A_1232 = vector.shape_cast %xor3A_12 : vector<16xi32> to vector<16x1xi32>
            %gather3A_1233 = vector.shape_cast %broadcast_in_dim3A_1232 : vector<16x1xi32> to vector<16xi32>
            %gather3A_1234 = tpu.dynamic_gather %select_n3A_1206[%gather3A_1233] in [0] : vector<16xf32>, vector<16xi32> -> vector<16xf32>
            %broadcast_in_dim3A_1235 = vector.shape_cast %xor3A_12 : vector<16xi32> to vector<16x1xi32>
            %gather3A_1236 = vector.shape_cast %broadcast_in_dim3A_1235 : vector<16x1xi32> to vector<16xi32>
            %gather3A_1237 = tpu.dynamic_gather %select_n3A_1174[%gather3A_1236] in [0] : vector<16xf32>, vector<16xi32> -> vector<16xf32>
            %select_n3A_1238 = arith.select %ne3A_34, %gather3A_1234, %select_n3A_1174 : vector<16xi1>, vector<16xf32>
            %select_n3A_1239 = arith.select %ne3A_34, %select_n3A_1206, %gather3A_1237 : vector<16xi1>, vector<16xf32>
            %broadcast_in_dim3A_1240 = vector.shape_cast %xor3A_12 : vector<16xi32> to vector<16x1xi32>
            %gather3A_1241 = vector.shape_cast %broadcast_in_dim3A_1240 : vector<16x1xi32> to vector<16xi32>
            %gather3A_1242 = tpu.dynamic_gather %select_n3A_1214[%gather3A_1241] in [0] : vector<16xf32>, vector<16xi32> -> vector<16xf32>
            %broadcast_in_dim3A_1243 = vector.shape_cast %xor3A_12 : vector<16xi32> to vector<16x1xi32>
            %gather3A_1244 = vector.shape_cast %broadcast_in_dim3A_1243 : vector<16x1xi32> to vector<16xi32>
            %gather3A_1245 = tpu.dynamic_gather %select_n3A_1182[%gather3A_1244] in [0] : vector<16xf32>, vector<16xi32> -> vector<16xf32>
            %select_n3A_1246 = arith.select %ne3A_34, %gather3A_1242, %select_n3A_1182 : vector<16xi1>, vector<16xf32>
            %select_n3A_1247 = arith.select %ne3A_34, %select_n3A_1214, %gather3A_1245 : vector<16xi1>, vector<16xf32>
            %broadcast_in_dim3A_1248 = vector.shape_cast %xor3A_12 : vector<16xi32> to vector<16x1xi32>
            %gather3A_1249 = vector.shape_cast %broadcast_in_dim3A_1248 : vector<16x1xi32> to vector<16xi32>
            %gather3A_1250 = tpu.dynamic_gather %select_n3A_1222[%gather3A_1249] in [0] : vector<16xf32>, vector<16xi32> -> vector<16xf32>
            %broadcast_in_dim3A_1251 = vector.shape_cast %xor3A_12 : vector<16xi32> to vector<16x1xi32>
            %gather3A_1252 = vector.shape_cast %broadcast_in_dim3A_1251 : vector<16x1xi32> to vector<16xi32>
            %gather3A_1253 = tpu.dynamic_gather %select_n3A_1190[%gather3A_1252] in [0] : vector<16xf32>, vector<16xi32> -> vector<16xf32>
            %select_n3A_1254 = arith.select %ne3A_34, %gather3A_1250, %select_n3A_1190 : vector<16xi1>, vector<16xf32>
            %select_n3A_1255 = arith.select %ne3A_34, %select_n3A_1222, %gather3A_1253 : vector<16xi1>, vector<16xf32>
            %broadcast_in_dim3A_1256 = vector.shape_cast %xor3A_12 : vector<16xi32> to vector<16x1xi32>
            %gather3A_1257 = vector.shape_cast %broadcast_in_dim3A_1256 : vector<16x1xi32> to vector<16xi32>
            %gather3A_1258 = tpu.dynamic_gather %select_n3A_1199[%gather3A_1257] in [0] : vector<16xf32>, vector<16xi32> -> vector<16xf32>
            %broadcast_in_dim3A_1259 = vector.shape_cast %xor3A_12 : vector<16xi32> to vector<16x1xi32>
            %gather3A_1260 = vector.shape_cast %broadcast_in_dim3A_1259 : vector<16x1xi32> to vector<16xi32>
            %gather3A_1261 = tpu.dynamic_gather %select_n3A_1167[%gather3A_1260] in [0] : vector<16xf32>, vector<16xi32> -> vector<16xf32>
            %select_n3A_1262 = arith.select %ne3A_34, %gather3A_1258, %select_n3A_1167 : vector<16xi1>, vector<16xf32>
            %select_n3A_1263 = arith.select %ne3A_34, %select_n3A_1199, %gather3A_1261 : vector<16xi1>, vector<16xf32>
            %broadcast_in_dim3A_1264 = vector.shape_cast %xor3A_12 : vector<16xi32> to vector<16x1xi32>
            %gather3A_1265 = vector.shape_cast %broadcast_in_dim3A_1264 : vector<16x1xi32> to vector<16xi32>
            %gather3A_1266 = tpu.dynamic_gather %select_n3A_1207[%gather3A_1265] in [0] : vector<16xf32>, vector<16xi32> -> vector<16xf32>
            %broadcast_in_dim3A_1267 = vector.shape_cast %xor3A_12 : vector<16xi32> to vector<16x1xi32>
            %gather3A_1268 = vector.shape_cast %broadcast_in_dim3A_1267 : vector<16x1xi32> to vector<16xi32>
            %gather3A_1269 = tpu.dynamic_gather %select_n3A_1175[%gather3A_1268] in [0] : vector<16xf32>, vector<16xi32> -> vector<16xf32>
            %select_n3A_1270 = arith.select %ne3A_34, %gather3A_1266, %select_n3A_1175 : vector<16xi1>, vector<16xf32>
            %select_n3A_1271 = arith.select %ne3A_34, %select_n3A_1207, %gather3A_1269 : vector<16xi1>, vector<16xf32>
            %broadcast_in_dim3A_1272 = vector.shape_cast %xor3A_12 : vector<16xi32> to vector<16x1xi32>
            %gather3A_1273 = vector.shape_cast %broadcast_in_dim3A_1272 : vector<16x1xi32> to vector<16xi32>
            %gather3A_1274 = tpu.dynamic_gather %select_n3A_1215[%gather3A_1273] in [0] : vector<16xf32>, vector<16xi32> -> vector<16xf32>
            %broadcast_in_dim3A_1275 = vector.shape_cast %xor3A_12 : vector<16xi32> to vector<16x1xi32>
            %gather3A_1276 = vector.shape_cast %broadcast_in_dim3A_1275 : vector<16x1xi32> to vector<16xi32>
            %gather3A_1277 = tpu.dynamic_gather %select_n3A_1183[%gather3A_1276] in [0] : vector<16xf32>, vector<16xi32> -> vector<16xf32>
            %select_n3A_1278 = arith.select %ne3A_34, %gather3A_1274, %select_n3A_1183 : vector<16xi1>, vector<16xf32>
            %select_n3A_1279 = arith.select %ne3A_34, %select_n3A_1215, %gather3A_1277 : vector<16xi1>, vector<16xf32>
            %broadcast_in_dim3A_1280 = vector.shape_cast %xor3A_12 : vector<16xi32> to vector<16x1xi32>
            %gather3A_1281 = vector.shape_cast %broadcast_in_dim3A_1280 : vector<16x1xi32> to vector<16xi32>
            %gather3A_1282 = tpu.dynamic_gather %select_n3A_1223[%gather3A_1281] in [0] : vector<16xf32>, vector<16xi32> -> vector<16xf32>
            %broadcast_in_dim3A_1283 = vector.shape_cast %xor3A_12 : vector<16xi32> to vector<16x1xi32>
            %gather3A_1284 = vector.shape_cast %broadcast_in_dim3A_1283 : vector<16x1xi32> to vector<16xi32>
            %gather3A_1285 = tpu.dynamic_gather %select_n3A_1191[%gather3A_1284] in [0] : vector<16xf32>, vector<16xi32> -> vector<16xf32>
            %select_n3A_1286 = arith.select %ne3A_34, %gather3A_1282, %select_n3A_1191 : vector<16xi1>, vector<16xf32>
            %select_n3A_1287 = arith.select %ne3A_34, %select_n3A_1223, %gather3A_1285 : vector<16xi1>, vector<16xf32>
            %mul3A_1288 = arith.constant 16 : i32
            %mul3A_1289 = arith.muli %scan3A_936, %mul3A_1288 : i32
            %add3A_1290 = arith.constant 0 : i32
            %add3A_1291 = arith.addi %mul3A_1289, %add3A_1290 : i32
            %swap3A_1292 = arith.index_cast %add3A_1291 : i32 to index
            %swap3A_1293 = arith.index_cast %select_n3A_908 : i32 to index
            %swap3A_1294 = tpu.vector_load %arg5[%swap3A_1292, %swap3A_1293] {strides = array<i32>} : memref<768x128xf32, #tpu.memory_space<vmem>>, vector<16xf32>,
            tpu.vector_store %arg5[%swap3A_1292, %swap3A_1293], %select_n3A_1230 {strides = array<i32>} : memref<768x128xf32, #tpu.memory_space<vmem>>, vector<16xf32>,
            %mul3A_1295 = arith.constant 16 : i32
            %mul3A_1296 = arith.muli %scan3A_936, %mul3A_1295 : i32
            %add3A_1297 = arith.constant 1 : i32
            %add3A_1298 = arith.addi %mul3A_1296, %add3A_1297 : i32
            %swap3A_1299 = arith.index_cast %add3A_1298 : i32 to index
            %swap3A_1300 = arith.index_cast %select_n3A_908 : i32 to index
            %swap3A_1301 = tpu.vector_load %arg5[%swap3A_1299, %swap3A_1300] {strides = array<i32>} : memref<768x128xf32, #tpu.memory_space<vmem>>, vector<16xf32>,
            tpu.vector_store %arg5[%swap3A_1299, %swap3A_1300], %select_n3A_1238 {strides = array<i32>} : memref<768x128xf32, #tpu.memory_space<vmem>>, vector<16xf32>,
            %mul3A_1302 = arith.constant 16 : i32
            %mul3A_1303 = arith.muli %scan3A_936, %mul3A_1302 : i32
            %add3A_1304 = arith.constant 2 : i32
            %add3A_1305 = arith.addi %mul3A_1303, %add3A_1304 : i32
            %swap3A_1306 = arith.index_cast %add3A_1305 : i32 to index
            %swap3A_1307 = arith.index_cast %select_n3A_908 : i32 to index
            %swap3A_1308 = tpu.vector_load %arg5[%swap3A_1306, %swap3A_1307] {strides = array<i32>} : memref<768x128xf32, #tpu.memory_space<vmem>>, vector<16xf32>,
            tpu.vector_store %arg5[%swap3A_1306, %swap3A_1307], %select_n3A_1246 {strides = array<i32>} : memref<768x128xf32, #tpu.memory_space<vmem>>, vector<16xf32>,
            %mul3A_1309 = arith.constant 16 : i32
            %mul3A_1310 = arith.muli %scan3A_936, %mul3A_1309 : i32
            %add3A_1311 = arith.constant 3 : i32
            %add3A_1312 = arith.addi %mul3A_1310, %add3A_1311 : i32
            %swap3A_1313 = arith.index_cast %add3A_1312 : i32 to index
            %swap3A_1314 = arith.index_cast %select_n3A_908 : i32 to index
            %swap3A_1315 = tpu.vector_load %arg5[%swap3A_1313, %swap3A_1314] {strides = array<i32>} : memref<768x128xf32, #tpu.memory_space<vmem>>, vector<16xf32>,
            tpu.vector_store %arg5[%swap3A_1313, %swap3A_1314], %select_n3A_1254 {strides = array<i32>} : memref<768x128xf32, #tpu.memory_space<vmem>>, vector<16xf32>,
            %mul3A_1316 = arith.constant 16 : i32
            %mul3A_1317 = arith.muli %scan3A_936, %mul3A_1316 : i32
            %add3A_1318 = arith.constant 4 : i32
            %add3A_1319 = arith.addi %mul3A_1317, %add3A_1318 : i32
            %swap3A_1320 = arith.index_cast %add3A_1319 : i32 to index
            %swap3A_1321 = arith.index_cast %select_n3A_908 : i32 to index
            %swap3A_1322 = tpu.vector_load %arg5[%swap3A_1320, %swap3A_1321] {strides = array<i32>} : memref<768x128xf32, #tpu.memory_space<vmem>>, vector<16xf32>,
            tpu.vector_store %arg5[%swap3A_1320, %swap3A_1321], %select_n3A_1262 {strides = array<i32>} : memref<768x128xf32, #tpu.memory_space<vmem>>, vector<16xf32>,
            %mul3A_1323 = arith.constant 16 : i32
            %mul3A_1324 = arith.muli %scan3A_936, %mul3A_1323 : i32
            %add3A_1325 = arith.constant 5 : i32
            %add3A_1326 = arith.addi %mul3A_1324, %add3A_1325 : i32
            %swap3A_1327 = arith.index_cast %add3A_1326 : i32 to index
            %swap3A_1328 = arith.index_cast %select_n3A_908 : i32 to index
            %swap3A_1329 = tpu.vector_load %arg5[%swap3A_1327, %swap3A_1328] {strides = array<i32>} : memref<768x128xf32, #tpu.memory_space<vmem>>, vector<16xf32>,
            tpu.vector_store %arg5[%swap3A_1327, %swap3A_1328], %select_n3A_1270 {strides = array<i32>} : memref<768x128xf32, #tpu.memory_space<vmem>>, vector<16xf32>,
            %mul3A_1330 = arith.constant 16 : i32
            %mul3A_1331 = arith.muli %scan3A_936, %mul3A_1330 : i32
            %add3A_1332 = arith.constant 6 : i32
            %add3A_1333 = arith.addi %mul3A_1331, %add3A_1332 : i32
            %swap3A_1334 = arith.index_cast %add3A_1333 : i32 to index
            %swap3A_1335 = arith.index_cast %select_n3A_908 : i32 to index
            %swap3A_1336 = tpu.vector_load %arg5[%swap3A_1334, %swap3A_1335] {strides = array<i32>} : memref<768x128xf32, #tpu.memory_space<vmem>>, vector<16xf32>,
            tpu.vector_store %arg5[%swap3A_1334, %swap3A_1335], %select_n3A_1278 {strides = array<i32>} : memref<768x128xf32, #tpu.memory_space<vmem>>, vector<16xf32>,
            %mul3A_1337 = arith.constant 16 : i32
            %mul3A_1338 = arith.muli %scan3A_936, %mul3A_1337 : i32
            %add3A_1339 = arith.constant 7 : i32
            %add3A_1340 = arith.addi %mul3A_1338, %add3A_1339 : i32
            %swap3A_1341 = arith.index_cast %add3A_1340 : i32 to index
            %swap3A_1342 = arith.index_cast %select_n3A_908 : i32 to index
            %swap3A_1343 = tpu.vector_load %arg5[%swap3A_1341, %swap3A_1342] {strides = array<i32>} : memref<768x128xf32, #tpu.memory_space<vmem>>, vector<16xf32>,
            tpu.vector_store %arg5[%swap3A_1341, %swap3A_1342], %select_n3A_1286 {strides = array<i32>} : memref<768x128xf32, #tpu.memory_space<vmem>>, vector<16xf32>,
            %mul3A_1344 = arith.constant 16 : i32
            %mul3A_1345 = arith.muli %scan3A_936, %mul3A_1344 : i32
            %add3A_1346 = arith.constant 8 : i32
            %add3A_1347 = arith.addi %mul3A_1345, %add3A_1346 : i32
            %swap3A_1348 = arith.index_cast %add3A_1347 : i32 to index
            %swap3A_1349 = arith.index_cast %select_n3A_908 : i32 to index
            %swap3A_1350 = tpu.vector_load %arg5[%swap3A_1348, %swap3A_1349] {strides = array<i32>} : memref<768x128xf32, #tpu.memory_space<vmem>>, vector<16xf32>,
            tpu.vector_store %arg5[%swap3A_1348, %swap3A_1349], %select_n3A_1231 {strides = array<i32>} : memref<768x128xf32, #tpu.memory_space<vmem>>, vector<16xf32>,
            %mul3A_1351 = arith.constant 16 : i32
            %mul3A_1352 = arith.muli %scan3A_936, %mul3A_1351 : i32
            %add3A_1353 = arith.constant 9 : i32
            %add3A_1354 = arith.addi %mul3A_1352, %add3A_1353 : i32
            %swap3A_1355 = arith.index_cast %add3A_1354 : i32 to index
            %swap3A_1356 = arith.index_cast %select_n3A_908 : i32 to index
            %swap3A_1357 = tpu.vector_load %arg5[%swap3A_1355, %swap3A_1356] {strides = array<i32>} : memref<768x128xf32, #tpu.memory_space<vmem>>, vector<16xf32>,
            tpu.vector_store %arg5[%swap3A_1355, %swap3A_1356], %select_n3A_1239 {strides = array<i32>} : memref<768x128xf32, #tpu.memory_space<vmem>>, vector<16xf32>,
            %mul3A_1358 = arith.constant 16 : i32
            %mul3A_1359 = arith.muli %scan3A_936, %mul3A_1358 : i32
            %add3A_1360 = arith.constant 10 : i32
            %add3A_1361 = arith.addi %mul3A_1359, %add3A_1360 : i32
            %swap3A_1362 = arith.index_cast %add3A_1361 : i32 to index
            %swap3A_1363 = arith.index_cast %select_n3A_908 : i32 to index
            %swap3A_1364 = tpu.vector_load %arg5[%swap3A_1362, %swap3A_1363] {strides = array<i32>} : memref<768x128xf32, #tpu.memory_space<vmem>>, vector<16xf32>,
            tpu.vector_store %arg5[%swap3A_1362, %swap3A_1363], %select_n3A_1247 {strides = array<i32>} : memref<768x128xf32, #tpu.memory_space<vmem>>, vector<16xf32>,
            %mul3A_1365 = arith.constant 16 : i32
            %mul3A_1366 = arith.muli %scan3A_936, %mul3A_1365 : i32
            %add3A_1367 = arith.constant 11 : i32
            %add3A_1368 = arith.addi %mul3A_1366, %add3A_1367 : i32
            %swap3A_1369 = arith.index_cast %add3A_1368 : i32 to index
            %swap3A_1370 = arith.index_cast %select_n3A_908 : i32 to index
            %swap3A_1371 = tpu.vector_load %arg5[%swap3A_1369, %swap3A_1370] {strides = array<i32>} : memref<768x128xf32, #tpu.memory_space<vmem>>, vector<16xf32>,
            tpu.vector_store %arg5[%swap3A_1369, %swap3A_1370], %select_n3A_1255 {strides = array<i32>} : memref<768x128xf32, #tpu.memory_space<vmem>>, vector<16xf32>,
            %mul3A_1372 = arith.constant 16 : i32
            %mul3A_1373 = arith.muli %scan3A_936, %mul3A_1372 : i32
            %add3A_1374 = arith.constant 12 : i32
            %add3A_1375 = arith.addi %mul3A_1373, %add3A_1374 : i32
            %swap3A_1376 = arith.index_cast %add3A_1375 : i32 to index
            %swap3A_1377 = arith.index_cast %select_n3A_908 : i32 to index
            %swap3A_1378 = tpu.vector_load %arg5[%swap3A_1376, %swap3A_1377] {strides = array<i32>} : memref<768x128xf32, #tpu.memory_space<vmem>>, vector<16xf32>,
            tpu.vector_store %arg5[%swap3A_1376, %swap3A_1377], %select_n3A_1263 {strides = array<i32>} : memref<768x128xf32, #tpu.memory_space<vmem>>, vector<16xf32>,
            %mul3A_1379 = arith.constant 16 : i32
            %mul3A_1380 = arith.muli %scan3A_936, %mul3A_1379 : i32
            %add3A_1381 = arith.constant 13 : i32
            %add3A_1382 = arith.addi %mul3A_1380, %add3A_1381 : i32
            %swap3A_1383 = arith.index_cast %add3A_1382 : i32 to index
            %swap3A_1384 = arith.index_cast %select_n3A_908 : i32 to index
            %swap3A_1385 = tpu.vector_load %arg5[%swap3A_1383, %swap3A_1384] {strides = array<i32>} : memref<768x128xf32, #tpu.memory_space<vmem>>, vector<16xf32>,
            tpu.vector_store %arg5[%swap3A_1383, %swap3A_1384], %select_n3A_1271 {strides = array<i32>} : memref<768x128xf32, #tpu.memory_space<vmem>>, vector<16xf32>,
            %mul3A_1386 = arith.constant 16 : i32
            %mul3A_1387 = arith.muli %scan3A_936, %mul3A_1386 : i32
            %add3A_1388 = arith.constant 14 : i32
            %add3A_1389 = arith.addi %mul3A_1387, %add3A_1388 : i32
            %swap3A_1390 = arith.index_cast %add3A_1389 : i32 to index
            %swap3A_1391 = arith.index_cast %select_n3A_908 : i32 to index
            %swap3A_1392 = tpu.vector_load %arg5[%swap3A_1390, %swap3A_1391] {strides = array<i32>} : memref<768x128xf32, #tpu.memory_space<vmem>>, vector<16xf32>,
            tpu.vector_store %arg5[%swap3A_1390, %swap3A_1391], %select_n3A_1279 {strides = array<i32>} : memref<768x128xf32, #tpu.memory_space<vmem>>, vector<16xf32>,
            %mul3A_1393 = arith.constant 16 : i32
            %mul3A_1394 = arith.muli %scan3A_936, %mul3A_1393 : i32
            %add3A_1395 = arith.constant 15 : i32
            %add3A_1396 = arith.addi %mul3A_1394, %add3A_1395 : i32
            %swap3A_1397 = arith.index_cast %add3A_1396 : i32 to index
            %swap3A_1398 = arith.index_cast %select_n3A_908 : i32 to index
            %swap3A_1399 = tpu.vector_load %arg5[%swap3A_1397, %swap3A_1398] {strides = array<i32>} : memref<768x128xf32, #tpu.memory_space<vmem>>, vector<16xf32>,
            tpu.vector_store %arg5[%swap3A_1397, %swap3A_1398], %select_n3A_1287 {strides = array<i32>} : memref<768x128xf32, #tpu.memory_space<vmem>>, vector<16xf32>,
          }
          %scan3A_914 = arith.constant 48 : i32
          %jit3A_915 = arith.constant 128 : i32
          %eq3A_916 = arith.constant 0 : i32
          %eq3A_917 = arith.cmpi eq, %jit3A_915, %eq3A_916 : i32
          %jit3A_918 = arith.constant 1 : i32
          %select_n3A_919 = arith.select %eq3A_917, %jit3A_918, %jit3A_915 : i32
          %rem3A_920 = arith.remsi %add3A_866, %select_n3A_919 : i32
          %ne3A_921 = arith.constant 0 : i32
          %ne3A_922 = arith.cmpi ne, %rem3A_920, %ne3A_921 : i32
          %lt3A_923 = arith.constant 0 : i32
          %lt3A_924 = arith.cmpi slt, %rem3A_920, %lt3A_923 : i32
          %lt3A_925 = arith.constant 0 : i32
          %lt3A_926 = arith.cmpi slt, %select_n3A_919, %lt3A_925 : i32
          %ne3A_927 = arith.xori %lt3A_924, %lt3A_926 : i1
          %and3A_928 = arith.andi %ne3A_927, %ne3A_922 : i1
          %add3A_929 = arith.addi %rem3A_920, %select_n3A_919 : i32
          %select_n3A_930 = arith.select %and3A_928, %add3A_929, %rem3A_920 : i32
          %eq3A_931 = arith.constant 0 : i32
          %eq3A_932 = arith.cmpi eq, %select_n3A_930, %eq3A_931 : i32
          %convert_element_type3A_933 = arith.extui %eq3A_932 : i1 to i32
          %cond3A_934 = arith.constant 0 : i32
          %cond3A_935 = arith.cmpi ne, %convert_element_type3A_933, %cond3A_934 : i32
          scf.if %cond3A_935 {
            %jit3A_936 = arith.constant 128 : i32
            %div3A_937 = arith.divsi %add3A_866, %jit3A_936 : i32
            %sign3A_938 = arith.constant 0 : i32
            %sign3A_939 = arith.cmpi sgt, %add3A_866, %sign3A_938 : i32
            %sign3A_940 = arith.extui %sign3A_939 : i1 to i32
            %sign3A_941 = arith.constant 0 : i32
            %sign3A_942 = arith.cmpi slt, %add3A_866, %sign3A_941 : i32
            %sign3A_943 = arith.extui %sign3A_942 : i1 to i32
            %sign3A_944 = arith.subi %sign3A_940, %sign3A_943 : i32
            %sign3A_945 = arith.constant 0 : i32
            %sign3A_946 = arith.cmpi sgt, %jit3A_936, %sign3A_945 : i32
            %sign3A_947 = arith.extui %sign3A_946 : i1 to i32
            %sign3A_948 = arith.constant 0 : i32
            %sign3A_949 = arith.cmpi slt, %jit3A_936, %sign3A_948 : i32
            %sign3A_950 = arith.extui %sign3A_949 : i1 to i32
            %sign3A_951 = arith.subi %sign3A_947, %sign3A_950 : i32
            %ne3A_952 = arith.cmpi ne, %sign3A_944, %sign3A_951 : i32
            %rem3A_953 = arith.remsi %add3A_866, %jit3A_936 : i32
            %ne3A_954 = arith.constant 0 : i32
            %ne3A_955 = arith.cmpi ne, %rem3A_953, %ne3A_954 : i32
            %and3A_956 = arith.andi %ne3A_952, %ne3A_955 : i1
            %sub3A_957 = arith.constant 1 : i32
            %sub3A_958 = arith.subi %div3A_937, %sub3A_957 : i32
            %select_n3A_959 = arith.select %and3A_956, %sub3A_958, %div3A_937 : i32
            %sub3A_960 = arith.constant 1 : i32
            %sub3A_961 = arith.subi %select_n3A_959, %sub3A_960 : i32
            %mul3A_962 = arith.constant 128 : i32
            %mul3A_963 = arith.muli %sub3A_961, %mul3A_962 : i32
            "tpu.region"() ({
              %run_scoped3A = tpu.sem_alloc : memref<!tpu.dma_semaphore, #tpu.memory_space<semaphore_mem>>
              %dma_start3A_964 = arith.constant 0 : i32
              %dma_start3A_965 = tpu.memref_slice %arg3[%add3A, %dma_start3A_964, %mul3A_963] : memref<32x768x1024xf32, #tpu.memory_space<hbm>> -> memref<1x768x128xf32, #tpu.memory_space<hbm>>
              %dma_start3A_966 = tpu.memref_squeeze %dma_start3A_965 : memref<1x768x128xf32, #tpu.memory_space<hbm>> -> memref<768x128xf32, #tpu.memory_space<hbm>>
              %dma_start3A_967 = arith.constant 0 : i32
              %dma_start3A_968 = tpu.memref_slice %arg3[%add3A, %dma_start3A_967, %mul3A_963] : memref<32x768x1024xf32, #tpu.memory_space<hbm>> -> memref<1x768x128xf32, #tpu.memory_space<hbm>>
              %dma_start3A_969 = tpu.memref_squeeze %dma_start3A_968 : memref<1x768x128xf32, #tpu.memory_space<hbm>> -> memref<768x128xf32, #tpu.memory_space<hbm>>
              tpu.enqueue_dma source(%arg5 : memref<768x128xf32, #tpu.memory_space<vmem>>) target(%dma_start3A_969 : memref<768x128xf32, #tpu.memory_space<hbm>>) target_semaphore(%run_scoped3A : memref<!tpu.dma_semaphore, #tpu.memory_space<semaphore_mem>>)
              %dma_wait3A_970 = arith.constant 0 : i32
              %dma_wait3A_971 = tpu.memref_slice %arg3[%add3A, %dma_wait3A_970, %mul3A_963] : memref<32x768x1024xf32, #tpu.memory_space<hbm>> -> memref<1x768x128xf32, #tpu.memory_space<hbm>>
              %dma_wait3A_972 = tpu.memref_squeeze %dma_wait3A_971 : memref<1x768x128xf32, #tpu.memory_space<hbm>> -> memref<768x128xf32, #tpu.memory_space<hbm>>
              %dma_wait3A_973 = arith.constant 0 : i32
              %dma_wait3A_974 = tpu.memref_slice %arg3[%add3A, %dma_wait3A_973, %mul3A_963] : memref<32x768x1024xf32, #tpu.memory_space<hbm>> -> memref<1x768x128xf32, #tpu.memory_space<hbm>>
              %dma_wait3A_975 = tpu.memref_squeeze %dma_wait3A_974 : memref<1x768x128xf32, #tpu.memory_space<hbm>> -> memref<768x128xf32, #tpu.memory_space<hbm>>
              tpu.wait_dma2 semaphore(%run_scoped3A : memref<!tpu.dma_semaphore, #tpu.memory_space<semaphore_mem>>) src(%arg5 : memref<768x128xf32, #tpu.memory_space<vmem>>) dst(%dma_wait3A_975 : memref<768x128xf32, #tpu.memory_space<hbm>>)
              tpu.yield
            }) : () -> ()
          } else {
          }
        } else {
        }
        scf.yield %add3A_866 : i32
      }
      %scan3A_212 = arith.constant 8 : i32
      scf.yield %scan3A_211 : i32
    }
    %scan3A_63 = arith.constant 128 : i32
    %jit3A = arith.constant 128 : i32
    %eq3A = arith.constant 0 : i32
    %eq3A_64 = arith.cmpi eq, %jit3A, %eq3A : i32
    %jit3A_65 = arith.constant 1 : i32
    %select_n3A = arith.select %eq3A_64, %jit3A_65, %jit3A : i32
    %rem3A = arith.remsi %scan3A_62, %select_n3A : i32
    %ne3A_66 = arith.constant 0 : i32
    %ne3A_67 = arith.cmpi ne, %rem3A, %ne3A_66 : i32
    %lt3A = arith.constant 0 : i32
    %lt3A_68 = arith.cmpi slt, %rem3A, %lt3A : i32
    %lt3A_69 = arith.constant 0 : i32
    %lt3A_70 = arith.cmpi slt, %select_n3A, %lt3A_69 : i32
    %ne3A_71 = arith.xori %lt3A_68, %lt3A_70 : i1
    %and3A_72 = arith.andi %ne3A_71, %ne3A_67 : i1
    %add3A_73 = arith.addi %rem3A, %select_n3A : i32
    %select_n3A_74 = arith.select %and3A_72, %add3A_73, %rem3A : i32
    %jit3A_75 = arith.constant 16 : i32
    %eq3A_76 = arith.constant 0 : i32
    %eq3A_77 = arith.cmpi eq, %jit3A_75, %eq3A_76 : i32
    %jit3A_78 = arith.constant 1 : i32
    %select_n3A_79 = arith.select %eq3A_77, %jit3A_78, %jit3A_75 : i32
    %rem3A_80 = arith.remsi %scan3A_62, %select_n3A_79 : i32
    %ne3A_81 = arith.constant 0 : i32
    %ne3A_82 = arith.cmpi ne, %rem3A_80, %ne3A_81 : i32
    %lt3A_83 = arith.constant 0 : i32
    %lt3A_84 = arith.cmpi slt, %rem3A_80, %lt3A_83 : i32
    %lt3A_85 = arith.constant 0 : i32
    %lt3A_86 = arith.cmpi slt, %select_n3A_79, %lt3A_85 : i32
    %ne3A_87 = arith.xori %lt3A_84, %lt3A_86 : i1
    %and3A_88 = arith.andi %ne3A_87, %ne3A_82 : i1
    %add3A_89 = arith.addi %rem3A_80, %select_n3A_79 : i32
    %select_n3A_90 = arith.select %and3A_88, %add3A_89, %rem3A_80 : i32
    %jit3A_91 = arith.constant 128 : i32
    %div3A = arith.divsi %scan3A_62, %jit3A_91 : i32
    %sign3A = arith.constant 0 : i32
    %sign3A_92 = arith.cmpi sgt, %scan3A_62, %sign3A : i32
    %sign3A_93 = arith.extui %sign3A_92 : i1 to i32
    %sign3A_94 = arith.constant 0 : i32
    %sign3A_95 = arith.cmpi slt, %scan3A_62, %sign3A_94 : i32
    %sign3A_96 = arith.extui %sign3A_95 : i1 to i32
    %sign3A_97 = arith.subi %sign3A_93, %sign3A_96 : i32
    %sign3A_98 = arith.constant 0 : i32
    %sign3A_99 = arith.cmpi sgt, %jit3A_91, %sign3A_98 : i32
    %sign3A_100 = arith.extui %sign3A_99 : i1 to i32
    %sign3A_101 = arith.constant 0 : i32
    %sign3A_102 = arith.cmpi slt, %jit3A_91, %sign3A_101 : i32
    %sign3A_103 = arith.extui %sign3A_102 : i1 to i32
    %sign3A_104 = arith.subi %sign3A_100, %sign3A_103 : i32
    %ne3A_105 = arith.cmpi ne, %sign3A_97, %sign3A_104 : i32
    %rem3A_106 = arith.remsi %scan3A_62, %jit3A_91 : i32
    %ne3A_107 = arith.constant 0 : i32
    %ne3A_108 = arith.cmpi ne, %rem3A_106, %ne3A_107 : i32
    %and3A_109 = arith.andi %ne3A_105, %ne3A_108 : i1
    %sub3A = arith.constant 1 : i32
    %sub3A_110 = arith.subi %div3A, %sub3A : i32
    %select_n3A_111 = arith.select %and3A_109, %sub3A_110, %div3A : i32
    %sub3A_112 = arith.subi %select_n3A_74, %select_n3A_90 : i32
    %gt3A = arith.constant 0 : i32
    %gt3A_113 = arith.cmpi sgt, %select_n3A_90, %gt3A : i32
    %jit3A_114 = arith.constant 16 : i32
    %jit3A_115 = arith.constant 0 : i32
    %select_n3A_116 = arith.select %gt3A_113, %jit3A_114, %jit3A_115 : i32
    %add3A_117 = arith.addi %sub3A_112, %select_n3A_116 : i32
    %lt3A_118 = arith.constant 1024 : i32
    %lt3A_119 = arith.cmpi slt, %scan3A_62, %lt3A_118 : i32
    %convert_element_type3A = arith.extui %lt3A_119 : i1 to i32
    %cond3A = arith.constant 0 : i32
    %cond3A_120 = arith.cmpi ne, %convert_element_type3A, %cond3A : i32
    scf.if %cond3A_120 {
      %gt3A_121 = arith.constant 0 : i32
      %gt3A_122 = arith.cmpi sgt, %select_n3A_90, %gt3A_121 : i32
      %convert_element_type3A_123 = arith.extui %gt3A_122 : i1 to i32
      %cond3A_124 = arith.constant 0 : i32
      %cond3A_125 = arith.cmpi ne, %convert_element_type3A_123, %cond3A_124 : i32
      scf.if %cond3A_125 {
        %while3A_173 = arith.constant 0 : i32
        %while3A_174 = arith.constant 16 : i32
        %while3A_175 = arith.subi %while3A_174, %select_n3A_90 : i32
        %while3A_176 = arith.addi %select_n3A_90, %while3A_175 : i32
        %while3A_177 = arith.constant 1 : i32
        %while3A_178 = arith.divsi %while3A_175, %while3A_177 : i32
        %while3A_179 = arith.muli %while3A_178, %while3A_177 : i32
        %while3A_180 = arith.addi %select_n3A_90, %while3A_179 : i32
        %while3A_181 = arith.constant 1 : i32
        scf.for %while3A_190 = %select_n3A_90 to %while3A_180 step %while3A_181  : i32 {
          %swap3A = arith.index_cast %while3A_190 : i32 to index
          %swap3A_191 = arith.constant 0 : index
          %swap3A_192 = tpu.vector_load %arg6[%swap3A, %swap3A_191] {strides = array<i32>} : memref<16x768xf32, #tpu.memory_space<vmem>>, vector<16xf32>,
          tpu.vector_store %arg6[%swap3A, %swap3A_191], %broadcast_in_dim3A_1 {strides = array<i32>} : memref<16x768xf32, #tpu.memory_space<vmem>>, vector<16xf32>,
          %swap3A_193 = arith.index_cast %while3A_190 : i32 to index
          %swap3A_194 = arith.constant 16 : index
          %swap3A_195 = tpu.vector_load %arg6[%swap3A_193, %swap3A_194] {strides = array<i32>} : memref<16x768xf32, #tpu.memory_space<vmem>>, vector<16xf32>,
          tpu.vector_store %arg6[%swap3A_193, %swap3A_194], %broadcast_in_dim3A_1 {strides = array<i32>} : memref<16x768xf32, #tpu.memory_space<vmem>>, vector<16xf32>,
          %swap3A_196 = arith.index_cast %while3A_190 : i32 to index
          %swap3A_197 = arith.constant 32 : index
          %swap3A_198 = tpu.vector_load %arg6[%swap3A_196, %swap3A_197] {strides = array<i32>} : memref<16x768xf32, #tpu.memory_space<vmem>>, vector<16xf32>,
          tpu.vector_store %arg6[%swap3A_196, %swap3A_197], %broadcast_in_dim3A_1 {strides = array<i32>} : memref<16x768xf32, #tpu.memory_space<vmem>>, vector<16xf32>,
          %swap3A_199 = arith.index_cast %while3A_190 : i32 to index
          %swap3A_200 = arith.constant 48 : index
          %swap3A_201 = tpu.vector_load %arg6[%swap3A_199, %swap3A_200] {strides = array<i32>} : memref<16x768xf32, #tpu.memory_space<vmem>>, vector<16xf32>,
          tpu.vector_store %arg6[%swap3A_199, %swap3A_200], %broadcast_in_dim3A_1 {strides = array<i32>} : memref<16x768xf32, #tpu.memory_space<vmem>>, vector<16xf32>,
          %swap3A_202 = arith.index_cast %while3A_190 : i32 to index
          %swap3A_203 = arith.constant 64 : index
          %swap3A_204 = tpu.vector_load %arg6[%swap3A_202, %swap3A_203] {strides = array<i32>} : memref<16x768xf32, #tpu.memory_space<vmem>>, vector<16xf32>,
          tpu.vector_store %arg6[%swap3A_202, %swap3A_203], %broadcast_in_dim3A_1 {strides = array<i32>} : memref<16x768xf32, #tpu.memory_space<vmem>>, vector<16xf32>,
          %swap3A_205 = arith.index_cast %while3A_190 : i32 to index
          %swap3A_206 = arith.constant 80 : index
          %swap3A_207 = tpu.vector_load %arg6[%swap3A_205, %swap3A_206] {strides = array<i32>} : memref<16x768xf32, #tpu.memory_space<vmem>>, vector<16xf32>,
          tpu.vector_store %arg6[%swap3A_205, %swap3A_206], %broadcast_in_dim3A_1 {strides = array<i32>} : memref<16x768xf32, #tpu.memory_space<vmem>>, vector<16xf32>,
          %swap3A_208 = arith.index_cast %while3A_190 : i32 to index
          %swap3A_209 = arith.constant 96 : index
          %swap3A_210 = tpu.vector_load %arg6[%swap3A_208, %swap3A_209] {strides = array<i32>} : memref<16x768xf32, #tpu.memory_space<vmem>>, vector<16xf32>,
          tpu.vector_store %arg6[%swap3A_208, %swap3A_209], %broadcast_in_dim3A_1 {strides = array<i32>} : memref<16x768xf32, #tpu.memory_space<vmem>>, vector<16xf32>,
          %swap3A_211 = arith.index_cast %while3A_190 : i32 to index
          %swap3A_212 = arith.constant 112 : index
          %swap3A_213 = tpu.vector_load %arg6[%swap3A_211, %swap3A_212] {strides = array<i32>} : memref<16x768xf32, #tpu.memory_space<vmem>>, vector<16xf32>,
          tpu.vector_store %arg6[%swap3A_211, %swap3A_212], %broadcast_in_dim3A_1 {strides = array<i32>} : memref<16x768xf32, #tpu.memory_space<vmem>>, vector<16xf32>,
          %swap3A_214 = arith.index_cast %while3A_190 : i32 to index
          %swap3A_215 = arith.constant 128 : index
          %swap3A_216 = tpu.vector_load %arg6[%swap3A_214, %swap3A_215] {strides = array<i32>} : memref<16x768xf32, #tpu.memory_space<vmem>>, vector<16xf32>,
          tpu.vector_store %arg6[%swap3A_214, %swap3A_215], %broadcast_in_dim3A_1 {strides = array<i32>} : memref<16x768xf32, #tpu.memory_space<vmem>>, vector<16xf32>,
          %swap3A_217 = arith.index_cast %while3A_190 : i32 to index
          %swap3A_218 = arith.constant 144 : index
          %swap3A_219 = tpu.vector_load %arg6[%swap3A_217, %swap3A_218] {strides = array<i32>} : memref<16x768xf32, #tpu.memory_space<vmem>>, vector<16xf32>,
          tpu.vector_store %arg6[%swap3A_217, %swap3A_218], %broadcast_in_dim3A_1 {strides = array<i32>} : memref<16x768xf32, #tpu.memory_space<vmem>>, vector<16xf32>,
          %swap3A_220 = arith.index_cast %while3A_190 : i32 to index
          %swap3A_221 = arith.constant 160 : index
          %swap3A_222 = tpu.vector_load %arg6[%swap3A_220, %swap3A_221] {strides = array<i32>} : memref<16x768xf32, #tpu.memory_space<vmem>>, vector<16xf32>,
          tpu.vector_store %arg6[%swap3A_220, %swap3A_221], %broadcast_in_dim3A_1 {strides = array<i32>} : memref<16x768xf32, #tpu.memory_space<vmem>>, vector<16xf32>,
          %swap3A_223 = arith.index_cast %while3A_190 : i32 to index
          %swap3A_224 = arith.constant 176 : index
          %swap3A_225 = tpu.vector_load %arg6[%swap3A_223, %swap3A_224] {strides = array<i32>} : memref<16x768xf32, #tpu.memory_space<vmem>>, vector<16xf32>,
          tpu.vector_store %arg6[%swap3A_223, %swap3A_224], %broadcast_in_dim3A_1 {strides = array<i32>} : memref<16x768xf32, #tpu.memory_space<vmem>>, vector<16xf32>,
          %swap3A_226 = arith.index_cast %while3A_190 : i32 to index
          %swap3A_227 = arith.constant 192 : index
          %swap3A_228 = tpu.vector_load %arg6[%swap3A_226, %swap3A_227] {strides = array<i32>} : memref<16x768xf32, #tpu.memory_space<vmem>>, vector<16xf32>,
          tpu.vector_store %arg6[%swap3A_226, %swap3A_227], %broadcast_in_dim3A_1 {strides = array<i32>} : memref<16x768xf32, #tpu.memory_space<vmem>>, vector<16xf32>,
          %swap3A_229 = arith.index_cast %while3A_190 : i32 to index
          %swap3A_230 = arith.constant 208 : index
          %swap3A_231 = tpu.vector_load %arg6[%swap3A_229, %swap3A_230] {strides = array<i32>} : memref<16x768xf32, #tpu.memory_space<vmem>>, vector<16xf32>,
          tpu.vector_store %arg6[%swap3A_229, %swap3A_230], %broadcast_in_dim3A_1 {strides = array<i32>} : memref<16x768xf32, #tpu.memory_space<vmem>>, vector<16xf32>,
          %swap3A_232 = arith.index_cast %while3A_190 : i32 to index
          %swap3A_233 = arith.constant 224 : index
          %swap3A_234 = tpu.vector_load %arg6[%swap3A_232, %swap3A_233] {strides = array<i32>} : memref<16x768xf32, #tpu.memory_space<vmem>>, vector<16xf32>,
          tpu.vector_store %arg6[%swap3A_232, %swap3A_233], %broadcast_in_dim3A_1 {strides = array<i32>} : memref<16x768xf32, #tpu.memory_space<vmem>>, vector<16xf32>,
          %swap3A_235 = arith.index_cast %while3A_190 : i32 to index
          %swap3A_236 = arith.constant 240 : index
          %swap3A_237 = tpu.vector_load %arg6[%swap3A_235, %swap3A_236] {strides = array<i32>} : memref<16x768xf32, #tpu.memory_space<vmem>>, vector<16xf32>,
          tpu.vector_store %arg6[%swap3A_235, %swap3A_236], %broadcast_in_dim3A_1 {strides = array<i32>} : memref<16x768xf32, #tpu.memory_space<vmem>>, vector<16xf32>,
          %swap3A_238 = arith.index_cast %while3A_190 : i32 to index
          %swap3A_239 = arith.constant 256 : index
          %swap3A_240 = tpu.vector_load %arg6[%swap3A_238, %swap3A_239] {strides = array<i32>} : memref<16x768xf32, #tpu.memory_space<vmem>>, vector<16xf32>,
          tpu.vector_store %arg6[%swap3A_238, %swap3A_239], %broadcast_in_dim3A_1 {strides = array<i32>} : memref<16x768xf32, #tpu.memory_space<vmem>>, vector<16xf32>,
          %swap3A_241 = arith.index_cast %while3A_190 : i32 to index
          %swap3A_242 = arith.constant 272 : index
          %swap3A_243 = tpu.vector_load %arg6[%swap3A_241, %swap3A_242] {strides = array<i32>} : memref<16x768xf32, #tpu.memory_space<vmem>>, vector<16xf32>,
          tpu.vector_store %arg6[%swap3A_241, %swap3A_242], %broadcast_in_dim3A_1 {strides = array<i32>} : memref<16x768xf32, #tpu.memory_space<vmem>>, vector<16xf32>,
          %swap3A_244 = arith.index_cast %while3A_190 : i32 to index
          %swap3A_245 = arith.constant 288 : index
          %swap3A_246 = tpu.vector_load %arg6[%swap3A_244, %swap3A_245] {strides = array<i32>} : memref<16x768xf32, #tpu.memory_space<vmem>>, vector<16xf32>,
          tpu.vector_store %arg6[%swap3A_244, %swap3A_245], %broadcast_in_dim3A_1 {strides = array<i32>} : memref<16x768xf32, #tpu.memory_space<vmem>>, vector<16xf32>,
          %swap3A_247 = arith.index_cast %while3A_190 : i32 to index
          %swap3A_248 = arith.constant 304 : index
          %swap3A_249 = tpu.vector_load %arg6[%swap3A_247, %swap3A_248] {strides = array<i32>} : memref<16x768xf32, #tpu.memory_space<vmem>>, vector<16xf32>,
          tpu.vector_store %arg6[%swap3A_247, %swap3A_248], %broadcast_in_dim3A_1 {strides = array<i32>} : memref<16x768xf32, #tpu.memory_space<vmem>>, vector<16xf32>,
          %swap3A_250 = arith.index_cast %while3A_190 : i32 to index
          %swap3A_251 = arith.constant 320 : index
          %swap3A_252 = tpu.vector_load %arg6[%swap3A_250, %swap3A_251] {strides = array<i32>} : memref<16x768xf32, #tpu.memory_space<vmem>>, vector<16xf32>,
          tpu.vector_store %arg6[%swap3A_250, %swap3A_251], %broadcast_in_dim3A_1 {strides = array<i32>} : memref<16x768xf32, #tpu.memory_space<vmem>>, vector<16xf32>,
          %swap3A_253 = arith.index_cast %while3A_190 : i32 to index
          %swap3A_254 = arith.constant 336 : index
          %swap3A_255 = tpu.vector_load %arg6[%swap3A_253, %swap3A_254] {strides = array<i32>} : memref<16x768xf32, #tpu.memory_space<vmem>>, vector<16xf32>,
          tpu.vector_store %arg6[%swap3A_253, %swap3A_254], %broadcast_in_dim3A_1 {strides = array<i32>} : memref<16x768xf32, #tpu.memory_space<vmem>>, vector<16xf32>,
          %swap3A_256 = arith.index_cast %while3A_190 : i32 to index
          %swap3A_257 = arith.constant 352 : index
          %swap3A_258 = tpu.vector_load %arg6[%swap3A_256, %swap3A_257] {strides = array<i32>} : memref<16x768xf32, #tpu.memory_space<vmem>>, vector<16xf32>,
          tpu.vector_store %arg6[%swap3A_256, %swap3A_257], %broadcast_in_dim3A_1 {strides = array<i32>} : memref<16x768xf32, #tpu.memory_space<vmem>>, vector<16xf32>,
          %swap3A_259 = arith.index_cast %while3A_190 : i32 to index
          %swap3A_260 = arith.constant 368 : index
          %swap3A_261 = tpu.vector_load %arg6[%swap3A_259, %swap3A_260] {strides = array<i32>} : memref<16x768xf32, #tpu.memory_space<vmem>>, vector<16xf32>,
          tpu.vector_store %arg6[%swap3A_259, %swap3A_260], %broadcast_in_dim3A_1 {strides = array<i32>} : memref<16x768xf32, #tpu.memory_space<vmem>>, vector<16xf32>,
          %swap3A_262 = arith.index_cast %while3A_190 : i32 to index
          %swap3A_263 = arith.constant 384 : index
          %swap3A_264 = tpu.vector_load %arg6[%swap3A_262, %swap3A_263] {strides = array<i32>} : memref<16x768xf32, #tpu.memory_space<vmem>>, vector<16xf32>,
          tpu.vector_store %arg6[%swap3A_262, %swap3A_263], %broadcast_in_dim3A_1 {strides = array<i32>} : memref<16x768xf32, #tpu.memory_space<vmem>>, vector<16xf32>,
          %swap3A_265 = arith.index_cast %while3A_190 : i32 to index
          %swap3A_266 = arith.constant 400 : index
          %swap3A_267 = tpu.vector_load %arg6[%swap3A_265, %swap3A_266] {strides = array<i32>} : memref<16x768xf32, #tpu.memory_space<vmem>>, vector<16xf32>,
          tpu.vector_store %arg6[%swap3A_265, %swap3A_266], %broadcast_in_dim3A_1 {strides = array<i32>} : memref<16x768xf32, #tpu.memory_space<vmem>>, vector<16xf32>,
          %swap3A_268 = arith.index_cast %while3A_190 : i32 to index
          %swap3A_269 = arith.constant 416 : index
          %swap3A_270 = tpu.vector_load %arg6[%swap3A_268, %swap3A_269] {strides = array<i32>} : memref<16x768xf32, #tpu.memory_space<vmem>>, vector<16xf32>,
          tpu.vector_store %arg6[%swap3A_268, %swap3A_269], %broadcast_in_dim3A_1 {strides = array<i32>} : memref<16x768xf32, #tpu.memory_space<vmem>>, vector<16xf32>,
          %swap3A_271 = arith.index_cast %while3A_190 : i32 to index
          %swap3A_272 = arith.constant 432 : index
          %swap3A_273 = tpu.vector_load %arg6[%swap3A_271, %swap3A_272] {strides = array<i32>} : memref<16x768xf32, #tpu.memory_space<vmem>>, vector<16xf32>,
          tpu.vector_store %arg6[%swap3A_271, %swap3A_272], %broadcast_in_dim3A_1 {strides = array<i32>} : memref<16x768xf32, #tpu.memory_space<vmem>>, vector<16xf32>,
          %swap3A_274 = arith.index_cast %while3A_190 : i32 to index
          %swap3A_275 = arith.constant 448 : index
          %swap3A_276 = tpu.vector_load %arg6[%swap3A_274, %swap3A_275] {strides = array<i32>} : memref<16x768xf32, #tpu.memory_space<vmem>>, vector<16xf32>,
          tpu.vector_store %arg6[%swap3A_274, %swap3A_275], %broadcast_in_dim3A_1 {strides = array<i32>} : memref<16x768xf32, #tpu.memory_space<vmem>>, vector<16xf32>,
          %swap3A_277 = arith.index_cast %while3A_190 : i32 to index
          %swap3A_278 = arith.constant 464 : index
          %swap3A_279 = tpu.vector_load %arg6[%swap3A_277, %swap3A_278] {strides = array<i32>} : memref<16x768xf32, #tpu.memory_space<vmem>>, vector<16xf32>,
          tpu.vector_store %arg6[%swap3A_277, %swap3A_278], %broadcast_in_dim3A_1 {strides = array<i32>} : memref<16x768xf32, #tpu.memory_space<vmem>>, vector<16xf32>,
          %swap3A_280 = arith.index_cast %while3A_190 : i32 to index
          %swap3A_281 = arith.constant 480 : index
          %swap3A_282 = tpu.vector_load %arg6[%swap3A_280, %swap3A_281] {strides = array<i32>} : memref<16x768xf32, #tpu.memory_space<vmem>>, vector<16xf32>,
          tpu.vector_store %arg6[%swap3A_280, %swap3A_281], %broadcast_in_dim3A_1 {strides = array<i32>} : memref<16x768xf32, #tpu.memory_space<vmem>>, vector<16xf32>,
          %swap3A_283 = arith.index_cast %while3A_190 : i32 to index
          %swap3A_284 = arith.constant 496 : index
          %swap3A_285 = tpu.vector_load %arg6[%swap3A_283, %swap3A_284] {strides = array<i32>} : memref<16x768xf32, #tpu.memory_space<vmem>>, vector<16xf32>,
          tpu.vector_store %arg6[%swap3A_283, %swap3A_284], %broadcast_in_dim3A_1 {strides = array<i32>} : memref<16x768xf32, #tpu.memory_space<vmem>>, vector<16xf32>,
          %swap3A_286 = arith.index_cast %while3A_190 : i32 to index
          %swap3A_287 = arith.constant 512 : index
          %swap3A_288 = tpu.vector_load %arg6[%swap3A_286, %swap3A_287] {strides = array<i32>} : memref<16x768xf32, #tpu.memory_space<vmem>>, vector<16xf32>,
          tpu.vector_store %arg6[%swap3A_286, %swap3A_287], %broadcast_in_dim3A_1 {strides = array<i32>} : memref<16x768xf32, #tpu.memory_space<vmem>>, vector<16xf32>,
          %swap3A_289 = arith.index_cast %while3A_190 : i32 to index
          %swap3A_290 = arith.constant 528 : index
          %swap3A_291 = tpu.vector_load %arg6[%swap3A_289, %swap3A_290] {strides = array<i32>} : memref<16x768xf32, #tpu.memory_space<vmem>>, vector<16xf32>,
          tpu.vector_store %arg6[%swap3A_289, %swap3A_290], %broadcast_in_dim3A_1 {strides = array<i32>} : memref<16x768xf32, #tpu.memory_space<vmem>>, vector<16xf32>,
          %swap3A_292 = arith.index_cast %while3A_190 : i32 to index
          %swap3A_293 = arith.constant 544 : index
          %swap3A_294 = tpu.vector_load %arg6[%swap3A_292, %swap3A_293] {strides = array<i32>} : memref<16x768xf32, #tpu.memory_space<vmem>>, vector<16xf32>,
          tpu.vector_store %arg6[%swap3A_292, %swap3A_293], %broadcast_in_dim3A_1 {strides = array<i32>} : memref<16x768xf32, #tpu.memory_space<vmem>>, vector<16xf32>,
          %swap3A_295 = arith.index_cast %while3A_190 : i32 to index
          %swap3A_296 = arith.constant 560 : index
          %swap3A_297 = tpu.vector_load %arg6[%swap3A_295, %swap3A_296] {strides = array<i32>} : memref<16x768xf32, #tpu.memory_space<vmem>>, vector<16xf32>,
          tpu.vector_store %arg6[%swap3A_295, %swap3A_296], %broadcast_in_dim3A_1 {strides = array<i32>} : memref<16x768xf32, #tpu.memory_space<vmem>>, vector<16xf32>,
          %swap3A_298 = arith.index_cast %while3A_190 : i32 to index
          %swap3A_299 = arith.constant 576 : index
          %swap3A_300 = tpu.vector_load %arg6[%swap3A_298, %swap3A_299] {strides = array<i32>} : memref<16x768xf32, #tpu.memory_space<vmem>>, vector<16xf32>,
          tpu.vector_store %arg6[%swap3A_298, %swap3A_299], %broadcast_in_dim3A_1 {strides = array<i32>} : memref<16x768xf32, #tpu.memory_space<vmem>>, vector<16xf32>,
          %swap3A_301 = arith.index_cast %while3A_190 : i32 to index
          %swap3A_302 = arith.constant 592 : index
          %swap3A_303 = tpu.vector_load %arg6[%swap3A_301, %swap3A_302] {strides = array<i32>} : memref<16x768xf32, #tpu.memory_space<vmem>>, vector<16xf32>,
          tpu.vector_store %arg6[%swap3A_301, %swap3A_302], %broadcast_in_dim3A_1 {strides = array<i32>} : memref<16x768xf32, #tpu.memory_space<vmem>>, vector<16xf32>,
          %swap3A_304 = arith.index_cast %while3A_190 : i32 to index
          %swap3A_305 = arith.constant 608 : index
          %swap3A_306 = tpu.vector_load %arg6[%swap3A_304, %swap3A_305] {strides = array<i32>} : memref<16x768xf32, #tpu.memory_space<vmem>>, vector<16xf32>,
          tpu.vector_store %arg6[%swap3A_304, %swap3A_305], %broadcast_in_dim3A_1 {strides = array<i32>} : memref<16x768xf32, #tpu.memory_space<vmem>>, vector<16xf32>,
          %swap3A_307 = arith.index_cast %while3A_190 : i32 to index
          %swap3A_308 = arith.constant 624 : index
          %swap3A_309 = tpu.vector_load %arg6[%swap3A_307, %swap3A_308] {strides = array<i32>} : memref<16x768xf32, #tpu.memory_space<vmem>>, vector<16xf32>,
          tpu.vector_store %arg6[%swap3A_307, %swap3A_308], %broadcast_in_dim3A_1 {strides = array<i32>} : memref<16x768xf32, #tpu.memory_space<vmem>>, vector<16xf32>,
          %swap3A_310 = arith.index_cast %while3A_190 : i32 to index
          %swap3A_311 = arith.constant 640 : index
          %swap3A_312 = tpu.vector_load %arg6[%swap3A_310, %swap3A_311] {strides = array<i32>} : memref<16x768xf32, #tpu.memory_space<vmem>>, vector<16xf32>,
          tpu.vector_store %arg6[%swap3A_310, %swap3A_311], %broadcast_in_dim3A_1 {strides = array<i32>} : memref<16x768xf32, #tpu.memory_space<vmem>>, vector<16xf32>,
          %swap3A_313 = arith.index_cast %while3A_190 : i32 to index
          %swap3A_314 = arith.constant 656 : index
          %swap3A_315 = tpu.vector_load %arg6[%swap3A_313, %swap3A_314] {strides = array<i32>} : memref<16x768xf32, #tpu.memory_space<vmem>>, vector<16xf32>,
          tpu.vector_store %arg6[%swap3A_313, %swap3A_314], %broadcast_in_dim3A_1 {strides = array<i32>} : memref<16x768xf32, #tpu.memory_space<vmem>>, vector<16xf32>,
          %swap3A_316 = arith.index_cast %while3A_190 : i32 to index
          %swap3A_317 = arith.constant 672 : index
          %swap3A_318 = tpu.vector_load %arg6[%swap3A_316, %swap3A_317] {strides = array<i32>} : memref<16x768xf32, #tpu.memory_space<vmem>>, vector<16xf32>,
          tpu.vector_store %arg6[%swap3A_316, %swap3A_317], %broadcast_in_dim3A_1 {strides = array<i32>} : memref<16x768xf32, #tpu.memory_space<vmem>>, vector<16xf32>,
          %swap3A_319 = arith.index_cast %while3A_190 : i32 to index
          %swap3A_320 = arith.constant 688 : index
          %swap3A_321 = tpu.vector_load %arg6[%swap3A_319, %swap3A_320] {strides = array<i32>} : memref<16x768xf32, #tpu.memory_space<vmem>>, vector<16xf32>,
          tpu.vector_store %arg6[%swap3A_319, %swap3A_320], %broadcast_in_dim3A_1 {strides = array<i32>} : memref<16x768xf32, #tpu.memory_space<vmem>>, vector<16xf32>,
          %swap3A_322 = arith.index_cast %while3A_190 : i32 to index
          %swap3A_323 = arith.constant 704 : index
          %swap3A_324 = tpu.vector_load %arg6[%swap3A_322, %swap3A_323] {strides = array<i32>} : memref<16x768xf32, #tpu.memory_space<vmem>>, vector<16xf32>,
          tpu.vector_store %arg6[%swap3A_322, %swap3A_323], %broadcast_in_dim3A_1 {strides = array<i32>} : memref<16x768xf32, #tpu.memory_space<vmem>>, vector<16xf32>,
          %swap3A_325 = arith.index_cast %while3A_190 : i32 to index
          %swap3A_326 = arith.constant 720 : index
          %swap3A_327 = tpu.vector_load %arg6[%swap3A_325, %swap3A_326] {strides = array<i32>} : memref<16x768xf32, #tpu.memory_space<vmem>>, vector<16xf32>,
          tpu.vector_store %arg6[%swap3A_325, %swap3A_326], %broadcast_in_dim3A_1 {strides = array<i32>} : memref<16x768xf32, #tpu.memory_space<vmem>>, vector<16xf32>,
          %swap3A_328 = arith.index_cast %while3A_190 : i32 to index
          %swap3A_329 = arith.constant 736 : index
          %swap3A_330 = tpu.vector_load %arg6[%swap3A_328, %swap3A_329] {strides = array<i32>} : memref<16x768xf32, #tpu.memory_space<vmem>>, vector<16xf32>,
          tpu.vector_store %arg6[%swap3A_328, %swap3A_329], %broadcast_in_dim3A_1 {strides = array<i32>} : memref<16x768xf32, #tpu.memory_space<vmem>>, vector<16xf32>,
          %swap3A_331 = arith.index_cast %while3A_190 : i32 to index
          %swap3A_332 = arith.constant 752 : index
          %swap3A_333 = tpu.vector_load %arg6[%swap3A_331, %swap3A_332] {strides = array<i32>} : memref<16x768xf32, #tpu.memory_space<vmem>>, vector<16xf32>,
          tpu.vector_store %arg6[%swap3A_331, %swap3A_332], %broadcast_in_dim3A_1 {strides = array<i32>} : memref<16x768xf32, #tpu.memory_space<vmem>>, vector<16xf32>,
        }
        %while3A_182 = arith.constant 1 : i32
        scf.for %while3A_190 = %while3A_180 to %while3A_176 step %while3A_182  : i32 {
          %swap3A = arith.index_cast %while3A_190 : i32 to index
          %swap3A_191 = arith.constant 0 : index
          %swap3A_192 = tpu.vector_load %arg6[%swap3A, %swap3A_191] {strides = array<i32>} : memref<16x768xf32, #tpu.memory_space<vmem>>, vector<16xf32>,
          tpu.vector_store %arg6[%swap3A, %swap3A_191], %broadcast_in_dim3A_1 {strides = array<i32>} : memref<16x768xf32, #tpu.memory_space<vmem>>, vector<16xf32>,
          %swap3A_193 = arith.index_cast %while3A_190 : i32 to index
          %swap3A_194 = arith.constant 16 : index
          %swap3A_195 = tpu.vector_load %arg6[%swap3A_193, %swap3A_194] {strides = array<i32>} : memref<16x768xf32, #tpu.memory_space<vmem>>, vector<16xf32>,
          tpu.vector_store %arg6[%swap3A_193, %swap3A_194], %broadcast_in_dim3A_1 {strides = array<i32>} : memref<16x768xf32, #tpu.memory_space<vmem>>, vector<16xf32>,
          %swap3A_196 = arith.index_cast %while3A_190 : i32 to index
          %swap3A_197 = arith.constant 32 : index
          %swap3A_198 = tpu.vector_load %arg6[%swap3A_196, %swap3A_197] {strides = array<i32>} : memref<16x768xf32, #tpu.memory_space<vmem>>, vector<16xf32>,
          tpu.vector_store %arg6[%swap3A_196, %swap3A_197], %broadcast_in_dim3A_1 {strides = array<i32>} : memref<16x768xf32, #tpu.memory_space<vmem>>, vector<16xf32>,
          %swap3A_199 = arith.index_cast %while3A_190 : i32 to index
          %swap3A_200 = arith.constant 48 : index
          %swap3A_201 = tpu.vector_load %arg6[%swap3A_199, %swap3A_200] {strides = array<i32>} : memref<16x768xf32, #tpu.memory_space<vmem>>, vector<16xf32>,
          tpu.vector_store %arg6[%swap3A_199, %swap3A_200], %broadcast_in_dim3A_1 {strides = array<i32>} : memref<16x768xf32, #tpu.memory_space<vmem>>, vector<16xf32>,
          %swap3A_202 = arith.index_cast %while3A_190 : i32 to index
          %swap3A_203 = arith.constant 64 : index
          %swap3A_204 = tpu.vector_load %arg6[%swap3A_202, %swap3A_203] {strides = array<i32>} : memref<16x768xf32, #tpu.memory_space<vmem>>, vector<16xf32>,
          tpu.vector_store %arg6[%swap3A_202, %swap3A_203], %broadcast_in_dim3A_1 {strides = array<i32>} : memref<16x768xf32, #tpu.memory_space<vmem>>, vector<16xf32>,
          %swap3A_205 = arith.index_cast %while3A_190 : i32 to index
          %swap3A_206 = arith.constant 80 : index
          %swap3A_207 = tpu.vector_load %arg6[%swap3A_205, %swap3A_206] {strides = array<i32>} : memref<16x768xf32, #tpu.memory_space<vmem>>, vector<16xf32>,
          tpu.vector_store %arg6[%swap3A_205, %swap3A_206], %broadcast_in_dim3A_1 {strides = array<i32>} : memref<16x768xf32, #tpu.memory_space<vmem>>, vector<16xf32>,
          %swap3A_208 = arith.index_cast %while3A_190 : i32 to index
          %swap3A_209 = arith.constant 96 : index
          %swap3A_210 = tpu.vector_load %arg6[%swap3A_208, %swap3A_209] {strides = array<i32>} : memref<16x768xf32, #tpu.memory_space<vmem>>, vector<16xf32>,
          tpu.vector_store %arg6[%swap3A_208, %swap3A_209], %broadcast_in_dim3A_1 {strides = array<i32>} : memref<16x768xf32, #tpu.memory_space<vmem>>, vector<16xf32>,
          %swap3A_211 = arith.index_cast %while3A_190 : i32 to index
          %swap3A_212 = arith.constant 112 : index
          %swap3A_213 = tpu.vector_load %arg6[%swap3A_211, %swap3A_212] {strides = array<i32>} : memref<16x768xf32, #tpu.memory_space<vmem>>, vector<16xf32>,
          tpu.vector_store %arg6[%swap3A_211, %swap3A_212], %broadcast_in_dim3A_1 {strides = array<i32>} : memref<16x768xf32, #tpu.memory_space<vmem>>, vector<16xf32>,
          %swap3A_214 = arith.index_cast %while3A_190 : i32 to index
          %swap3A_215 = arith.constant 128 : index
          %swap3A_216 = tpu.vector_load %arg6[%swap3A_214, %swap3A_215] {strides = array<i32>} : memref<16x768xf32, #tpu.memory_space<vmem>>, vector<16xf32>,
          tpu.vector_store %arg6[%swap3A_214, %swap3A_215], %broadcast_in_dim3A_1 {strides = array<i32>} : memref<16x768xf32, #tpu.memory_space<vmem>>, vector<16xf32>,
          %swap3A_217 = arith.index_cast %while3A_190 : i32 to index
          %swap3A_218 = arith.constant 144 : index
          %swap3A_219 = tpu.vector_load %arg6[%swap3A_217, %swap3A_218] {strides = array<i32>} : memref<16x768xf32, #tpu.memory_space<vmem>>, vector<16xf32>,
          tpu.vector_store %arg6[%swap3A_217, %swap3A_218], %broadcast_in_dim3A_1 {strides = array<i32>} : memref<16x768xf32, #tpu.memory_space<vmem>>, vector<16xf32>,
          %swap3A_220 = arith.index_cast %while3A_190 : i32 to index
          %swap3A_221 = arith.constant 160 : index
          %swap3A_222 = tpu.vector_load %arg6[%swap3A_220, %swap3A_221] {strides = array<i32>} : memref<16x768xf32, #tpu.memory_space<vmem>>, vector<16xf32>,
          tpu.vector_store %arg6[%swap3A_220, %swap3A_221], %broadcast_in_dim3A_1 {strides = array<i32>} : memref<16x768xf32, #tpu.memory_space<vmem>>, vector<16xf32>,
          %swap3A_223 = arith.index_cast %while3A_190 : i32 to index
          %swap3A_224 = arith.constant 176 : index
          %swap3A_225 = tpu.vector_load %arg6[%swap3A_223, %swap3A_224] {strides = array<i32>} : memref<16x768xf32, #tpu.memory_space<vmem>>, vector<16xf32>,
          tpu.vector_store %arg6[%swap3A_223, %swap3A_224], %broadcast_in_dim3A_1 {strides = array<i32>} : memref<16x768xf32, #tpu.memory_space<vmem>>, vector<16xf32>,
          %swap3A_226 = arith.index_cast %while3A_190 : i32 to index
          %swap3A_227 = arith.constant 192 : index
          %swap3A_228 = tpu.vector_load %arg6[%swap3A_226, %swap3A_227] {strides = array<i32>} : memref<16x768xf32, #tpu.memory_space<vmem>>, vector<16xf32>,
          tpu.vector_store %arg6[%swap3A_226, %swap3A_227], %broadcast_in_dim3A_1 {strides = array<i32>} : memref<16x768xf32, #tpu.memory_space<vmem>>, vector<16xf32>,
          %swap3A_229 = arith.index_cast %while3A_190 : i32 to index
          %swap3A_230 = arith.constant 208 : index
          %swap3A_231 = tpu.vector_load %arg6[%swap3A_229, %swap3A_230] {strides = array<i32>} : memref<16x768xf32, #tpu.memory_space<vmem>>, vector<16xf32>,
          tpu.vector_store %arg6[%swap3A_229, %swap3A_230], %broadcast_in_dim3A_1 {strides = array<i32>} : memref<16x768xf32, #tpu.memory_space<vmem>>, vector<16xf32>,
          %swap3A_232 = arith.index_cast %while3A_190 : i32 to index
          %swap3A_233 = arith.constant 224 : index
          %swap3A_234 = tpu.vector_load %arg6[%swap3A_232, %swap3A_233] {strides = array<i32>} : memref<16x768xf32, #tpu.memory_space<vmem>>, vector<16xf32>,
          tpu.vector_store %arg6[%swap3A_232, %swap3A_233], %broadcast_in_dim3A_1 {strides = array<i32>} : memref<16x768xf32, #tpu.memory_space<vmem>>, vector<16xf32>,
          %swap3A_235 = arith.index_cast %while3A_190 : i32 to index
          %swap3A_236 = arith.constant 240 : index
          %swap3A_237 = tpu.vector_load %arg6[%swap3A_235, %swap3A_236] {strides = array<i32>} : memref<16x768xf32, #tpu.memory_space<vmem>>, vector<16xf32>,
          tpu.vector_store %arg6[%swap3A_235, %swap3A_236], %broadcast_in_dim3A_1 {strides = array<i32>} : memref<16x768xf32, #tpu.memory_space<vmem>>, vector<16xf32>,
          %swap3A_238 = arith.index_cast %while3A_190 : i32 to index
          %swap3A_239 = arith.constant 256 : index
          %swap3A_240 = tpu.vector_load %arg6[%swap3A_238, %swap3A_239] {strides = array<i32>} : memref<16x768xf32, #tpu.memory_space<vmem>>, vector<16xf32>,
          tpu.vector_store %arg6[%swap3A_238, %swap3A_239], %broadcast_in_dim3A_1 {strides = array<i32>} : memref<16x768xf32, #tpu.memory_space<vmem>>, vector<16xf32>,
          %swap3A_241 = arith.index_cast %while3A_190 : i32 to index
          %swap3A_242 = arith.constant 272 : index
          %swap3A_243 = tpu.vector_load %arg6[%swap3A_241, %swap3A_242] {strides = array<i32>} : memref<16x768xf32, #tpu.memory_space<vmem>>, vector<16xf32>,
          tpu.vector_store %arg6[%swap3A_241, %swap3A_242], %broadcast_in_dim3A_1 {strides = array<i32>} : memref<16x768xf32, #tpu.memory_space<vmem>>, vector<16xf32>,
          %swap3A_244 = arith.index_cast %while3A_190 : i32 to index
          %swap3A_245 = arith.constant 288 : index
          %swap3A_246 = tpu.vector_load %arg6[%swap3A_244, %swap3A_245] {strides = array<i32>} : memref<16x768xf32, #tpu.memory_space<vmem>>, vector<16xf32>,
          tpu.vector_store %arg6[%swap3A_244, %swap3A_245], %broadcast_in_dim3A_1 {strides = array<i32>} : memref<16x768xf32, #tpu.memory_space<vmem>>, vector<16xf32>,
          %swap3A_247 = arith.index_cast %while3A_190 : i32 to index
          %swap3A_248 = arith.constant 304 : index
          %swap3A_249 = tpu.vector_load %arg6[%swap3A_247, %swap3A_248] {strides = array<i32>} : memref<16x768xf32, #tpu.memory_space<vmem>>, vector<16xf32>,
          tpu.vector_store %arg6[%swap3A_247, %swap3A_248], %broadcast_in_dim3A_1 {strides = array<i32>} : memref<16x768xf32, #tpu.memory_space<vmem>>, vector<16xf32>,
          %swap3A_250 = arith.index_cast %while3A_190 : i32 to index
          %swap3A_251 = arith.constant 320 : index
          %swap3A_252 = tpu.vector_load %arg6[%swap3A_250, %swap3A_251] {strides = array<i32>} : memref<16x768xf32, #tpu.memory_space<vmem>>, vector<16xf32>,
          tpu.vector_store %arg6[%swap3A_250, %swap3A_251], %broadcast_in_dim3A_1 {strides = array<i32>} : memref<16x768xf32, #tpu.memory_space<vmem>>, vector<16xf32>,
          %swap3A_253 = arith.index_cast %while3A_190 : i32 to index
          %swap3A_254 = arith.constant 336 : index
          %swap3A_255 = tpu.vector_load %arg6[%swap3A_253, %swap3A_254] {strides = array<i32>} : memref<16x768xf32, #tpu.memory_space<vmem>>, vector<16xf32>,
          tpu.vector_store %arg6[%swap3A_253, %swap3A_254], %broadcast_in_dim3A_1 {strides = array<i32>} : memref<16x768xf32, #tpu.memory_space<vmem>>, vector<16xf32>,
          %swap3A_256 = arith.index_cast %while3A_190 : i32 to index
          %swap3A_257 = arith.constant 352 : index
          %swap3A_258 = tpu.vector_load %arg6[%swap3A_256, %swap3A_257] {strides = array<i32>} : memref<16x768xf32, #tpu.memory_space<vmem>>, vector<16xf32>,
          tpu.vector_store %arg6[%swap3A_256, %swap3A_257], %broadcast_in_dim3A_1 {strides = array<i32>} : memref<16x768xf32, #tpu.memory_space<vmem>>, vector<16xf32>,
          %swap3A_259 = arith.index_cast %while3A_190 : i32 to index
          %swap3A_260 = arith.constant 368 : index
          %swap3A_261 = tpu.vector_load %arg6[%swap3A_259, %swap3A_260] {strides = array<i32>} : memref<16x768xf32, #tpu.memory_space<vmem>>, vector<16xf32>,
          tpu.vector_store %arg6[%swap3A_259, %swap3A_260], %broadcast_in_dim3A_1 {strides = array<i32>} : memref<16x768xf32, #tpu.memory_space<vmem>>, vector<16xf32>,
          %swap3A_262 = arith.index_cast %while3A_190 : i32 to index
          %swap3A_263 = arith.constant 384 : index
          %swap3A_264 = tpu.vector_load %arg6[%swap3A_262, %swap3A_263] {strides = array<i32>} : memref<16x768xf32, #tpu.memory_space<vmem>>, vector<16xf32>,
          tpu.vector_store %arg6[%swap3A_262, %swap3A_263], %broadcast_in_dim3A_1 {strides = array<i32>} : memref<16x768xf32, #tpu.memory_space<vmem>>, vector<16xf32>,
          %swap3A_265 = arith.index_cast %while3A_190 : i32 to index
          %swap3A_266 = arith.constant 400 : index
          %swap3A_267 = tpu.vector_load %arg6[%swap3A_265, %swap3A_266] {strides = array<i32>} : memref<16x768xf32, #tpu.memory_space<vmem>>, vector<16xf32>,
          tpu.vector_store %arg6[%swap3A_265, %swap3A_266], %broadcast_in_dim3A_1 {strides = array<i32>} : memref<16x768xf32, #tpu.memory_space<vmem>>, vector<16xf32>,
          %swap3A_268 = arith.index_cast %while3A_190 : i32 to index
          %swap3A_269 = arith.constant 416 : index
          %swap3A_270 = tpu.vector_load %arg6[%swap3A_268, %swap3A_269] {strides = array<i32>} : memref<16x768xf32, #tpu.memory_space<vmem>>, vector<16xf32>,
          tpu.vector_store %arg6[%swap3A_268, %swap3A_269], %broadcast_in_dim3A_1 {strides = array<i32>} : memref<16x768xf32, #tpu.memory_space<vmem>>, vector<16xf32>,
          %swap3A_271 = arith.index_cast %while3A_190 : i32 to index
          %swap3A_272 = arith.constant 432 : index
          %swap3A_273 = tpu.vector_load %arg6[%swap3A_271, %swap3A_272] {strides = array<i32>} : memref<16x768xf32, #tpu.memory_space<vmem>>, vector<16xf32>,
          tpu.vector_store %arg6[%swap3A_271, %swap3A_272], %broadcast_in_dim3A_1 {strides = array<i32>} : memref<16x768xf32, #tpu.memory_space<vmem>>, vector<16xf32>,
          %swap3A_274 = arith.index_cast %while3A_190 : i32 to index
          %swap3A_275 = arith.constant 448 : index
          %swap3A_276 = tpu.vector_load %arg6[%swap3A_274, %swap3A_275] {strides = array<i32>} : memref<16x768xf32, #tpu.memory_space<vmem>>, vector<16xf32>,
          tpu.vector_store %arg6[%swap3A_274, %swap3A_275], %broadcast_in_dim3A_1 {strides = array<i32>} : memref<16x768xf32, #tpu.memory_space<vmem>>, vector<16xf32>,
          %swap3A_277 = arith.index_cast %while3A_190 : i32 to index
          %swap3A_278 = arith.constant 464 : index
          %swap3A_279 = tpu.vector_load %arg6[%swap3A_277, %swap3A_278] {strides = array<i32>} : memref<16x768xf32, #tpu.memory_space<vmem>>, vector<16xf32>,
          tpu.vector_store %arg6[%swap3A_277, %swap3A_278], %broadcast_in_dim3A_1 {strides = array<i32>} : memref<16x768xf32, #tpu.memory_space<vmem>>, vector<16xf32>,
          %swap3A_280 = arith.index_cast %while3A_190 : i32 to index
          %swap3A_281 = arith.constant 480 : index
          %swap3A_282 = tpu.vector_load %arg6[%swap3A_280, %swap3A_281] {strides = array<i32>} : memref<16x768xf32, #tpu.memory_space<vmem>>, vector<16xf32>,
          tpu.vector_store %arg6[%swap3A_280, %swap3A_281], %broadcast_in_dim3A_1 {strides = array<i32>} : memref<16x768xf32, #tpu.memory_space<vmem>>, vector<16xf32>,
          %swap3A_283 = arith.index_cast %while3A_190 : i32 to index
          %swap3A_284 = arith.constant 496 : index
          %swap3A_285 = tpu.vector_load %arg6[%swap3A_283, %swap3A_284] {strides = array<i32>} : memref<16x768xf32, #tpu.memory_space<vmem>>, vector<16xf32>,
          tpu.vector_store %arg6[%swap3A_283, %swap3A_284], %broadcast_in_dim3A_1 {strides = array<i32>} : memref<16x768xf32, #tpu.memory_space<vmem>>, vector<16xf32>,
          %swap3A_286 = arith.index_cast %while3A_190 : i32 to index
          %swap3A_287 = arith.constant 512 : index
          %swap3A_288 = tpu.vector_load %arg6[%swap3A_286, %swap3A_287] {strides = array<i32>} : memref<16x768xf32, #tpu.memory_space<vmem>>, vector<16xf32>,
          tpu.vector_store %arg6[%swap3A_286, %swap3A_287], %broadcast_in_dim3A_1 {strides = array<i32>} : memref<16x768xf32, #tpu.memory_space<vmem>>, vector<16xf32>,
          %swap3A_289 = arith.index_cast %while3A_190 : i32 to index
          %swap3A_290 = arith.constant 528 : index
          %swap3A_291 = tpu.vector_load %arg6[%swap3A_289, %swap3A_290] {strides = array<i32>} : memref<16x768xf32, #tpu.memory_space<vmem>>, vector<16xf32>,
          tpu.vector_store %arg6[%swap3A_289, %swap3A_290], %broadcast_in_dim3A_1 {strides = array<i32>} : memref<16x768xf32, #tpu.memory_space<vmem>>, vector<16xf32>,
          %swap3A_292 = arith.index_cast %while3A_190 : i32 to index
          %swap3A_293 = arith.constant 544 : index
          %swap3A_294 = tpu.vector_load %arg6[%swap3A_292, %swap3A_293] {strides = array<i32>} : memref<16x768xf32, #tpu.memory_space<vmem>>, vector<16xf32>,
          tpu.vector_store %arg6[%swap3A_292, %swap3A_293], %broadcast_in_dim3A_1 {strides = array<i32>} : memref<16x768xf32, #tpu.memory_space<vmem>>, vector<16xf32>,
          %swap3A_295 = arith.index_cast %while3A_190 : i32 to index
          %swap3A_296 = arith.constant 560 : index
          %swap3A_297 = tpu.vector_load %arg6[%swap3A_295, %swap3A_296] {strides = array<i32>} : memref<16x768xf32, #tpu.memory_space<vmem>>, vector<16xf32>,
          tpu.vector_store %arg6[%swap3A_295, %swap3A_296], %broadcast_in_dim3A_1 {strides = array<i32>} : memref<16x768xf32, #tpu.memory_space<vmem>>, vector<16xf32>,
          %swap3A_298 = arith.index_cast %while3A_190 : i32 to index
          %swap3A_299 = arith.constant 576 : index
          %swap3A_300 = tpu.vector_load %arg6[%swap3A_298, %swap3A_299] {strides = array<i32>} : memref<16x768xf32, #tpu.memory_space<vmem>>, vector<16xf32>,
          tpu.vector_store %arg6[%swap3A_298, %swap3A_299], %broadcast_in_dim3A_1 {strides = array<i32>} : memref<16x768xf32, #tpu.memory_space<vmem>>, vector<16xf32>,
          %swap3A_301 = arith.index_cast %while3A_190 : i32 to index
          %swap3A_302 = arith.constant 592 : index
          %swap3A_303 = tpu.vector_load %arg6[%swap3A_301, %swap3A_302] {strides = array<i32>} : memref<16x768xf32, #tpu.memory_space<vmem>>, vector<16xf32>,
          tpu.vector_store %arg6[%swap3A_301, %swap3A_302], %broadcast_in_dim3A_1 {strides = array<i32>} : memref<16x768xf32, #tpu.memory_space<vmem>>, vector<16xf32>,
          %swap3A_304 = arith.index_cast %while3A_190 : i32 to index
          %swap3A_305 = arith.constant 608 : index
          %swap3A_306 = tpu.vector_load %arg6[%swap3A_304, %swap3A_305] {strides = array<i32>} : memref<16x768xf32, #tpu.memory_space<vmem>>, vector<16xf32>,
          tpu.vector_store %arg6[%swap3A_304, %swap3A_305], %broadcast_in_dim3A_1 {strides = array<i32>} : memref<16x768xf32, #tpu.memory_space<vmem>>, vector<16xf32>,
          %swap3A_307 = arith.index_cast %while3A_190 : i32 to index
          %swap3A_308 = arith.constant 624 : index
          %swap3A_309 = tpu.vector_load %arg6[%swap3A_307, %swap3A_308] {strides = array<i32>} : memref<16x768xf32, #tpu.memory_space<vmem>>, vector<16xf32>,
          tpu.vector_store %arg6[%swap3A_307, %swap3A_308], %broadcast_in_dim3A_1 {strides = array<i32>} : memref<16x768xf32, #tpu.memory_space<vmem>>, vector<16xf32>,
          %swap3A_310 = arith.index_cast %while3A_190 : i32 to index
          %swap3A_311 = arith.constant 640 : index
          %swap3A_312 = tpu.vector_load %arg6[%swap3A_310, %swap3A_311] {strides = array<i32>} : memref<16x768xf32, #tpu.memory_space<vmem>>, vector<16xf32>,
          tpu.vector_store %arg6[%swap3A_310, %swap3A_311], %broadcast_in_dim3A_1 {strides = array<i32>} : memref<16x768xf32, #tpu.memory_space<vmem>>, vector<16xf32>,
          %swap3A_313 = arith.index_cast %while3A_190 : i32 to index
          %swap3A_314 = arith.constant 656 : index
          %swap3A_315 = tpu.vector_load %arg6[%swap3A_313, %swap3A_314] {strides = array<i32>} : memref<16x768xf32, #tpu.memory_space<vmem>>, vector<16xf32>,
          tpu.vector_store %arg6[%swap3A_313, %swap3A_314], %broadcast_in_dim3A_1 {strides = array<i32>} : memref<16x768xf32, #tpu.memory_space<vmem>>, vector<16xf32>,
          %swap3A_316 = arith.index_cast %while3A_190 : i32 to index
          %swap3A_317 = arith.constant 672 : index
          %swap3A_318 = tpu.vector_load %arg6[%swap3A_316, %swap3A_317] {strides = array<i32>} : memref<16x768xf32, #tpu.memory_space<vmem>>, vector<16xf32>,
          tpu.vector_store %arg6[%swap3A_316, %swap3A_317], %broadcast_in_dim3A_1 {strides = array<i32>} : memref<16x768xf32, #tpu.memory_space<vmem>>, vector<16xf32>,
          %swap3A_319 = arith.index_cast %while3A_190 : i32 to index
          %swap3A_320 = arith.constant 688 : index
          %swap3A_321 = tpu.vector_load %arg6[%swap3A_319, %swap3A_320] {strides = array<i32>} : memref<16x768xf32, #tpu.memory_space<vmem>>, vector<16xf32>,
          tpu.vector_store %arg6[%swap3A_319, %swap3A_320], %broadcast_in_dim3A_1 {strides = array<i32>} : memref<16x768xf32, #tpu.memory_space<vmem>>, vector<16xf32>,
          %swap3A_322 = arith.index_cast %while3A_190 : i32 to index
          %swap3A_323 = arith.constant 704 : index
          %swap3A_324 = tpu.vector_load %arg6[%swap3A_322, %swap3A_323] {strides = array<i32>} : memref<16x768xf32, #tpu.memory_space<vmem>>, vector<16xf32>,
          tpu.vector_store %arg6[%swap3A_322, %swap3A_323], %broadcast_in_dim3A_1 {strides = array<i32>} : memref<16x768xf32, #tpu.memory_space<vmem>>, vector<16xf32>,
          %swap3A_325 = arith.index_cast %while3A_190 : i32 to index
          %swap3A_326 = arith.constant 720 : index
          %swap3A_327 = tpu.vector_load %arg6[%swap3A_325, %swap3A_326] {strides = array<i32>} : memref<16x768xf32, #tpu.memory_space<vmem>>, vector<16xf32>,
          tpu.vector_store %arg6[%swap3A_325, %swap3A_326], %broadcast_in_dim3A_1 {strides = array<i32>} : memref<16x768xf32, #tpu.memory_space<vmem>>, vector<16xf32>,
          %swap3A_328 = arith.index_cast %while3A_190 : i32 to index
          %swap3A_329 = arith.constant 736 : index
          %swap3A_330 = tpu.vector_load %arg6[%swap3A_328, %swap3A_329] {strides = array<i32>} : memref<16x768xf32, #tpu.memory_space<vmem>>, vector<16xf32>,
          tpu.vector_store %arg6[%swap3A_328, %swap3A_329], %broadcast_in_dim3A_1 {strides = array<i32>} : memref<16x768xf32, #tpu.memory_space<vmem>>, vector<16xf32>,
          %swap3A_331 = arith.index_cast %while3A_190 : i32 to index
          %swap3A_332 = arith.constant 752 : index
          %swap3A_333 = tpu.vector_load %arg6[%swap3A_331, %swap3A_332] {strides = array<i32>} : memref<16x768xf32, #tpu.memory_space<vmem>>, vector<16xf32>,
          tpu.vector_store %arg6[%swap3A_331, %swap3A_332], %broadcast_in_dim3A_1 {strides = array<i32>} : memref<16x768xf32, #tpu.memory_space<vmem>>, vector<16xf32>,
        }
        %sub3A_183 = arith.subi %select_n3A_74, %select_n3A_90 : i32
        %scan3A_184 = arith.constant 0 : i32
        %scan3A_185 = arith.constant 0 : i32
        %scan3A_186 = arith.constant 48 : i32
        %scan3A_187 = arith.addi %scan3A_185, %scan3A_186 : i32
        %scan3A_188 = arith.constant 1 : i32
        scf.for %scan3A_190 = %scan3A_185 to %scan3A_187 step %scan3A_188  : i32 {
          %mul3A_191 = arith.constant 16 : i32
          %mul3A_192 = arith.muli %scan3A_190, %mul3A_191 : i32
          %get3A = arith.constant 0 : i32
          %get3A_193 = arith.index_cast %get3A : i32 to index
          %get3A_194 = arith.index_cast %mul3A_192 : i32 to index
          %get3A_195 = tpu.vector_load %arg6[%get3A_193, %get3A_194] {strides = array<i32>} : memref<16x768xf32, #tpu.memory_space<vmem>>, vector<16xf32>,
          %mul3A_196 = arith.constant 16 : i32
          %mul3A_197 = arith.muli %scan3A_190, %mul3A_196 : i32
          %get3A_198 = arith.constant 1 : i32
          %get3A_199 = arith.index_cast %get3A_198 : i32 to index
          %get3A_200 = arith.index_cast %mul3A_197 : i32 to index
          %get3A_201 = tpu.vector_load %arg6[%get3A_199, %get3A_200] {strides = array<i32>} : memref<16x768xf32, #tpu.memory_space<vmem>>, vector<16xf32>,
          %mul3A_202 = arith.constant 16 : i32
          %mul3A_203 = arith.muli %scan3A_190, %mul3A_202 : i32
          %get3A_204 = arith.constant 2 : i32
          %get3A_205 = arith.index_cast %get3A_204 : i32 to index
          %get3A_206 = arith.index_cast %mul3A_203 : i32 to index
          %get3A_207 = tpu.vector_load %arg6[%get3A_205, %get3A_206] {strides = array<i32>} : memref<16x768xf32, #tpu.memory_space<vmem>>, vector<16xf32>,
          %mul3A_208 = arith.constant 16 : i32
          %mul3A_209 = arith.muli %scan3A_190, %mul3A_208 : i32
          %get3A_210 = arith.constant 3 : i32
          %get3A_211 = arith.index_cast %get3A_210 : i32 to index
          %get3A_212 = arith.index_cast %mul3A_209 : i32 to index
          %get3A_213 = tpu.vector_load %arg6[%get3A_211, %get3A_212] {strides = array<i32>} : memref<16x768xf32, #tpu.memory_space<vmem>>, vector<16xf32>,
          %mul3A_214 = arith.constant 16 : i32
          %mul3A_215 = arith.muli %scan3A_190, %mul3A_214 : i32
          %get3A_216 = arith.constant 4 : i32
          %get3A_217 = arith.index_cast %get3A_216 : i32 to index
          %get3A_218 = arith.index_cast %mul3A_215 : i32 to index
          %get3A_219 = tpu.vector_load %arg6[%get3A_217, %get3A_218] {strides = array<i32>} : memref<16x768xf32, #tpu.memory_space<vmem>>, vector<16xf32>,
          %mul3A_220 = arith.constant 16 : i32
          %mul3A_221 = arith.muli %scan3A_190, %mul3A_220 : i32
          %get3A_222 = arith.constant 5 : i32
          %get3A_223 = arith.index_cast %get3A_222 : i32 to index
          %get3A_224 = arith.index_cast %mul3A_221 : i32 to index
          %get3A_225 = tpu.vector_load %arg6[%get3A_223, %get3A_224] {strides = array<i32>} : memref<16x768xf32, #tpu.memory_space<vmem>>, vector<16xf32>,
          %mul3A_226 = arith.constant 16 : i32
          %mul3A_227 = arith.muli %scan3A_190, %mul3A_226 : i32
          %get3A_228 = arith.constant 6 : i32
          %get3A_229 = arith.index_cast %get3A_228 : i32 to index
          %get3A_230 = arith.index_cast %mul3A_227 : i32 to index
          %get3A_231 = tpu.vector_load %arg6[%get3A_229, %get3A_230] {strides = array<i32>} : memref<16x768xf32, #tpu.memory_space<vmem>>, vector<16xf32>,
          %mul3A_232 = arith.constant 16 : i32
          %mul3A_233 = arith.muli %scan3A_190, %mul3A_232 : i32
          %get3A_234 = arith.constant 7 : i32
          %get3A_235 = arith.index_cast %get3A_234 : i32 to index
          %get3A_236 = arith.index_cast %mul3A_233 : i32 to index
          %get3A_237 = tpu.vector_load %arg6[%get3A_235, %get3A_236] {strides = array<i32>} : memref<16x768xf32, #tpu.memory_space<vmem>>, vector<16xf32>,
          %mul3A_238 = arith.constant 16 : i32
          %mul3A_239 = arith.muli %scan3A_190, %mul3A_238 : i32
          %get3A_240 = arith.constant 8 : i32
          %get3A_241 = arith.index_cast %get3A_240 : i32 to index
          %get3A_242 = arith.index_cast %mul3A_239 : i32 to index
          %get3A_243 = tpu.vector_load %arg6[%get3A_241, %get3A_242] {strides = array<i32>} : memref<16x768xf32, #tpu.memory_space<vmem>>, vector<16xf32>,
          %mul3A_244 = arith.constant 16 : i32
          %mul3A_245 = arith.muli %scan3A_190, %mul3A_244 : i32
          %get3A_246 = arith.constant 9 : i32
          %get3A_247 = arith.index_cast %get3A_246 : i32 to index
          %get3A_248 = arith.index_cast %mul3A_245 : i32 to index
          %get3A_249 = tpu.vector_load %arg6[%get3A_247, %get3A_248] {strides = array<i32>} : memref<16x768xf32, #tpu.memory_space<vmem>>, vector<16xf32>,
          %mul3A_250 = arith.constant 16 : i32
          %mul3A_251 = arith.muli %scan3A_190, %mul3A_250 : i32
          %get3A_252 = arith.constant 10 : i32
          %get3A_253 = arith.index_cast %get3A_252 : i32 to index
          %get3A_254 = arith.index_cast %mul3A_251 : i32 to index
          %get3A_255 = tpu.vector_load %arg6[%get3A_253, %get3A_254] {strides = array<i32>} : memref<16x768xf32, #tpu.memory_space<vmem>>, vector<16xf32>,
          %mul3A_256 = arith.constant 16 : i32
          %mul3A_257 = arith.muli %scan3A_190, %mul3A_256 : i32
          %get3A_258 = arith.constant 11 : i32
          %get3A_259 = arith.index_cast %get3A_258 : i32 to index
          %get3A_260 = arith.index_cast %mul3A_257 : i32 to index
          %get3A_261 = tpu.vector_load %arg6[%get3A_259, %get3A_260] {strides = array<i32>} : memref<16x768xf32, #tpu.memory_space<vmem>>, vector<16xf32>,
          %mul3A_262 = arith.constant 16 : i32
          %mul3A_263 = arith.muli %scan3A_190, %mul3A_262 : i32
          %get3A_264 = arith.constant 12 : i32
          %get3A_265 = arith.index_cast %get3A_264 : i32 to index
          %get3A_266 = arith.index_cast %mul3A_263 : i32 to index
          %get3A_267 = tpu.vector_load %arg6[%get3A_265, %get3A_266] {strides = array<i32>} : memref<16x768xf32, #tpu.memory_space<vmem>>, vector<16xf32>,
          %mul3A_268 = arith.constant 16 : i32
          %mul3A_269 = arith.muli %scan3A_190, %mul3A_268 : i32
          %get3A_270 = arith.constant 13 : i32
          %get3A_271 = arith.index_cast %get3A_270 : i32 to index
          %get3A_272 = arith.index_cast %mul3A_269 : i32 to index
          %get3A_273 = tpu.vector_load %arg6[%get3A_271, %get3A_272] {strides = array<i32>} : memref<16x768xf32, #tpu.memory_space<vmem>>, vector<16xf32>,
          %mul3A_274 = arith.constant 16 : i32
          %mul3A_275 = arith.muli %scan3A_190, %mul3A_274 : i32
          %get3A_276 = arith.constant 14 : i32
          %get3A_277 = arith.index_cast %get3A_276 : i32 to index
          %get3A_278 = arith.index_cast %mul3A_275 : i32 to index
          %get3A_279 = tpu.vector_load %arg6[%get3A_277, %get3A_278] {strides = array<i32>} : memref<16x768xf32, #tpu.memory_space<vmem>>, vector<16xf32>,
          %mul3A_280 = arith.constant 16 : i32
          %mul3A_281 = arith.muli %scan3A_190, %mul3A_280 : i32
          %get3A_282 = arith.constant 15 : i32
          %get3A_283 = arith.index_cast %get3A_282 : i32 to index
          %get3A_284 = arith.index_cast %mul3A_281 : i32 to index
          %get3A_285 = tpu.vector_load %arg6[%get3A_283, %get3A_284] {strides = array<i32>} : memref<16x768xf32, #tpu.memory_space<vmem>>, vector<16xf32>,
          %broadcast_in_dim3A_286 = vector.shape_cast %xor3A_3 : vector<16xi32> to vector<16x1xi32>
          %gather3A = vector.shape_cast %broadcast_in_dim3A_286 : vector<16x1xi32> to vector<16xi32>
          %gather3A_287 = tpu.dynamic_gather %get3A_201[%gather3A] in [0] : vector<16xf32>, vector<16xi32> -> vector<16xf32>
          %broadcast_in_dim3A_288 = vector.shape_cast %xor3A_3 : vector<16xi32> to vector<16x1xi32>
          %gather3A_289 = vector.shape_cast %broadcast_in_dim3A_288 : vector<16x1xi32> to vector<16xi32>
          %gather3A_290 = tpu.dynamic_gather %get3A_195[%gather3A_289] in [0] : vector<16xf32>, vector<16xi32> -> vector<16xf32>
          %select_n3A_291 = arith.select %ne3A_16, %gather3A_287, %get3A_195 : vector<16xi1>, vector<16xf32>
          %select_n3A_292 = arith.select %ne3A_16, %get3A_201, %gather3A_290 : vector<16xi1>, vector<16xf32>
          %broadcast_in_dim3A_293 = vector.shape_cast %xor3A_3 : vector<16xi32> to vector<16x1xi32>
          %gather3A_294 = vector.shape_cast %broadcast_in_dim3A_293 : vector<16x1xi32> to vector<16xi32>
          %gather3A_295 = tpu.dynamic_gather %get3A_213[%gather3A_294] in [0] : vector<16xf32>, vector<16xi32> -> vector<16xf32>
          %broadcast_in_dim3A_296 = vector.shape_cast %xor3A_3 : vector<16xi32> to vector<16x1xi32>
          %gather3A_297 = vector.shape_cast %broadcast_in_dim3A_296 : vector<16x1xi32> to vector<16xi32>
          %gather3A_298 = tpu.dynamic_gather %get3A_207[%gather3A_297] in [0] : vector<16xf32>, vector<16xi32> -> vector<16xf32>
          %select_n3A_299 = arith.select %ne3A_16, %gather3A_295, %get3A_207 : vector<16xi1>, vector<16xf32>
          %select_n3A_300 = arith.select %ne3A_16, %get3A_213, %gather3A_298 : vector<16xi1>, vector<16xf32>
          %broadcast_in_dim3A_301 = vector.shape_cast %xor3A_3 : vector<16xi32> to vector<16x1xi32>
          %gather3A_302 = vector.shape_cast %broadcast_in_dim3A_301 : vector<16x1xi32> to vector<16xi32>
          %gather3A_303 = tpu.dynamic_gather %get3A_225[%gather3A_302] in [0] : vector<16xf32>, vector<16xi32> -> vector<16xf32>
          %broadcast_in_dim3A_304 = vector.shape_cast %xor3A_3 : vector<16xi32> to vector<16x1xi32>
          %gather3A_305 = vector.shape_cast %broadcast_in_dim3A_304 : vector<16x1xi32> to vector<16xi32>
          %gather3A_306 = tpu.dynamic_gather %get3A_219[%gather3A_305] in [0] : vector<16xf32>, vector<16xi32> -> vector<16xf32>
          %select_n3A_307 = arith.select %ne3A_16, %gather3A_303, %get3A_219 : vector<16xi1>, vector<16xf32>
          %select_n3A_308 = arith.select %ne3A_16, %get3A_225, %gather3A_306 : vector<16xi1>, vector<16xf32>
          %broadcast_in_dim3A_309 = vector.shape_cast %xor3A_3 : vector<16xi32> to vector<16x1xi32>
          %gather3A_310 = vector.shape_cast %broadcast_in_dim3A_309 : vector<16x1xi32> to vector<16xi32>
          %gather3A_311 = tpu.dynamic_gather %get3A_237[%gather3A_310] in [0] : vector<16xf32>, vector<16xi32> -> vector<16xf32>
          %broadcast_in_dim3A_312 = vector.shape_cast %xor3A_3 : vector<16xi32> to vector<16x1xi32>
          %gather3A_313 = vector.shape_cast %broadcast_in_dim3A_312 : vector<16x1xi32> to vector<16xi32>
          %gather3A_314 = tpu.dynamic_gather %get3A_231[%gather3A_313] in [0] : vector<16xf32>, vector<16xi32> -> vector<16xf32>
          %select_n3A_315 = arith.select %ne3A_16, %gather3A_311, %get3A_231 : vector<16xi1>, vector<16xf32>
          %select_n3A_316 = arith.select %ne3A_16, %get3A_237, %gather3A_314 : vector<16xi1>, vector<16xf32>
          %broadcast_in_dim3A_317 = vector.shape_cast %xor3A_3 : vector<16xi32> to vector<16x1xi32>
          %gather3A_318 = vector.shape_cast %broadcast_in_dim3A_317 : vector<16x1xi32> to vector<16xi32>
          %gather3A_319 = tpu.dynamic_gather %get3A_249[%gather3A_318] in [0] : vector<16xf32>, vector<16xi32> -> vector<16xf32>
          %broadcast_in_dim3A_320 = vector.shape_cast %xor3A_3 : vector<16xi32> to vector<16x1xi32>
          %gather3A_321 = vector.shape_cast %broadcast_in_dim3A_320 : vector<16x1xi32> to vector<16xi32>
          %gather3A_322 = tpu.dynamic_gather %get3A_243[%gather3A_321] in [0] : vector<16xf32>, vector<16xi32> -> vector<16xf32>
          %select_n3A_323 = arith.select %ne3A_16, %gather3A_319, %get3A_243 : vector<16xi1>, vector<16xf32>
          %select_n3A_324 = arith.select %ne3A_16, %get3A_249, %gather3A_322 : vector<16xi1>, vector<16xf32>
          %broadcast_in_dim3A_325 = vector.shape_cast %xor3A_3 : vector<16xi32> to vector<16x1xi32>
          %gather3A_326 = vector.shape_cast %broadcast_in_dim3A_325 : vector<16x1xi32> to vector<16xi32>
          %gather3A_327 = tpu.dynamic_gather %get3A_261[%gather3A_326] in [0] : vector<16xf32>, vector<16xi32> -> vector<16xf32>
          %broadcast_in_dim3A_328 = vector.shape_cast %xor3A_3 : vector<16xi32> to vector<16x1xi32>
          %gather3A_329 = vector.shape_cast %broadcast_in_dim3A_328 : vector<16x1xi32> to vector<16xi32>
          %gather3A_330 = tpu.dynamic_gather %get3A_255[%gather3A_329] in [0] : vector<16xf32>, vector<16xi32> -> vector<16xf32>
          %select_n3A_331 = arith.select %ne3A_16, %gather3A_327, %get3A_255 : vector<16xi1>, vector<16xf32>
          %select_n3A_332 = arith.select %ne3A_16, %get3A_261, %gather3A_330 : vector<16xi1>, vector<16xf32>
          %broadcast_in_dim3A_333 = vector.shape_cast %xor3A_3 : vector<16xi32> to vector<16x1xi32>
          %gather3A_334 = vector.shape_cast %broadcast_in_dim3A_333 : vector<16x1xi32> to vector<16xi32>
          %gather3A_335 = tpu.dynamic_gather %get3A_273[%gather3A_334] in [0] : vector<16xf32>, vector<16xi32> -> vector<16xf32>
          %broadcast_in_dim3A_336 = vector.shape_cast %xor3A_3 : vector<16xi32> to vector<16x1xi32>
          %gather3A_337 = vector.shape_cast %broadcast_in_dim3A_336 : vector<16x1xi32> to vector<16xi32>
          %gather3A_338 = tpu.dynamic_gather %get3A_267[%gather3A_337] in [0] : vector<16xf32>, vector<16xi32> -> vector<16xf32>
          %select_n3A_339 = arith.select %ne3A_16, %gather3A_335, %get3A_267 : vector<16xi1>, vector<16xf32>
          %select_n3A_340 = arith.select %ne3A_16, %get3A_273, %gather3A_338 : vector<16xi1>, vector<16xf32>
          %broadcast_in_dim3A_341 = vector.shape_cast %xor3A_3 : vector<16xi32> to vector<16x1xi32>
          %gather3A_342 = vector.shape_cast %broadcast_in_dim3A_341 : vector<16x1xi32> to vector<16xi32>
          %gather3A_343 = tpu.dynamic_gather %get3A_285[%gather3A_342] in [0] : vector<16xf32>, vector<16xi32> -> vector<16xf32>
          %broadcast_in_dim3A_344 = vector.shape_cast %xor3A_3 : vector<16xi32> to vector<16x1xi32>
          %gather3A_345 = vector.shape_cast %broadcast_in_dim3A_344 : vector<16x1xi32> to vector<16xi32>
          %gather3A_346 = tpu.dynamic_gather %get3A_279[%gather3A_345] in [0] : vector<16xf32>, vector<16xi32> -> vector<16xf32>
          %select_n3A_347 = arith.select %ne3A_16, %gather3A_343, %get3A_279 : vector<16xi1>, vector<16xf32>
          %select_n3A_348 = arith.select %ne3A_16, %get3A_285, %gather3A_346 : vector<16xi1>, vector<16xf32>
          %broadcast_in_dim3A_349 = vector.shape_cast %xor3A_6 : vector<16xi32> to vector<16x1xi32>
          %gather3A_350 = vector.shape_cast %broadcast_in_dim3A_349 : vector<16x1xi32> to vector<16xi32>
          %gather3A_351 = tpu.dynamic_gather %select_n3A_299[%gather3A_350] in [0] : vector<16xf32>, vector<16xi32> -> vector<16xf32>
          %broadcast_in_dim3A_352 = vector.shape_cast %xor3A_6 : vector<16xi32> to vector<16x1xi32>
          %gather3A_353 = vector.shape_cast %broadcast_in_dim3A_352 : vector<16x1xi32> to vector<16xi32>
          %gather3A_354 = tpu.dynamic_gather %select_n3A_291[%gather3A_353] in [0] : vector<16xf32>, vector<16xi32> -> vector<16xf32>
          %select_n3A_355 = arith.select %ne3A_22, %gather3A_351, %select_n3A_291 : vector<16xi1>, vector<16xf32>
          %select_n3A_356 = arith.select %ne3A_22, %select_n3A_299, %gather3A_354 : vector<16xi1>, vector<16xf32>
          %broadcast_in_dim3A_357 = vector.shape_cast %xor3A_6 : vector<16xi32> to vector<16x1xi32>
          %gather3A_358 = vector.shape_cast %broadcast_in_dim3A_357 : vector<16x1xi32> to vector<16xi32>
          %gather3A_359 = tpu.dynamic_gather %select_n3A_300[%gather3A_358] in [0] : vector<16xf32>, vector<16xi32> -> vector<16xf32>
          %broadcast_in_dim3A_360 = vector.shape_cast %xor3A_6 : vector<16xi32> to vector<16x1xi32>
          %gather3A_361 = vector.shape_cast %broadcast_in_dim3A_360 : vector<16x1xi32> to vector<16xi32>
          %gather3A_362 = tpu.dynamic_gather %select_n3A_292[%gather3A_361] in [0] : vector<16xf32>, vector<16xi32> -> vector<16xf32>
          %select_n3A_363 = arith.select %ne3A_22, %gather3A_359, %select_n3A_292 : vector<16xi1>, vector<16xf32>
          %select_n3A_364 = arith.select %ne3A_22, %select_n3A_300, %gather3A_362 : vector<16xi1>, vector<16xf32>
          %broadcast_in_dim3A_365 = vector.shape_cast %xor3A_6 : vector<16xi32> to vector<16x1xi32>
          %gather3A_366 = vector.shape_cast %broadcast_in_dim3A_365 : vector<16x1xi32> to vector<16xi32>
          %gather3A_367 = tpu.dynamic_gather %select_n3A_315[%gather3A_366] in [0] : vector<16xf32>, vector<16xi32> -> vector<16xf32>
          %broadcast_in_dim3A_368 = vector.shape_cast %xor3A_6 : vector<16xi32> to vector<16x1xi32>
          %gather3A_369 = vector.shape_cast %broadcast_in_dim3A_368 : vector<16x1xi32> to vector<16xi32>
          %gather3A_370 = tpu.dynamic_gather %select_n3A_307[%gather3A_369] in [0] : vector<16xf32>, vector<16xi32> -> vector<16xf32>
          %select_n3A_371 = arith.select %ne3A_22, %gather3A_367, %select_n3A_307 : vector<16xi1>, vector<16xf32>
          %select_n3A_372 = arith.select %ne3A_22, %select_n3A_315, %gather3A_370 : vector<16xi1>, vector<16xf32>
          %broadcast_in_dim3A_373 = vector.shape_cast %xor3A_6 : vector<16xi32> to vector<16x1xi32>
          %gather3A_374 = vector.shape_cast %broadcast_in_dim3A_373 : vector<16x1xi32> to vector<16xi32>
          %gather3A_375 = tpu.dynamic_gather %select_n3A_316[%gather3A_374] in [0] : vector<16xf32>, vector<16xi32> -> vector<16xf32>
          %broadcast_in_dim3A_376 = vector.shape_cast %xor3A_6 : vector<16xi32> to vector<16x1xi32>
          %gather3A_377 = vector.shape_cast %broadcast_in_dim3A_376 : vector<16x1xi32> to vector<16xi32>
          %gather3A_378 = tpu.dynamic_gather %select_n3A_308[%gather3A_377] in [0] : vector<16xf32>, vector<16xi32> -> vector<16xf32>
          %select_n3A_379 = arith.select %ne3A_22, %gather3A_375, %select_n3A_308 : vector<16xi1>, vector<16xf32>
          %select_n3A_380 = arith.select %ne3A_22, %select_n3A_316, %gather3A_378 : vector<16xi1>, vector<16xf32>
          %broadcast_in_dim3A_381 = vector.shape_cast %xor3A_6 : vector<16xi32> to vector<16x1xi32>
          %gather3A_382 = vector.shape_cast %broadcast_in_dim3A_381 : vector<16x1xi32> to vector<16xi32>
          %gather3A_383 = tpu.dynamic_gather %select_n3A_331[%gather3A_382] in [0] : vector<16xf32>, vector<16xi32> -> vector<16xf32>
          %broadcast_in_dim3A_384 = vector.shape_cast %xor3A_6 : vector<16xi32> to vector<16x1xi32>
          %gather3A_385 = vector.shape_cast %broadcast_in_dim3A_384 : vector<16x1xi32> to vector<16xi32>
          %gather3A_386 = tpu.dynamic_gather %select_n3A_323[%gather3A_385] in [0] : vector<16xf32>, vector<16xi32> -> vector<16xf32>
          %select_n3A_387 = arith.select %ne3A_22, %gather3A_383, %select_n3A_323 : vector<16xi1>, vector<16xf32>
          %select_n3A_388 = arith.select %ne3A_22, %select_n3A_331, %gather3A_386 : vector<16xi1>, vector<16xf32>
          %broadcast_in_dim3A_389 = vector.shape_cast %xor3A_6 : vector<16xi32> to vector<16x1xi32>
          %gather3A_390 = vector.shape_cast %broadcast_in_dim3A_389 : vector<16x1xi32> to vector<16xi32>
          %gather3A_391 = tpu.dynamic_gather %select_n3A_332[%gather3A_390] in [0] : vector<16xf32>, vector<16xi32> -> vector<16xf32>
          %broadcast_in_dim3A_392 = vector.shape_cast %xor3A_6 : vector<16xi32> to vector<16x1xi32>
          %gather3A_393 = vector.shape_cast %broadcast_in_dim3A_392 : vector<16x1xi32> to vector<16xi32>
          %gather3A_394 = tpu.dynamic_gather %select_n3A_324[%gather3A_393] in [0] : vector<16xf32>, vector<16xi32> -> vector<16xf32>
          %select_n3A_395 = arith.select %ne3A_22, %gather3A_391, %select_n3A_324 : vector<16xi1>, vector<16xf32>
          %select_n3A_396 = arith.select %ne3A_22, %select_n3A_332, %gather3A_394 : vector<16xi1>, vector<16xf32>
          %broadcast_in_dim3A_397 = vector.shape_cast %xor3A_6 : vector<16xi32> to vector<16x1xi32>
          %gather3A_398 = vector.shape_cast %broadcast_in_dim3A_397 : vector<16x1xi32> to vector<16xi32>
          %gather3A_399 = tpu.dynamic_gather %select_n3A_347[%gather3A_398] in [0] : vector<16xf32>, vector<16xi32> -> vector<16xf32>
          %broadcast_in_dim3A_400 = vector.shape_cast %xor3A_6 : vector<16xi32> to vector<16x1xi32>
          %gather3A_401 = vector.shape_cast %broadcast_in_dim3A_400 : vector<16x1xi32> to vector<16xi32>
          %gather3A_402 = tpu.dynamic_gather %select_n3A_339[%gather3A_401] in [0] : vector<16xf32>, vector<16xi32> -> vector<16xf32>
          %select_n3A_403 = arith.select %ne3A_22, %gather3A_399, %select_n3A_339 : vector<16xi1>, vector<16xf32>
          %select_n3A_404 = arith.select %ne3A_22, %select_n3A_347, %gather3A_402 : vector<16xi1>, vector<16xf32>
          %broadcast_in_dim3A_405 = vector.shape_cast %xor3A_6 : vector<16xi32> to vector<16x1xi32>
          %gather3A_406 = vector.shape_cast %broadcast_in_dim3A_405 : vector<16x1xi32> to vector<16xi32>
          %gather3A_407 = tpu.dynamic_gather %select_n3A_348[%gather3A_406] in [0] : vector<16xf32>, vector<16xi32> -> vector<16xf32>
          %broadcast_in_dim3A_408 = vector.shape_cast %xor3A_6 : vector<16xi32> to vector<16x1xi32>
          %gather3A_409 = vector.shape_cast %broadcast_in_dim3A_408 : vector<16x1xi32> to vector<16xi32>
          %gather3A_410 = tpu.dynamic_gather %select_n3A_340[%gather3A_409] in [0] : vector<16xf32>, vector<16xi32> -> vector<16xf32>
          %select_n3A_411 = arith.select %ne3A_22, %gather3A_407, %select_n3A_340 : vector<16xi1>, vector<16xf32>
          %select_n3A_412 = arith.select %ne3A_22, %select_n3A_348, %gather3A_410 : vector<16xi1>, vector<16xf32>
          %broadcast_in_dim3A_413 = vector.shape_cast %xor3A_9 : vector<16xi32> to vector<16x1xi32>
          %gather3A_414 = vector.shape_cast %broadcast_in_dim3A_413 : vector<16x1xi32> to vector<16xi32>
          %gather3A_415 = tpu.dynamic_gather %select_n3A_371[%gather3A_414] in [0] : vector<16xf32>, vector<16xi32> -> vector<16xf32>
          %broadcast_in_dim3A_416 = vector.shape_cast %xor3A_9 : vector<16xi32> to vector<16x1xi32>
          %gather3A_417 = vector.shape_cast %broadcast_in_dim3A_416 : vector<16x1xi32> to vector<16xi32>
          %gather3A_418 = tpu.dynamic_gather %select_n3A_355[%gather3A_417] in [0] : vector<16xf32>, vector<16xi32> -> vector<16xf32>
          %select_n3A_419 = arith.select %ne3A_28, %gather3A_415, %select_n3A_355 : vector<16xi1>, vector<16xf32>
          %select_n3A_420 = arith.select %ne3A_28, %select_n3A_371, %gather3A_418 : vector<16xi1>, vector<16xf32>
          %broadcast_in_dim3A_421 = vector.shape_cast %xor3A_9 : vector<16xi32> to vector<16x1xi32>
          %gather3A_422 = vector.shape_cast %broadcast_in_dim3A_421 : vector<16x1xi32> to vector<16xi32>
          %gather3A_423 = tpu.dynamic_gather %select_n3A_379[%gather3A_422] in [0] : vector<16xf32>, vector<16xi32> -> vector<16xf32>
          %broadcast_in_dim3A_424 = vector.shape_cast %xor3A_9 : vector<16xi32> to vector<16x1xi32>
          %gather3A_425 = vector.shape_cast %broadcast_in_dim3A_424 : vector<16x1xi32> to vector<16xi32>
          %gather3A_426 = tpu.dynamic_gather %select_n3A_363[%gather3A_425] in [0] : vector<16xf32>, vector<16xi32> -> vector<16xf32>
          %select_n3A_427 = arith.select %ne3A_28, %gather3A_423, %select_n3A_363 : vector<16xi1>, vector<16xf32>
          %select_n3A_428 = arith.select %ne3A_28, %select_n3A_379, %gather3A_426 : vector<16xi1>, vector<16xf32>
          %broadcast_in_dim3A_429 = vector.shape_cast %xor3A_9 : vector<16xi32> to vector<16x1xi32>
          %gather3A_430 = vector.shape_cast %broadcast_in_dim3A_429 : vector<16x1xi32> to vector<16xi32>
          %gather3A_431 = tpu.dynamic_gather %select_n3A_372[%gather3A_430] in [0] : vector<16xf32>, vector<16xi32> -> vector<16xf32>
          %broadcast_in_dim3A_432 = vector.shape_cast %xor3A_9 : vector<16xi32> to vector<16x1xi32>
          %gather3A_433 = vector.shape_cast %broadcast_in_dim3A_432 : vector<16x1xi32> to vector<16xi32>
          %gather3A_434 = tpu.dynamic_gather %select_n3A_356[%gather3A_433] in [0] : vector<16xf32>, vector<16xi32> -> vector<16xf32>
          %select_n3A_435 = arith.select %ne3A_28, %gather3A_431, %select_n3A_356 : vector<16xi1>, vector<16xf32>
          %select_n3A_436 = arith.select %ne3A_28, %select_n3A_372, %gather3A_434 : vector<16xi1>, vector<16xf32>
          %broadcast_in_dim3A_437 = vector.shape_cast %xor3A_9 : vector<16xi32> to vector<16x1xi32>
          %gather3A_438 = vector.shape_cast %broadcast_in_dim3A_437 : vector<16x1xi32> to vector<16xi32>
          %gather3A_439 = tpu.dynamic_gather %select_n3A_380[%gather3A_438] in [0] : vector<16xf32>, vector<16xi32> -> vector<16xf32>
          %broadcast_in_dim3A_440 = vector.shape_cast %xor3A_9 : vector<16xi32> to vector<16x1xi32>
          %gather3A_441 = vector.shape_cast %broadcast_in_dim3A_440 : vector<16x1xi32> to vector<16xi32>
          %gather3A_442 = tpu.dynamic_gather %select_n3A_364[%gather3A_441] in [0] : vector<16xf32>, vector<16xi32> -> vector<16xf32>
          %select_n3A_443 = arith.select %ne3A_28, %gather3A_439, %select_n3A_364 : vector<16xi1>, vector<16xf32>
          %select_n3A_444 = arith.select %ne3A_28, %select_n3A_380, %gather3A_442 : vector<16xi1>, vector<16xf32>
          %broadcast_in_dim3A_445 = vector.shape_cast %xor3A_9 : vector<16xi32> to vector<16x1xi32>
          %gather3A_446 = vector.shape_cast %broadcast_in_dim3A_445 : vector<16x1xi32> to vector<16xi32>
          %gather3A_447 = tpu.dynamic_gather %select_n3A_403[%gather3A_446] in [0] : vector<16xf32>, vector<16xi32> -> vector<16xf32>
          %broadcast_in_dim3A_448 = vector.shape_cast %xor3A_9 : vector<16xi32> to vector<16x1xi32>
          %gather3A_449 = vector.shape_cast %broadcast_in_dim3A_448 : vector<16x1xi32> to vector<16xi32>
          %gather3A_450 = tpu.dynamic_gather %select_n3A_387[%gather3A_449] in [0] : vector<16xf32>, vector<16xi32> -> vector<16xf32>
          %select_n3A_451 = arith.select %ne3A_28, %gather3A_447, %select_n3A_387 : vector<16xi1>, vector<16xf32>
          %select_n3A_452 = arith.select %ne3A_28, %select_n3A_403, %gather3A_450 : vector<16xi1>, vector<16xf32>
          %broadcast_in_dim3A_453 = vector.shape_cast %xor3A_9 : vector<16xi32> to vector<16x1xi32>
          %gather3A_454 = vector.shape_cast %broadcast_in_dim3A_453 : vector<16x1xi32> to vector<16xi32>
          %gather3A_455 = tpu.dynamic_gather %select_n3A_411[%gather3A_454] in [0] : vector<16xf32>, vector<16xi32> -> vector<16xf32>
          %broadcast_in_dim3A_456 = vector.shape_cast %xor3A_9 : vector<16xi32> to vector<16x1xi32>
          %gather3A_457 = vector.shape_cast %broadcast_in_dim3A_456 : vector<16x1xi32> to vector<16xi32>
          %gather3A_458 = tpu.dynamic_gather %select_n3A_395[%gather3A_457] in [0] : vector<16xf32>, vector<16xi32> -> vector<16xf32>
          %select_n3A_459 = arith.select %ne3A_28, %gather3A_455, %select_n3A_395 : vector<16xi1>, vector<16xf32>
          %select_n3A_460 = arith.select %ne3A_28, %select_n3A_411, %gather3A_458 : vector<16xi1>, vector<16xf32>
          %broadcast_in_dim3A_461 = vector.shape_cast %xor3A_9 : vector<16xi32> to vector<16x1xi32>
          %gather3A_462 = vector.shape_cast %broadcast_in_dim3A_461 : vector<16x1xi32> to vector<16xi32>
          %gather3A_463 = tpu.dynamic_gather %select_n3A_404[%gather3A_462] in [0] : vector<16xf32>, vector<16xi32> -> vector<16xf32>
          %broadcast_in_dim3A_464 = vector.shape_cast %xor3A_9 : vector<16xi32> to vector<16x1xi32>
          %gather3A_465 = vector.shape_cast %broadcast_in_dim3A_464 : vector<16x1xi32> to vector<16xi32>
          %gather3A_466 = tpu.dynamic_gather %select_n3A_388[%gather3A_465] in [0] : vector<16xf32>, vector<16xi32> -> vector<16xf32>
          %select_n3A_467 = arith.select %ne3A_28, %gather3A_463, %select_n3A_388 : vector<16xi1>, vector<16xf32>
          %select_n3A_468 = arith.select %ne3A_28, %select_n3A_404, %gather3A_466 : vector<16xi1>, vector<16xf32>
          %broadcast_in_dim3A_469 = vector.shape_cast %xor3A_9 : vector<16xi32> to vector<16x1xi32>
          %gather3A_470 = vector.shape_cast %broadcast_in_dim3A_469 : vector<16x1xi32> to vector<16xi32>
          %gather3A_471 = tpu.dynamic_gather %select_n3A_412[%gather3A_470] in [0] : vector<16xf32>, vector<16xi32> -> vector<16xf32>
          %broadcast_in_dim3A_472 = vector.shape_cast %xor3A_9 : vector<16xi32> to vector<16x1xi32>
          %gather3A_473 = vector.shape_cast %broadcast_in_dim3A_472 : vector<16x1xi32> to vector<16xi32>
          %gather3A_474 = tpu.dynamic_gather %select_n3A_396[%gather3A_473] in [0] : vector<16xf32>, vector<16xi32> -> vector<16xf32>
          %select_n3A_475 = arith.select %ne3A_28, %gather3A_471, %select_n3A_396 : vector<16xi1>, vector<16xf32>
          %select_n3A_476 = arith.select %ne3A_28, %select_n3A_412, %gather3A_474 : vector<16xi1>, vector<16xf32>
          %broadcast_in_dim3A_477 = vector.shape_cast %xor3A_12 : vector<16xi32> to vector<16x1xi32>
          %gather3A_478 = vector.shape_cast %broadcast_in_dim3A_477 : vector<16x1xi32> to vector<16xi32>
          %gather3A_479 = tpu.dynamic_gather %select_n3A_451[%gather3A_478] in [0] : vector<16xf32>, vector<16xi32> -> vector<16xf32>
          %broadcast_in_dim3A_480 = vector.shape_cast %xor3A_12 : vector<16xi32> to vector<16x1xi32>
          %gather3A_481 = vector.shape_cast %broadcast_in_dim3A_480 : vector<16x1xi32> to vector<16xi32>
          %gather3A_482 = tpu.dynamic_gather %select_n3A_419[%gather3A_481] in [0] : vector<16xf32>, vector<16xi32> -> vector<16xf32>
          %select_n3A_483 = arith.select %ne3A_34, %gather3A_479, %select_n3A_419 : vector<16xi1>, vector<16xf32>
          %select_n3A_484 = arith.select %ne3A_34, %select_n3A_451, %gather3A_482 : vector<16xi1>, vector<16xf32>
          %broadcast_in_dim3A_485 = vector.shape_cast %xor3A_12 : vector<16xi32> to vector<16x1xi32>
          %gather3A_486 = vector.shape_cast %broadcast_in_dim3A_485 : vector<16x1xi32> to vector<16xi32>
          %gather3A_487 = tpu.dynamic_gather %select_n3A_459[%gather3A_486] in [0] : vector<16xf32>, vector<16xi32> -> vector<16xf32>
          %broadcast_in_dim3A_488 = vector.shape_cast %xor3A_12 : vector<16xi32> to vector<16x1xi32>
          %gather3A_489 = vector.shape_cast %broadcast_in_dim3A_488 : vector<16x1xi32> to vector<16xi32>
          %gather3A_490 = tpu.dynamic_gather %select_n3A_427[%gather3A_489] in [0] : vector<16xf32>, vector<16xi32> -> vector<16xf32>
          %select_n3A_491 = arith.select %ne3A_34, %gather3A_487, %select_n3A_427 : vector<16xi1>, vector<16xf32>
          %select_n3A_492 = arith.select %ne3A_34, %select_n3A_459, %gather3A_490 : vector<16xi1>, vector<16xf32>
          %broadcast_in_dim3A_493 = vector.shape_cast %xor3A_12 : vector<16xi32> to vector<16x1xi32>
          %gather3A_494 = vector.shape_cast %broadcast_in_dim3A_493 : vector<16x1xi32> to vector<16xi32>
          %gather3A_495 = tpu.dynamic_gather %select_n3A_467[%gather3A_494] in [0] : vector<16xf32>, vector<16xi32> -> vector<16xf32>
          %broadcast_in_dim3A_496 = vector.shape_cast %xor3A_12 : vector<16xi32> to vector<16x1xi32>
          %gather3A_497 = vector.shape_cast %broadcast_in_dim3A_496 : vector<16x1xi32> to vector<16xi32>
          %gather3A_498 = tpu.dynamic_gather %select_n3A_435[%gather3A_497] in [0] : vector<16xf32>, vector<16xi32> -> vector<16xf32>
          %select_n3A_499 = arith.select %ne3A_34, %gather3A_495, %select_n3A_435 : vector<16xi1>, vector<16xf32>
          %select_n3A_500 = arith.select %ne3A_34, %select_n3A_467, %gather3A_498 : vector<16xi1>, vector<16xf32>
          %broadcast_in_dim3A_501 = vector.shape_cast %xor3A_12 : vector<16xi32> to vector<16x1xi32>
          %gather3A_502 = vector.shape_cast %broadcast_in_dim3A_501 : vector<16x1xi32> to vector<16xi32>
          %gather3A_503 = tpu.dynamic_gather %select_n3A_475[%gather3A_502] in [0] : vector<16xf32>, vector<16xi32> -> vector<16xf32>
          %broadcast_in_dim3A_504 = vector.shape_cast %xor3A_12 : vector<16xi32> to vector<16x1xi32>
          %gather3A_505 = vector.shape_cast %broadcast_in_dim3A_504 : vector<16x1xi32> to vector<16xi32>
          %gather3A_506 = tpu.dynamic_gather %select_n3A_443[%gather3A_505] in [0] : vector<16xf32>, vector<16xi32> -> vector<16xf32>
          %select_n3A_507 = arith.select %ne3A_34, %gather3A_503, %select_n3A_443 : vector<16xi1>, vector<16xf32>
          %select_n3A_508 = arith.select %ne3A_34, %select_n3A_475, %gather3A_506 : vector<16xi1>, vector<16xf32>
          %broadcast_in_dim3A_509 = vector.shape_cast %xor3A_12 : vector<16xi32> to vector<16x1xi32>
          %gather3A_510 = vector.shape_cast %broadcast_in_dim3A_509 : vector<16x1xi32> to vector<16xi32>
          %gather3A_511 = tpu.dynamic_gather %select_n3A_452[%gather3A_510] in [0] : vector<16xf32>, vector<16xi32> -> vector<16xf32>
          %broadcast_in_dim3A_512 = vector.shape_cast %xor3A_12 : vector<16xi32> to vector<16x1xi32>
          %gather3A_513 = vector.shape_cast %broadcast_in_dim3A_512 : vector<16x1xi32> to vector<16xi32>
          %gather3A_514 = tpu.dynamic_gather %select_n3A_420[%gather3A_513] in [0] : vector<16xf32>, vector<16xi32> -> vector<16xf32>
          %select_n3A_515 = arith.select %ne3A_34, %gather3A_511, %select_n3A_420 : vector<16xi1>, vector<16xf32>
          %select_n3A_516 = arith.select %ne3A_34, %select_n3A_452, %gather3A_514 : vector<16xi1>, vector<16xf32>
          %broadcast_in_dim3A_517 = vector.shape_cast %xor3A_12 : vector<16xi32> to vector<16x1xi32>
          %gather3A_518 = vector.shape_cast %broadcast_in_dim3A_517 : vector<16x1xi32> to vector<16xi32>
          %gather3A_519 = tpu.dynamic_gather %select_n3A_460[%gather3A_518] in [0] : vector<16xf32>, vector<16xi32> -> vector<16xf32>
          %broadcast_in_dim3A_520 = vector.shape_cast %xor3A_12 : vector<16xi32> to vector<16x1xi32>
          %gather3A_521 = vector.shape_cast %broadcast_in_dim3A_520 : vector<16x1xi32> to vector<16xi32>
          %gather3A_522 = tpu.dynamic_gather %select_n3A_428[%gather3A_521] in [0] : vector<16xf32>, vector<16xi32> -> vector<16xf32>
          %select_n3A_523 = arith.select %ne3A_34, %gather3A_519, %select_n3A_428 : vector<16xi1>, vector<16xf32>
          %select_n3A_524 = arith.select %ne3A_34, %select_n3A_460, %gather3A_522 : vector<16xi1>, vector<16xf32>
          %broadcast_in_dim3A_525 = vector.shape_cast %xor3A_12 : vector<16xi32> to vector<16x1xi32>
          %gather3A_526 = vector.shape_cast %broadcast_in_dim3A_525 : vector<16x1xi32> to vector<16xi32>
          %gather3A_527 = tpu.dynamic_gather %select_n3A_468[%gather3A_526] in [0] : vector<16xf32>, vector<16xi32> -> vector<16xf32>
          %broadcast_in_dim3A_528 = vector.shape_cast %xor3A_12 : vector<16xi32> to vector<16x1xi32>
          %gather3A_529 = vector.shape_cast %broadcast_in_dim3A_528 : vector<16x1xi32> to vector<16xi32>
          %gather3A_530 = tpu.dynamic_gather %select_n3A_436[%gather3A_529] in [0] : vector<16xf32>, vector<16xi32> -> vector<16xf32>
          %select_n3A_531 = arith.select %ne3A_34, %gather3A_527, %select_n3A_436 : vector<16xi1>, vector<16xf32>
          %select_n3A_532 = arith.select %ne3A_34, %select_n3A_468, %gather3A_530 : vector<16xi1>, vector<16xf32>
          %broadcast_in_dim3A_533 = vector.shape_cast %xor3A_12 : vector<16xi32> to vector<16x1xi32>
          %gather3A_534 = vector.shape_cast %broadcast_in_dim3A_533 : vector<16x1xi32> to vector<16xi32>
          %gather3A_535 = tpu.dynamic_gather %select_n3A_476[%gather3A_534] in [0] : vector<16xf32>, vector<16xi32> -> vector<16xf32>
          %broadcast_in_dim3A_536 = vector.shape_cast %xor3A_12 : vector<16xi32> to vector<16x1xi32>
          %gather3A_537 = vector.shape_cast %broadcast_in_dim3A_536 : vector<16x1xi32> to vector<16xi32>
          %gather3A_538 = tpu.dynamic_gather %select_n3A_444[%gather3A_537] in [0] : vector<16xf32>, vector<16xi32> -> vector<16xf32>
          %select_n3A_539 = arith.select %ne3A_34, %gather3A_535, %select_n3A_444 : vector<16xi1>, vector<16xf32>
          %select_n3A_540 = arith.select %ne3A_34, %select_n3A_476, %gather3A_538 : vector<16xi1>, vector<16xf32>
          %mul3A_541 = arith.constant 16 : i32
          %mul3A_542 = arith.muli %scan3A_190, %mul3A_541 : i32
          %add3A_543 = arith.constant 0 : i32
          %add3A_544 = arith.addi %mul3A_542, %add3A_543 : i32
          %swap3A = arith.index_cast %add3A_544 : i32 to index
          %swap3A_545 = arith.index_cast %sub3A_183 : i32 to index
          %swap3A_546 = tpu.vector_load %arg5[%swap3A, %swap3A_545] {strides = array<i32>} : memref<768x128xf32, #tpu.memory_space<vmem>>, vector<16xf32>,
          tpu.vector_store %arg5[%swap3A, %swap3A_545], %select_n3A_483 {strides = array<i32>} : memref<768x128xf32, #tpu.memory_space<vmem>>, vector<16xf32>,
          %mul3A_547 = arith.constant 16 : i32
          %mul3A_548 = arith.muli %scan3A_190, %mul3A_547 : i32
          %add3A_549 = arith.constant 1 : i32
          %add3A_550 = arith.addi %mul3A_548, %add3A_549 : i32
          %swap3A_551 = arith.index_cast %add3A_550 : i32 to index
          %swap3A_552 = arith.index_cast %sub3A_183 : i32 to index
          %swap3A_553 = tpu.vector_load %arg5[%swap3A_551, %swap3A_552] {strides = array<i32>} : memref<768x128xf32, #tpu.memory_space<vmem>>, vector<16xf32>,
          tpu.vector_store %arg5[%swap3A_551, %swap3A_552], %select_n3A_491 {strides = array<i32>} : memref<768x128xf32, #tpu.memory_space<vmem>>, vector<16xf32>,
          %mul3A_554 = arith.constant 16 : i32
          %mul3A_555 = arith.muli %scan3A_190, %mul3A_554 : i32
          %add3A_556 = arith.constant 2 : i32
          %add3A_557 = arith.addi %mul3A_555, %add3A_556 : i32
          %swap3A_558 = arith.index_cast %add3A_557 : i32 to index
          %swap3A_559 = arith.index_cast %sub3A_183 : i32 to index
          %swap3A_560 = tpu.vector_load %arg5[%swap3A_558, %swap3A_559] {strides = array<i32>} : memref<768x128xf32, #tpu.memory_space<vmem>>, vector<16xf32>,
          tpu.vector_store %arg5[%swap3A_558, %swap3A_559], %select_n3A_499 {strides = array<i32>} : memref<768x128xf32, #tpu.memory_space<vmem>>, vector<16xf32>,
          %mul3A_561 = arith.constant 16 : i32
          %mul3A_562 = arith.muli %scan3A_190, %mul3A_561 : i32
          %add3A_563 = arith.constant 3 : i32
          %add3A_564 = arith.addi %mul3A_562, %add3A_563 : i32
          %swap3A_565 = arith.index_cast %add3A_564 : i32 to index
          %swap3A_566 = arith.index_cast %sub3A_183 : i32 to index
          %swap3A_567 = tpu.vector_load %arg5[%swap3A_565, %swap3A_566] {strides = array<i32>} : memref<768x128xf32, #tpu.memory_space<vmem>>, vector<16xf32>,
          tpu.vector_store %arg5[%swap3A_565, %swap3A_566], %select_n3A_507 {strides = array<i32>} : memref<768x128xf32, #tpu.memory_space<vmem>>, vector<16xf32>,
          %mul3A_568 = arith.constant 16 : i32
          %mul3A_569 = arith.muli %scan3A_190, %mul3A_568 : i32
          %add3A_570 = arith.constant 4 : i32
          %add3A_571 = arith.addi %mul3A_569, %add3A_570 : i32
          %swap3A_572 = arith.index_cast %add3A_571 : i32 to index
          %swap3A_573 = arith.index_cast %sub3A_183 : i32 to index
          %swap3A_574 = tpu.vector_load %arg5[%swap3A_572, %swap3A_573] {strides = array<i32>} : memref<768x128xf32, #tpu.memory_space<vmem>>, vector<16xf32>,
          tpu.vector_store %arg5[%swap3A_572, %swap3A_573], %select_n3A_515 {strides = array<i32>} : memref<768x128xf32, #tpu.memory_space<vmem>>, vector<16xf32>,
          %mul3A_575 = arith.constant 16 : i32
          %mul3A_576 = arith.muli %scan3A_190, %mul3A_575 : i32
          %add3A_577 = arith.constant 5 : i32
          %add3A_578 = arith.addi %mul3A_576, %add3A_577 : i32
          %swap3A_579 = arith.index_cast %add3A_578 : i32 to index
          %swap3A_580 = arith.index_cast %sub3A_183 : i32 to index
          %swap3A_581 = tpu.vector_load %arg5[%swap3A_579, %swap3A_580] {strides = array<i32>} : memref<768x128xf32, #tpu.memory_space<vmem>>, vector<16xf32>,
          tpu.vector_store %arg5[%swap3A_579, %swap3A_580], %select_n3A_523 {strides = array<i32>} : memref<768x128xf32, #tpu.memory_space<vmem>>, vector<16xf32>,
          %mul3A_582 = arith.constant 16 : i32
          %mul3A_583 = arith.muli %scan3A_190, %mul3A_582 : i32
          %add3A_584 = arith.constant 6 : i32
          %add3A_585 = arith.addi %mul3A_583, %add3A_584 : i32
          %swap3A_586 = arith.index_cast %add3A_585 : i32 to index
          %swap3A_587 = arith.index_cast %sub3A_183 : i32 to index
          %swap3A_588 = tpu.vector_load %arg5[%swap3A_586, %swap3A_587] {strides = array<i32>} : memref<768x128xf32, #tpu.memory_space<vmem>>, vector<16xf32>,
          tpu.vector_store %arg5[%swap3A_586, %swap3A_587], %select_n3A_531 {strides = array<i32>} : memref<768x128xf32, #tpu.memory_space<vmem>>, vector<16xf32>,
          %mul3A_589 = arith.constant 16 : i32
          %mul3A_590 = arith.muli %scan3A_190, %mul3A_589 : i32
          %add3A_591 = arith.constant 7 : i32
          %add3A_592 = arith.addi %mul3A_590, %add3A_591 : i32
          %swap3A_593 = arith.index_cast %add3A_592 : i32 to index
          %swap3A_594 = arith.index_cast %sub3A_183 : i32 to index
          %swap3A_595 = tpu.vector_load %arg5[%swap3A_593, %swap3A_594] {strides = array<i32>} : memref<768x128xf32, #tpu.memory_space<vmem>>, vector<16xf32>,
          tpu.vector_store %arg5[%swap3A_593, %swap3A_594], %select_n3A_539 {strides = array<i32>} : memref<768x128xf32, #tpu.memory_space<vmem>>, vector<16xf32>,
          %mul3A_596 = arith.constant 16 : i32
          %mul3A_597 = arith.muli %scan3A_190, %mul3A_596 : i32
          %add3A_598 = arith.constant 8 : i32
          %add3A_599 = arith.addi %mul3A_597, %add3A_598 : i32
          %swap3A_600 = arith.index_cast %add3A_599 : i32 to index
          %swap3A_601 = arith.index_cast %sub3A_183 : i32 to index
          %swap3A_602 = tpu.vector_load %arg5[%swap3A_600, %swap3A_601] {strides = array<i32>} : memref<768x128xf32, #tpu.memory_space<vmem>>, vector<16xf32>,
          tpu.vector_store %arg5[%swap3A_600, %swap3A_601], %select_n3A_484 {strides = array<i32>} : memref<768x128xf32, #tpu.memory_space<vmem>>, vector<16xf32>,
          %mul3A_603 = arith.constant 16 : i32
          %mul3A_604 = arith.muli %scan3A_190, %mul3A_603 : i32
          %add3A_605 = arith.constant 9 : i32
          %add3A_606 = arith.addi %mul3A_604, %add3A_605 : i32
          %swap3A_607 = arith.index_cast %add3A_606 : i32 to index
          %swap3A_608 = arith.index_cast %sub3A_183 : i32 to index
          %swap3A_609 = tpu.vector_load %arg5[%swap3A_607, %swap3A_608] {strides = array<i32>} : memref<768x128xf32, #tpu.memory_space<vmem>>, vector<16xf32>,
          tpu.vector_store %arg5[%swap3A_607, %swap3A_608], %select_n3A_492 {strides = array<i32>} : memref<768x128xf32, #tpu.memory_space<vmem>>, vector<16xf32>,
          %mul3A_610 = arith.constant 16 : i32
          %mul3A_611 = arith.muli %scan3A_190, %mul3A_610 : i32
          %add3A_612 = arith.constant 10 : i32
          %add3A_613 = arith.addi %mul3A_611, %add3A_612 : i32
          %swap3A_614 = arith.index_cast %add3A_613 : i32 to index
          %swap3A_615 = arith.index_cast %sub3A_183 : i32 to index
          %swap3A_616 = tpu.vector_load %arg5[%swap3A_614, %swap3A_615] {strides = array<i32>} : memref<768x128xf32, #tpu.memory_space<vmem>>, vector<16xf32>,
          tpu.vector_store %arg5[%swap3A_614, %swap3A_615], %select_n3A_500 {strides = array<i32>} : memref<768x128xf32, #tpu.memory_space<vmem>>, vector<16xf32>,
          %mul3A_617 = arith.constant 16 : i32
          %mul3A_618 = arith.muli %scan3A_190, %mul3A_617 : i32
          %add3A_619 = arith.constant 11 : i32
          %add3A_620 = arith.addi %mul3A_618, %add3A_619 : i32
          %swap3A_621 = arith.index_cast %add3A_620 : i32 to index
          %swap3A_622 = arith.index_cast %sub3A_183 : i32 to index
          %swap3A_623 = tpu.vector_load %arg5[%swap3A_621, %swap3A_622] {strides = array<i32>} : memref<768x128xf32, #tpu.memory_space<vmem>>, vector<16xf32>,
          tpu.vector_store %arg5[%swap3A_621, %swap3A_622], %select_n3A_508 {strides = array<i32>} : memref<768x128xf32, #tpu.memory_space<vmem>>, vector<16xf32>,
          %mul3A_624 = arith.constant 16 : i32
          %mul3A_625 = arith.muli %scan3A_190, %mul3A_624 : i32
          %add3A_626 = arith.constant 12 : i32
          %add3A_627 = arith.addi %mul3A_625, %add3A_626 : i32
          %swap3A_628 = arith.index_cast %add3A_627 : i32 to index
          %swap3A_629 = arith.index_cast %sub3A_183 : i32 to index
          %swap3A_630 = tpu.vector_load %arg5[%swap3A_628, %swap3A_629] {strides = array<i32>} : memref<768x128xf32, #tpu.memory_space<vmem>>, vector<16xf32>,
          tpu.vector_store %arg5[%swap3A_628, %swap3A_629], %select_n3A_516 {strides = array<i32>} : memref<768x128xf32, #tpu.memory_space<vmem>>, vector<16xf32>,
          %mul3A_631 = arith.constant 16 : i32
          %mul3A_632 = arith.muli %scan3A_190, %mul3A_631 : i32
          %add3A_633 = arith.constant 13 : i32
          %add3A_634 = arith.addi %mul3A_632, %add3A_633 : i32
          %swap3A_635 = arith.index_cast %add3A_634 : i32 to index
          %swap3A_636 = arith.index_cast %sub3A_183 : i32 to index
          %swap3A_637 = tpu.vector_load %arg5[%swap3A_635, %swap3A_636] {strides = array<i32>} : memref<768x128xf32, #tpu.memory_space<vmem>>, vector<16xf32>,
          tpu.vector_store %arg5[%swap3A_635, %swap3A_636], %select_n3A_524 {strides = array<i32>} : memref<768x128xf32, #tpu.memory_space<vmem>>, vector<16xf32>,
          %mul3A_638 = arith.constant 16 : i32
          %mul3A_639 = arith.muli %scan3A_190, %mul3A_638 : i32
          %add3A_640 = arith.constant 14 : i32
          %add3A_641 = arith.addi %mul3A_639, %add3A_640 : i32
          %swap3A_642 = arith.index_cast %add3A_641 : i32 to index
          %swap3A_643 = arith.index_cast %sub3A_183 : i32 to index
          %swap3A_644 = tpu.vector_load %arg5[%swap3A_642, %swap3A_643] {strides = array<i32>} : memref<768x128xf32, #tpu.memory_space<vmem>>, vector<16xf32>,
          tpu.vector_store %arg5[%swap3A_642, %swap3A_643], %select_n3A_532 {strides = array<i32>} : memref<768x128xf32, #tpu.memory_space<vmem>>, vector<16xf32>,
          %mul3A_645 = arith.constant 16 : i32
          %mul3A_646 = arith.muli %scan3A_190, %mul3A_645 : i32
          %add3A_647 = arith.constant 15 : i32
          %add3A_648 = arith.addi %mul3A_646, %add3A_647 : i32
          %swap3A_649 = arith.index_cast %add3A_648 : i32 to index
          %swap3A_650 = arith.index_cast %sub3A_183 : i32 to index
          %swap3A_651 = tpu.vector_load %arg5[%swap3A_649, %swap3A_650] {strides = array<i32>} : memref<768x128xf32, #tpu.memory_space<vmem>>, vector<16xf32>,
          tpu.vector_store %arg5[%swap3A_649, %swap3A_650], %select_n3A_540 {strides = array<i32>} : memref<768x128xf32, #tpu.memory_space<vmem>>, vector<16xf32>,
        }
        %scan3A_189 = arith.constant 48 : i32
      } else {
      }
      %jit3A_126 = arith.constant 16 : i32
      %div3A_127 = arith.divsi %add3A_117, %jit3A_126 : i32
      %sign3A_128 = arith.constant 0 : i32
      %sign3A_129 = arith.cmpi sgt, %add3A_117, %sign3A_128 : i32
      %sign3A_130 = arith.extui %sign3A_129 : i1 to i32
      %sign3A_131 = arith.constant 0 : i32
      %sign3A_132 = arith.cmpi slt, %add3A_117, %sign3A_131 : i32
      %sign3A_133 = arith.extui %sign3A_132 : i1 to i32
      %sign3A_134 = arith.subi %sign3A_130, %sign3A_133 : i32
      %sign3A_135 = arith.constant 0 : i32
      %sign3A_136 = arith.cmpi sgt, %jit3A_126, %sign3A_135 : i32
      %sign3A_137 = arith.extui %sign3A_136 : i1 to i32
      %sign3A_138 = arith.constant 0 : i32
      %sign3A_139 = arith.cmpi slt, %jit3A_126, %sign3A_138 : i32
      %sign3A_140 = arith.extui %sign3A_139 : i1 to i32
      %sign3A_141 = arith.subi %sign3A_137, %sign3A_140 : i32
      %ne3A_142 = arith.cmpi ne, %sign3A_134, %sign3A_141 : i32
      %rem3A_143 = arith.remsi %add3A_117, %jit3A_126 : i32
      %ne3A_144 = arith.constant 0 : i32
      %ne3A_145 = arith.cmpi ne, %rem3A_143, %ne3A_144 : i32
      %and3A_146 = arith.andi %ne3A_142, %ne3A_145 : i1
      %sub3A_147 = arith.constant 1 : i32
      %sub3A_148 = arith.subi %div3A_127, %sub3A_147 : i32
      %select_n3A_149 = arith.select %and3A_146, %sub3A_148, %div3A_127 : i32
      %while3A = arith.constant 0 : i32
      %while3A_150 = arith.constant 8 : i32
      %while3A_151 = arith.subi %while3A_150, %select_n3A_149 : i32
      %while3A_152 = arith.addi %select_n3A_149, %while3A_151 : i32
      %while3A_153 = arith.constant 1 : i32
      %while3A_154 = arith.divsi %while3A_151, %while3A_153 : i32
      %while3A_155 = arith.muli %while3A_154, %while3A_153 : i32
      %while3A_156 = arith.addi %select_n3A_149, %while3A_155 : i32
      %while3A_157 = arith.constant 1 : i32
      scf.for %while3A_173 = %select_n3A_149 to %while3A_156 step %while3A_157  : i32 {
        %scan3A_174 = arith.constant 0 : i32
        %scan3A_175 = arith.constant 0 : i32
        %scan3A_176 = arith.constant 48 : i32
        %scan3A_177 = arith.addi %scan3A_175, %scan3A_176 : i32
        %scan3A_178 = arith.constant 1 : i32
        scf.for %scan3A_180 = %scan3A_175 to %scan3A_177 step %scan3A_178  : i32 {
          %mul3A_181 = arith.constant 16 : i32
          %mul3A_182 = arith.muli %scan3A_180, %mul3A_181 : i32
          %add3A_183 = arith.constant 0 : i32
          %add3A_184 = arith.addi %mul3A_182, %add3A_183 : i32
          %mul3A_185 = arith.constant 16 : i32
          %mul3A_186 = arith.muli %while3A_173, %mul3A_185 : i32
          %swap3A = arith.index_cast %add3A_184 : i32 to index
          %swap3A_187 = arith.index_cast %mul3A_186 : i32 to index
          %swap3A_188 = tpu.vector_load %arg5[%swap3A, %swap3A_187] {strides = array<i32>} : memref<768x128xf32, #tpu.memory_space<vmem>>, vector<16xf32>,
          tpu.vector_store %arg5[%swap3A, %swap3A_187], %broadcast_in_dim3A_1 {strides = array<i32>} : memref<768x128xf32, #tpu.memory_space<vmem>>, vector<16xf32>,
          %mul3A_189 = arith.constant 16 : i32
          %mul3A_190 = arith.muli %scan3A_180, %mul3A_189 : i32
          %add3A_191 = arith.constant 1 : i32
          %add3A_192 = arith.addi %mul3A_190, %add3A_191 : i32
          %mul3A_193 = arith.constant 16 : i32
          %mul3A_194 = arith.muli %while3A_173, %mul3A_193 : i32
          %swap3A_195 = arith.index_cast %add3A_192 : i32 to index
          %swap3A_196 = arith.index_cast %mul3A_194 : i32 to index
          %swap3A_197 = tpu.vector_load %arg5[%swap3A_195, %swap3A_196] {strides = array<i32>} : memref<768x128xf32, #tpu.memory_space<vmem>>, vector<16xf32>,
          tpu.vector_store %arg5[%swap3A_195, %swap3A_196], %broadcast_in_dim3A_1 {strides = array<i32>} : memref<768x128xf32, #tpu.memory_space<vmem>>, vector<16xf32>,
          %mul3A_198 = arith.constant 16 : i32
          %mul3A_199 = arith.muli %scan3A_180, %mul3A_198 : i32
          %add3A_200 = arith.constant 2 : i32
          %add3A_201 = arith.addi %mul3A_199, %add3A_200 : i32
          %mul3A_202 = arith.constant 16 : i32
          %mul3A_203 = arith.muli %while3A_173, %mul3A_202 : i32
          %swap3A_204 = arith.index_cast %add3A_201 : i32 to index
          %swap3A_205 = arith.index_cast %mul3A_203 : i32 to index
          %swap3A_206 = tpu.vector_load %arg5[%swap3A_204, %swap3A_205] {strides = array<i32>} : memref<768x128xf32, #tpu.memory_space<vmem>>, vector<16xf32>,
          tpu.vector_store %arg5[%swap3A_204, %swap3A_205], %broadcast_in_dim3A_1 {strides = array<i32>} : memref<768x128xf32, #tpu.memory_space<vmem>>, vector<16xf32>,
          %mul3A_207 = arith.constant 16 : i32
          %mul3A_208 = arith.muli %scan3A_180, %mul3A_207 : i32
          %add3A_209 = arith.constant 3 : i32
          %add3A_210 = arith.addi %mul3A_208, %add3A_209 : i32
          %mul3A_211 = arith.constant 16 : i32
          %mul3A_212 = arith.muli %while3A_173, %mul3A_211 : i32
          %swap3A_213 = arith.index_cast %add3A_210 : i32 to index
          %swap3A_214 = arith.index_cast %mul3A_212 : i32 to index
          %swap3A_215 = tpu.vector_load %arg5[%swap3A_213, %swap3A_214] {strides = array<i32>} : memref<768x128xf32, #tpu.memory_space<vmem>>, vector<16xf32>,
          tpu.vector_store %arg5[%swap3A_213, %swap3A_214], %broadcast_in_dim3A_1 {strides = array<i32>} : memref<768x128xf32, #tpu.memory_space<vmem>>, vector<16xf32>,
          %mul3A_216 = arith.constant 16 : i32
          %mul3A_217 = arith.muli %scan3A_180, %mul3A_216 : i32
          %add3A_218 = arith.constant 4 : i32
          %add3A_219 = arith.addi %mul3A_217, %add3A_218 : i32
          %mul3A_220 = arith.constant 16 : i32
          %mul3A_221 = arith.muli %while3A_173, %mul3A_220 : i32
          %swap3A_222 = arith.index_cast %add3A_219 : i32 to index
          %swap3A_223 = arith.index_cast %mul3A_221 : i32 to index
          %swap3A_224 = tpu.vector_load %arg5[%swap3A_222, %swap3A_223] {strides = array<i32>} : memref<768x128xf32, #tpu.memory_space<vmem>>, vector<16xf32>,
          tpu.vector_store %arg5[%swap3A_222, %swap3A_223], %broadcast_in_dim3A_1 {strides = array<i32>} : memref<768x128xf32, #tpu.memory_space<vmem>>, vector<16xf32>,
          %mul3A_225 = arith.constant 16 : i32
          %mul3A_226 = arith.muli %scan3A_180, %mul3A_225 : i32
          %add3A_227 = arith.constant 5 : i32
          %add3A_228 = arith.addi %mul3A_226, %add3A_227 : i32
          %mul3A_229 = arith.constant 16 : i32
          %mul3A_230 = arith.muli %while3A_173, %mul3A_229 : i32
          %swap3A_231 = arith.index_cast %add3A_228 : i32 to index
          %swap3A_232 = arith.index_cast %mul3A_230 : i32 to index
          %swap3A_233 = tpu.vector_load %arg5[%swap3A_231, %swap3A_232] {strides = array<i32>} : memref<768x128xf32, #tpu.memory_space<vmem>>, vector<16xf32>,
          tpu.vector_store %arg5[%swap3A_231, %swap3A_232], %broadcast_in_dim3A_1 {strides = array<i32>} : memref<768x128xf32, #tpu.memory_space<vmem>>, vector<16xf32>,
          %mul3A_234 = arith.constant 16 : i32
          %mul3A_235 = arith.muli %scan3A_180, %mul3A_234 : i32
          %add3A_236 = arith.constant 6 : i32
          %add3A_237 = arith.addi %mul3A_235, %add3A_236 : i32
          %mul3A_238 = arith.constant 16 : i32
          %mul3A_239 = arith.muli %while3A_173, %mul3A_238 : i32
          %swap3A_240 = arith.index_cast %add3A_237 : i32 to index
          %swap3A_241 = arith.index_cast %mul3A_239 : i32 to index
          %swap3A_242 = tpu.vector_load %arg5[%swap3A_240, %swap3A_241] {strides = array<i32>} : memref<768x128xf32, #tpu.memory_space<vmem>>, vector<16xf32>,
          tpu.vector_store %arg5[%swap3A_240, %swap3A_241], %broadcast_in_dim3A_1 {strides = array<i32>} : memref<768x128xf32, #tpu.memory_space<vmem>>, vector<16xf32>,
          %mul3A_243 = arith.constant 16 : i32
          %mul3A_244 = arith.muli %scan3A_180, %mul3A_243 : i32
          %add3A_245 = arith.constant 7 : i32
          %add3A_246 = arith.addi %mul3A_244, %add3A_245 : i32
          %mul3A_247 = arith.constant 16 : i32
          %mul3A_248 = arith.muli %while3A_173, %mul3A_247 : i32
          %swap3A_249 = arith.index_cast %add3A_246 : i32 to index
          %swap3A_250 = arith.index_cast %mul3A_248 : i32 to index
          %swap3A_251 = tpu.vector_load %arg5[%swap3A_249, %swap3A_250] {strides = array<i32>} : memref<768x128xf32, #tpu.memory_space<vmem>>, vector<16xf32>,
          tpu.vector_store %arg5[%swap3A_249, %swap3A_250], %broadcast_in_dim3A_1 {strides = array<i32>} : memref<768x128xf32, #tpu.memory_space<vmem>>, vector<16xf32>,
          %mul3A_252 = arith.constant 16 : i32
          %mul3A_253 = arith.muli %scan3A_180, %mul3A_252 : i32
          %add3A_254 = arith.constant 8 : i32
          %add3A_255 = arith.addi %mul3A_253, %add3A_254 : i32
          %mul3A_256 = arith.constant 16 : i32
          %mul3A_257 = arith.muli %while3A_173, %mul3A_256 : i32
          %swap3A_258 = arith.index_cast %add3A_255 : i32 to index
          %swap3A_259 = arith.index_cast %mul3A_257 : i32 to index
          %swap3A_260 = tpu.vector_load %arg5[%swap3A_258, %swap3A_259] {strides = array<i32>} : memref<768x128xf32, #tpu.memory_space<vmem>>, vector<16xf32>,
          tpu.vector_store %arg5[%swap3A_258, %swap3A_259], %broadcast_in_dim3A_1 {strides = array<i32>} : memref<768x128xf32, #tpu.memory_space<vmem>>, vector<16xf32>,
          %mul3A_261 = arith.constant 16 : i32
          %mul3A_262 = arith.muli %scan3A_180, %mul3A_261 : i32
          %add3A_263 = arith.constant 9 : i32
          %add3A_264 = arith.addi %mul3A_262, %add3A_263 : i32
          %mul3A_265 = arith.constant 16 : i32
          %mul3A_266 = arith.muli %while3A_173, %mul3A_265 : i32
          %swap3A_267 = arith.index_cast %add3A_264 : i32 to index
          %swap3A_268 = arith.index_cast %mul3A_266 : i32 to index
          %swap3A_269 = tpu.vector_load %arg5[%swap3A_267, %swap3A_268] {strides = array<i32>} : memref<768x128xf32, #tpu.memory_space<vmem>>, vector<16xf32>,
          tpu.vector_store %arg5[%swap3A_267, %swap3A_268], %broadcast_in_dim3A_1 {strides = array<i32>} : memref<768x128xf32, #tpu.memory_space<vmem>>, vector<16xf32>,
          %mul3A_270 = arith.constant 16 : i32
          %mul3A_271 = arith.muli %scan3A_180, %mul3A_270 : i32
          %add3A_272 = arith.constant 10 : i32
          %add3A_273 = arith.addi %mul3A_271, %add3A_272 : i32
          %mul3A_274 = arith.constant 16 : i32
          %mul3A_275 = arith.muli %while3A_173, %mul3A_274 : i32
          %swap3A_276 = arith.index_cast %add3A_273 : i32 to index
          %swap3A_277 = arith.index_cast %mul3A_275 : i32 to index
          %swap3A_278 = tpu.vector_load %arg5[%swap3A_276, %swap3A_277] {strides = array<i32>} : memref<768x128xf32, #tpu.memory_space<vmem>>, vector<16xf32>,
          tpu.vector_store %arg5[%swap3A_276, %swap3A_277], %broadcast_in_dim3A_1 {strides = array<i32>} : memref<768x128xf32, #tpu.memory_space<vmem>>, vector<16xf32>,
          %mul3A_279 = arith.constant 16 : i32
          %mul3A_280 = arith.muli %scan3A_180, %mul3A_279 : i32
          %add3A_281 = arith.constant 11 : i32
          %add3A_282 = arith.addi %mul3A_280, %add3A_281 : i32
          %mul3A_283 = arith.constant 16 : i32
          %mul3A_284 = arith.muli %while3A_173, %mul3A_283 : i32
          %swap3A_285 = arith.index_cast %add3A_282 : i32 to index
          %swap3A_286 = arith.index_cast %mul3A_284 : i32 to index
          %swap3A_287 = tpu.vector_load %arg5[%swap3A_285, %swap3A_286] {strides = array<i32>} : memref<768x128xf32, #tpu.memory_space<vmem>>, vector<16xf32>,
          tpu.vector_store %arg5[%swap3A_285, %swap3A_286], %broadcast_in_dim3A_1 {strides = array<i32>} : memref<768x128xf32, #tpu.memory_space<vmem>>, vector<16xf32>,
          %mul3A_288 = arith.constant 16 : i32
          %mul3A_289 = arith.muli %scan3A_180, %mul3A_288 : i32
          %add3A_290 = arith.constant 12 : i32
          %add3A_291 = arith.addi %mul3A_289, %add3A_290 : i32
          %mul3A_292 = arith.constant 16 : i32
          %mul3A_293 = arith.muli %while3A_173, %mul3A_292 : i32
          %swap3A_294 = arith.index_cast %add3A_291 : i32 to index
          %swap3A_295 = arith.index_cast %mul3A_293 : i32 to index
          %swap3A_296 = tpu.vector_load %arg5[%swap3A_294, %swap3A_295] {strides = array<i32>} : memref<768x128xf32, #tpu.memory_space<vmem>>, vector<16xf32>,
          tpu.vector_store %arg5[%swap3A_294, %swap3A_295], %broadcast_in_dim3A_1 {strides = array<i32>} : memref<768x128xf32, #tpu.memory_space<vmem>>, vector<16xf32>,
          %mul3A_297 = arith.constant 16 : i32
          %mul3A_298 = arith.muli %scan3A_180, %mul3A_297 : i32
          %add3A_299 = arith.constant 13 : i32
          %add3A_300 = arith.addi %mul3A_298, %add3A_299 : i32
          %mul3A_301 = arith.constant 16 : i32
          %mul3A_302 = arith.muli %while3A_173, %mul3A_301 : i32
          %swap3A_303 = arith.index_cast %add3A_300 : i32 to index
          %swap3A_304 = arith.index_cast %mul3A_302 : i32 to index
          %swap3A_305 = tpu.vector_load %arg5[%swap3A_303, %swap3A_304] {strides = array<i32>} : memref<768x128xf32, #tpu.memory_space<vmem>>, vector<16xf32>,
          tpu.vector_store %arg5[%swap3A_303, %swap3A_304], %broadcast_in_dim3A_1 {strides = array<i32>} : memref<768x128xf32, #tpu.memory_space<vmem>>, vector<16xf32>,
          %mul3A_306 = arith.constant 16 : i32
          %mul3A_307 = arith.muli %scan3A_180, %mul3A_306 : i32
          %add3A_308 = arith.constant 14 : i32
          %add3A_309 = arith.addi %mul3A_307, %add3A_308 : i32
          %mul3A_310 = arith.constant 16 : i32
          %mul3A_311 = arith.muli %while3A_173, %mul3A_310 : i32
          %swap3A_312 = arith.index_cast %add3A_309 : i32 to index
          %swap3A_313 = arith.index_cast %mul3A_311 : i32 to index
          %swap3A_314 = tpu.vector_load %arg5[%swap3A_312, %swap3A_313] {strides = array<i32>} : memref<768x128xf32, #tpu.memory_space<vmem>>, vector<16xf32>,
          tpu.vector_store %arg5[%swap3A_312, %swap3A_313], %broadcast_in_dim3A_1 {strides = array<i32>} : memref<768x128xf32, #tpu.memory_space<vmem>>, vector<16xf32>,
          %mul3A_315 = arith.constant 16 : i32
          %mul3A_316 = arith.muli %scan3A_180, %mul3A_315 : i32
          %add3A_317 = arith.constant 15 : i32
          %add3A_318 = arith.addi %mul3A_316, %add3A_317 : i32
          %mul3A_319 = arith.constant 16 : i32
          %mul3A_320 = arith.muli %while3A_173, %mul3A_319 : i32
          %swap3A_321 = arith.index_cast %add3A_318 : i32 to index
          %swap3A_322 = arith.index_cast %mul3A_320 : i32 to index
          %swap3A_323 = tpu.vector_load %arg5[%swap3A_321, %swap3A_322] {strides = array<i32>} : memref<768x128xf32, #tpu.memory_space<vmem>>, vector<16xf32>,
          tpu.vector_store %arg5[%swap3A_321, %swap3A_322], %broadcast_in_dim3A_1 {strides = array<i32>} : memref<768x128xf32, #tpu.memory_space<vmem>>, vector<16xf32>,
        }
        %scan3A_179 = arith.constant 48 : i32
      }
      %while3A_158 = arith.constant 1 : i32
      scf.for %while3A_173 = %while3A_156 to %while3A_152 step %while3A_158  : i32 {
        %scan3A_174 = arith.constant 0 : i32
        %scan3A_175 = arith.constant 0 : i32
        %scan3A_176 = arith.constant 48 : i32
        %scan3A_177 = arith.addi %scan3A_175, %scan3A_176 : i32
        %scan3A_178 = arith.constant 1 : i32
        scf.for %scan3A_180 = %scan3A_175 to %scan3A_177 step %scan3A_178  : i32 {
          %mul3A_181 = arith.constant 16 : i32
          %mul3A_182 = arith.muli %scan3A_180, %mul3A_181 : i32
          %add3A_183 = arith.constant 0 : i32
          %add3A_184 = arith.addi %mul3A_182, %add3A_183 : i32
          %mul3A_185 = arith.constant 16 : i32
          %mul3A_186 = arith.muli %while3A_173, %mul3A_185 : i32
          %swap3A = arith.index_cast %add3A_184 : i32 to index
          %swap3A_187 = arith.index_cast %mul3A_186 : i32 to index
          %swap3A_188 = tpu.vector_load %arg5[%swap3A, %swap3A_187] {strides = array<i32>} : memref<768x128xf32, #tpu.memory_space<vmem>>, vector<16xf32>,
          tpu.vector_store %arg5[%swap3A, %swap3A_187], %broadcast_in_dim3A_1 {strides = array<i32>} : memref<768x128xf32, #tpu.memory_space<vmem>>, vector<16xf32>,
          %mul3A_189 = arith.constant 16 : i32
          %mul3A_190 = arith.muli %scan3A_180, %mul3A_189 : i32
          %add3A_191 = arith.constant 1 : i32
          %add3A_192 = arith.addi %mul3A_190, %add3A_191 : i32
          %mul3A_193 = arith.constant 16 : i32
          %mul3A_194 = arith.muli %while3A_173, %mul3A_193 : i32
          %swap3A_195 = arith.index_cast %add3A_192 : i32 to index
          %swap3A_196 = arith.index_cast %mul3A_194 : i32 to index
          %swap3A_197 = tpu.vector_load %arg5[%swap3A_195, %swap3A_196] {strides = array<i32>} : memref<768x128xf32, #tpu.memory_space<vmem>>, vector<16xf32>,
          tpu.vector_store %arg5[%swap3A_195, %swap3A_196], %broadcast_in_dim3A_1 {strides = array<i32>} : memref<768x128xf32, #tpu.memory_space<vmem>>, vector<16xf32>,
          %mul3A_198 = arith.constant 16 : i32
          %mul3A_199 = arith.muli %scan3A_180, %mul3A_198 : i32
          %add3A_200 = arith.constant 2 : i32
          %add3A_201 = arith.addi %mul3A_199, %add3A_200 : i32
          %mul3A_202 = arith.constant 16 : i32
          %mul3A_203 = arith.muli %while3A_173, %mul3A_202 : i32
          %swap3A_204 = arith.index_cast %add3A_201 : i32 to index
          %swap3A_205 = arith.index_cast %mul3A_203 : i32 to index
          %swap3A_206 = tpu.vector_load %arg5[%swap3A_204, %swap3A_205] {strides = array<i32>} : memref<768x128xf32, #tpu.memory_space<vmem>>, vector<16xf32>,
          tpu.vector_store %arg5[%swap3A_204, %swap3A_205], %broadcast_in_dim3A_1 {strides = array<i32>} : memref<768x128xf32, #tpu.memory_space<vmem>>, vector<16xf32>,
          %mul3A_207 = arith.constant 16 : i32
          %mul3A_208 = arith.muli %scan3A_180, %mul3A_207 : i32
          %add3A_209 = arith.constant 3 : i32
          %add3A_210 = arith.addi %mul3A_208, %add3A_209 : i32
          %mul3A_211 = arith.constant 16 : i32
          %mul3A_212 = arith.muli %while3A_173, %mul3A_211 : i32
          %swap3A_213 = arith.index_cast %add3A_210 : i32 to index
          %swap3A_214 = arith.index_cast %mul3A_212 : i32 to index
          %swap3A_215 = tpu.vector_load %arg5[%swap3A_213, %swap3A_214] {strides = array<i32>} : memref<768x128xf32, #tpu.memory_space<vmem>>, vector<16xf32>,
          tpu.vector_store %arg5[%swap3A_213, %swap3A_214], %broadcast_in_dim3A_1 {strides = array<i32>} : memref<768x128xf32, #tpu.memory_space<vmem>>, vector<16xf32>,
          %mul3A_216 = arith.constant 16 : i32
          %mul3A_217 = arith.muli %scan3A_180, %mul3A_216 : i32
          %add3A_218 = arith.constant 4 : i32
          %add3A_219 = arith.addi %mul3A_217, %add3A_218 : i32
          %mul3A_220 = arith.constant 16 : i32
          %mul3A_221 = arith.muli %while3A_173, %mul3A_220 : i32
          %swap3A_222 = arith.index_cast %add3A_219 : i32 to index
          %swap3A_223 = arith.index_cast %mul3A_221 : i32 to index
          %swap3A_224 = tpu.vector_load %arg5[%swap3A_222, %swap3A_223] {strides = array<i32>} : memref<768x128xf32, #tpu.memory_space<vmem>>, vector<16xf32>,
          tpu.vector_store %arg5[%swap3A_222, %swap3A_223], %broadcast_in_dim3A_1 {strides = array<i32>} : memref<768x128xf32, #tpu.memory_space<vmem>>, vector<16xf32>,
          %mul3A_225 = arith.constant 16 : i32
          %mul3A_226 = arith.muli %scan3A_180, %mul3A_225 : i32
          %add3A_227 = arith.constant 5 : i32
          %add3A_228 = arith.addi %mul3A_226, %add3A_227 : i32
          %mul3A_229 = arith.constant 16 : i32
          %mul3A_230 = arith.muli %while3A_173, %mul3A_229 : i32
          %swap3A_231 = arith.index_cast %add3A_228 : i32 to index
          %swap3A_232 = arith.index_cast %mul3A_230 : i32 to index
          %swap3A_233 = tpu.vector_load %arg5[%swap3A_231, %swap3A_232] {strides = array<i32>} : memref<768x128xf32, #tpu.memory_space<vmem>>, vector<16xf32>,
          tpu.vector_store %arg5[%swap3A_231, %swap3A_232], %broadcast_in_dim3A_1 {strides = array<i32>} : memref<768x128xf32, #tpu.memory_space<vmem>>, vector<16xf32>,
          %mul3A_234 = arith.constant 16 : i32
          %mul3A_235 = arith.muli %scan3A_180, %mul3A_234 : i32
          %add3A_236 = arith.constant 6 : i32
          %add3A_237 = arith.addi %mul3A_235, %add3A_236 : i32
          %mul3A_238 = arith.constant 16 : i32
          %mul3A_239 = arith.muli %while3A_173, %mul3A_238 : i32
          %swap3A_240 = arith.index_cast %add3A_237 : i32 to index
          %swap3A_241 = arith.index_cast %mul3A_239 : i32 to index
          %swap3A_242 = tpu.vector_load %arg5[%swap3A_240, %swap3A_241] {strides = array<i32>} : memref<768x128xf32, #tpu.memory_space<vmem>>, vector<16xf32>,
          tpu.vector_store %arg5[%swap3A_240, %swap3A_241], %broadcast_in_dim3A_1 {strides = array<i32>} : memref<768x128xf32, #tpu.memory_space<vmem>>, vector<16xf32>,
          %mul3A_243 = arith.constant 16 : i32
          %mul3A_244 = arith.muli %scan3A_180, %mul3A_243 : i32
          %add3A_245 = arith.constant 7 : i32
          %add3A_246 = arith.addi %mul3A_244, %add3A_245 : i32
          %mul3A_247 = arith.constant 16 : i32
          %mul3A_248 = arith.muli %while3A_173, %mul3A_247 : i32
          %swap3A_249 = arith.index_cast %add3A_246 : i32 to index
          %swap3A_250 = arith.index_cast %mul3A_248 : i32 to index
          %swap3A_251 = tpu.vector_load %arg5[%swap3A_249, %swap3A_250] {strides = array<i32>} : memref<768x128xf32, #tpu.memory_space<vmem>>, vector<16xf32>,
          tpu.vector_store %arg5[%swap3A_249, %swap3A_250], %broadcast_in_dim3A_1 {strides = array<i32>} : memref<768x128xf32, #tpu.memory_space<vmem>>, vector<16xf32>,
          %mul3A_252 = arith.constant 16 : i32
          %mul3A_253 = arith.muli %scan3A_180, %mul3A_252 : i32
          %add3A_254 = arith.constant 8 : i32
          %add3A_255 = arith.addi %mul3A_253, %add3A_254 : i32
          %mul3A_256 = arith.constant 16 : i32
          %mul3A_257 = arith.muli %while3A_173, %mul3A_256 : i32
          %swap3A_258 = arith.index_cast %add3A_255 : i32 to index
          %swap3A_259 = arith.index_cast %mul3A_257 : i32 to index
          %swap3A_260 = tpu.vector_load %arg5[%swap3A_258, %swap3A_259] {strides = array<i32>} : memref<768x128xf32, #tpu.memory_space<vmem>>, vector<16xf32>,
          tpu.vector_store %arg5[%swap3A_258, %swap3A_259], %broadcast_in_dim3A_1 {strides = array<i32>} : memref<768x128xf32, #tpu.memory_space<vmem>>, vector<16xf32>,
          %mul3A_261 = arith.constant 16 : i32
          %mul3A_262 = arith.muli %scan3A_180, %mul3A_261 : i32
          %add3A_263 = arith.constant 9 : i32
          %add3A_264 = arith.addi %mul3A_262, %add3A_263 : i32
          %mul3A_265 = arith.constant 16 : i32
          %mul3A_266 = arith.muli %while3A_173, %mul3A_265 : i32
          %swap3A_267 = arith.index_cast %add3A_264 : i32 to index
          %swap3A_268 = arith.index_cast %mul3A_266 : i32 to index
          %swap3A_269 = tpu.vector_load %arg5[%swap3A_267, %swap3A_268] {strides = array<i32>} : memref<768x128xf32, #tpu.memory_space<vmem>>, vector<16xf32>,
          tpu.vector_store %arg5[%swap3A_267, %swap3A_268], %broadcast_in_dim3A_1 {strides = array<i32>} : memref<768x128xf32, #tpu.memory_space<vmem>>, vector<16xf32>,
          %mul3A_270 = arith.constant 16 : i32
          %mul3A_271 = arith.muli %scan3A_180, %mul3A_270 : i32
          %add3A_272 = arith.constant 10 : i32
          %add3A_273 = arith.addi %mul3A_271, %add3A_272 : i32
          %mul3A_274 = arith.constant 16 : i32
          %mul3A_275 = arith.muli %while3A_173, %mul3A_274 : i32
          %swap3A_276 = arith.index_cast %add3A_273 : i32 to index
          %swap3A_277 = arith.index_cast %mul3A_275 : i32 to index
          %swap3A_278 = tpu.vector_load %arg5[%swap3A_276, %swap3A_277] {strides = array<i32>} : memref<768x128xf32, #tpu.memory_space<vmem>>, vector<16xf32>,
          tpu.vector_store %arg5[%swap3A_276, %swap3A_277], %broadcast_in_dim3A_1 {strides = array<i32>} : memref<768x128xf32, #tpu.memory_space<vmem>>, vector<16xf32>,
          %mul3A_279 = arith.constant 16 : i32
          %mul3A_280 = arith.muli %scan3A_180, %mul3A_279 : i32
          %add3A_281 = arith.constant 11 : i32
          %add3A_282 = arith.addi %mul3A_280, %add3A_281 : i32
          %mul3A_283 = arith.constant 16 : i32
          %mul3A_284 = arith.muli %while3A_173, %mul3A_283 : i32
          %swap3A_285 = arith.index_cast %add3A_282 : i32 to index
          %swap3A_286 = arith.index_cast %mul3A_284 : i32 to index
          %swap3A_287 = tpu.vector_load %arg5[%swap3A_285, %swap3A_286] {strides = array<i32>} : memref<768x128xf32, #tpu.memory_space<vmem>>, vector<16xf32>,
          tpu.vector_store %arg5[%swap3A_285, %swap3A_286], %broadcast_in_dim3A_1 {strides = array<i32>} : memref<768x128xf32, #tpu.memory_space<vmem>>, vector<16xf32>,
          %mul3A_288 = arith.constant 16 : i32
          %mul3A_289 = arith.muli %scan3A_180, %mul3A_288 : i32
          %add3A_290 = arith.constant 12 : i32
          %add3A_291 = arith.addi %mul3A_289, %add3A_290 : i32
          %mul3A_292 = arith.constant 16 : i32
          %mul3A_293 = arith.muli %while3A_173, %mul3A_292 : i32
          %swap3A_294 = arith.index_cast %add3A_291 : i32 to index
          %swap3A_295 = arith.index_cast %mul3A_293 : i32 to index
          %swap3A_296 = tpu.vector_load %arg5[%swap3A_294, %swap3A_295] {strides = array<i32>} : memref<768x128xf32, #tpu.memory_space<vmem>>, vector<16xf32>,
          tpu.vector_store %arg5[%swap3A_294, %swap3A_295], %broadcast_in_dim3A_1 {strides = array<i32>} : memref<768x128xf32, #tpu.memory_space<vmem>>, vector<16xf32>,
          %mul3A_297 = arith.constant 16 : i32
          %mul3A_298 = arith.muli %scan3A_180, %mul3A_297 : i32
          %add3A_299 = arith.constant 13 : i32
          %add3A_300 = arith.addi %mul3A_298, %add3A_299 : i32
          %mul3A_301 = arith.constant 16 : i32
          %mul3A_302 = arith.muli %while3A_173, %mul3A_301 : i32
          %swap3A_303 = arith.index_cast %add3A_300 : i32 to index
          %swap3A_304 = arith.index_cast %mul3A_302 : i32 to index
          %swap3A_305 = tpu.vector_load %arg5[%swap3A_303, %swap3A_304] {strides = array<i32>} : memref<768x128xf32, #tpu.memory_space<vmem>>, vector<16xf32>,
          tpu.vector_store %arg5[%swap3A_303, %swap3A_304], %broadcast_in_dim3A_1 {strides = array<i32>} : memref<768x128xf32, #tpu.memory_space<vmem>>, vector<16xf32>,
          %mul3A_306 = arith.constant 16 : i32
          %mul3A_307 = arith.muli %scan3A_180, %mul3A_306 : i32
          %add3A_308 = arith.constant 14 : i32
          %add3A_309 = arith.addi %mul3A_307, %add3A_308 : i32
          %mul3A_310 = arith.constant 16 : i32
          %mul3A_311 = arith.muli %while3A_173, %mul3A_310 : i32
          %swap3A_312 = arith.index_cast %add3A_309 : i32 to index
          %swap3A_313 = arith.index_cast %mul3A_311 : i32 to index
          %swap3A_314 = tpu.vector_load %arg5[%swap3A_312, %swap3A_313] {strides = array<i32>} : memref<768x128xf32, #tpu.memory_space<vmem>>, vector<16xf32>,
          tpu.vector_store %arg5[%swap3A_312, %swap3A_313], %broadcast_in_dim3A_1 {strides = array<i32>} : memref<768x128xf32, #tpu.memory_space<vmem>>, vector<16xf32>,
          %mul3A_315 = arith.constant 16 : i32
          %mul3A_316 = arith.muli %scan3A_180, %mul3A_315 : i32
          %add3A_317 = arith.constant 15 : i32
          %add3A_318 = arith.addi %mul3A_316, %add3A_317 : i32
          %mul3A_319 = arith.constant 16 : i32
          %mul3A_320 = arith.muli %while3A_173, %mul3A_319 : i32
          %swap3A_321 = arith.index_cast %add3A_318 : i32 to index
          %swap3A_322 = arith.index_cast %mul3A_320 : i32 to index
          %swap3A_323 = tpu.vector_load %arg5[%swap3A_321, %swap3A_322] {strides = array<i32>} : memref<768x128xf32, #tpu.memory_space<vmem>>, vector<16xf32>,
          tpu.vector_store %arg5[%swap3A_321, %swap3A_322], %broadcast_in_dim3A_1 {strides = array<i32>} : memref<768x128xf32, #tpu.memory_space<vmem>>, vector<16xf32>,
        }
        %scan3A_179 = arith.constant 48 : i32
      }
      %gt3A_159 = arith.constant 0 : i32
      %gt3A_160 = arith.cmpi sgt, %add3A_117, %gt3A_159 : i32
      %convert_element_type3A_161 = arith.extui %gt3A_160 : i1 to i32
      %cond3A_162 = arith.constant 0 : i32
      %cond3A_163 = arith.cmpi ne, %convert_element_type3A_161, %cond3A_162 : i32
      scf.if %cond3A_163 {
        %mul3A_173 = arith.constant 128 : i32
        %mul3A_174 = arith.muli %select_n3A_111, %mul3A_173 : i32
        "tpu.region"() ({
          %run_scoped3A = tpu.sem_alloc : memref<!tpu.dma_semaphore, #tpu.memory_space<semaphore_mem>>
          %dma_start3A_175 = arith.constant 0 : i32
          %dma_start3A_176 = tpu.memref_slice %arg3[%add3A, %dma_start3A_175, %mul3A_174] : memref<32x768x1024xf32, #tpu.memory_space<hbm>> -> memref<1x768x128xf32, #tpu.memory_space<hbm>>
          %dma_start3A_177 = tpu.memref_squeeze %dma_start3A_176 : memref<1x768x128xf32, #tpu.memory_space<hbm>> -> memref<768x128xf32, #tpu.memory_space<hbm>>
          %dma_start3A_178 = arith.constant 0 : i32
          %dma_start3A_179 = tpu.memref_slice %arg3[%add3A, %dma_start3A_178, %mul3A_174] : memref<32x768x1024xf32, #tpu.memory_space<hbm>> -> memref<1x768x128xf32, #tpu.memory_space<hbm>>
          %dma_start3A_180 = tpu.memref_squeeze %dma_start3A_179 : memref<1x768x128xf32, #tpu.memory_space<hbm>> -> memref<768x128xf32, #tpu.memory_space<hbm>>
          tpu.enqueue_dma source(%arg5 : memref<768x128xf32, #tpu.memory_space<vmem>>) target(%dma_start3A_180 : memref<768x128xf32, #tpu.memory_space<hbm>>) target_semaphore(%run_scoped3A : memref<!tpu.dma_semaphore, #tpu.memory_space<semaphore_mem>>)
          %dma_wait3A = arith.constant 0 : i32
          %dma_wait3A_181 = tpu.memref_slice %arg3[%add3A, %dma_wait3A, %mul3A_174] : memref<32x768x1024xf32, #tpu.memory_space<hbm>> -> memref<1x768x128xf32, #tpu.memory_space<hbm>>
          %dma_wait3A_182 = tpu.memref_squeeze %dma_wait3A_181 : memref<1x768x128xf32, #tpu.memory_space<hbm>> -> memref<768x128xf32, #tpu.memory_space<hbm>>
          %dma_wait3A_183 = arith.constant 0 : i32
          %dma_wait3A_184 = tpu.memref_slice %arg3[%add3A, %dma_wait3A_183, %mul3A_174] : memref<32x768x1024xf32, #tpu.memory_space<hbm>> -> memref<1x768x128xf32, #tpu.memory_space<hbm>>
          %dma_wait3A_185 = tpu.memref_squeeze %dma_wait3A_184 : memref<1x768x128xf32, #tpu.memory_space<hbm>> -> memref<768x128xf32, #tpu.memory_space<hbm>>
          tpu.wait_dma2 semaphore(%run_scoped3A : memref<!tpu.dma_semaphore, #tpu.memory_space<semaphore_mem>>) src(%arg5 : memref<768x128xf32, #tpu.memory_space<vmem>>) dst(%dma_wait3A_185 : memref<768x128xf32, #tpu.memory_space<hbm>>)
          tpu.yield
        }) : () -> ()
      } else {
      }
      %gt3A_164 = arith.constant 0 : i32
      %gt3A_165 = arith.cmpi sgt, %add3A_117, %gt3A_164 : i32
      %convert_element_type3A_166 = arith.extui %gt3A_165 : i1 to i32
      %add3A_167 = arith.addi %select_n3A_111, %convert_element_type3A_166 : i32
      %lt3A_168 = arith.constant 8 : i32
      %lt3A_169 = arith.cmpi slt, %add3A_167, %lt3A_168 : i32
      %convert_element_type3A_170 = arith.extui %lt3A_169 : i1 to i32
      %cond3A_171 = arith.constant 0 : i32
      %cond3A_172 = arith.cmpi ne, %convert_element_type3A_170, %cond3A_171 : i32
      scf.if %cond3A_172 {
        %jit3A_173 = arith.constant 16 : i32
        %div3A_174 = arith.divsi %add3A_117, %jit3A_173 : i32
        %sign3A_175 = arith.constant 0 : i32
        %sign3A_176 = arith.cmpi sgt, %add3A_117, %sign3A_175 : i32
        %sign3A_177 = arith.extui %sign3A_176 : i1 to i32
        %sign3A_178 = arith.constant 0 : i32
        %sign3A_179 = arith.cmpi slt, %add3A_117, %sign3A_178 : i32
        %sign3A_180 = arith.extui %sign3A_179 : i1 to i32
        %sign3A_181 = arith.subi %sign3A_177, %sign3A_180 : i32
        %sign3A_182 = arith.constant 0 : i32
        %sign3A_183 = arith.cmpi sgt, %jit3A_173, %sign3A_182 : i32
        %sign3A_184 = arith.extui %sign3A_183 : i1 to i32
        %sign3A_185 = arith.constant 0 : i32
        %sign3A_186 = arith.cmpi slt, %jit3A_173, %sign3A_185 : i32
        %sign3A_187 = arith.extui %sign3A_186 : i1 to i32
        %sign3A_188 = arith.subi %sign3A_184, %sign3A_187 : i32
        %ne3A_189 = arith.cmpi ne, %sign3A_181, %sign3A_188 : i32
        %rem3A_190 = arith.remsi %add3A_117, %jit3A_173 : i32
        %ne3A_191 = arith.constant 0 : i32
        %ne3A_192 = arith.cmpi ne, %rem3A_190, %ne3A_191 : i32
        %and3A_193 = arith.andi %ne3A_189, %ne3A_192 : i1
        %sub3A_194 = arith.constant 1 : i32
        %sub3A_195 = arith.subi %div3A_174, %sub3A_194 : i32
        %select_n3A_196 = arith.select %and3A_193, %sub3A_195, %div3A_174 : i32
        %while3A_197 = arith.constant 0 : i32
        %while3A_198 = arith.constant 0 : i32
        %while3A_199 = arith.subi %select_n3A_196, %while3A_198 : i32
        %while3A_200 = arith.addi %while3A_198, %while3A_199 : i32
        %while3A_201 = arith.constant 1 : i32
        %while3A_202 = arith.divsi %while3A_199, %while3A_201 : i32
        %while3A_203 = arith.muli %while3A_202, %while3A_201 : i32
        %while3A_204 = arith.addi %while3A_198, %while3A_203 : i32
        %while3A_205 = arith.constant 1 : i32
        scf.for %while3A_217 = %while3A_198 to %while3A_204 step %while3A_205  : i32 {
          %scan3A_218 = arith.constant 0 : i32
          %scan3A_219 = arith.constant 0 : i32
          %scan3A_220 = arith.constant 48 : i32
          %scan3A_221 = arith.addi %scan3A_219, %scan3A_220 : i32
          %scan3A_222 = arith.constant 1 : i32
          scf.for %scan3A_224 = %scan3A_219 to %scan3A_221 step %scan3A_222  : i32 {
            %mul3A_225 = arith.constant 16 : i32
            %mul3A_226 = arith.muli %scan3A_224, %mul3A_225 : i32
            %add3A_227 = arith.constant 0 : i32
            %add3A_228 = arith.addi %mul3A_226, %add3A_227 : i32
            %mul3A_229 = arith.constant 16 : i32
            %mul3A_230 = arith.muli %while3A_217, %mul3A_229 : i32
            %swap3A = arith.index_cast %add3A_228 : i32 to index
            %swap3A_231 = arith.index_cast %mul3A_230 : i32 to index
            %swap3A_232 = tpu.vector_load %arg5[%swap3A, %swap3A_231] {strides = array<i32>} : memref<768x128xf32, #tpu.memory_space<vmem>>, vector<16xf32>,
            tpu.vector_store %arg5[%swap3A, %swap3A_231], %broadcast_in_dim3A_1 {strides = array<i32>} : memref<768x128xf32, #tpu.memory_space<vmem>>, vector<16xf32>,
            %mul3A_233 = arith.constant 16 : i32
            %mul3A_234 = arith.muli %scan3A_224, %mul3A_233 : i32
            %add3A_235 = arith.constant 1 : i32
            %add3A_236 = arith.addi %mul3A_234, %add3A_235 : i32
            %mul3A_237 = arith.constant 16 : i32
            %mul3A_238 = arith.muli %while3A_217, %mul3A_237 : i32
            %swap3A_239 = arith.index_cast %add3A_236 : i32 to index
            %swap3A_240 = arith.index_cast %mul3A_238 : i32 to index
            %swap3A_241 = tpu.vector_load %arg5[%swap3A_239, %swap3A_240] {strides = array<i32>} : memref<768x128xf32, #tpu.memory_space<vmem>>, vector<16xf32>,
            tpu.vector_store %arg5[%swap3A_239, %swap3A_240], %broadcast_in_dim3A_1 {strides = array<i32>} : memref<768x128xf32, #tpu.memory_space<vmem>>, vector<16xf32>,
            %mul3A_242 = arith.constant 16 : i32
            %mul3A_243 = arith.muli %scan3A_224, %mul3A_242 : i32
            %add3A_244 = arith.constant 2 : i32
            %add3A_245 = arith.addi %mul3A_243, %add3A_244 : i32
            %mul3A_246 = arith.constant 16 : i32
            %mul3A_247 = arith.muli %while3A_217, %mul3A_246 : i32
            %swap3A_248 = arith.index_cast %add3A_245 : i32 to index
            %swap3A_249 = arith.index_cast %mul3A_247 : i32 to index
            %swap3A_250 = tpu.vector_load %arg5[%swap3A_248, %swap3A_249] {strides = array<i32>} : memref<768x128xf32, #tpu.memory_space<vmem>>, vector<16xf32>,
            tpu.vector_store %arg5[%swap3A_248, %swap3A_249], %broadcast_in_dim3A_1 {strides = array<i32>} : memref<768x128xf32, #tpu.memory_space<vmem>>, vector<16xf32>,
            %mul3A_251 = arith.constant 16 : i32
            %mul3A_252 = arith.muli %scan3A_224, %mul3A_251 : i32
            %add3A_253 = arith.constant 3 : i32
            %add3A_254 = arith.addi %mul3A_252, %add3A_253 : i32
            %mul3A_255 = arith.constant 16 : i32
            %mul3A_256 = arith.muli %while3A_217, %mul3A_255 : i32
            %swap3A_257 = arith.index_cast %add3A_254 : i32 to index
            %swap3A_258 = arith.index_cast %mul3A_256 : i32 to index
            %swap3A_259 = tpu.vector_load %arg5[%swap3A_257, %swap3A_258] {strides = array<i32>} : memref<768x128xf32, #tpu.memory_space<vmem>>, vector<16xf32>,
            tpu.vector_store %arg5[%swap3A_257, %swap3A_258], %broadcast_in_dim3A_1 {strides = array<i32>} : memref<768x128xf32, #tpu.memory_space<vmem>>, vector<16xf32>,
            %mul3A_260 = arith.constant 16 : i32
            %mul3A_261 = arith.muli %scan3A_224, %mul3A_260 : i32
            %add3A_262 = arith.constant 4 : i32
            %add3A_263 = arith.addi %mul3A_261, %add3A_262 : i32
            %mul3A_264 = arith.constant 16 : i32
            %mul3A_265 = arith.muli %while3A_217, %mul3A_264 : i32
            %swap3A_266 = arith.index_cast %add3A_263 : i32 to index
            %swap3A_267 = arith.index_cast %mul3A_265 : i32 to index
            %swap3A_268 = tpu.vector_load %arg5[%swap3A_266, %swap3A_267] {strides = array<i32>} : memref<768x128xf32, #tpu.memory_space<vmem>>, vector<16xf32>,
            tpu.vector_store %arg5[%swap3A_266, %swap3A_267], %broadcast_in_dim3A_1 {strides = array<i32>} : memref<768x128xf32, #tpu.memory_space<vmem>>, vector<16xf32>,
            %mul3A_269 = arith.constant 16 : i32
            %mul3A_270 = arith.muli %scan3A_224, %mul3A_269 : i32
            %add3A_271 = arith.constant 5 : i32
            %add3A_272 = arith.addi %mul3A_270, %add3A_271 : i32
            %mul3A_273 = arith.constant 16 : i32
            %mul3A_274 = arith.muli %while3A_217, %mul3A_273 : i32
            %swap3A_275 = arith.index_cast %add3A_272 : i32 to index
            %swap3A_276 = arith.index_cast %mul3A_274 : i32 to index
            %swap3A_277 = tpu.vector_load %arg5[%swap3A_275, %swap3A_276] {strides = array<i32>} : memref<768x128xf32, #tpu.memory_space<vmem>>, vector<16xf32>,
            tpu.vector_store %arg5[%swap3A_275, %swap3A_276], %broadcast_in_dim3A_1 {strides = array<i32>} : memref<768x128xf32, #tpu.memory_space<vmem>>, vector<16xf32>,
            %mul3A_278 = arith.constant 16 : i32
            %mul3A_279 = arith.muli %scan3A_224, %mul3A_278 : i32
            %add3A_280 = arith.constant 6 : i32
            %add3A_281 = arith.addi %mul3A_279, %add3A_280 : i32
            %mul3A_282 = arith.constant 16 : i32
            %mul3A_283 = arith.muli %while3A_217, %mul3A_282 : i32
            %swap3A_284 = arith.index_cast %add3A_281 : i32 to index
            %swap3A_285 = arith.index_cast %mul3A_283 : i32 to index
            %swap3A_286 = tpu.vector_load %arg5[%swap3A_284, %swap3A_285] {strides = array<i32>} : memref<768x128xf32, #tpu.memory_space<vmem>>, vector<16xf32>,
            tpu.vector_store %arg5[%swap3A_284, %swap3A_285], %broadcast_in_dim3A_1 {strides = array<i32>} : memref<768x128xf32, #tpu.memory_space<vmem>>, vector<16xf32>,
            %mul3A_287 = arith.constant 16 : i32
            %mul3A_288 = arith.muli %scan3A_224, %mul3A_287 : i32
            %add3A_289 = arith.constant 7 : i32
            %add3A_290 = arith.addi %mul3A_288, %add3A_289 : i32
            %mul3A_291 = arith.constant 16 : i32
            %mul3A_292 = arith.muli %while3A_217, %mul3A_291 : i32
            %swap3A_293 = arith.index_cast %add3A_290 : i32 to index
            %swap3A_294 = arith.index_cast %mul3A_292 : i32 to index
            %swap3A_295 = tpu.vector_load %arg5[%swap3A_293, %swap3A_294] {strides = array<i32>} : memref<768x128xf32, #tpu.memory_space<vmem>>, vector<16xf32>,
            tpu.vector_store %arg5[%swap3A_293, %swap3A_294], %broadcast_in_dim3A_1 {strides = array<i32>} : memref<768x128xf32, #tpu.memory_space<vmem>>, vector<16xf32>,
            %mul3A_296 = arith.constant 16 : i32
            %mul3A_297 = arith.muli %scan3A_224, %mul3A_296 : i32
            %add3A_298 = arith.constant 8 : i32
            %add3A_299 = arith.addi %mul3A_297, %add3A_298 : i32
            %mul3A_300 = arith.constant 16 : i32
            %mul3A_301 = arith.muli %while3A_217, %mul3A_300 : i32
            %swap3A_302 = arith.index_cast %add3A_299 : i32 to index
            %swap3A_303 = arith.index_cast %mul3A_301 : i32 to index
            %swap3A_304 = tpu.vector_load %arg5[%swap3A_302, %swap3A_303] {strides = array<i32>} : memref<768x128xf32, #tpu.memory_space<vmem>>, vector<16xf32>,
            tpu.vector_store %arg5[%swap3A_302, %swap3A_303], %broadcast_in_dim3A_1 {strides = array<i32>} : memref<768x128xf32, #tpu.memory_space<vmem>>, vector<16xf32>,
            %mul3A_305 = arith.constant 16 : i32
            %mul3A_306 = arith.muli %scan3A_224, %mul3A_305 : i32
            %add3A_307 = arith.constant 9 : i32
            %add3A_308 = arith.addi %mul3A_306, %add3A_307 : i32
            %mul3A_309 = arith.constant 16 : i32
            %mul3A_310 = arith.muli %while3A_217, %mul3A_309 : i32
            %swap3A_311 = arith.index_cast %add3A_308 : i32 to index
            %swap3A_312 = arith.index_cast %mul3A_310 : i32 to index
            %swap3A_313 = tpu.vector_load %arg5[%swap3A_311, %swap3A_312] {strides = array<i32>} : memref<768x128xf32, #tpu.memory_space<vmem>>, vector<16xf32>,
            tpu.vector_store %arg5[%swap3A_311, %swap3A_312], %broadcast_in_dim3A_1 {strides = array<i32>} : memref<768x128xf32, #tpu.memory_space<vmem>>, vector<16xf32>,
            %mul3A_314 = arith.constant 16 : i32
            %mul3A_315 = arith.muli %scan3A_224, %mul3A_314 : i32
            %add3A_316 = arith.constant 10 : i32
            %add3A_317 = arith.addi %mul3A_315, %add3A_316 : i32
            %mul3A_318 = arith.constant 16 : i32
            %mul3A_319 = arith.muli %while3A_217, %mul3A_318 : i32
            %swap3A_320 = arith.index_cast %add3A_317 : i32 to index
            %swap3A_321 = arith.index_cast %mul3A_319 : i32 to index
            %swap3A_322 = tpu.vector_load %arg5[%swap3A_320, %swap3A_321] {strides = array<i32>} : memref<768x128xf32, #tpu.memory_space<vmem>>, vector<16xf32>,
            tpu.vector_store %arg5[%swap3A_320, %swap3A_321], %broadcast_in_dim3A_1 {strides = array<i32>} : memref<768x128xf32, #tpu.memory_space<vmem>>, vector<16xf32>,
            %mul3A_323 = arith.constant 16 : i32
            %mul3A_324 = arith.muli %scan3A_224, %mul3A_323 : i32
            %add3A_325 = arith.constant 11 : i32
            %add3A_326 = arith.addi %mul3A_324, %add3A_325 : i32
            %mul3A_327 = arith.constant 16 : i32
            %mul3A_328 = arith.muli %while3A_217, %mul3A_327 : i32
            %swap3A_329 = arith.index_cast %add3A_326 : i32 to index
            %swap3A_330 = arith.index_cast %mul3A_328 : i32 to index
            %swap3A_331 = tpu.vector_load %arg5[%swap3A_329, %swap3A_330] {strides = array<i32>} : memref<768x128xf32, #tpu.memory_space<vmem>>, vector<16xf32>,
            tpu.vector_store %arg5[%swap3A_329, %swap3A_330], %broadcast_in_dim3A_1 {strides = array<i32>} : memref<768x128xf32, #tpu.memory_space<vmem>>, vector<16xf32>,
            %mul3A_332 = arith.constant 16 : i32
            %mul3A_333 = arith.muli %scan3A_224, %mul3A_332 : i32
            %add3A_334 = arith.constant 12 : i32
            %add3A_335 = arith.addi %mul3A_333, %add3A_334 : i32
            %mul3A_336 = arith.constant 16 : i32
            %mul3A_337 = arith.muli %while3A_217, %mul3A_336 : i32
            %swap3A_338 = arith.index_cast %add3A_335 : i32 to index
            %swap3A_339 = arith.index_cast %mul3A_337 : i32 to index
            %swap3A_340 = tpu.vector_load %arg5[%swap3A_338, %swap3A_339] {strides = array<i32>} : memref<768x128xf32, #tpu.memory_space<vmem>>, vector<16xf32>,
            tpu.vector_store %arg5[%swap3A_338, %swap3A_339], %broadcast_in_dim3A_1 {strides = array<i32>} : memref<768x128xf32, #tpu.memory_space<vmem>>, vector<16xf32>,
            %mul3A_341 = arith.constant 16 : i32
            %mul3A_342 = arith.muli %scan3A_224, %mul3A_341 : i32
            %add3A_343 = arith.constant 13 : i32
            %add3A_344 = arith.addi %mul3A_342, %add3A_343 : i32
            %mul3A_345 = arith.constant 16 : i32
            %mul3A_346 = arith.muli %while3A_217, %mul3A_345 : i32
            %swap3A_347 = arith.index_cast %add3A_344 : i32 to index
            %swap3A_348 = arith.index_cast %mul3A_346 : i32 to index
            %swap3A_349 = tpu.vector_load %arg5[%swap3A_347, %swap3A_348] {strides = array<i32>} : memref<768x128xf32, #tpu.memory_space<vmem>>, vector<16xf32>,
            tpu.vector_store %arg5[%swap3A_347, %swap3A_348], %broadcast_in_dim3A_1 {strides = array<i32>} : memref<768x128xf32, #tpu.memory_space<vmem>>, vector<16xf32>,
            %mul3A_350 = arith.constant 16 : i32
            %mul3A_351 = arith.muli %scan3A_224, %mul3A_350 : i32
            %add3A_352 = arith.constant 14 : i32
            %add3A_353 = arith.addi %mul3A_351, %add3A_352 : i32
            %mul3A_354 = arith.constant 16 : i32
            %mul3A_355 = arith.muli %while3A_217, %mul3A_354 : i32
            %swap3A_356 = arith.index_cast %add3A_353 : i32 to index
            %swap3A_357 = arith.index_cast %mul3A_355 : i32 to index
            %swap3A_358 = tpu.vector_load %arg5[%swap3A_356, %swap3A_357] {strides = array<i32>} : memref<768x128xf32, #tpu.memory_space<vmem>>, vector<16xf32>,
            tpu.vector_store %arg5[%swap3A_356, %swap3A_357], %broadcast_in_dim3A_1 {strides = array<i32>} : memref<768x128xf32, #tpu.memory_space<vmem>>, vector<16xf32>,
            %mul3A_359 = arith.constant 16 : i32
            %mul3A_360 = arith.muli %scan3A_224, %mul3A_359 : i32
            %add3A_361 = arith.constant 15 : i32
            %add3A_362 = arith.addi %mul3A_360, %add3A_361 : i32
            %mul3A_363 = arith.constant 16 : i32
            %mul3A_364 = arith.muli %while3A_217, %mul3A_363 : i32
            %swap3A_365 = arith.index_cast %add3A_362 : i32 to index
            %swap3A_366 = arith.index_cast %mul3A_364 : i32 to index
            %swap3A_367 = tpu.vector_load %arg5[%swap3A_365, %swap3A_366] {strides = array<i32>} : memref<768x128xf32, #tpu.memory_space<vmem>>, vector<16xf32>,
            tpu.vector_store %arg5[%swap3A_365, %swap3A_366], %broadcast_in_dim3A_1 {strides = array<i32>} : memref<768x128xf32, #tpu.memory_space<vmem>>, vector<16xf32>,
          }
          %scan3A_223 = arith.constant 48 : i32
        }
        %while3A_206 = arith.constant 1 : i32
        scf.for %while3A_217 = %while3A_204 to %while3A_200 step %while3A_206  : i32 {
          %scan3A_218 = arith.constant 0 : i32
          %scan3A_219 = arith.constant 0 : i32
          %scan3A_220 = arith.constant 48 : i32
          %scan3A_221 = arith.addi %scan3A_219, %scan3A_220 : i32
          %scan3A_222 = arith.constant 1 : i32
          scf.for %scan3A_224 = %scan3A_219 to %scan3A_221 step %scan3A_222  : i32 {
            %mul3A_225 = arith.constant 16 : i32
            %mul3A_226 = arith.muli %scan3A_224, %mul3A_225 : i32
            %add3A_227 = arith.constant 0 : i32
            %add3A_228 = arith.addi %mul3A_226, %add3A_227 : i32
            %mul3A_229 = arith.constant 16 : i32
            %mul3A_230 = arith.muli %while3A_217, %mul3A_229 : i32
            %swap3A = arith.index_cast %add3A_228 : i32 to index
            %swap3A_231 = arith.index_cast %mul3A_230 : i32 to index
            %swap3A_232 = tpu.vector_load %arg5[%swap3A, %swap3A_231] {strides = array<i32>} : memref<768x128xf32, #tpu.memory_space<vmem>>, vector<16xf32>,
            tpu.vector_store %arg5[%swap3A, %swap3A_231], %broadcast_in_dim3A_1 {strides = array<i32>} : memref<768x128xf32, #tpu.memory_space<vmem>>, vector<16xf32>,
            %mul3A_233 = arith.constant 16 : i32
            %mul3A_234 = arith.muli %scan3A_224, %mul3A_233 : i32
            %add3A_235 = arith.constant 1 : i32
            %add3A_236 = arith.addi %mul3A_234, %add3A_235 : i32
            %mul3A_237 = arith.constant 16 : i32
            %mul3A_238 = arith.muli %while3A_217, %mul3A_237 : i32
            %swap3A_239 = arith.index_cast %add3A_236 : i32 to index
            %swap3A_240 = arith.index_cast %mul3A_238 : i32 to index
            %swap3A_241 = tpu.vector_load %arg5[%swap3A_239, %swap3A_240] {strides = array<i32>} : memref<768x128xf32, #tpu.memory_space<vmem>>, vector<16xf32>,
            tpu.vector_store %arg5[%swap3A_239, %swap3A_240], %broadcast_in_dim3A_1 {strides = array<i32>} : memref<768x128xf32, #tpu.memory_space<vmem>>, vector<16xf32>,
            %mul3A_242 = arith.constant 16 : i32
            %mul3A_243 = arith.muli %scan3A_224, %mul3A_242 : i32
            %add3A_244 = arith.constant 2 : i32
            %add3A_245 = arith.addi %mul3A_243, %add3A_244 : i32
            %mul3A_246 = arith.constant 16 : i32
            %mul3A_247 = arith.muli %while3A_217, %mul3A_246 : i32
            %swap3A_248 = arith.index_cast %add3A_245 : i32 to index
            %swap3A_249 = arith.index_cast %mul3A_247 : i32 to index
            %swap3A_250 = tpu.vector_load %arg5[%swap3A_248, %swap3A_249] {strides = array<i32>} : memref<768x128xf32, #tpu.memory_space<vmem>>, vector<16xf32>,
            tpu.vector_store %arg5[%swap3A_248, %swap3A_249], %broadcast_in_dim3A_1 {strides = array<i32>} : memref<768x128xf32, #tpu.memory_space<vmem>>, vector<16xf32>,
            %mul3A_251 = arith.constant 16 : i32
            %mul3A_252 = arith.muli %scan3A_224, %mul3A_251 : i32
            %add3A_253 = arith.constant 3 : i32
            %add3A_254 = arith.addi %mul3A_252, %add3A_253 : i32
            %mul3A_255 = arith.constant 16 : i32
            %mul3A_256 = arith.muli %while3A_217, %mul3A_255 : i32
            %swap3A_257 = arith.index_cast %add3A_254 : i32 to index
            %swap3A_258 = arith.index_cast %mul3A_256 : i32 to index
            %swap3A_259 = tpu.vector_load %arg5[%swap3A_257, %swap3A_258] {strides = array<i32>} : memref<768x128xf32, #tpu.memory_space<vmem>>, vector<16xf32>,
            tpu.vector_store %arg5[%swap3A_257, %swap3A_258], %broadcast_in_dim3A_1 {strides = array<i32>} : memref<768x128xf32, #tpu.memory_space<vmem>>, vector<16xf32>,
            %mul3A_260 = arith.constant 16 : i32
            %mul3A_261 = arith.muli %scan3A_224, %mul3A_260 : i32
            %add3A_262 = arith.constant 4 : i32
            %add3A_263 = arith.addi %mul3A_261, %add3A_262 : i32
            %mul3A_264 = arith.constant 16 : i32
            %mul3A_265 = arith.muli %while3A_217, %mul3A_264 : i32
            %swap3A_266 = arith.index_cast %add3A_263 : i32 to index
            %swap3A_267 = arith.index_cast %mul3A_265 : i32 to index
            %swap3A_268 = tpu.vector_load %arg5[%swap3A_266, %swap3A_267] {strides = array<i32>} : memref<768x128xf32, #tpu.memory_space<vmem>>, vector<16xf32>,
            tpu.vector_store %arg5[%swap3A_266, %swap3A_267], %broadcast_in_dim3A_1 {strides = array<i32>} : memref<768x128xf32, #tpu.memory_space<vmem>>, vector<16xf32>,
            %mul3A_269 = arith.constant 16 : i32
            %mul3A_270 = arith.muli %scan3A_224, %mul3A_269 : i32
            %add3A_271 = arith.constant 5 : i32
            %add3A_272 = arith.addi %mul3A_270, %add3A_271 : i32
            %mul3A_273 = arith.constant 16 : i32
            %mul3A_274 = arith.muli %while3A_217, %mul3A_273 : i32
            %swap3A_275 = arith.index_cast %add3A_272 : i32 to index
            %swap3A_276 = arith.index_cast %mul3A_274 : i32 to index
            %swap3A_277 = tpu.vector_load %arg5[%swap3A_275, %swap3A_276] {strides = array<i32>} : memref<768x128xf32, #tpu.memory_space<vmem>>, vector<16xf32>,
            tpu.vector_store %arg5[%swap3A_275, %swap3A_276], %broadcast_in_dim3A_1 {strides = array<i32>} : memref<768x128xf32, #tpu.memory_space<vmem>>, vector<16xf32>,
            %mul3A_278 = arith.constant 16 : i32
            %mul3A_279 = arith.muli %scan3A_224, %mul3A_278 : i32
            %add3A_280 = arith.constant 6 : i32
            %add3A_281 = arith.addi %mul3A_279, %add3A_280 : i32
            %mul3A_282 = arith.constant 16 : i32
            %mul3A_283 = arith.muli %while3A_217, %mul3A_282 : i32
            %swap3A_284 = arith.index_cast %add3A_281 : i32 to index
            %swap3A_285 = arith.index_cast %mul3A_283 : i32 to index
            %swap3A_286 = tpu.vector_load %arg5[%swap3A_284, %swap3A_285] {strides = array<i32>} : memref<768x128xf32, #tpu.memory_space<vmem>>, vector<16xf32>,
            tpu.vector_store %arg5[%swap3A_284, %swap3A_285], %broadcast_in_dim3A_1 {strides = array<i32>} : memref<768x128xf32, #tpu.memory_space<vmem>>, vector<16xf32>,
            %mul3A_287 = arith.constant 16 : i32
            %mul3A_288 = arith.muli %scan3A_224, %mul3A_287 : i32
            %add3A_289 = arith.constant 7 : i32
            %add3A_290 = arith.addi %mul3A_288, %add3A_289 : i32
            %mul3A_291 = arith.constant 16 : i32
            %mul3A_292 = arith.muli %while3A_217, %mul3A_291 : i32
            %swap3A_293 = arith.index_cast %add3A_290 : i32 to index
            %swap3A_294 = arith.index_cast %mul3A_292 : i32 to index
            %swap3A_295 = tpu.vector_load %arg5[%swap3A_293, %swap3A_294] {strides = array<i32>} : memref<768x128xf32, #tpu.memory_space<vmem>>, vector<16xf32>,
            tpu.vector_store %arg5[%swap3A_293, %swap3A_294], %broadcast_in_dim3A_1 {strides = array<i32>} : memref<768x128xf32, #tpu.memory_space<vmem>>, vector<16xf32>,
            %mul3A_296 = arith.constant 16 : i32
            %mul3A_297 = arith.muli %scan3A_224, %mul3A_296 : i32
            %add3A_298 = arith.constant 8 : i32
            %add3A_299 = arith.addi %mul3A_297, %add3A_298 : i32
            %mul3A_300 = arith.constant 16 : i32
            %mul3A_301 = arith.muli %while3A_217, %mul3A_300 : i32
            %swap3A_302 = arith.index_cast %add3A_299 : i32 to index
            %swap3A_303 = arith.index_cast %mul3A_301 : i32 to index
            %swap3A_304 = tpu.vector_load %arg5[%swap3A_302, %swap3A_303] {strides = array<i32>} : memref<768x128xf32, #tpu.memory_space<vmem>>, vector<16xf32>,
            tpu.vector_store %arg5[%swap3A_302, %swap3A_303], %broadcast_in_dim3A_1 {strides = array<i32>} : memref<768x128xf32, #tpu.memory_space<vmem>>, vector<16xf32>,
            %mul3A_305 = arith.constant 16 : i32
            %mul3A_306 = arith.muli %scan3A_224, %mul3A_305 : i32
            %add3A_307 = arith.constant 9 : i32
            %add3A_308 = arith.addi %mul3A_306, %add3A_307 : i32
            %mul3A_309 = arith.constant 16 : i32
            %mul3A_310 = arith.muli %while3A_217, %mul3A_309 : i32
            %swap3A_311 = arith.index_cast %add3A_308 : i32 to index
            %swap3A_312 = arith.index_cast %mul3A_310 : i32 to index
            %swap3A_313 = tpu.vector_load %arg5[%swap3A_311, %swap3A_312] {strides = array<i32>} : memref<768x128xf32, #tpu.memory_space<vmem>>, vector<16xf32>,
            tpu.vector_store %arg5[%swap3A_311, %swap3A_312], %broadcast_in_dim3A_1 {strides = array<i32>} : memref<768x128xf32, #tpu.memory_space<vmem>>, vector<16xf32>,
            %mul3A_314 = arith.constant 16 : i32
            %mul3A_315 = arith.muli %scan3A_224, %mul3A_314 : i32
            %add3A_316 = arith.constant 10 : i32
            %add3A_317 = arith.addi %mul3A_315, %add3A_316 : i32
            %mul3A_318 = arith.constant 16 : i32
            %mul3A_319 = arith.muli %while3A_217, %mul3A_318 : i32
            %swap3A_320 = arith.index_cast %add3A_317 : i32 to index
            %swap3A_321 = arith.index_cast %mul3A_319 : i32 to index
            %swap3A_322 = tpu.vector_load %arg5[%swap3A_320, %swap3A_321] {strides = array<i32>} : memref<768x128xf32, #tpu.memory_space<vmem>>, vector<16xf32>,
            tpu.vector_store %arg5[%swap3A_320, %swap3A_321], %broadcast_in_dim3A_1 {strides = array<i32>} : memref<768x128xf32, #tpu.memory_space<vmem>>, vector<16xf32>,
            %mul3A_323 = arith.constant 16 : i32
            %mul3A_324 = arith.muli %scan3A_224, %mul3A_323 : i32
            %add3A_325 = arith.constant 11 : i32
            %add3A_326 = arith.addi %mul3A_324, %add3A_325 : i32
            %mul3A_327 = arith.constant 16 : i32
            %mul3A_328 = arith.muli %while3A_217, %mul3A_327 : i32
            %swap3A_329 = arith.index_cast %add3A_326 : i32 to index
            %swap3A_330 = arith.index_cast %mul3A_328 : i32 to index
            %swap3A_331 = tpu.vector_load %arg5[%swap3A_329, %swap3A_330] {strides = array<i32>} : memref<768x128xf32, #tpu.memory_space<vmem>>, vector<16xf32>,
            tpu.vector_store %arg5[%swap3A_329, %swap3A_330], %broadcast_in_dim3A_1 {strides = array<i32>} : memref<768x128xf32, #tpu.memory_space<vmem>>, vector<16xf32>,
            %mul3A_332 = arith.constant 16 : i32
            %mul3A_333 = arith.muli %scan3A_224, %mul3A_332 : i32
            %add3A_334 = arith.constant 12 : i32
            %add3A_335 = arith.addi %mul3A_333, %add3A_334 : i32
            %mul3A_336 = arith.constant 16 : i32
            %mul3A_337 = arith.muli %while3A_217, %mul3A_336 : i32
            %swap3A_338 = arith.index_cast %add3A_335 : i32 to index
            %swap3A_339 = arith.index_cast %mul3A_337 : i32 to index
            %swap3A_340 = tpu.vector_load %arg5[%swap3A_338, %swap3A_339] {strides = array<i32>} : memref<768x128xf32, #tpu.memory_space<vmem>>, vector<16xf32>,
            tpu.vector_store %arg5[%swap3A_338, %swap3A_339], %broadcast_in_dim3A_1 {strides = array<i32>} : memref<768x128xf32, #tpu.memory_space<vmem>>, vector<16xf32>,
            %mul3A_341 = arith.constant 16 : i32
            %mul3A_342 = arith.muli %scan3A_224, %mul3A_341 : i32
            %add3A_343 = arith.constant 13 : i32
            %add3A_344 = arith.addi %mul3A_342, %add3A_343 : i32
            %mul3A_345 = arith.constant 16 : i32
            %mul3A_346 = arith.muli %while3A_217, %mul3A_345 : i32
            %swap3A_347 = arith.index_cast %add3A_344 : i32 to index
            %swap3A_348 = arith.index_cast %mul3A_346 : i32 to index
            %swap3A_349 = tpu.vector_load %arg5[%swap3A_347, %swap3A_348] {strides = array<i32>} : memref<768x128xf32, #tpu.memory_space<vmem>>, vector<16xf32>,
            tpu.vector_store %arg5[%swap3A_347, %swap3A_348], %broadcast_in_dim3A_1 {strides = array<i32>} : memref<768x128xf32, #tpu.memory_space<vmem>>, vector<16xf32>,
            %mul3A_350 = arith.constant 16 : i32
            %mul3A_351 = arith.muli %scan3A_224, %mul3A_350 : i32
            %add3A_352 = arith.constant 14 : i32
            %add3A_353 = arith.addi %mul3A_351, %add3A_352 : i32
            %mul3A_354 = arith.constant 16 : i32
            %mul3A_355 = arith.muli %while3A_217, %mul3A_354 : i32
            %swap3A_356 = arith.index_cast %add3A_353 : i32 to index
            %swap3A_357 = arith.index_cast %mul3A_355 : i32 to index
            %swap3A_358 = tpu.vector_load %arg5[%swap3A_356, %swap3A_357] {strides = array<i32>} : memref<768x128xf32, #tpu.memory_space<vmem>>, vector<16xf32>,
            tpu.vector_store %arg5[%swap3A_356, %swap3A_357], %broadcast_in_dim3A_1 {strides = array<i32>} : memref<768x128xf32, #tpu.memory_space<vmem>>, vector<16xf32>,
            %mul3A_359 = arith.constant 16 : i32
            %mul3A_360 = arith.muli %scan3A_224, %mul3A_359 : i32
            %add3A_361 = arith.constant 15 : i32
            %add3A_362 = arith.addi %mul3A_360, %add3A_361 : i32
            %mul3A_363 = arith.constant 16 : i32
            %mul3A_364 = arith.muli %while3A_217, %mul3A_363 : i32
            %swap3A_365 = arith.index_cast %add3A_362 : i32 to index
            %swap3A_366 = arith.index_cast %mul3A_364 : i32 to index
            %swap3A_367 = tpu.vector_load %arg5[%swap3A_365, %swap3A_366] {strides = array<i32>} : memref<768x128xf32, #tpu.memory_space<vmem>>, vector<16xf32>,
            tpu.vector_store %arg5[%swap3A_365, %swap3A_366], %broadcast_in_dim3A_1 {strides = array<i32>} : memref<768x128xf32, #tpu.memory_space<vmem>>, vector<16xf32>,
          }
          %scan3A_223 = arith.constant 48 : i32
        }
        %while3A_207 = arith.constant 0 : i32
        %while3A_208 = arith.constant 8 : i32
        %while3A_209 = arith.subi %while3A_208, %add3A_167 : i32
        %while3A_210 = arith.addi %add3A_167, %while3A_209 : i32
        %while3A_211 = arith.constant 1 : i32
        %while3A_212 = arith.divsi %while3A_209, %while3A_211 : i32
        %while3A_213 = arith.muli %while3A_212, %while3A_211 : i32
        %while3A_214 = arith.addi %add3A_167, %while3A_213 : i32
        %while3A_215 = arith.constant 1 : i32
        scf.for %while3A_217 = %add3A_167 to %while3A_214 step %while3A_215  : i32 {
          %mul3A_218 = arith.constant 128 : i32
          %mul3A_219 = arith.muli %while3A_217, %mul3A_218 : i32
          "tpu.region"() ({
            %run_scoped3A = tpu.sem_alloc : memref<!tpu.dma_semaphore, #tpu.memory_space<semaphore_mem>>
            %dma_start3A_220 = arith.constant 0 : i32
            %dma_start3A_221 = tpu.memref_slice %arg3[%add3A, %dma_start3A_220, %mul3A_219] : memref<32x768x1024xf32, #tpu.memory_space<hbm>> -> memref<1x768x128xf32, #tpu.memory_space<hbm>>
            %dma_start3A_222 = tpu.memref_squeeze %dma_start3A_221 : memref<1x768x128xf32, #tpu.memory_space<hbm>> -> memref<768x128xf32, #tpu.memory_space<hbm>>
            %dma_start3A_223 = arith.constant 0 : i32
            %dma_start3A_224 = tpu.memref_slice %arg3[%add3A, %dma_start3A_223, %mul3A_219] : memref<32x768x1024xf32, #tpu.memory_space<hbm>> -> memref<1x768x128xf32, #tpu.memory_space<hbm>>
            %dma_start3A_225 = tpu.memref_squeeze %dma_start3A_224 : memref<1x768x128xf32, #tpu.memory_space<hbm>> -> memref<768x128xf32, #tpu.memory_space<hbm>>
            tpu.enqueue_dma source(%arg5 : memref<768x128xf32, #tpu.memory_space<vmem>>) target(%dma_start3A_225 : memref<768x128xf32, #tpu.memory_space<hbm>>) target_semaphore(%run_scoped3A : memref<!tpu.dma_semaphore, #tpu.memory_space<semaphore_mem>>)
            %dma_wait3A = arith.constant 0 : i32
            %dma_wait3A_226 = tpu.memref_slice %arg3[%add3A, %dma_wait3A, %mul3A_219] : memref<32x768x1024xf32, #tpu.memory_space<hbm>> -> memref<1x768x128xf32, #tpu.memory_space<hbm>>
            %dma_wait3A_227 = tpu.memref_squeeze %dma_wait3A_226 : memref<1x768x128xf32, #tpu.memory_space<hbm>> -> memref<768x128xf32, #tpu.memory_space<hbm>>
            %dma_wait3A_228 = arith.constant 0 : i32
            %dma_wait3A_229 = tpu.memref_slice %arg3[%add3A, %dma_wait3A_228, %mul3A_219] : memref<32x768x1024xf32, #tpu.memory_space<hbm>> -> memref<1x768x128xf32, #tpu.memory_space<hbm>>
            %dma_wait3A_230 = tpu.memref_squeeze %dma_wait3A_229 : memref<1x768x128xf32, #tpu.memory_space<hbm>> -> memref<768x128xf32, #tpu.memory_space<hbm>>
            tpu.wait_dma2 semaphore(%run_scoped3A : memref<!tpu.dma_semaphore, #tpu.memory_space<semaphore_mem>>) src(%arg5 : memref<768x128xf32, #tpu.memory_space<vmem>>) dst(%dma_wait3A_230 : memref<768x128xf32, #tpu.memory_space<hbm>>)
            tpu.yield
          }) : () -> ()
        }
        %while3A_216 = arith.constant 1 : i32
        scf.for %while3A_217 = %while3A_214 to %while3A_210 step %while3A_216  : i32 {
          %mul3A_218 = arith.constant 128 : i32
          %mul3A_219 = arith.muli %while3A_217, %mul3A_218 : i32
          "tpu.region"() ({
            %run_scoped3A = tpu.sem_alloc : memref<!tpu.dma_semaphore, #tpu.memory_space<semaphore_mem>>
            %dma_start3A_220 = arith.constant 0 : i32
            %dma_start3A_221 = tpu.memref_slice %arg3[%add3A, %dma_start3A_220, %mul3A_219] : memref<32x768x1024xf32, #tpu.memory_space<hbm>> -> memref<1x768x128xf32, #tpu.memory_space<hbm>>
            %dma_start3A_222 = tpu.memref_squeeze %dma_start3A_221 : memref<1x768x128xf32, #tpu.memory_space<hbm>> -> memref<768x128xf32, #tpu.memory_space<hbm>>
            %dma_start3A_223 = arith.constant 0 : i32
            %dma_start3A_224 = tpu.memref_slice %arg3[%add3A, %dma_start3A_223, %mul3A_219] : memref<32x768x1024xf32, #tpu.memory_space<hbm>> -> memref<1x768x128xf32, #tpu.memory_space<hbm>>
            %dma_start3A_225 = tpu.memref_squeeze %dma_start3A_224 : memref<1x768x128xf32, #tpu.memory_space<hbm>> -> memref<768x128xf32, #tpu.memory_space<hbm>>
            tpu.enqueue_dma source(%arg5 : memref<768x128xf32, #tpu.memory_space<vmem>>) target(%dma_start3A_225 : memref<768x128xf32, #tpu.memory_space<hbm>>) target_semaphore(%run_scoped3A : memref<!tpu.dma_semaphore, #tpu.memory_space<semaphore_mem>>)
            %dma_wait3A = arith.constant 0 : i32
            %dma_wait3A_226 = tpu.memref_slice %arg3[%add3A, %dma_wait3A, %mul3A_219] : memref<32x768x1024xf32, #tpu.memory_space<hbm>> -> memref<1x768x128xf32, #tpu.memory_space<hbm>>
            %dma_wait3A_227 = tpu.memref_squeeze %dma_wait3A_226 : memref<1x768x128xf32, #tpu.memory_space<hbm>> -> memref<768x128xf32, #tpu.memory_space<hbm>>
            %dma_wait3A_228 = arith.constant 0 : i32
            %dma_wait3A_229 = tpu.memref_slice %arg3[%add3A, %dma_wait3A_228, %mul3A_219] : memref<32x768x1024xf32, #tpu.memory_space<hbm>> -> memref<1x768x128xf32, #tpu.memory_space<hbm>>
            %dma_wait3A_230 = tpu.memref_squeeze %dma_wait3A_229 : memref<1x768x128xf32, #tpu.memory_space<hbm>> -> memref<768x128xf32, #tpu.memory_space<hbm>>
            tpu.wait_dma2 semaphore(%run_scoped3A : memref<!tpu.dma_semaphore, #tpu.memory_space<semaphore_mem>>) src(%arg5 : memref<768x128xf32, #tpu.memory_space<vmem>>) dst(%dma_wait3A_230 : memref<768x128xf32, #tpu.memory_space<hbm>>)
            tpu.yield
          }) : () -> ()
        }
      } else {
      }
    } else {
    }
    return
  }
}

</mosaic_0001>

<sc_bundles>
// kernel: kernel.3.cloned.1.call-start
scs
__scs_entry_jumppad:
0x0: {  	(pc) =	sbr.rel $0x88, $3  }
0x1: {  	(tag) =	ssettag $0x0;
	lr =	simm.s32 $0x1  }
0x2: {  	[smem:$0x3FA0] =	sst lr;
	_ =	strace $0xD0000000  }
0x3: {  	_ = 	snop  }
0x4: {  	_ = 	snop  }
0x5: {  	_ = 	snop  }
0x6: {  	_ = 	snop  }
0x7: {  	_ = 	snop  }
__scs_overlays_trampoline_lowered:
0x8: {  	[smem:$0x3FAF] =	sst s0  }
0x9: {  	[smem:$0x3FB0] =	sst s1  }
0xa: {  	[smem:$0x3FB1] =	sst s2  }
0xb: {  	[smem:$0x3FB2] =	sst s3  }
0xc: {  	[smem:$0x3FB3] =	sst s4  }
0xd: {  	[smem:$0x3FB4] =	sst s5  }
0xe: {  	[smem:$0x3FB5] =	sst s6  }
0xf: {  	[smem:$0x3FB6] =	sst s7  }
0x10: {  	[smem:$0x3FB7] =	sst s8  }
0x11: {  	[smem:$0x3FB8] =	sst s9;
	s0 =	simm.s32 @!p0 $0x0  }
0x12: {  	s1 =	sld [smem:$0x3F9E];
	s0 =	simm.s32 @p0 $0x1  }
0x13: {  	[smem:$0x3FB9] =	sst s0;
	s0 =	simm.s32 @!p1 $0x0  }
0x14: {  	s2 =	sld [smem:$0x3F9D];
	s0 =	simm.s32 @p1 $0x1  }
0x15: {  	[smem:$0x3FBA] =	sst s0;
	s0 =	simm.s32 @!p2 $0x0  }
0x16: {  	s3 =	sld [smem:$0x3FDB];
	s0 =	simm.s32 @p2 $0x1  }
0x17: {  	s4 =	simm.s32 $0x1BF5;
	[smem:$0x3FBC] =	sst s0  }
0x18: {  	s0 =	sld [smem:$0x3F9F];
	_ =	swait.ge [sflag:s4], $0x0  }
0x19: {  	s7 =	sld [smem:$0x3FA0]  }
0x1a: {  	s8 =	sadd.s32 $0xFFFFE003, lr  }
0x1b: {  	s9 =	sadd.s32 $0xFFFFFEF7, lr;
	s5 =	simm.s32 $0xFFFFFFFF;
	p2 =	slt.u32 s8, $0xFFFFF086  }
0x1c: {  	p1 =	slt.u32 s9, $0xF7A;
	s5 =	simm.s32 @!p2 $0x0  }
0x1d: {  	s5 =	simm.s32 @p1 $0x1;
	p0 =	seq.s32 s7, s2  }
0x1e: {  	s7 =	smul.u32 @!p0 $0xF7A, s2;
	p2 =	seq.s32 @!p0 s5, $0x0  }
0x1f: {  	s9 =	smul.u32 $0xF7A, s1;
	s8 =	simm.s32 @!p0 $0x1BF5;
	p2 =	por !p2, p0  }
0x20: {  	[sflag:s8] =	ssyncset.s32 @!p0 $0xFFFFF086;
	s6 =	sadd.s32 @!p0 s3, s7;
	s7 =	simm.s32 @!p0 $0x108  }
0x21: {  	s3 =	sadd.s32 s3, s9;
	s6 =	sadd.s32 @!p0 $0x88, s6;
	s7 =	simm.s32 @p2 $0x1082  }
0x22: {  	[simem:s7], [sflag:s8] =	dma.local @!p0 [hbm:s6], $0xF7A  }
0x23: {  	s9 =	sor.u32 $0xD0000000, s2;
	s6 =	simm.s32 $0x108;
	_ =	swait.ge @!p0 [sflag:s8], $0x0  }
0x24: {  	s3 =	sadd.s32 $0x88, s3;
	s6 =	simm.s32 @!p1 $0x1082;
	[sflag:s4] =	ssyncset.s32 $0xFFFFF086  }
0x25: {  	[simem:s6], [sflag:s4] =	dma.local [hbm:s3], $0xF7A  }
0x26: {  	[smem:$0x3FA0] =	sst s1;
	(tag) =	ssettag s2;
	_ =	strace s9  }
0x27: {  	s1 =	sld [smem:$0x3FB0]  }
0x28: {  	s2 =	sld [smem:$0x3FB1]  }
0x29: {  	s4 =	sld [smem:$0x3FB3]  }
0x2a: {  	p0 =	seq.s32 s5, $0x0;
	s5 =	sld [smem:$0x3FB4]  }
0x2b: {  	s6 =	sld [smem:$0x3FB5]  }
0x2c: {  	s7 =	sld [smem:$0x3FB6]  }
0x2d: {  	s3 =	simm.s32 $0x108;
	s8 =	sld [smem:$0x3FB7]  }
0x2e: {  	s3 =	simm.s32 @!p0 $0x1082;
	s9 =	sld [smem:$0x3FB8]  }
0x2f: {  	lr =	sadd.s32 s0, s3;
	s0 =	sld [smem:$0x3FAF]  }
0x30: {  	s3 =	sld [smem:$0x3FB2]  }
0x31: {  	[smem:$0x3FBB] =	sst s10  }
0x32: {  	s10 =	sld [smem:$0x3FB9];
	_ =	sdelay $0x3  }
0x33: {  	p0 =	seq.s32 s10, $0x1;
	s10 =	sld [smem:$0x3FBB];
	_ =	sdelay $0x3  }
0x34: {  	[smem:$0x3FBB] =	sst s10  }
0x35: {  	s10 =	sld [smem:$0x3FBA];
	_ =	sdelay $0x3  }
0x36: {  	p1 =	seq.s32 s10, $0x1;
	s10 =	sld [smem:$0x3FBB];
	_ =	sdelay $0x3  }
0x37: {  	[smem:$0x3FBB] =	sst s10  }
0x38: {  	s10 =	sld [smem:$0x3FBC]  }
0x39: {  	_ = 	snop;
	(pc) =	sbr.ind lr, $3  }
0x3a: {  	_ = 	snop  }
0x3b: {  	_ = 	snop  }
0x3c: {  	p2 =	seq.s32 s10, $0x1;
	s10 =	sld [smem:$0x3FBB]  }
0x3d: {  	_ =	shalt  }
0x3e: {  	_ =	shalt  }
0x3f: {  	_ =	shalt  }
0x40: {  	_ =	shalt  }
0x41: {  	_ =	shalt  }
0x42: {  	_ =	shalt  }
0x43: {  	_ =	shalt  }
0x44: {  	_ =	shalt  }
0x45: {  	_ =	shalt  }
0x46: {  	_ =	shalt  }
0x47: {  	_ =	shalt  }
0x48: {  	_ =	shalt  }
0x49: {  	_ =	shalt  }
0x4a: {  	_ =	shalt  }
0x4b: {  	_ =	shalt  }
0x4c: {  	_ =	shalt  }
0x4d: {  	_ =	shalt  }
0x4e: {  	_ =	shalt  }
0x4f: {  	_ =	shalt  }
0x50: {  	_ =	shalt  }
0x51: {  	_ =	shalt  }
0x52: {  	_ =	shalt  }
0x53: {  	_ =	shalt  }
0x54: {  	_ =	shalt  }
0x55: {  	_ =	shalt  }
0x56: {  	_ =	shalt  }
0x57: {  	_ =	shalt  }
0x58: {  	_ =	shalt  }
0x59: {  	_ =	shalt  }
0x5a: {  	_ =	shalt  }
0x5b: {  	_ =	shalt  }
0x5c: {  	_ =	shalt  }
0x5d: {  	_ =	shalt  }
0x5e: {  	_ =	shalt  }
0x5f: {  	_ =	shalt  }
0x60: {  	_ =	shalt  }
0x61: {  	_ =	shalt  }
0x62: {  	_ =	shalt  }
0x63: {  	_ =	shalt  }
0x64: {  	_ =	shalt  }
0x65: {  	_ =	shalt  }
0x66: {  	_ =	shalt  }
0x67: {  	_ =	shalt  }
0x68: {  	_ =	shalt  }
0x69: {  	_ =	shalt  }
0x6a: {  	_ =	shalt  }
0x6b: {  	_ =	shalt  }
0x6c: {  	_ =	shalt  }
0x6d: {  	_ =	shalt  }
0x6e: {  	_ =	shalt  }
0x6f: {  	_ =	shalt  }
0x70: {  	_ =	shalt  }
0x71: {  	_ =	shalt  }
0x72: {  	_ =	shalt  }
0x73: {  	_ =	shalt  }
0x74: {  	_ =	shalt  }
0x75: {  	_ =	shalt  }
0x76: {  	_ =	shalt  }
0x77: {  	_ =	shalt  }
0x78: {  	_ =	shalt  }
0x79: {  	_ =	shalt  }
0x7a: {  	_ =	shalt  }
0x7b: {  	_ =	shalt  }
0x7c: {  	_ =	shalt  }
0x7d: {  	_ =	shalt  }
0x7e: {  	_ =	shalt  }
0x7f: {  	_ =	shalt  }
0x80: {  	_ =	shalt  }
0x81: {  	_ =	shalt  }
0x82: {  	_ =	shalt  }
0x83: {  	_ =	shalt  }
0x84: {  	_ =	shalt  }
0x85: {  	_ =	shalt  }
0x86: {  	_ =	shalt  }
0x87: {  	_ =	shalt  }
.Lfunc_end0:
.L_simem_size_0:
called_computation_lowered:
.L_overlay_start_0:
0x88: {  	s2 =	sld [smem:$0x3FD9]  }
0x89: {  	s3 =	sld [smem:$0x3FFE];
	_ =	sdelay $0x1  }
0x8a: {  	s1 =	srdreg.scid  }
0x8b: {  	s0 =	sand.u32 $0x1, s1  }
0x8c: {  	s18 =	sshll.u32 s0, $0xA;
	s2 =	sadd.s32 s3, s2  }
0x8d: {  	s2 =	sadd.s32 s2, s18  }
0x8e: {  	[smem:$0x3FC7] =	sst s2  }
0x8f: {  	_ = 	snop  }
0x90: {  	s2 =	sld [smem:$0x3FC9]  }
0x91: {  	s19 =	sld [smem:$0x3FD0];
	(tm) =	ssettm $0x1  }
0x92: {  	s4 =	sld [smem:$0x3FFB];
	_ =	sdelay $0x3  }
0x93: {  	_ =	strace s4  }
0x94: {  	s4 =	sld [smem:$0x3FFC];
	_ =	sdelay $0x3  }
0x95: {  	_ =	strace s4  }
0x96: {  	s4 =	sld [smem:$0x3FFD];
	_ =	sdelay $0x3  }
0x97: {  	_ =	strace s4  }
0x98: {  	_ =	strace $0x8FFFFFFF  }
0x99: {  	s20 =	sld [smem:$0x3FDB];
	_ =	sdelay $0x1  }
0x9a: {  	s5 =	simm.s32 $_scs_section_size  }
0x9b: {  	s6 =	simm.s32 $_size__tile_overlayer_lowered;
	s7 =	simm.s32 $_tile_overlayer_lowered  }
0x9c: {  	s23 =	simm.s32 $0x1BFF;
	s22 =	sshll.u32 s7, $0x1;
	s4 =	sadd.s32 s5, s20  }
0x9d: {  	s8 =	simm.s32 $0x0;
	s21 =	sshll.u32 s6, $0x1;
	s6 =	sadd.s32 s22, s4  }
0x9e: {  	[timem:s8], [sflag:s23] =	dma.local [hbm:s6], s21  }
0x9f: {  	_ =	swait.ge [sflag:s23], s21  }
0xa0: {  	s5 =	ssub.s32 $0x0, s21;
	[sflag:s23] =	ssyncset.done $0x0  }
0xa1: {  	[sflag:s23] =	ssyncadd.s32 s5;
	_ =	sdelay $0x1  }
0xa2: {  	s24 =	simm.s32 $0x1B8B  }
0xa3: {  	_ =	swait.ge [sflag:s24], $0x1  }
0xa4: {  	[sflag:s24] =	ssyncset.done $0x0  }
0xa5: {  	s25 =	simm.s32 $0x1B8E;
	[sflag:s24] =	ssyncadd.s32 $0xFFFFFFFF  }
0xa6: {  	s26 =	simm.s32 $execute0_lowered;
	[smem:$0x3FD2] =	sst s25  }
0xa7: {  	s5 =	sshll.u32 s26, $0x1;
	_ =	strace $0x80000046;
	[dreg:$0x1] =	wrdreg $0xFFFFFFFF  }
0xa8: {  	s28 =	simm.s32 $_size_execute0_lowered;
	s4 =	sadd.s32 s4, s5;
	[dreg:$0x0] =	wrdreg $0x0  }
0xa9: {  	s5 =	sshll.u32 s28, $0x1;
	[dreg:$0x2] =	wrdreg s4  }
0xaa: {  	[dreg:$0x3] =	wrdreg s5  }
0xab: {  	[dreg:$0x4] =	wrdreg $0xC0  }
0xac: {  	_ =	task [dreg:s8], $0x5FFFF  }
0xad: {  	[dreg:$0x1] =	wrdreg $0xFFFFFFFF  }
0xae: {  	[dreg:$0x0] =	wrdreg $0x60  }
0xaf: {  	[dreg:$0x2] =	wrdreg s2  }
0xb0: {  	[dreg:$0x3] =	wrdreg s19  }
0xb1: {  	[dreg:$0x4] =	wrdreg $0x9  }
0xb2: {  	_ =	task.clear_ibuf [dreg:s8], $0x5FFFF;
	_ =	strace $0x90000046  }
0xb3: {  	s29 =	simm.s32 $0x9;
	_ =	strace $0x80000048  }
0xb4: {  	_ =	swait.ge [sflag:s29], $0x1  }
0xb5: {  	[sflag:s29] =	ssyncadd.s32 $0xFFFFFFFF  }
0xb6: {  	_ =	strace $0x90000048  }
0xb7: {  	_ =	sfence  }
0xb8: {  	s30 =	sld [smem:$0x0];
	_ =	sdelay $0x2  }
0xb9: {  	s31 =	sshll.u32 s1, $0xD;
	s1 =	sshrl.u32 s1, $0x2  }
0xba: {  	s3 =	sand.u32 $0x4000, s31;
	s1 =	sadd.s32 s1, s30  }
0xbb: {  	s0 =	sor.u32 s3, s0;
	s1 =	sshll.u32 s1, $0x11  }
0xbc: {  	s0 =	sor.u32 s1, s0  }
0xbd: {  	s0 =	sadd.s32 $0x8F2B, s0  }
0xbe: {  	[sflag:s0] =	ssyncadd.remote.s32 $0x1  }
0xbf: {  	_ =	sfence.sel $0xFFFF  }
0xc0: {  	[dreg:$0x0] =	wrdreg $0xFFFFFFFF;
	(pc) =	sbr.abs _section_cstart, $3  }
0xc1: {  	[dreg:$0x1] =	wrdreg $0xFFFFFFFF  }
0xc2: {  	_ =	task.clear_ibuf [dreg:s8], $0x2FFFF;
	_ =	strace $0x9FFFFFFF  }
0xc3: {  	(tm) =	ssettm $0x7FFFFFFF  }
tec
execute0_lowered:
.L_overlay_start_1:
0x0: {  	(tag) =	ssettag $0x1  }
0x1: {  	v0 =	vimm.s32 $0xEFCDAB89;
	v1 =	vimm.s32 $0x67452301  }
0x2: {  	vm0 =	vcmask $0xB08;
	vm1 =	vcmask $0x300;
	v2 =	vimm.s32 $0x54761032  }
0x3: {  	v3 =	vimm.s32 $0xBA98FEDC;
	v4 =	vimm.s32 $0x32107654;
	v0 =	vunpack.c.l.s4.s8 v0  }
0x4: {  	v1 =	vunpack.c.l.s4.s8 v1;
	vm0 =	vmor vm1, vm0;
	vm1 =	vcmask $0x1310  }
0x5: {  	vm2 =	vcmask $0x700;
	v2 =	vunpack.c.l.s4.s8 v2;
	vm0 =	vmor vm0, vm1  }
0x6: {  	vm1 =	vcmask $0x1B18;
	v0 =	vunpack.c.0.s8.s32 v0;
	v1 =	vunpack.c.0.s8.s32 v1  }
0x7: {  	v3 =	vunpack.c.l.s4.s8 v3;
	v4 =	vunpack.c.l.s4.s8 v4;
	vm0 =	vmor vm0, vm1  }
0x8: {  	vm1 =	vcmask $0x2320;
	v0 =	vcombine.low v1, v0;
	v1 =	vimm.s32 $0xDCFE98BA  }
0x9: {  	vm0 =	vmor vm0, vm1;
	vm1 =	vcmask $0x2B28;
	v1 =	vunpack.c.l.s4.s8 v1  }
0xa: {  	s0 =	rddreg [dreg:$0x0];
	s2 =	srdreg.scid;
	v2 =	vunpack.c.0.s8.s32 v2;
	vm0 =	vmor vm0, vm1;
	vm1 =	vcmask $0x3330  }
0xb: {  	s1 =	stileid.u32;
	s3 =	rddreg [dreg:$0x1];
	vm0 =	vmor vm0, vm1;
	vm1 =	vcmask $0x3B38;
	v1 =	vunpack.c.0.s8.s32 v1  }
0xc: {  	s4 =	simm.s32 $0x0;
	vm3 =	vcmask $0xF00;
	s13 =	simm.s32 $0x1000;
	s14 =	simm.s32 $0x800;
	vm0 =	vmor vm0, vm1;
	vm1 =	vcmask $0x1710  }
0xd: {  	s7 =	sand.u32 $0x1, s2;
	s5 =	sshll.u32 s1, $0x1;
	s11 =	smul.u32 $0x180000, s1;
	v1 =	vcombine.low v2, v1;
	v2 =	vunpack.c.0.s8.s32 v3;
	v3 =	vunpack.c.0.s8.s32 v4  }
0xe: {  	s15 =	simm.s32 $0x2000;
	s5 =	sor.u32 s7, s5;
	s12 =	smul.u32 $0xC0000, s7;
	vm1 =	vmor vm2, vm1;
	vm2 =	vcmask $0x2720;
	v4 =	vimm.s32 $0xFEDCBA98  }
0xf: {  	s16 =	simm.s32 $0x3000;
	s17 =	simm.s32 $0x3;
	s5 =	smul.u32 $0xC0000, s5;
	v4 =	vunpack.c.l.s4.s8 v4;
	v2 =	vcombine.low v3, v2;
	v3 =	vimm.s32 $0x76543210  }
.Ltmp0:
0x10: {  	[smem:$0x7FF] =	sst s4;
	s6 =	ssub.s32 $0x2, s7;
	vm1 =	vmor vm1, vm2;
	vm2 =	vcmask $0x3730;
	v3 =	vunpack.c.l.s4.s8 v3;
	(pc) =	sbr.rel .LBB2_1-.Ltmp0, $4  }
0x11: {  	s18 =	simm.s32 $0x0;
	_ =	strace $0x80000047;
	s8 =	sshrl.u32 s6, $0x1;
	vm1 =	vmor vm1, vm2;
	vm2 =	vcmask $0x2F20;
	v4 =	vunpack.c.0.s8.s32 v4  }
0x12: {  	s8 =	ssub.s32 s6, s8;
	s11 =	sadd.s32 s12, s11;
	s9 =	sshrl.u32 s5, $0x3;
	v0 =	vand.u32 $0xF, v0;
	vm2 =	vmor vm3, vm2;
	v3 =	vunpack.c.0.s8.s32 v3  }
0x13: {  	s12 =	simm.s32 $0x400;
	s7 =	sadd.s32 $0xFFFFFC00, s5;
	s6 =	sadd.s32 s0, s9;
	vm3 =	vmmov $0xff;
	v1 =	vand.u32 $0xF, v1;
	v4 =	vand.u32 $0xF, v4  }
0x14: {  	s8 =	smax.u32 s8, $0x1;
	s9 =	sadd.s32 $0x8000, s6;
	s10 =	sadd.s32 $0x10000, s6;
	v2 =	vand.u32 $0xF, v2;
	v3 =	vcombine.low v4, v3;
	v4 =	vimm.f32 $0.0e+00  }
.LBB2_28:
0x15: {  	[sflag:s17] =	ssyncset.done $0x0  }
0x16: {  	[sflag:s17] =	ssyncadd.s32 $0xFFFE8000  }
.LBB2_29:
0x17: {  	s18 =	sadd.s32 $0x1, s18  }
0x18: {  	p0 =	sne.s32 s18, s8  }
.Ltmp1:
0x19: {  	_ = 	snop;
	(pc) =	sbr.rel @!p0 .LBB2_30-.Ltmp1, $1  }
0x1a: {  	_ =	sdelay $0x3  }
.LBB2_1:
0x1b: {  	[tilespmem:s4], [sflag:$0x1] =	stream.strided.gather [hbm4b:s6+s12], $0x800, s13, s12, $0x38;
	[tilespmem:$0x1E000] =	vst v63  }
.Ltmp2:
0x1c: {  	_ = 	snop;
	(pc) =	sbr.rel .LBB2_3-.Ltmp2, $4  }
0x1d: {  	_ = 	snop  }
0x1e: {  	[tilespmem:s14], [sflag:$0x1] =	stream.strided.gather [hbm4b:s9+s12], $0x800, s13, s12, $0x38;
	[tilespmem:$0x1E000] =	vst v63  }
0x1f: {  	s19 =	simm.s32 $0x0;
	s21 =	simm.s32 $0x0  }
0x20: {  	[tilespmem:s13], [sflag:$0x1] =	stream.strided.gather [hbm4b:s10+s12], $0x800, s13, s12, $0x38;
	[tilespmem:$0x1E000] =	vst v63  }
.LBB2_2:
0x21: {  	p0 =	seq.s32 s21, $0x80  }
.Ltmp3:
0x22: {  	_ = 	snop;
	(pc) =	sbr.rel @p0 .LBB2_9-.Ltmp3, $1  }
0x23: {  	_ =	sdelay $0x3  }
.LBB2_3:
0x24: {  	s20 =	smov.u32 s21;
	s22 =	sand.u32 $0x1, s21  }
0x25: {  	s21 =	sadd.s32 $0x1, s21;
	s23 =	sadd.s32 $0x1, s22;
	p0 =	seq.s32 s20, $0x7F  }
0x26: {  	_ =	swait.ge [sflag:s23], $0x1800;
	s20 =	sshll.u32 @!p0 s21, $0xB;
	s24 =	sand.u32 @!p0 $0x1, s21  }
0x27: {  	s25 =	sshll.u32 @!p0 s21, $0xA;
	[sflag:s23] =	ssyncset.done $0x0;
	s20 =	sand.u32 @!p0 $0x7E000, s20  }
0x28: {  	s26 =	smul.u32 @!p0 $0x6000, s24;
	s25 =	sand.u32 @!p0 $0xC00, s25;
	s20 =	sadd.s32 @!p0 s5, s20  }
0x29: {  	[sflag:s23] =	ssyncadd.s32 $0xFFFFE800;
	s20 =	sor.u32 @!p0 s25, s20  }
0x2a: {  	s23 =	sadd.s32 @!p0 $0x1, s24;
	s24 =	sshrl.u32 @!p0 s26, $0x2;
	s20 =	sshrl.u32 @!p0 s20, $0x3  }
0x2b: {  	s25 =	simm.s32 @!p0 $0x400;
	s26 =	simm.s32 @!p0 $0x1000;
	s20 =	sadd.s32 @!p0 s0, s20  }
0x2c: {  	[tilespmem:s24], [sflag:s23] =	stream.strided.gather @!p0 [hbm4b:s20+s25], $0x800, s26, s25, $0x38;
	[tilespmem:$0x1E000] =	vst v63  }
0x2d: {  	s29 =	sadd.s32 @!p0 $0x800, s24;
	s28 =	sadd.s32 @!p0 $0x8000, s20  }
0x2e: {  	[tilespmem:s29], [sflag:s23] =	stream.strided.gather @!p0 [hbm4b:s28+s25], $0x800, s26, s25, $0x38;
	[tilespmem:$0x1E000] =	vst v63  }
0x2f: {  	s22 =	smul.u32 $0x6000, s22;
	s20 =	sadd.s32 @!p0 $0x10000, s20;
	s24 =	sadd.s32 @!p0 $0x1000, s24  }
0x30: {  	[tilespmem:s24], [sflag:s23] =	stream.strided.gather @!p0 [hbm4b:s20+s25], $0x800, s26, s25, $0x38;
	[tilespmem:$0x1E000] =	vst v63  }
0x31: {  	s20 =	sshrl.u32 s22, $0x2  }
0x32: {  	s22 =	sor.u32 $0x80, s20  }
0x33: {  	s29 =	sor.u32 $0x100, s20;
	v5 =	vmov s22  }
0x34: {  	s30 =	sor.u32 $0x180, s20;
	[tilespmem:$0x1FDD0] =	vst v5;
	v5 =	vmov s29  }
0x35: {  	s31 =	sor.u32 $0x200, s20;
	[tilespmem:$0x1FDE0] =	vst v5;
	v5 =	vmov s30  }
0x36: {  	s2 =	sor.u32 $0x280, s20;
	[tilespmem:$0x1FDF0] =	vst v5;
	v5 =	vmov s31  }
0x37: {  	s25 =	sor.u32 $0x300, s20;
	[tilespmem:$0x1FE00] =	vst v5;
	v5 =	vmov s2  }
0x38: {  	s26 =	sor.u32 $0x380, s20;
	[tilespmem:$0x1FE10] =	vst v5;
	v5 =	vmov s25  }
0x39: {  	s28 =	sor.u32 $0x400, s20;
	[tilespmem:$0x1FE20] =	vst v5;
	v5 =	vmov s26  }
0x3a: {  	s29 =	sor.u32 $0x480, s20;
	[tilespmem:$0x1FE30] =	vst v5;
	v5 =	vmov s28  }
0x3b: {  	s30 =	sor.u32 $0x500, s20;
	[tilespmem:$0x1FE40] =	vst v5;
	v5 =	vmov s29  }
0x3c: {  	s31 =	sor.u32 $0x580, s20;
	[tilespmem:$0x1FE50] =	vst v5;
	v5 =	vmov s30  }
0x3d: {  	s2 =	sor.u32 $0x600, s20;
	[tilespmem:$0x1FE60] =	vst v5;
	v5 =	vmov s31  }
0x3e: {  	s25 =	sor.u32 $0x680, s20;
	[tilespmem:$0x1FE70] =	vst v5;
	v5 =	vmov s2  }
0x3f: {  	s26 =	sor.u32 $0x700, s20;
	[tilespmem:$0x1FE80] =	vst v5;
	v5 =	vmov s25  }
0x40: {  	s28 =	sor.u32 $0x780, s20;
	[tilespmem:$0x1FE90] =	vst v5;
	v5 =	vmov s26  }
0x41: {  	s29 =	sadd.s32 $0x800, s20;
	[tilespmem:$0x1FEA0] =	vst v5;
	v5 =	vmov s28  }
0x42: {  	s30 =	sadd.s32 $0x880, s20;
	[tilespmem:$0x1FEB0] =	vst v5;
	v5 =	vmov s29  }
0x43: {  	s31 =	sadd.s32 $0x900, s20;
	[tilespmem:$0x1FEC0] =	vst v5;
	v5 =	vmov s30  }
0x44: {  	s2 =	sadd.s32 $0x980, s20;
	[tilespmem:$0x1FED0] =	vst v5;
	v5 =	vmov s31  }
0x45: {  	s25 =	sadd.s32 $0xA00, s20;
	[tilespmem:$0x1FEE0] =	vst v5;
	v5 =	vmov s2  }
0x46: {  	s26 =	sadd.s32 $0xA80, s20;
	[tilespmem:$0x1FEF0] =	vst v5;
	v5 =	vmov s25  }
0x47: {  	s28 =	sadd.s32 $0xB00, s20;
	[tilespmem:$0x1FF00] =	vst v5;
	v5 =	vmov s26  }
0x48: {  	s29 =	sadd.s32 $0xB80, s20;
	[tilespmem:$0x1FF10] =	vst v5;
	v5 =	vmov s28  }
0x49: {  	s30 =	sadd.s32 $0xC00, s20;
	[tilespmem:$0x1FF20] =	vst v5;
	v5 =	vmov s29  }
0x4a: {  	s31 =	sadd.s32 $0xC80, s20;
	[tilespmem:$0x1FF30] =	vst v5;
	v5 =	vmov s30  }
0x4b: {  	s2 =	sadd.s32 $0xD00, s20;
	[tilespmem:$0x1FF40] =	vst v5;
	v5 =	vmov s31  }
0x4c: {  	s25 =	sadd.s32 $0xD80, s20;
	[tilespmem:$0x1FF50] =	vst v5;
	v5 =	vmov s2  }
0x4d: {  	s26 =	sadd.s32 $0xE00, s20;
	[tilespmem:$0x1FF60] =	vst v5;
	v5 =	vmov s25  }
0x4e: {  	s28 =	sadd.s32 $0xE80, s20;
	[tilespmem:$0x1FF70] =	vst v5;
	v5 =	vmov s26  }
0x4f: {  	s29 =	sadd.s32 $0xF00, s20;
	[tilespmem:$0x1FF80] =	vst v5;
	v5 =	vmov s28  }
0x50: {  	s30 =	sadd.s32 $0xF80, s20;
	s31 =	sadd.s32 $0x1000, s20;
	s28 =	sadd.s32 $0x1200, s20;
	[tilespmem:$0x1FF90] =	vst v5;
	v5 =	vmov s29  }
0x51: {  	v49 =	vmov s20;
	s2 =	sadd.s32 $0x1080, s20;
	s29 =	sadd.s32 $0x1280, s20;
	v40 =	vmov s28;
	s28 =	sadd.s32 $0x1580, s20;
	[tilespmem:$0x1FFA0] =	vst v5;
	v5 =	vmov s30  }
.Ltmp4:
0x52: {  	s30 =	sadd.s32 $0x1300, s20;
	v41 =	vmov s29;
	s29 =	sadd.s32 $0x1600, s20;
	v47 =	vmov s28;
	[tilespmem:$0x1FFB0] =	vst v5;
	v5 =	vmov s31;
	(pc) =	sbr.rel .LBB2_4-.Ltmp4, $4  }
0x53: {  	s25 =	sadd.s32 $0x1100, s20;
	s31 =	sadd.s32 $0x1380, s20;
	v42 =	vmov s30;
	s30 =	sadd.s32 $0x1680, s20;
	v48 =	vmov s29;
	[tilespmem:$0x1FFC0] =	vst v5;
	v5 =	vmov s2  }
0x54: {  	s26 =	sadd.s32 $0x1180, s20;
	s2 =	sadd.s32 $0x1400, s20;
	v43 =	vmov s31;
	s31 =	sadd.s32 $0x1700, s20;
	v50 =	vmov s30;
	[tilespmem:$0x1FFD0] =	vst v5;
	v5 =	vmov s25  }
0x55: {  	s25 =	sadd.s32 $0x1480, s20;
	v44 =	vmov s2;
	v51 =	vmov s31;
	[tilespmem:$0x1FFE0] =	vst v5;
	v5 =	vmov s26;
	s26 =	sadd.s32 $0x1500, s20;
	s20 =	sadd.s32 $0x1780, s20  }
0x56: {  	s23 =	simm.s32 $0x0;
	v45 =	vmov s25;
	[tilespmem:$0x1FFF0] =	vst v5;
	v46 =	vmov s26;
	v52 =	vmov s20  }
.LBB2_8:
0x57: {  	s23 =	sadd.s32 $0x1, s23  }
0x58: {  	p0 =	seq.s32 s23, $0x8  }
.Ltmp5:
0x59: {  	_ = 	snop;
	(pc) =	sbr.rel @p0 .LBB2_2-.Ltmp5, $1  }
0x5a: {  	_ =	sdelay $0x3  }
.LBB2_4:
0x5b: {  	_ =	sdelay $0x1  }
0x5c: {  	v6 =	vld [tilespmem:$0x1FDD0]  }
0x5d: {  	s22 =	sshll.u32 s23, $0x4  }
0x5e: {  	v5 =	vld.idx.msk [tilespmem:v49+s22+$0x0 ss:$0x1], $0xffff  }
0x5f: {  	s20 =	smov.u32 s19;
	s30 =	sshll.u32 s19, $0x1C  }
0x60: {  	s19 =	sshra.s32 s30, $0x1F;
	s24 =	sshll.u32 s20, $0x7  }
0x61: {  	s19 =	sand.u32 $0x1800, s19;
	s24 =	sand.u32 $0x380, s24  }
0x62: {  	v7 =	vld [tilespmem:$0x1FDE0];
	s25 =	sor.u32 s24, s19  }
0x63: {  	[tilespmem:s25+$0x1B000] =	vst v5  }
0x64: {  	v6 =	vld.idx.msk [tilespmem:v6+s22+$0x0 ss:$0x1], $0xffff;
	_ =	sdelay $0x3  }
0x65: {  	v8 =	vld [tilespmem:$0x1FDF0];
	s19 =	sadd.s32 $0x1B000, s25  }
0x66: {  	[tilespmem:s19+$0x30] =	vst v6  }
0x67: {  	v7 =	vld.idx.msk [tilespmem:v7+s22+$0x0 ss:$0x1], $0xffff;
	_ =	sdelay $0x3  }
0x68: {  	v9 =	vld [tilespmem:$0x1FE00]  }
0x69: {  	[tilespmem:s19+$0x60] =	vst v7  }
0x6a: {  	v8 =	vld.idx.msk [tilespmem:v8+s22+$0x0 ss:$0x1], $0xffff;
	_ =	sdelay $0x3  }
0x6b: {  	v10 =	vld [tilespmem:$0x1FE10]  }
0x6c: {  	[tilespmem:s19+$0x410] =	vst v8  }
0x6d: {  	v9 =	vld.idx.msk [tilespmem:v9+s22+$0x0 ss:$0x1], $0xffff;
	_ =	sdelay $0x3  }
0x6e: {  	v11 =	vld [tilespmem:$0x1FE20]  }
0x6f: {  	[tilespmem:s19+$0x440] =	vst v9  }
0x70: {  	v10 =	vld.idx.msk [tilespmem:v10+s22+$0x0 ss:$0x1], $0xffff;
	_ =	sdelay $0x3  }
0x71: {  	v12 =	vld [tilespmem:$0x1FE30]  }
0x72: {  	[tilespmem:s19+$0x470] =	vst v10  }
0x73: {  	v11 =	vld.idx.msk [tilespmem:v11+s22+$0x0 ss:$0x1], $0xffff;
	_ =	sdelay $0x3  }
0x74: {  	v13 =	vld [tilespmem:$0x1FE40];
	s24 =	sadd.s32 $0x1B800, s25  }
0x75: {  	[tilespmem:s24+$0x20] =	vst v11  }
0x76: {  	v12 =	vld.idx.msk [tilespmem:v12+s22+$0x0 ss:$0x1], $0xffff;
	_ =	sdelay $0x3  }
0x77: {  	v14 =	vld [tilespmem:$0x1FE50]  }
0x78: {  	[tilespmem:s24+$0x50] =	vst v12  }
0x79: {  	v13 =	vld.idx.msk [tilespmem:v13+s22+$0x0 ss:$0x1], $0xffff;
	_ =	sdelay $0x3  }
0x7a: {  	v15 =	vld [tilespmem:$0x1FE60]  }
0x7b: {  	[tilespmem:s25+$0x1BC00] =	vst v13  }
0x7c: {  	v14 =	vld.idx.msk [tilespmem:v14+s22+$0x0 ss:$0x1], $0xffff;
	_ =	sdelay $0x3  }
0x7d: {  	v16 =	vld [tilespmem:$0x1FE70];
	s26 =	sadd.s32 $0x1BC00, s25  }
0x7e: {  	[tilespmem:s26+$0x30] =	vst v14  }
0x7f: {  	v15 =	vld.idx.msk [tilespmem:v15+s22+$0x0 ss:$0x1], $0xffff;
	_ =	sdelay $0x3  }
0x80: {  	v17 =	vld [tilespmem:$0x1FE80]  }
0x81: {  	[tilespmem:s26+$0x60] =	vst v15  }
0x82: {  	v16 =	vld.idx.msk [tilespmem:v16+s22+$0x0 ss:$0x1], $0xffff;
	_ =	sdelay $0x3  }
0x83: {  	v18 =	vld [tilespmem:$0x1FE90]  }
0x84: {  	[tilespmem:s25+$0x1C010] =	vst v16  }
0x85: {  	v17 =	vld.idx.msk [tilespmem:v17+s22+$0x0 ss:$0x1], $0xffff;
	_ =	sdelay $0x3  }
0x86: {  	v19 =	vld [tilespmem:$0x1FEA0]  }
0x87: {  	[tilespmem:s25+$0x1C040] =	vst v17  }
0x88: {  	v18 =	vld.idx.msk [tilespmem:v18+s22+$0x0 ss:$0x1], $0xffff;
	_ =	sdelay $0x3  }
0x89: {  	v20 =	vld [tilespmem:$0x1FEB0]  }
0x8a: {  	[tilespmem:s25+$0x1C070] =	vst v18  }
0x8b: {  	v19 =	vld.idx.msk [tilespmem:v19+s22+$0x0 ss:$0x1], $0xffff;
	_ =	sdelay $0x3  }
0x8c: {  	v21 =	vld [tilespmem:$0x1FEC0]  }
0x8d: {  	[tilespmem:s25+$0x1C420] =	vst v19  }
0x8e: {  	v20 =	vld.idx.msk [tilespmem:v20+s22+$0x0 ss:$0x1], $0xffff;
	_ =	sdelay $0x3  }
0x8f: {  	v22 =	vld [tilespmem:$0x1FED0]  }
0x90: {  	[tilespmem:s25+$0x1C450] =	vst v20  }
0x91: {  	v21 =	vld.idx.msk [tilespmem:v21+s22+$0x0 ss:$0x1], $0xffff;
	_ =	sdelay $0x3  }
0x92: {  	v29 =	vld [tilespmem:$0x1FEE0]  }
0x93: {  	[tilespmem:s19+$0x10] =	vst v21  }
0x94: {  	v53 =	vld.idx.msk [tilespmem:v22+s22+$0x0 ss:$0x1], $0xffff;
	_ =	sdelay $0x3  }
0x95: {  	v30 =	vld [tilespmem:$0x1FEF0]  }
0x96: {  	[tilespmem:s19+$0x40] =	vst v53  }
0x97: {  	v54 =	vld.idx.msk [tilespmem:v29+s22+$0x0 ss:$0x1], $0xffff;
	_ =	sdelay $0x3  }
0x98: {  	v31 =	vld [tilespmem:$0x1FF00]  }
0x99: {  	[tilespmem:s19+$0x70] =	vst v54  }
0x9a: {  	v55 =	vld.idx.msk [tilespmem:v30+s22+$0x0 ss:$0x1], $0xffff;
	_ =	sdelay $0x3  }
0x9b: {  	v32 =	vld [tilespmem:$0x1FF10]  }
0x9c: {  	[tilespmem:s19+$0x420] =	vst v55  }
0x9d: {  	v56 =	vld.idx.msk [tilespmem:v31+s22+$0x0 ss:$0x1], $0xffff;
	_ =	sdelay $0x3  }
0x9e: {  	v33 =	vld [tilespmem:$0x1FF20]  }
0x9f: {  	[tilespmem:s19+$0x450] =	vst v56  }
0xa0: {  	v57 =	vld.idx.msk [tilespmem:v32+s22+$0x0 ss:$0x1], $0xffff;
	_ =	sdelay $0x3  }
0xa1: {  	v34 =	vld [tilespmem:$0x1FF30]  }
0xa2: {  	[tilespmem:s25+$0x1B800] =	vst v57  }
0xa3: {  	v58 =	vld.idx.msk [tilespmem:v33+s22+$0x0 ss:$0x1], $0xffff;
	_ =	sdelay $0x3  }
0xa4: {  	v35 =	vld [tilespmem:$0x1FF40]  }
0xa5: {  	[tilespmem:s24+$0x30] =	vst v58  }
0xa6: {  	v59 =	vld.idx.msk [tilespmem:v34+s22+$0x0 ss:$0x1], $0xffff;
	_ =	sdelay $0x3  }
0xa7: {  	v36 =	vld [tilespmem:$0x1FF50]  }
0xa8: {  	[tilespmem:s24+$0x60] =	vst v59  }
0xa9: {  	v60 =	vld.idx.msk [tilespmem:v35+s22+$0x0 ss:$0x1], $0xffff;
	_ =	sdelay $0x3  }
0xaa: {  	v37 =	vld [tilespmem:$0x1FF60]  }
0xab: {  	[tilespmem:s26+$0x10] =	vst v60  }
0xac: {  	v61 =	vld.idx.msk [tilespmem:v36+s22+$0x0 ss:$0x1], $0xffff;
	_ =	sdelay $0x3  }
0xad: {  	v38 =	vld [tilespmem:$0x1FF70]  }
0xae: {  	[tilespmem:s26+$0x40] =	vst v61  }
0xaf: {  	v62 =	vld.idx.msk [tilespmem:v37+s22+$0x0 ss:$0x1], $0xffff;
	_ =	sdelay $0x3  }
0xb0: {  	v39 =	vld [tilespmem:$0x1FF80]  }
0xb1: {  	[tilespmem:s26+$0x70] =	vst v62  }
0xb2: {  	v63 =	vld.idx.msk [tilespmem:v38+s22+$0x0 ss:$0x1], $0xffff;
	_ =	sdelay $0x3  }
0xb3: {  	v23 =	vld [tilespmem:$0x1FF90]  }
0xb4: {  	[tilespmem:s25+$0x1C020] =	vst v63  }
0xb5: {  	v22 =	vld.idx.msk [tilespmem:v39+s22+$0x0 ss:$0x1], $0xffff;
	_ =	sdelay $0x3  }
0xb6: {  	v24 =	vld [tilespmem:$0x1FFA0]  }
0xb7: {  	[tilespmem:s25+$0x1C050] =	vst v22  }
0xb8: {  	v23 =	vld.idx.msk [tilespmem:v23+s22+$0x0 ss:$0x1], $0xffff;
	_ =	sdelay $0x3  }
0xb9: {  	v25 =	vld [tilespmem:$0x1FFB0]  }
0xba: {  	[tilespmem:s25+$0x1C400] =	vst v23  }
0xbb: {  	v24 =	vld.idx.msk [tilespmem:v24+s22+$0x0 ss:$0x1], $0xffff;
	_ =	sdelay $0x3  }
0xbc: {  	v26 =	vld [tilespmem:$0x1FFC0]  }
0xbd: {  	[tilespmem:s25+$0x1C430] =	vst v24  }
0xbe: {  	v25 =	vld.idx.msk [tilespmem:v25+s22+$0x0 ss:$0x1], $0xffff;
	_ =	sdelay $0x3  }
0xbf: {  	v27 =	vld [tilespmem:$0x1FFD0]  }
0xc0: {  	[tilespmem:s25+$0x1C460] =	vst v25  }
0xc1: {  	v26 =	vld.idx.msk [tilespmem:v26+s22+$0x0 ss:$0x1], $0xffff;
	_ =	sdelay $0x3  }
0xc2: {  	v28 =	vld [tilespmem:$0x1FFE0]  }
0xc3: {  	[tilespmem:s19+$0x20] =	vst v26  }
0xc4: {  	v27 =	vld.idx.msk [tilespmem:v27+s22+$0x0 ss:$0x1], $0xffff;
	_ =	sdelay $0x3  }
0xc5: {  	v29 =	vld [tilespmem:$0x1FFF0]  }
0xc6: {  	[tilespmem:s19+$0x50] =	vst v27  }
0xc7: {  	v28 =	vld.idx.msk [tilespmem:v28+s22+$0x0 ss:$0x1], $0xffff;
	_ =	sdelay $0x4  }
0xc8: {  	[tilespmem:s19+$0x400] =	vst v28  }
0xc9: {  	v29 =	vld.idx.msk [tilespmem:v29+s22+$0x0 ss:$0x1], $0xffff;
	_ =	sdelay $0x4  }
0xca: {  	[tilespmem:s19+$0x430] =	vst v29  }
0xcb: {  	v30 =	vld.idx.msk [tilespmem:v40+s22+$0x0 ss:$0x1], $0xffff;
	_ =	sdelay $0x4  }
0xcc: {  	[tilespmem:s19+$0x460] =	vst v30  }
0xcd: {  	v31 =	vld.idx.msk [tilespmem:v41+s22+$0x0 ss:$0x1], $0xffff;
	_ =	sdelay $0x4  }
0xce: {  	[tilespmem:s24+$0x10] =	vst v31  }
0xcf: {  	v32 =	vld.idx.msk [tilespmem:v42+s22+$0x0 ss:$0x1], $0xffff;
	_ =	sdelay $0x4  }
0xd0: {  	[tilespmem:s24+$0x40] =	vst v32  }
0xd1: {  	v33 =	vld.idx.msk [tilespmem:v43+s22+$0x0 ss:$0x1], $0xffff;
	_ =	sdelay $0x4  }
0xd2: {  	[tilespmem:s24+$0x70] =	vst v33  }
0xd3: {  	v34 =	vld.idx.msk [tilespmem:v44+s22+$0x0 ss:$0x1], $0xffff;
	_ =	sdelay $0x4  }
0xd4: {  	[tilespmem:s26+$0x20] =	vst v34  }
0xd5: {  	v35 =	vld.idx.msk [tilespmem:v45+s22+$0x0 ss:$0x1], $0xffff;
	_ =	sdelay $0x4  }
0xd6: {  	[tilespmem:s26+$0x50] =	vst v35  }
0xd7: {  	v36 =	vld.idx.msk [tilespmem:v46+s22+$0x0 ss:$0x1], $0xffff;
	_ =	sdelay $0x4  }
0xd8: {  	[tilespmem:s25+$0x1C000] =	vst v36  }
0xd9: {  	v37 =	vld.idx.msk [tilespmem:v47+s22+$0x0 ss:$0x1], $0xffff;
	_ =	sdelay $0x4  }
0xda: {  	[tilespmem:s25+$0x1C030] =	vst v37  }
0xdb: {  	v38 =	vld.idx.msk [tilespmem:v48+s22+$0x0 ss:$0x1], $0xffff;
	_ =	sdelay $0x4  }
0xdc: {  	[tilespmem:s25+$0x1C060] =	vst v38  }
0xdd: {  	v39 =	vld.idx.msk [tilespmem:v50+s22+$0x0 ss:$0x1], $0xffff  }
0xde: {  	v5 =	vmax.f32 v5, $-1.000000000e+00;
	v21 =	vmax.f32 v21, $-1.000000000e+00  }
0xdf: {  	v5 =	vmax.f32 v5, v6;
	v6 =	vmax.f32 v21, v53;
	v53 =	vmax.f32 v26, $-1.000000000e+00  }
0xe0: {  	v5 =	vmax.f32 v5, v7;
	v6 =	vmax.f32 v6, v54;
	v7 =	vmax.f32 v53, v27  }
0xe1: {  	v5 =	vmax.f32 v5, v8;
	v6 =	vmax.f32 v6, v55;
	v7 =	vmax.f32 v7, v28  }
0xe2: {  	v5 =	vmax.f32 v5, v9;
	v6 =	vmax.f32 v6, v56;
	v7 =	vmax.f32 v7, v29;
	[tilespmem:s25+$0x1C410] =	vst v39  }
0xe3: {  	v5 =	vmax.f32 v5, v10;
	v6 =	vmax.f32 v6, v57;
	v7 =	vmax.f32 v7, v30;
	v57 =	vld.idx.msk [tilespmem:v51+s22+$0x0 ss:$0x1], $0xffff  }
0xe4: {  	v5 =	vmax.f32 v5, v11;
	v6 =	vmax.f32 v6, v58;
	v7 =	vmax.f32 v7, v31  }
0xe5: {  	v5 =	vmax.f32 v5, v12;
	v6 =	vmax.f32 v6, v59;
	v7 =	vmax.f32 v7, v32  }
0xe6: {  	v5 =	vmax.f32 v5, v13;
	v6 =	vmax.f32 v6, v60;
	v7 =	vmax.f32 v7, v33  }
0xe7: {  	v5 =	vmax.f32 v5, v14;
	v6 =	vmax.f32 v6, v61;
	v7 =	vmax.f32 v7, v34  }
0xe8: {  	v5 =	vmax.f32 v5, v15;
	v6 =	vmax.f32 v6, v62;
	v7 =	vmax.f32 v7, v35;
	[tilespmem:s25+$0x1C440] =	vst v57  }
0xe9: {  	v5 =	vmax.f32 v5, v16;
	v6 =	vmax.f32 v6, v63;
	v7 =	vmax.f32 v7, v36;
	v63 =	vld.idx.msk [tilespmem:v52+s22+$0x0 ss:$0x1], $0xffff  }
0xea: {  	v5 =	vmax.f32 v5, v17;
	v6 =	vmax.f32 v6, v22;
	v7 =	vmax.f32 v7, v37  }
0xeb: {  	v5 =	vmax.f32 v5, v18;
	v6 =	vmax.f32 v6, v23;
	v7 =	vmax.f32 v7, v38  }
0xec: {  	v5 =	vmax.f32 v5, v19;
	v6 =	vmax.f32 v6, v24;
	v7 =	vmax.f32 v7, v39  }
0xed: {  	v5 =	vmax.f32 v5, v20;
	v6 =	vmax.f32 v6, v25;
	v7 =	vmax.f32 v7, v57  }
0xee: {  	v5 =	vmax.f32 v5, v6;
	v7 =	vmax.f32 v7, v63  }
0xef: {  	v5 =	vmax.f32 v5, v7  }
0xf0: {  	vm4 =	vgt.f32 v5, $0.0e+00  }
0xf1: {  	v5 =	vmpcnt.ones.xlane vm4;
	_ =	sdelay $0x1  }
0xf2: {  	(v2sf) =	vpush v5, $0x0;
	_ =	sdelay $0xe  }
0xf3: {  	s31 =	spop (v2sf)  }
0xf4: {  	s22 =	simm.s32 $0x1;
	p0 =	sgt.s32 s31, $0x0  }
0xf5: {  	s22 =	simm.s32 @!p0 $0x0  }
0xf6: {  	s19 =	sadd.s32 s22, s20  }
0xf7: {  	p0 =	slt.s32 s31, $0x1;
	s24 =	sand.u32 $0xF, s19  }
0xf8: {  	p1 =	sne.s32 @!p0 s24, $0x0  }
0xf9: {  	p0 =	por p0, p1  }
.Ltmp6:
0xfa: {  	_ = 	snop;
	(pc) =	sbr.rel @p0 .LBB2_8-.Ltmp6, $2  }
0xfb: {  	_ =	sdelay $0x2  }
0xfc: {  	[tilespmem:s25+$0x1C470] =	vst v63  }
0xfd: {  	s26 =	simm.s32 $0x0  }
0xfe: {  	s25 =	sor.u32 s26, s26  }
0xff: {  	s28 =	sand.u32 $0x70, s26;
	s29 =	sand.u32 $0x1C00, s26;
	s25 =	sor.u32 $0x380, s25  }
0x100: {  	s30 =	sor.u32 s28, s29;
	v59 =	vld [tilespmem:s25+$0x1B000]  }
0x101: {  	v6 =	vld [tilespmem:s30+$0x1CA80]  }
0x102: {  	v56 =	vld [tilespmem:s30+$0x1C880]  }
0x103: {  	v20 =	vld [tilespmem:s30+$0x1B000]  }
0x104: {  	v7 =	vld [tilespmem:s30+$0x1C900]  }
0x105: {  	v5 =	vld [tilespmem:s30+$0x1CA00]  }
0x106: {  	s31 =	sadd.s32 $0x1B000, s30;
	v14 =	vld [tilespmem:s30+$0x1CB80]  }
0x107: {  	v58 =	vld [tilespmem:s31+$0x100]  }
0x108: {  	v8 =	vld [tilespmem:s30+$0x1C980]  }
0x109: {  	v15 =	vld [tilespmem:s30+$0x1CB00];
	v10 =	vperm.xlane v6, v0  }
0x10a: {  	v62 =	vperm.xlane v56, v0;
	v12 =	vperm.xlane v7, v0  }
0x10b: {  	v11 =	vld [tilespmem:s31+$0x80];
	v9 =	vperm.xlane v20, v0;
	v13 =	vperm.xlane v5, v0  }
0x10c: {  	v16 =	vld [tilespmem:s31+$0x180];
	v17 =	vperm.xlane v14, v0;
	v18 =	vperm.xlane v58, v0  }
0x10d: {  	v61 =	vld [tilespmem:s31+$0x300];
	v63 =	vsel vm0, v5, v10;
	v10 =	vperm.xlane v8, v0;
	v57 =	vsel vm0, v12, v8  }
0x10e: {  	v5 =	vperm.xlane v59, v0;
	v13 =	vsel vm0, v13, v6;
	v6 =	vperm.xlane v15, v0  }
0x10f: {  	v19 =	vsel vm0, v15, v17;
	v12 =	vperm.xlane v63, v1;
	v55 =	vperm.xlane v57, v1  }
0x110: {  	v54 =	vsel vm0, v7, v10;
	v7 =	vperm.xlane v13, v1;
	v21 =	vsel vm0, v6, v14;
	v14 =	vld [tilespmem:s31+$0x280]  }
0x111: {  	s28 =	sadd.s32 $0x70, s19;
	v17 =	vld [tilespmem:s31+$0x200];
	v18 =	vsel vm0, v18, v16;
	v15 =	vperm.xlane v19, v1;
	v6 =	vperm.xlane v11, v0  }
0x112: {  	s28 =	sand.u32 $0x70, s28;
	v10 =	vperm.xlane v61, v0;
	v8 =	vperm.xlane v54, v1;
	v53 =	vsel vm1, v7, v21  }
0x113: {  	s28 =	sor.u32 $0x3400, s28;
	v7 =	vperm.xlane v16, v0;
	v6 =	vsel vm0, v20, v6;
	v20 =	vperm.xlane v18, v1  }
0x114: {  	s29 =	simm.s32 $0x10;
	s25 =	smov.u32 s28;
	v16 =	vld [tilespmem:s30+$0x1C800];
	v21 =	vperm.xlane v21, v1;
	v60 =	vperm.xlane v53, v2  }
.LBB2_6:
0x115: {  	p0 =	sne.s32 s29, $0x2F0;
	v9 =	vsel vm0, v9, v11;
	v11 =	vperm.xlane v14, v0;
	v12 =	vsel vm1, v12, v19;
	s26 =	sadd.s32 $0x80, s26;
	s28 =	sadd.s32 $0x800, s28  }
0x116: {  	s30 =	smov.u32 s29;
	s29 =	sadd.s32 $0x10, s29;
	v19 =	vperm.xlane v17, v0;
	v13 =	vsel vm1, v13, v21;
	v21 =	vperm.xlane v12, v2  }
0x117: {  	v11 =	vsel vm0, v17, v11;
	v17 =	vperm.xlane v9, v1;
	v9 =	vsel vm1, v9, v20  }
0x118: {  	v20 =	vperm.xlane v13, v2;
	v14 =	vsel vm0, v19, v14;
	v19 =	vperm.xlane v9, v2  }
0x119: {  	v17 =	vsel vm1, v17, v18;
	v18 =	vperm.xlane v11, v1;
	v22 =	vperm.xlane v14, v1  }
0x11a: {  	v10 =	vsel vm0, v10, v59;
	v24 =	vperm.xlane v6, v1;
	v23 =	vsel vm0, v16, v62  }
0x11b: {  	v15 =	vsel vm1, v63, v15;
	v16 =	vperm.xlane v16, v0;
	v22 =	vsel vm1, v22, v10  }
0x11c: {  	v8 =	vsel vm1, v23, v8;
	v26 =	vperm.xlane v17, v2;
	v25 =	vperm.xlane v22, v2  }
0x11d: {  	v5 =	vsel vm0, v61, v5;
	v10 =	vperm.xlane v10, v1;
	v27 =	vperm.xlane v8, v2  }
0x11e: {  	v28 =	vperm.xlane v5, v1;
	v16 =	vsel vm0, v16, v56;
	v17 =	vsel vm2, v17, v25  }
0x11f: {  	v7 =	vsel vm0, v58, v7;
	v5 =	vsel vm1, v18, v5;
	v18 =	vperm.xlane v15, v2  }
0x120: {  	v23 =	vperm.xlane v23, v1;
	v25 =	vperm.xlane v7, v1;
	v7 =	vsel vm1, v24, v7  }
0x121: {  	v8 =	vsel vm2, v8, v18;
	v24 =	vperm.xlane v16, v1;
	v29 =	vperm.xlane v7, v2  }
0x122: {  	v11 =	vsel vm1, v11, v28;
	v18 =	vperm.xlane v5, v2;
	v6 =	vsel vm1, v6, v25  }
0x123: {  	v22 =	vsel vm2, v26, v22;
	v25 =	vperm.xlane v11, v2;
	v28 =	vperm.xlane v6, v2  }
0x124: {  	v7 =	vsel vm2, v7, v18;
	v24 =	vsel vm1, v24, v57;
	v5 =	vsel vm2, v29, v5  }
0x125: {  	v10 =	vsel vm1, v14, v10;
	v14 =	vsel vm2, v24, v60;
	v6 =	vsel vm2, v6, v25  }
0x126: {  	v18 =	vsel vm2, v19, v10;
	v25 =	vperm.xlane v7, v3;
	v19 =	vperm.xlane v6, v3  }
0x127: {  	v23 =	vsel vm1, v23, v54;
	v26 =	vperm.xlane v8, v3;
	v29 =	vperm.xlane v17, v3  }
0x128: {  	v15 =	vsel vm2, v27, v15;
	v21 =	vsel vm2, v23, v21;
	v16 =	vsel vm1, v16, v55  }
0x129: {  	v10 =	vperm.xlane v10, v2;
	v6 =	vsel vm3, v6, v26;
	v25 =	vsel vm3, v25, v21  }
0x12a: {  	v26 =	vperm.xlane v16, v2;
	v8 =	vsel vm3, v19, v8;
	v19 =	vperm.xlane v5, v3;
	[tilespmem:s25+$0xFFFFFC00] =	vst v6  }
0x12b: {  	v6 =	vsel vm2, v16, v20;
	v16 =	vperm.xlane v23, v2;
	v20 =	vperm.xlane v24, v2;
	[tilespmem:s25+$0x100] =	vst v25  }
0x12c: {  	v13 =	vsel vm2, v26, v13;
	v23 =	vperm.xlane v18, v3;
	v24 =	vperm.xlane v22, v3;
	[tilespmem:s25+$0x0] =	vst v8  }
0x12d: {  	v8 =	vsel vm2, v16, v12;
	v12 =	vsel vm2, v20, v53;
	v16 =	vperm.xlane v13, v3  }
0x12e: {  	v13 =	vsel vm3, v23, v13;
	v20 =	vperm.xlane v8, v3;
	v8 =	vsel vm3, v19, v8  }
0x12f: {  	v19 =	vperm.xlane v21, v3;
	v16 =	vsel vm3, v18, v16;
	v18 =	vsel vm3, v24, v12;
	[tilespmem:s25+$0x280] =	vst v13  }
0x130: {  	v12 =	vperm.xlane v12, v3;
	v13 =	vperm.xlane v6, v3;
	v5 =	vsel vm3, v5, v20;
	[tilespmem:s25+$0xFFFFFE80] =	vst v16  }
0x131: {  	v9 =	vsel vm2, v9, v10;
	v10 =	vsel vm3, v29, v14;
	v7 =	vsel vm3, v7, v19;
	[tilespmem:s25+$0x380] =	vst v18  }
0x132: {  	v16 =	vperm.xlane v9, v3;
	v12 =	vsel vm3, v22, v12;
	v9 =	vsel vm3, v9, v13;
	[tilespmem:s25+$0x180] =	vst v10  }
0x133: {  	v13 =	vperm.xlane v15, v3;
	v10 =	vperm.xlane v14, v3;
	[tilespmem:s25+$0x300] =	vst v8  }
0x134: {  	v6 =	vsel vm3, v16, v6;
	v8 =	vsel vm2, v28, v11;
	[tilespmem:s25+$0xFFFFFF00] =	vst v5  }
0x135: {  	v5 =	vsel vm3, v17, v10;
	v10 =	vperm.xlane v8, v3;
	v8 =	vsel vm3, v8, v13;
	[tilespmem:s25+$0xFFFFFD00] =	vst v7  }
0x136: {  	[tilespmem:s25+$0xFFFFFF80] =	vst v12  }
0x137: {  	v7 =	vsel vm3, v10, v15;
	[tilespmem:s25+$0xFFFFFE00] =	vst v8  }
0x138: {  	[tilespmem:s25+$0x200] =	vst v7  }
0x139: {  	[tilespmem:s25+$0x80] =	vst v6  }
0x13a: {  	s31 =	sor.u32 s26, s30;
	[tilespmem:s25+$0xFFFFFC80] =	vst v9  }
0x13b: {  	s30 =	sand.u32 $0x70, s30;
	s2 =	sand.u32 $0x1C00, s26;
	s31 =	sor.u32 $0x380, s31;
	[tilespmem:s25+$0xFFFFFD80] =	vst v5  }
0x13c: {  	s30 =	sor.u32 s30, s2;
	s25 =	smov.u32 s28;
	v59 =	vld [tilespmem:s31+$0x1B000]  }
0x13d: {  	s2 =	sadd.s32 $0x1B000, s30;
	v6 =	vld [tilespmem:s30+$0x1CA80]  }
0x13e: {  	v56 =	vld [tilespmem:s30+$0x1C880]  }
0x13f: {  	v20 =	vld [tilespmem:s30+$0x1B000]  }
0x140: {  	v7 =	vld [tilespmem:s30+$0x1C900]  }
0x141: {  	v5 =	vld [tilespmem:s30+$0x1CA00]  }
0x142: {  	v8 =	vld [tilespmem:s30+$0x1C980];
	v10 =	vperm.xlane v6, v0  }
0x143: {  	v15 =	vld [tilespmem:s30+$0x1CB00]  }
0x144: {  	v62 =	vperm.xlane v56, v0;
	v58 =	vld [tilespmem:s2+$0x100]  }
0x145: {  	v9 =	vperm.xlane v20, v0;
	v16 =	vld [tilespmem:s30+$0x1CB80];
	v12 =	vperm.xlane v7, v0  }
0x146: {  	v61 =	vld [tilespmem:s2+$0x300];
	v13 =	vperm.xlane v5, v0;
	v63 =	vsel vm0, v5, v10  }
0x147: {  	v11 =	vld [tilespmem:s2+$0x80];
	v10 =	vperm.xlane v8, v0;
	v57 =	vsel vm0, v12, v8;
	v12 =	vperm.xlane v63, v1  }
0x148: {  	v5 =	vperm.xlane v59, v0;
	v18 =	vld [tilespmem:s2+$0x180];
	v13 =	vsel vm0, v13, v6;
	v6 =	vperm.xlane v15, v0  }
0x149: {  	v55 =	vperm.xlane v57, v1;
	v14 =	vld [tilespmem:s2+$0x280];
	v54 =	vsel vm0, v7, v10;
	v7 =	vperm.xlane v13, v1  }
.Ltmp7:
0x14a: {  	v21 =	vperm.xlane v58, v0;
	v19 =	vperm.xlane v16, v0;
	v22 =	vsel vm0, v6, v16;
	(pc) =	sbr.rel @p0 .LBB2_6-.Ltmp7, $4  }
0x14b: {  	v8 =	vperm.xlane v54, v1;
	v17 =	vld [tilespmem:s2+$0x200];
	v10 =	vperm.xlane v61, v0;
	v53 =	vsel vm1, v7, v22  }
0x14c: {  	v6 =	vperm.xlane v11, v0;
	v19 =	vsel vm0, v15, v19;
	v60 =	vperm.xlane v53, v2  }
0x14d: {  	v7 =	vperm.xlane v18, v0;
	v18 =	vsel vm0, v21, v18;
	v15 =	vperm.xlane v19, v1  }
0x14e: {  	v21 =	vperm.xlane v22, v1;
	v16 =	vld [tilespmem:s30+$0x1C800];
	v6 =	vsel vm0, v20, v6;
	v20 =	vperm.xlane v18, v1  }
0x14f: {  	v9 =	vsel vm0, v9, v11;
	v32 =	vperm.xlane v14, v0;
	v12 =	vsel vm1, v12, v19  }
0x150: {  	v10 =	vsel vm0, v10, v59;
	v24 =	vperm.xlane v6, v1;
	v15 =	vsel vm1, v63, v15  }
0x151: {  	v5 =	vsel vm0, v61, v5;
	v7 =	vsel vm0, v58, v7;
	v33 =	vperm.xlane v17, v0  }
0x152: {  	v13 =	vsel vm1, v13, v21;
	v34 =	vperm.xlane v12, v2;
	v22 =	vperm.xlane v9, v1  }
0x153: {  	v9 =	vsel vm1, v9, v20;
	v28 =	vperm.xlane v5, v1;
	v29 =	vperm.xlane v7, v1  }
0x154: {  	v11 =	vsel vm0, v17, v32;
	v36 =	vperm.xlane v9, v2;
	v19 =	vperm.xlane v13, v2  }
0x155: {  	v7 =	vsel vm1, v24, v7;
	v35 =	vsel vm0, v33, v14;
	v18 =	vsel vm1, v22, v18  }
0x156: {  	v38 =	vperm.xlane v11, v1;
	v24 =	vperm.xlane v7, v2;
	v11 =	vsel vm1, v11, v28  }
0x157: {  	v6 =	vsel vm1, v6, v29;
	v37 =	vperm.xlane v35, v1;
	v39 =	vperm.xlane v16, v0  }
0x158: {  	v23 =	vsel vm0, v16, v62;
	v26 =	vperm.xlane v18, v2;
	v28 =	vperm.xlane v11, v2  }
0x159: {  	v8 =	vsel vm1, v23, v8;
	v23 =	vperm.xlane v23, v1;
	v5 =	vsel vm1, v38, v5  }
0x15a: {  	v20 =	vsel vm1, v37, v10;
	v10 =	vperm.xlane v10, v1;
	v27 =	vperm.xlane v8, v2  }
0x15b: {  	v16 =	vsel vm0, v39, v56;
	v56 =	vperm.xlane v15, v2;
	v59 =	vperm.xlane v5, v2  }
0x15c: {  	v5 =	vsel vm2, v24, v5;
	v61 =	vsel vm2, v6, v28;
	v6 =	vperm.xlane v6, v2  }
0x15d: {  	v25 =	vperm.xlane v20, v2;
	v58 =	vperm.xlane v16, v1;
	v16 =	vsel vm1, v16, v55  }
0x15e: {  	v23 =	vsel vm1, v23, v54;
	v33 =	vperm.xlane v61, v3;
	v54 =	vperm.xlane v5, v3  }
0x15f: {  	v8 =	vsel vm2, v8, v56;
	v7 =	vsel vm2, v7, v59;
	v10 =	vsel vm1, v35, v10  }
0x160: {  	v32 =	vperm.xlane v16, v2;
	v21 =	vsel vm2, v23, v34;
	v23 =	vperm.xlane v23, v2  }
0x161: {  	v15 =	vsel vm2, v27, v15;
	v6 =	vsel vm2, v6, v11;
	v62 =	vperm.xlane v8, v3  }
0x162: {  	s2 =	sshra.s32 s19, $0x1F;
	v18 =	vsel vm2, v18, v25;
	v63 =	vperm.xlane v7, v3;
	v8 =	vsel vm3, v33, v8  }
0x163: {  	s2 =	sshrl.u32 s2, $0x19;
	v22 =	vsel vm1, v58, v57;
	v17 =	vsel vm2, v36, v10;
	[tilespmem:s25+$0x0] =	vst v8;
	v14 =	vsel vm3, v61, v62  }
0x164: {  	s2 =	sadd.s32 s2, s19;
	v56 =	vperm.xlane v21, v3;
	v12 =	vsel vm2, v23, v12;
	v34 =	vsel vm3, v63, v21;
	[tilespmem:s25+$0xFFFFFC00] =	vst v14  }
0x165: {  	s2 =	sand.u32 $0xFFFFFF80, s2;
	v58 =	vperm.xlane v15, v3;
	v24 =	vsel vm2, v22, v60;
	v8 =	vsel vm3, v54, v12;
	[tilespmem:s25+$0x100] =	vst v34  }
0x166: {  	s2 =	ssub.s32 s19, s2;
	v13 =	vsel vm2, v32, v13;
	v35 =	vperm.xlane v17, v3;
	v7 =	vsel vm3, v7, v56;
	[tilespmem:s25+$0x300] =	vst v8  }
0x167: {  	s26 =	sand.u32 $0x70, s2;
	v39 =	vperm.xlane v18, v3;
	v60 =	vperm.xlane v6, v3;
	v6 =	vsel vm3, v6, v58;
	[tilespmem:s25+$0xFFFFFD00] =	vst v7  }
0x168: {  	p0 =	sne.s32 s26, $0x0;
	v20 =	vsel vm2, v26, v20;
	v38 =	vsel vm3, v35, v13;
	[tilespmem:s25+$0xFFFFFE00] =	vst v6  }
0x169: {  	p1 =	slt.s32 @!p0 s19, $0x1;
	p2 =	sne.s32 @!p0 s2, $0x0;
	v22 =	vperm.xlane v22, v2;
	v36 =	vperm.xlane v13, v3;
	v13 =	vsel vm3, v39, v24;
	[tilespmem:s25+$0x280] =	vst v38  }
0x16a: {  	s2 =	sshra.s32 @!p0 s19, $0x1F;
	v37 =	vperm.xlane v20, v3;
	p1 =	por @!p0 !p1, !p2;
	v63 =	vsel vm3, v60, v15;
	[tilespmem:s25+$0x180] =	vst v13  }
0x16b: {  	s2 =	sshrl.u32 @!p0 s2, $0x19;
	p1 =	por @!p0 !p1, !p1;
	v55 =	vperm.xlane v12, v3;
	v53 =	vsel vm2, v22, v53;
	v17 =	vsel vm3, v17, v36;
	[tilespmem:s25+$0x200] =	vst v63  }
0x16c: {  	s26 =	simm.s32 @!p0 $0x1;
	v10 =	vperm.xlane v10, v2;
	s2 =	sadd.s32 @!p0 s2, s19;
	p1 =	por !p1, p0;
	v6 =	vperm.xlane v24, v3;
	v22 =	vsel vm3, v37, v53;
	[tilespmem:s25+$0xFFFFFE80] =	vst v17  }
0x16d: {  	s2 =	sshrl.u32 @!p0 s2, $0x7;
	s26 =	simm.s32 @p1 $0x0;
	v7 =	vsel vm2, v16, v19;
	v5 =	vsel vm3, v5, v55;
	v57 =	vperm.xlane v53, v3;
	[tilespmem:s25+$0x380] =	vst v22  }
0x16e: {  	s2 =	ssub.s32 @!p0 s2, s26;
	v62 =	vperm.xlane v7, v3;
	[tilespmem:s25+$0xFFFFFF00] =	vst v5;
	v5 =	vsel vm2, v9, v10;
	v6 =	vsel vm3, v18, v6  }
0x16f: {  	s2 =	sshll.u32 @!p0 s2, $0xA;
	v59 =	vsel vm3, v20, v57;
	v61 =	vperm.xlane v5, v3;
	[tilespmem:s25+$0xFFFFFD80] =	vst v6  }
0x170: {  	s2 =	sadd.s32 @!p0 s2, s7;
	v5 =	vsel vm3, v5, v62;
	[tilespmem:s25+$0xFFFFFF80] =	vst v59  }
0x171: {  	s28 =	simm.s32 @!p0 $0x3000;
	s2 =	sshrl.u32 @!p0 s2, $0x3;
	[tilespmem:s25+$0xFFFFFC80] =	vst v5;
	v7 =	vsel vm3, v61, v7  }
0x172: {  	s26 =	simm.s32 @!p0 $0x2000;
	s2 =	sadd.s32 @!p0 s3, s2;
	[tilespmem:s25+$0x80] =	vst v7;
	s25 =	simm.s32 @!p0 $0x400  }
0x173: {  	[hbm4b:s2+s25] =	stream.strided.scatter @!p0 [tilespmem:s28], [sflag:$0x3], $0x18000, s26, s25, $0x38;
	[tilespmem:$0x1E000] =	vst v63  }
.Ltmp8:
0x174: {  	_ = 	snop;
	(pc) =	sbr.rel .LBB2_8-.Ltmp8, $4  }
0x175: {  	s2 =	simm.s32 @!p0 $0x3  }
0x176: {  	_ =	swait.ge @!p0 [sflag:s2], $0x18000  }
0x177: {  	[sflag:s2] =	ssyncset.done @!p0 $0x0  }
0x178: {  	[sflag:s2] =	ssyncadd.s32 @!p0 $0xFFFE8000  }
.LBB2_9:
0x179: {  	p0 =	sgt.s32 s19, $0x3FF  }
.Ltmp9:
0x17a: {  	_ = 	snop;
	(pc) =	sbr.rel @p0 .LBB2_29-.Ltmp9, $1  }
0x17b: {  	_ =	sdelay $0x3  }
0x17c: {  	p0 =	seq.s32 s24, $0x0  }
.Ltmp10:
0x17d: {  	_ = 	snop;
	(pc) =	sbr.rel @p0 .LBB2_16-.Ltmp10, $1  }
0x17e: {  	_ =	sdelay $0x3  }
0x17f: {  	s2 =	sadd.s32 s20, s22  }
0x180: {  	s28 =	sshrl.u32 s24, $0x3;
	s2 =	sand.u32 $0xF, s2  }
0x181: {  	s21 =	sshll.u32 s2, $0x7;
	s2 =	smul.u32 $0x6000, s28;
	_ =	sdelay $0x1  }
0x182: {  	s23 =	sand.u32 $0x380, s21;
	s2 =	sshra.s32 s2, $0x2  }
0x183: {  	s23 =	sor.u32 s23, s2  }
0x184: {  	s2 =	sadd.s32 $0x1B000, s23;
	[tilespmem:s23+$0x1B000] =	vst v4  }
0x185: {  	[tilespmem:s2+$0x470] =	vst v4  }
0x186: {  	[tilespmem:s2+$0x460] =	vst v4  }
0x187: {  	[tilespmem:s2+$0x450] =	vst v4  }
0x188: {  	[tilespmem:s2+$0x440] =	vst v4  }
0x189: {  	[tilespmem:s2+$0x420] =	vst v4  }
0x18a: {  	[tilespmem:s2+$0x430] =	vst v4  }
0x18b: {  	[tilespmem:s2+$0x400] =	vst v4  }
0x18c: {  	[tilespmem:s2+$0x410] =	vst v4  }
0x18d: {  	[tilespmem:s2+$0x60] =	vst v4  }
0x18e: {  	[tilespmem:s2+$0x50] =	vst v4  }
0x18f: {  	[tilespmem:s2+$0x40] =	vst v4  }
0x190: {  	[tilespmem:s2+$0x30] =	vst v4  }
0x191: {  	[tilespmem:s2+$0x20] =	vst v4  }
0x192: {  	[tilespmem:s2+$0x70] =	vst v4  }
0x193: {  	s29 =	sadd.s32 $0x1B800, s23;
	[tilespmem:s2+$0x10] =	vst v4  }
0x194: {  	[tilespmem:s29+$0x70] =	vst v4  }
0x195: {  	[tilespmem:s29+$0x60] =	vst v4  }
0x196: {  	[tilespmem:s23+$0x1B800] =	vst v4  }
0x197: {  	[tilespmem:s29+$0x50] =	vst v4  }
0x198: {  	[tilespmem:s29+$0x40] =	vst v4  }
0x199: {  	[tilespmem:s29+$0x30] =	vst v4  }
0x19a: {  	[tilespmem:s29+$0x20] =	vst v4  }
0x19b: {  	s30 =	sadd.s32 $0x1BC00, s23;
	[tilespmem:s29+$0x10] =	vst v4  }
0x19c: {  	[tilespmem:s30+$0x70] =	vst v4  }
0x19d: {  	[tilespmem:s30+$0x60] =	vst v4  }
0x19e: {  	[tilespmem:s30+$0x50] =	vst v4  }
0x19f: {  	[tilespmem:s23+$0x1BC00] =	vst v4  }
0x1a0: {  	[tilespmem:s30+$0x40] =	vst v4  }
0x1a1: {  	[tilespmem:s30+$0x20] =	vst v4  }
0x1a2: {  	[tilespmem:s30+$0x30] =	vst v4  }
0x1a3: {  	s31 =	sadd.s32 $0x1C000, s23;
	[tilespmem:s30+$0x10] =	vst v4  }
0x1a4: {  	[tilespmem:s31+$0x70] =	vst v4  }
0x1a5: {  	[tilespmem:s31+$0x60] =	vst v4  }
0x1a6: {  	[tilespmem:s31+$0x50] =	vst v4  }
0x1a7: {  	[tilespmem:s23+$0x1C000] =	vst v4  }
0x1a8: {  	[tilespmem:s31+$0x40] =	vst v4  }
0x1a9: {  	p1 =	seq.s32 s24, $0xF;
	[tilespmem:s31+$0x30] =	vst v4  }
.Ltmp11:
0x1aa: {  	[tilespmem:s31+$0x10] =	vst v4;
	(pc) =	sbr.rel @p1 .LBB2_13-.Ltmp11, $4  }
0x1ab: {  	s25 =	sadd.s32 $0x1C400, s23;
	[tilespmem:s31+$0x20] =	vst v4  }
0x1ac: {  	[tilespmem:s25+$0x70] =	vst v4  }
0x1ad: {  	[tilespmem:s25+$0x40] =	vst v4  }
0x1ae: {  	s26 =	sadd.s32 $0x1, s24;
	[tilespmem:s25+$0x60] =	vst v4  }
.LBB2_12:
0x1af: {  	s2 =	sshrl.u32 s26, $0x3  }
0x1b0: {  	[tilespmem:s23+$0x1C400] =	vst v4;
	s21 =	sadd.s32 $0x80, s21;
	s23 =	smov.u32 s26;
	s24 =	sadd.s32 $0x1, s26  }
0x1b1: {  	p1 =	seq.s32 s26, $0xF;
	s2 =	smul.u32 $0x6000, s2;
	[tilespmem:s25+$0x20] =	vst v4  }
0x1b2: {  	[tilespmem:s25+$0x30] =	vst v4  }
0x1b3: {  	s23 =	sand.u32 $0x380, s21;
	s2 =	sshra.s32 s2, $0x2;
	[tilespmem:s25+$0x10] =	vst v4  }
0x1b4: {  	s23 =	sor.u32 s23, s2;
	[tilespmem:s25+$0x50] =	vst v4  }
0x1b5: {  	s2 =	sadd.s32 $0x1B000, s23;
	[tilespmem:s23+$0x1B000] =	vst v4  }
0x1b6: {  	[tilespmem:s2+$0x470] =	vst v4  }
0x1b7: {  	[tilespmem:s2+$0x460] =	vst v4  }
0x1b8: {  	[tilespmem:s2+$0x450] =	vst v4  }
0x1b9: {  	[tilespmem:s2+$0x440] =	vst v4  }
0x1ba: {  	[tilespmem:s2+$0x420] =	vst v4  }
0x1bb: {  	[tilespmem:s2+$0x430] =	vst v4  }
0x1bc: {  	[tilespmem:s2+$0x400] =	vst v4  }
0x1bd: {  	[tilespmem:s2+$0x410] =	vst v4  }
0x1be: {  	[tilespmem:s2+$0x60] =	vst v4  }
0x1bf: {  	[tilespmem:s2+$0x50] =	vst v4  }
0x1c0: {  	[tilespmem:s2+$0x40] =	vst v4  }
0x1c1: {  	[tilespmem:s2+$0x30] =	vst v4  }
0x1c2: {  	[tilespmem:s2+$0x20] =	vst v4  }
0x1c3: {  	[tilespmem:s2+$0x70] =	vst v4  }
0x1c4: {  	[tilespmem:s2+$0x10] =	vst v4;
	s2 =	sadd.s32 $0x1B800, s23  }
0x1c5: {  	[tilespmem:s2+$0x70] =	vst v4  }
0x1c6: {  	[tilespmem:s2+$0x60] =	vst v4  }
0x1c7: {  	[tilespmem:s23+$0x1B800] =	vst v4  }
0x1c8: {  	[tilespmem:s2+$0x30] =	vst v4  }
0x1c9: {  	[tilespmem:s2+$0x20] =	vst v4  }
0x1ca: {  	[tilespmem:s2+$0x10] =	vst v4  }
0x1cb: {  	[tilespmem:s2+$0x50] =	vst v4  }
0x1cc: {  	[tilespmem:s2+$0x40] =	vst v4;
	s2 =	sadd.s32 $0x1BC00, s23  }
0x1cd: {  	[tilespmem:s2+$0x70] =	vst v4  }
0x1ce: {  	[tilespmem:s2+$0x60] =	vst v4  }
0x1cf: {  	[tilespmem:s2+$0x50] =	vst v4  }
0x1d0: {  	[tilespmem:s23+$0x1BC00] =	vst v4  }
0x1d1: {  	[tilespmem:s2+$0x20] =	vst v4  }
0x1d2: {  	[tilespmem:s2+$0x30] =	vst v4  }
0x1d3: {  	[tilespmem:s2+$0x10] =	vst v4  }
0x1d4: {  	[tilespmem:s2+$0x40] =	vst v4;
	s2 =	sadd.s32 $0x1C000, s23  }
0x1d5: {  	[tilespmem:s2+$0x70] =	vst v4  }
0x1d6: {  	[tilespmem:s2+$0x60] =	vst v4  }
0x1d7: {  	[tilespmem:s2+$0x50] =	vst v4  }
0x1d8: {  	[tilespmem:s23+$0x1C000] =	vst v4  }
0x1d9: {  	[tilespmem:s2+$0x30] =	vst v4  }
0x1da: {  	[tilespmem:s2+$0x10] =	vst v4  }
.Ltmp12:
0x1db: {  	[tilespmem:s2+$0x40] =	vst v4;
	(pc) =	sbr.rel @!p1 .LBB2_12-.Ltmp12, $4  }
0x1dc: {  	s25 =	sadd.s32 $0x1C400, s23;
	[tilespmem:s2+$0x20] =	vst v4  }
0x1dd: {  	[tilespmem:s25+$0x70] =	vst v4  }
0x1de: {  	[tilespmem:s25+$0x40] =	vst v4  }
0x1df: {  	s26 =	smov.u32 s24;
	[tilespmem:s25+$0x60] =	vst v4  }
.LBB2_13:
0x1e0: {  	[tilespmem:s23+$0x1C400] =	vst v4  }
0x1e1: {  	[tilespmem:s25+$0x50] =	vst v4  }
0x1e2: {  	s2 =	sadd.s32 s22, s20;
	s22 =	simm.s32 $0x0;
	[tilespmem:s25+$0x20] =	vst v4  }
0x1e3: {  	[tilespmem:s25+$0x30] =	vst v4;
	s29 =	sand.u32 $0x70, s22;
	s30 =	sand.u32 $0x1C00, s22  }
0x1e4: {  	[tilespmem:s25+$0x10] =	vst v4;
	s20 =	sor.u32 s29, s30  }
0x1e5: {  	v5 =	vld [tilespmem:s20+$0x1CA80]  }
0x1e6: {  	v8 =	vld [tilespmem:s20+$0x1C880]  }
0x1e7: {  	v17 =	vld [tilespmem:s20+$0x1B000]  }
0x1e8: {  	v6 =	vld [tilespmem:s20+$0x1C900]  }
0x1e9: {  	v7 =	vld [tilespmem:s20+$0x1CA00]  }
0x1ea: {  	v12 =	vld [tilespmem:s20+$0x1CB00]  }
0x1eb: {  	s31 =	sadd.s32 $0x1B000, s20;
	v18 =	vld [tilespmem:s20+$0x1CB80]  }
0x1ec: {  	v10 =	vld [tilespmem:s31+$0x100]  }
0x1ed: {  	v13 =	vld [tilespmem:s31+$0x300]  }
0x1ee: {  	s2 =	sand.u32 $0x70, s2;
	s28 =	sor.u32 s22, s22;
	v22 =	vld [tilespmem:s31+$0x80];
	v15 =	vperm.xlane v5, v0  }
0x1ef: {  	s21 =	sor.u32 $0x3400, s2;
	s2 =	sor.u32 $0x380, s28;
	v9 =	vld [tilespmem:s20+$0x1C980];
	v14 =	vperm.xlane v8, v0;
	v16 =	vperm.xlane v6, v0  }
0x1f0: {  	v11 =	vld [tilespmem:s2+$0x1B000];
	v20 =	vperm.xlane v17, v0;
	v19 =	vperm.xlane v7, v0  }
0x1f1: {  	v28 =	vperm.xlane v18, v0;
	v27 =	vperm.xlane v10, v0  }
0x1f2: {  	v26 =	vld [tilespmem:s31+$0x180];
	v21 =	vperm.xlane v13, v0;
	v25 =	vsel vm0, v19, v5;
	v5 =	vperm.xlane v12, v0  }
0x1f3: {  	v31 =	vperm.xlane v22, v0;
	v15 =	vsel vm0, v7, v15;
	v23 =	vperm.xlane v25, v1  }
0x1f4: {  	v7 =	vperm.xlane v9, v0;
	v9 =	vsel vm0, v16, v9;
	v32 =	vsel vm0, v5, v18  }
0x1f5: {  	v16 =	vperm.xlane v11, v0;
	v30 =	vsel vm0, v12, v28;
	v5 =	vsel vm1, v23, v32;
	v23 =	vld [tilespmem:s31+$0x280]  }
0x1f6: {  	v28 =	vld [tilespmem:s31+$0x200];
	v24 =	vperm.xlane v15, v1;
	v6 =	vsel vm0, v6, v7;
	v7 =	vperm.xlane v9, v1  }
0x1f7: {  	v29 =	vsel vm0, v27, v26;
	v18 =	vperm.xlane v26, v0;
	v26 =	vperm.xlane v30, v1  }
0x1f8: {  	v17 =	vsel vm0, v17, v31;
	v31 =	vperm.xlane v29, v1;
	v19 =	vperm.xlane v6, v1  }
0x1f9: {  	s23 =	simm.s32 $0x10;
	v27 =	vld [tilespmem:s20+$0x1C800];
	s20 =	smov.u32 s21;
	v32 =	vperm.xlane v32, v1;
	v12 =	vperm.xlane v5, v2  }
.LBB2_14:
0x1fa: {  	p1 =	sne.s32 s23, $0x2F0;
	v20 =	vsel vm0, v20, v22;
	v22 =	vperm.xlane v23, v0;
	v24 =	vsel vm1, v24, v30;
	s22 =	sadd.s32 $0x80, s22;
	s21 =	sadd.s32 $0x800, s21  }
0x1fb: {  	s24 =	smov.u32 s23;
	s23 =	sadd.s32 $0x10, s23;
	v30 =	vperm.xlane v28, v0;
	v25 =	vsel vm1, v25, v32;
	v32 =	vperm.xlane v24, v2  }
0x1fc: {  	v22 =	vsel vm0, v28, v22;
	v28 =	vperm.xlane v20, v1;
	v20 =	vsel vm1, v20, v31  }
0x1fd: {  	v31 =	vperm.xlane v25, v2;
	v23 =	vsel vm0, v30, v23;
	v30 =	vperm.xlane v20, v2  }
0x1fe: {  	v28 =	vsel vm1, v28, v29;
	v29 =	vperm.xlane v22, v1;
	v33 =	vperm.xlane v23, v1  }
0x1ff: {  	v11 =	vsel vm0, v21, v11;
	v21 =	vperm.xlane v17, v1;
	v14 =	vsel vm0, v27, v14  }
0x200: {  	v15 =	vsel vm1, v15, v26;
	v27 =	vperm.xlane v27, v0;
	v33 =	vsel vm1, v33, v11  }
0x201: {  	v19 =	vsel vm1, v14, v19;
	v34 =	vperm.xlane v28, v2;
	v26 =	vperm.xlane v33, v2  }
0x202: {  	v13 =	vsel vm0, v13, v16;
	v11 =	vperm.xlane v11, v1;
	v16 =	vperm.xlane v19, v2  }
0x203: {  	v8 =	vsel vm0, v27, v8;
	v27 =	vperm.xlane v13, v1;
	v26 =	vsel vm2, v28, v26  }
0x204: {  	v10 =	vsel vm0, v10, v18;
	v18 =	vperm.xlane v15, v2;
	v13 =	vsel vm1, v29, v13  }
0x205: {  	v14 =	vperm.xlane v14, v1;
	v28 =	vperm.xlane v10, v1;
	v10 =	vsel vm1, v21, v10  }
0x206: {  	v18 =	vsel vm2, v19, v18;
	v21 =	vperm.xlane v8, v1;
	v29 =	vperm.xlane v10, v2  }
0x207: {  	v19 =	vsel vm1, v22, v27;
	v22 =	vperm.xlane v13, v2;
	v17 =	vsel vm1, v17, v28  }
0x208: {  	v33 =	vsel vm2, v34, v33;
	v27 =	vperm.xlane v19, v2;
	v28 =	vperm.xlane v17, v2  }
0x209: {  	v10 =	vsel vm2, v10, v22;
	v9 =	vsel vm1, v21, v9;
	v13 =	vsel vm2, v29, v13  }
0x20a: {  	v11 =	vsel vm1, v23, v11;
	v17 =	vsel vm2, v17, v27;
	v12 =	vsel vm2, v9, v12  }
0x20b: {  	v21 =	vsel vm2, v30, v11;
	v23 =	vperm.xlane v10, v3;
	v22 =	vperm.xlane v17, v3  }
0x20c: {  	v6 =	vsel vm1, v14, v6;
	v14 =	vperm.xlane v18, v3;
	v27 =	vperm.xlane v26, v3  }
0x20d: {  	v7 =	vsel vm1, v8, v7;
	v8 =	vsel vm2, v16, v15;
	v15 =	vsel vm2, v6, v32  }
0x20e: {  	v11 =	vperm.xlane v11, v2;
	v14 =	vsel vm3, v17, v14;
	v16 =	vsel vm3, v23, v15  }
0x20f: {  	v17 =	vperm.xlane v7, v2;
	v18 =	vsel vm3, v22, v18;
	v22 =	vperm.xlane v13, v3;
	[tilespmem:s20+$0xFFFFFC00] =	vst v14  }
0x210: {  	v6 =	vperm.xlane v6, v2;
	v9 =	vperm.xlane v9, v2;
	v7 =	vsel vm2, v7, v31;
	[tilespmem:s20+$0x100] =	vst v16  }
0x211: {  	v14 =	vsel vm2, v17, v25;
	v17 =	vperm.xlane v33, v3;
	v16 =	vperm.xlane v21, v3;
	[tilespmem:s20+$0x0] =	vst v18  }
0x212: {  	v6 =	vsel vm2, v6, v24;
	v5 =	vsel vm2, v9, v5;
	v9 =	vperm.xlane v14, v3  }
0x213: {  	v14 =	vsel vm3, v16, v14;
	v16 =	vperm.xlane v6, v3;
	v6 =	vsel vm3, v22, v6  }
0x214: {  	v15 =	vperm.xlane v15, v3;
	v17 =	vsel vm3, v17, v5;
	v9 =	vsel vm3, v21, v9;
	[tilespmem:s20+$0x280] =	vst v14  }
0x215: {  	v5 =	vperm.xlane v5, v3;
	v14 =	vperm.xlane v7, v3;
	v13 =	vsel vm3, v13, v16;
	[tilespmem:s20+$0xFFFFFE80] =	vst v9  }
0x216: {  	v10 =	vsel vm3, v10, v15;
	v9 =	vsel vm2, v20, v11;
	v11 =	vsel vm3, v27, v12;
	[tilespmem:s20+$0x380] =	vst v17  }
0x217: {  	v5 =	vsel vm3, v33, v5;
	v15 =	vperm.xlane v9, v3;
	v9 =	vsel vm3, v9, v14;
	[tilespmem:s20+$0x180] =	vst v11  }
0x218: {  	v11 =	vperm.xlane v12, v3;
	v12 =	vperm.xlane v8, v3;
	[tilespmem:s20+$0x300] =	vst v6  }
0x219: {  	v6 =	vsel vm2, v28, v19;
	v7 =	vsel vm3, v15, v7;
	[tilespmem:s20+$0xFFFFFF00] =	vst v13  }
0x21a: {  	v11 =	vsel vm3, v26, v11;
	v13 =	vperm.xlane v6, v3;
	v6 =	vsel vm3, v6, v12;
	[tilespmem:s20+$0xFFFFFD00] =	vst v10  }
0x21b: {  	[tilespmem:s20+$0xFFFFFF80] =	vst v5  }
0x21c: {  	v5 =	vsel vm3, v13, v8;
	[tilespmem:s20+$0xFFFFFE00] =	vst v6  }
0x21d: {  	[tilespmem:s20+$0x200] =	vst v5  }
0x21e: {  	[tilespmem:s20+$0x80] =	vst v7  }
0x21f: {  	s2 =	sor.u32 s22, s24;
	[tilespmem:s20+$0xFFFFFC80] =	vst v9  }
0x220: {  	s24 =	sand.u32 $0x70, s24;
	s25 =	sand.u32 $0x1C00, s22;
	s2 =	sor.u32 $0x380, s2;
	[tilespmem:s20+$0xFFFFFD80] =	vst v11  }
0x221: {  	s24 =	sor.u32 s24, s25;
	s20 =	smov.u32 s21;
	v11 =	vld [tilespmem:s2+$0x1B000]  }
0x222: {  	s2 =	sadd.s32 $0x1B000, s24;
	v5 =	vld [tilespmem:s24+$0x1CA80]  }
0x223: {  	v8 =	vld [tilespmem:s24+$0x1C880]  }
0x224: {  	v17 =	vld [tilespmem:s24+$0x1B000]  }
0x225: {  	v6 =	vld [tilespmem:s24+$0x1C900]  }
0x226: {  	v7 =	vld [tilespmem:s24+$0x1CA00]  }
0x227: {  	v9 =	vld [tilespmem:s24+$0x1C980];
	v12 =	vperm.xlane v5, v0  }
0x228: {  	v18 =	vld [tilespmem:s24+$0x1CB00]  }
0x229: {  	v14 =	vperm.xlane v8, v0;
	v10 =	vld [tilespmem:s2+$0x100]  }
0x22a: {  	v20 =	vperm.xlane v17, v0;
	v19 =	vld [tilespmem:s24+$0x1CB80];
	v16 =	vperm.xlane v6, v0  }
0x22b: {  	v13 =	vld [tilespmem:s2+$0x300];
	v21 =	vperm.xlane v7, v0;
	v15 =	vsel vm0, v7, v12  }
0x22c: {  	v22 =	vld [tilespmem:s2+$0x80];
	v7 =	vperm.xlane v9, v0;
	v9 =	vsel vm0, v16, v9;
	v24 =	vperm.xlane v15, v1  }
0x22d: {  	v16 =	vperm.xlane v11, v0;
	v26 =	vld [tilespmem:s2+$0x180];
	v25 =	vsel vm0, v21, v5;
	v5 =	vperm.xlane v18, v0  }
0x22e: {  	v23 =	vld [tilespmem:s2+$0x280];
	v6 =	vsel vm0, v6, v7;
	v7 =	vperm.xlane v9, v1;
	v12 =	vperm.xlane v25, v1  }
.Ltmp13:
0x22f: {  	v27 =	vperm.xlane v10, v0;
	v29 =	vperm.xlane v19, v0;
	v32 =	vsel vm0, v5, v19;
	(pc) =	sbr.rel @p1 .LBB2_14-.Ltmp13, $4  }
0x230: {  	v19 =	vperm.xlane v6, v1;
	v28 =	vld [tilespmem:s2+$0x200];
	v21 =	vperm.xlane v13, v0;
	v5 =	vsel vm1, v12, v32  }
0x231: {  	v31 =	vperm.xlane v22, v0;
	v30 =	vsel vm0, v18, v29;
	v12 =	vperm.xlane v5, v2  }
0x232: {  	v18 =	vperm.xlane v26, v0;
	v29 =	vsel vm0, v27, v26;
	v26 =	vperm.xlane v30, v1  }
0x233: {  	v32 =	vperm.xlane v32, v1;
	v27 =	vld [tilespmem:s24+$0x1C800];
	v17 =	vsel vm0, v17, v31;
	v31 =	vperm.xlane v29, v1  }
0x234: {  	v20 =	vsel vm0, v20, v22;
	v51 =	vperm.xlane v23, v0;
	v24 =	vsel vm1, v24, v30  }
0x235: {  	v11 =	vsel vm0, v21, v11;
	v58 =	vperm.xlane v17, v1;
	v15 =	vsel vm1, v15, v26  }
0x236: {  	v13 =	vsel vm0, v13, v16;
	v10 =	vsel vm0, v10, v18;
	v52 =	vperm.xlane v28, v0  }
0x237: {  	v25 =	vsel vm1, v25, v32;
	v53 =	vperm.xlane v24, v2;
	v33 =	vperm.xlane v20, v1  }
0x238: {  	v20 =	vsel vm1, v20, v31;
	v62 =	vperm.xlane v13, v1;
	v63 =	vperm.xlane v15, v2  }
0x239: {  	v36 =	vperm.xlane v10, v1;
	v22 =	vsel vm0, v28, v51;
	v55 =	vperm.xlane v20, v2  }
0x23a: {  	v30 =	vperm.xlane v25, v2;
	v10 =	vsel vm1, v58, v10;
	v54 =	vsel vm0, v52, v23  }
0x23b: {  	v29 =	vsel vm1, v33, v29;
	v57 =	vperm.xlane v22, v1;
	v38 =	vperm.xlane v10, v2  }
0x23c: {  	v39 =	vsel vm1, v22, v62;
	v41 =	vsel vm1, v17, v36;
	v56 =	vperm.xlane v54, v1  }
0x23d: {  	v14 =	vsel vm0, v27, v14;
	v59 =	vperm.xlane v27, v0;
	v34 =	vperm.xlane v29, v2  }
0x23e: {  	v27 =	vperm.xlane v39, v2;
	v19 =	vsel vm1, v14, v19;
	v14 =	vperm.xlane v14, v1  }
0x23f: {  	v13 =	vsel vm1, v57, v13;
	v31 =	vsel vm1, v56, v11;
	v11 =	vperm.xlane v11, v1  }
0x240: {  	v61 =	vperm.xlane v19, v2;
	v8 =	vsel vm0, v59, v8;
	v18 =	vsel vm2, v19, v63  }
0x241: {  	v40 =	vperm.xlane v13, v2;
	v13 =	vsel vm2, v38, v13;
	v43 =	vsel vm2, v41, v27  }
0x242: {  	v60 =	vperm.xlane v31, v2;
	v37 =	vperm.xlane v8, v1;
	v42 =	vsel vm2, v34, v31  }
0x243: {  	v45 =	vperm.xlane v18, v3;
	v7 =	vsel vm1, v8, v7;
	v6 =	vsel vm1, v14, v6  }
0x244: {  	v27 =	vperm.xlane v43, v3;
	v10 =	vsel vm2, v10, v40;
	v11 =	vsel vm1, v54, v11  }
0x245: {  	v47 =	vperm.xlane v7, v2;
	v48 =	vsel vm2, v6, v53;
	v6 =	vperm.xlane v6, v2  }
0x246: {  	v53 =	vperm.xlane v13, v3;
	v26 =	vsel vm2, v29, v60;
	v9 =	vsel vm1, v37, v9  }
0x247: {  	v44 =	vsel vm2, v55, v11;
	v46 =	vperm.xlane v10, v3;
	v21 =	vsel vm3, v43, v45  }
0x248: {  	v18 =	vsel vm3, v27, v18;
	v58 =	vperm.xlane v48, v3;
	[tilespmem:s20+$0xFFFFFC00] =	vst v21;
	v14 =	vsel vm2, v47, v25  }
0x249: {  	v49 =	vperm.xlane v44, v3;
	[tilespmem:s20+$0x0] =	vst v18;
	v6 =	vsel vm2, v6, v24;
	v8 =	vsel vm3, v46, v48  }
0x24a: {  	v52 =	vperm.xlane v26, v3;
	v56 =	vperm.xlane v6, v3;
	v6 =	vsel vm3, v53, v6;
	[tilespmem:s20+$0x100] =	vst v8  }
0x24b: {  	v12 =	vsel vm2, v9, v12;
	v50 =	vperm.xlane v14, v3;
	v14 =	vsel vm3, v49, v14;
	[tilespmem:s20+$0x300] =	vst v6  }
0x24c: {  	v51 =	vperm.xlane v42, v3;
	v9 =	vperm.xlane v9, v2;
	v18 =	vsel vm3, v52, v12;
	[tilespmem:s20+$0x280] =	vst v14  }
0x24d: {  	v57 =	vsel vm2, v61, v15;
	v55 =	vperm.xlane v41, v2;
	v6 =	vsel vm3, v10, v58;
	[tilespmem:s20+$0x180] =	vst v18  }
0x24e: {  	v11 =	vperm.xlane v11, v2;
	v5 =	vsel vm2, v9, v5;
	v8 =	vsel vm3, v44, v50;
	[tilespmem:s20+$0xFFFFFD00] =	vst v6  }
0x24f: {  	v59 =	vperm.xlane v57, v3;
	v54 =	vsel vm3, v51, v5;
	v5 =	vperm.xlane v5, v3;
	[tilespmem:s20+$0xFFFFFE80] =	vst v8  }
0x250: {  	v60 =	vsel vm2, v20, v11;
	v13 =	vsel vm3, v13, v56;
	v6 =	vsel vm2, v7, v30;
	[tilespmem:s20+$0x380] =	vst v54  }
0x251: {  	v7 =	vperm.xlane v60, v3;
	v8 =	vsel vm2, v55, v39;
	[tilespmem:s20+$0xFFFFFF00] =	vst v13;
	v5 =	vsel vm3, v42, v5  }
0x252: {  	v61 =	vperm.xlane v8, v3;
	v8 =	vsel vm3, v8, v59;
	[tilespmem:s20+$0xFFFFFF80] =	vst v5  }
0x253: {  	v63 =	vperm.xlane v12, v3;
	v5 =	vperm.xlane v6, v3;
	[tilespmem:s20+$0xFFFFFE00] =	vst v8;
	v6 =	vsel vm3, v7, v6  }
0x254: {  	v62 =	vsel vm3, v61, v57;
	[tilespmem:s20+$0x80] =	vst v6  }
0x255: {  	v6 =	vsel vm3, v26, v63;
	[tilespmem:s20+$0x200] =	vst v62  }
0x256: {  	v5 =	vsel vm3, v60, v5;
	[tilespmem:s20+$0xFFFFFD80] =	vst v6  }
0x257: {  	[tilespmem:s20+$0xFFFFFC80] =	vst v5  }
.LBB2_16:
0x258: {  	s2 =	simm.s32 $0x0  }
0x259: {  	s20 =	sand.u32 $0x70, s19;
	s2 =	simm.s32 @!p0 $0x10  }
0x25a: {  	s21 =	sadd.s32 s2, s20  }
0x25b: {  	p0 =	sgt.u32 s21, $0x7F  }
.Ltmp14:
0x25c: {  	_ = 	snop;
	(pc) =	sbr.rel @p0 .LBB2_21-.Ltmp14, $2  }
0x25d: {  	_ =	sdelay $0x2  }
0x25e: {  	s20 =	sshrl.u32 s21, $0x4  }
0x25f: {  	s22 =	smov.u32 s20;
	s23 =	smov.u32 s21;
	s24 =	smov.u32 s20  }
.LBB2_18:
0x260: {  	s2 =	sshll.u32 s23, $0x2;
	s25 =	sand.u32 $0x7, s22  }
0x261: {  	s2 =	sand.u32 $0xFFFFFE00, s2;
	s25 =	sshll.u32 s25, $0x6  }
0x262: {  	s2 =	sor.u32 s25, s2  }
0x263: {  	s2 =	sshra.s32 s2, $0x2  }
0x264: {  	s2 =	sadd.s32 $0x3400, s2  }
0x265: {  	v5 =	vmov s2;
	_ =	sdelay $0x3  }
0x266: {  	s26 =	simm.s32 $0x2000;
	s25 =	simm.s32 $0x0  }
.LBB2_19:
0x267: {  	p0 =	sne.s32 s26, $0x5E000;
	[tilespmem:v5+s25+$0x380 ss:$0x1] =	vst.idx.msk $0xffff, v4  }
0x268: {  	[tilespmem:v5+s25+$0xFFFFFC00 ss:$0x1] =	vst.idx.msk $0xffff, v4  }
0x269: {  	[tilespmem:v5+s25+$0xFFFFFC80 ss:$0x1] =	vst.idx.msk $0xffff, v4  }
0x26a: {  	[tilespmem:v5+s25+$0xFFFFFD00 ss:$0x1] =	vst.idx.msk $0xffff, v4  }
0x26b: {  	[tilespmem:v5+s25+$0xFFFFFD80 ss:$0x1] =	vst.idx.msk $0xffff, v4  }
0x26c: {  	[tilespmem:v5+s25+$0xFFFFFE00 ss:$0x1] =	vst.idx.msk $0xffff, v4  }
0x26d: {  	[tilespmem:v5+s25+$0xFFFFFE80 ss:$0x1] =	vst.idx.msk $0xffff, v4  }
0x26e: {  	[tilespmem:v5+s25+$0xFFFFFF00 ss:$0x1] =	vst.idx.msk $0xffff, v4  }
0x26f: {  	[tilespmem:v5+s25+$0xFFFFFF80 ss:$0x1] =	vst.idx.msk $0xffff, v4  }
0x270: {  	[tilespmem:v5+s25+$0x0 ss:$0x1] =	vst.idx.msk $0xffff, v4  }
0x271: {  	[tilespmem:v5+s25+$0x80 ss:$0x1] =	vst.idx.msk $0xffff, v4  }
.Ltmp15:
0x272: {  	[tilespmem:v5+s25+$0x100 ss:$0x1] =	vst.idx.msk $0xffff, v4;
	(pc) =	sbr.rel @p0 .LBB2_19-.Ltmp15, $4  }
0x273: {  	[tilespmem:v5+s25+$0x180 ss:$0x1] =	vst.idx.msk $0xffff, v4  }
0x274: {  	[tilespmem:v5+s25+$0x200 ss:$0x1] =	vst.idx.msk $0xffff, v4  }
0x275: {  	[tilespmem:v5+s25+$0x280 ss:$0x1] =	vst.idx.msk $0xffff, v4  }
0x276: {  	[tilespmem:v5+s25+$0x300 ss:$0x1] =	vst.idx.msk $0xffff, v4;
	s25 =	sshra.s32 s26, $0x2;
	s26 =	sadd.s32 $0x2000, s26  }
0x277: {  	_ =	sdelay $0x3  }
0x278: {  	[tilespmem:v5+s25+$0x380 ss:$0x1] =	vst.idx.msk $0xffff, v4  }
0x279: {  	[tilespmem:v5+s25+$0xFFFFFC00 ss:$0x1] =	vst.idx.msk $0xffff, v4  }
0x27a: {  	[tilespmem:v5+s25+$0xFFFFFC80 ss:$0x1] =	vst.idx.msk $0xffff, v4  }
0x27b: {  	[tilespmem:v5+s25+$0xFFFFFD00 ss:$0x1] =	vst.idx.msk $0xffff, v4  }
0x27c: {  	[tilespmem:v5+s25+$0xFFFFFD80 ss:$0x1] =	vst.idx.msk $0xffff, v4  }
0x27d: {  	[tilespmem:v5+s25+$0xFFFFFE00 ss:$0x1] =	vst.idx.msk $0xffff, v4  }
0x27e: {  	[tilespmem:v5+s25+$0xFFFFFE80 ss:$0x1] =	vst.idx.msk $0xffff, v4  }
0x27f: {  	[tilespmem:v5+s25+$0xFFFFFF00 ss:$0x1] =	vst.idx.msk $0xffff, v4  }
0x280: {  	[tilespmem:v5+s25+$0xFFFFFF80 ss:$0x1] =	vst.idx.msk $0xffff, v4  }
0x281: {  	[tilespmem:v5+s25+$0x0 ss:$0x1] =	vst.idx.msk $0xffff, v4;
	s24 =	sadd.s32 $0x1, s24  }
0x282: {  	[tilespmem:v5+s25+$0x80 ss:$0x1] =	vst.idx.msk $0xffff, v4;
	p0 =	sne.s32 s24, $0x8  }
.Ltmp16:
0x283: {  	[tilespmem:v5+s25+$0x100 ss:$0x1] =	vst.idx.msk $0xffff, v4;
	(pc) =	sbr.rel @p0 .LBB2_18-.Ltmp16, $4  }
0x284: {  	[tilespmem:v5+s25+$0x180 ss:$0x1] =	vst.idx.msk $0xffff, v4  }
0x285: {  	[tilespmem:v5+s25+$0x200 ss:$0x1] =	vst.idx.msk $0xffff, v4  }
0x286: {  	[tilespmem:v5+s25+$0x280 ss:$0x1] =	vst.idx.msk $0xffff, v4  }
0x287: {  	[tilespmem:v5+s25+$0x300 ss:$0x1] =	vst.idx.msk $0xffff, v4;
	s23 =	sadd.s32 $0x10, s23;
	s22 =	sadd.s32 $0x1, s22  }
.LBB2_21:
0x288: {  	s2 =	sshra.s32 s19, $0x1F  }
0x289: {  	s2 =	sshrl.u32 s2, $0x19  }
0x28a: {  	s2 =	sadd.s32 s2, s19  }
0x28b: {  	s22 =	sand.u32 $0xFFFFFF80, s2  }
0x28c: {  	p1 =	slt.s32 s19, $0x1;
	p0 =	sne.s32 s19, s22  }
0x28d: {  	p0 =	por !p1, !p0  }
0x28e: {  	s19 =	simm.s32 $0x1;
	p0 =	por !p0, !p0  }
0x28f: {  	s2 =	sshra.s32 s2, $0x7;
	s19 =	simm.s32 @!p0 $0x0  }
0x290: {  	p0 =	seq.s32 s21, $0x0;
	s2 =	ssub.s32 s2, s19  }
0x291: {  	s19 =	sshll.u32 @!p0 s2, $0xA  }
0x292: {  	p1 =	sne.s32 s21, $0x0;
	s21 =	simm.s32 $0x1;
	s19 =	sadd.s32 @!p0 s5, s19  }
0x293: {  	s22 =	simm.s32 @!p0 $0x400;
	s23 =	simm.s32 @!p0 $0x2000;
	s19 =	sshrl.u32 @!p0 s19, $0x3  }
0x294: {  	s24 =	simm.s32 @!p0 $0x3000;
	s21 =	simm.s32 @!p1 $0x0;
	s19 =	sadd.s32 @!p0 s3, s19  }
0x295: {  	[hbm4b:s19+s22] =	stream.strided.scatter @!p0 [tilespmem:s24], [sflag:$0x3], $0x18000, s23, s22, $0x38;
	[tilespmem:$0x1E000] =	vst v63  }
0x296: {  	s19 =	sadd.s32 s21, s2  }
0x297: {  	p1 =	sgt.s32 s19, $0x7  }
.Ltmp17:
0x298: {  	_ = 	snop;
	(pc) =	sbr.rel @p1 .LBB2_29-.Ltmp17, $4  }
0x299: {  	s22 =	simm.s32 @!p0 $0x3  }
0x29a: {  	_ =	swait.ge @!p0 [sflag:s22], $0x18000  }
0x29b: {  	[sflag:s22] =	ssyncset.done @!p0 $0x0  }
0x29c: {  	[sflag:s22] =	ssyncadd.s32 @!p0 $0xFFFE8000  }
.Ltmp18:
0x29d: {  	(pc) =	sbr.rel @p0 .LBB2_26-.Ltmp18, $2  }
0x29e: {  	_ =	sdelay $0x2  }
0x29f: {  	s21 =	simm.s32 $0x0;
	s22 =	simm.s32 $0x0  }
.LBB2_23:
0x2a0: {  	s2 =	sshll.u32 s21, $0x2  }
0x2a1: {  	s2 =	sshra.s32 s2, $0x2  }
0x2a2: {  	s2 =	sand.u32 $0xFFFFFFF0, s2  }
0x2a3: {  	s2 =	sadd.s32 $0x3400, s2  }
0x2a4: {  	v5 =	vmov s2;
	_ =	sdelay $0x3  }
0x2a5: {  	s23 =	simm.s32 $0x0;
	s24 =	simm.s32 $0x2000  }
.LBB2_24:
0x2a6: {  	p0 =	sne.s32 s24, $0x5E000;
	[tilespmem:v5+s23+$0x380 ss:$0x1] =	vst.idx.msk $0xffff, v4  }
0x2a7: {  	[tilespmem:v5+s23+$0xFFFFFC00 ss:$0x1] =	vst.idx.msk $0xffff, v4  }
0x2a8: {  	[tilespmem:v5+s23+$0xFFFFFC80 ss:$0x1] =	vst.idx.msk $0xffff, v4  }
0x2a9: {  	[tilespmem:v5+s23+$0xFFFFFD00 ss:$0x1] =	vst.idx.msk $0xffff, v4  }
0x2aa: {  	[tilespmem:v5+s23+$0xFFFFFD80 ss:$0x1] =	vst.idx.msk $0xffff, v4  }
0x2ab: {  	[tilespmem:v5+s23+$0xFFFFFE00 ss:$0x1] =	vst.idx.msk $0xffff, v4  }
0x2ac: {  	[tilespmem:v5+s23+$0xFFFFFE80 ss:$0x1] =	vst.idx.msk $0xffff, v4  }
0x2ad: {  	[tilespmem:v5+s23+$0xFFFFFF00 ss:$0x1] =	vst.idx.msk $0xffff, v4  }
0x2ae: {  	[tilespmem:v5+s23+$0xFFFFFF80 ss:$0x1] =	vst.idx.msk $0xffff, v4  }
0x2af: {  	[tilespmem:v5+s23+$0x0 ss:$0x1] =	vst.idx.msk $0xffff, v4  }
0x2b0: {  	[tilespmem:v5+s23+$0x80 ss:$0x1] =	vst.idx.msk $0xffff, v4  }
.Ltmp19:
0x2b1: {  	[tilespmem:v5+s23+$0x100 ss:$0x1] =	vst.idx.msk $0xffff, v4;
	(pc) =	sbr.rel @p0 .LBB2_24-.Ltmp19, $4  }
0x2b2: {  	[tilespmem:v5+s23+$0x180 ss:$0x1] =	vst.idx.msk $0xffff, v4  }
0x2b3: {  	[tilespmem:v5+s23+$0x200 ss:$0x1] =	vst.idx.msk $0xffff, v4  }
0x2b4: {  	[tilespmem:v5+s23+$0x280 ss:$0x1] =	vst.idx.msk $0xffff, v4  }
0x2b5: {  	[tilespmem:v5+s23+$0x300 ss:$0x1] =	vst.idx.msk $0xffff, v4;
	s23 =	sshra.s32 s24, $0x2;
	s24 =	sadd.s32 $0x2000, s24  }
0x2b6: {  	_ =	sdelay $0x3  }
0x2b7: {  	[tilespmem:v5+s23+$0x380 ss:$0x1] =	vst.idx.msk $0xffff, v4  }
0x2b8: {  	[tilespmem:v5+s23+$0xFFFFFC00 ss:$0x1] =	vst.idx.msk $0xffff, v4  }
0x2b9: {  	[tilespmem:v5+s23+$0xFFFFFC80 ss:$0x1] =	vst.idx.msk $0xffff, v4  }
0x2ba: {  	[tilespmem:v5+s23+$0xFFFFFD00 ss:$0x1] =	vst.idx.msk $0xffff, v4  }
0x2bb: {  	[tilespmem:v5+s23+$0xFFFFFD80 ss:$0x1] =	vst.idx.msk $0xffff, v4  }
0x2bc: {  	[tilespmem:v5+s23+$0xFFFFFE00 ss:$0x1] =	vst.idx.msk $0xffff, v4  }
0x2bd: {  	[tilespmem:v5+s23+$0xFFFFFE80 ss:$0x1] =	vst.idx.msk $0xffff, v4  }
0x2be: {  	[tilespmem:v5+s23+$0xFFFFFF00 ss:$0x1] =	vst.idx.msk $0xffff, v4  }
0x2bf: {  	[tilespmem:v5+s23+$0xFFFFFF80 ss:$0x1] =	vst.idx.msk $0xffff, v4  }
0x2c0: {  	[tilespmem:v5+s23+$0x0 ss:$0x1] =	vst.idx.msk $0xffff, v4;
	s22 =	sadd.s32 $0x1, s22  }
0x2c1: {  	[tilespmem:v5+s23+$0x80 ss:$0x1] =	vst.idx.msk $0xffff, v4;
	p0 =	sne.s32 s22, s20  }
.Ltmp20:
0x2c2: {  	[tilespmem:v5+s23+$0x100 ss:$0x1] =	vst.idx.msk $0xffff, v4;
	(pc) =	sbr.rel @p0 .LBB2_23-.Ltmp20, $4  }
0x2c3: {  	[tilespmem:v5+s23+$0x180 ss:$0x1] =	vst.idx.msk $0xffff, v4  }
0x2c4: {  	[tilespmem:v5+s23+$0x200 ss:$0x1] =	vst.idx.msk $0xffff, v4  }
0x2c5: {  	[tilespmem:v5+s23+$0x280 ss:$0x1] =	vst.idx.msk $0xffff, v4  }
0x2c6: {  	[tilespmem:v5+s23+$0x300 ss:$0x1] =	vst.idx.msk $0xffff, v4;
	s21 =	sadd.s32 $0x10, s21  }
.LBB2_26:
0x2c7: {  	s31 =	ssub.s32 $0x8, s19  }
0x2c8: {  	s2 =	sshll.u32 s19, $0xA;
	p0 =	sne.s32 s31, $0x1  }
.Ltmp21:
0x2c9: {  	s2 =	sadd.s32 s2, s11;
	(pc) =	sbr.rel @!p0 .LBB2_28-.Ltmp21, $4  }
0x2ca: {  	s20 =	sshrl.u32 s2, $0x3  }
0x2cb: {  	s20 =	sadd.s32 s3, s20  }
0x2cc: {  	[hbm4b:s20+s12] =	stream.strided.scatter [tilespmem:s16], [sflag:$0x3], $0x18000, s15, s12, $0x38;
	[tilespmem:$0x1E000] =	vst v63  }
0x2cd: {  	s19 =	sadd.s32 $0xFFFFFFFF, s31;
	s20 =	sadd.s32 $0x400, s2;
	_ =	swait.ge [sflag:s17], $0x18000  }
.LBB2_27:
0x2ce: {  	s2 =	sshrl.u32 s20, $0x3;
	[sflag:s17] =	ssyncset.done $0x0;
	p0 =	sne.s32 s19, $0x1  }
.Ltmp22:
0x2cf: {  	s2 =	sadd.s32 s3, s2;
	[sflag:s17] =	ssyncadd.s32 $0xFFFE8000;
	(pc) =	sbr.rel @p0 .LBB2_27-.Ltmp22, $3  }
0x2d0: {  	[hbm4b:s2+s12] =	stream.strided.scatter [tilespmem:s16], [sflag:$0x3], $0x18000, s15, s12, $0x38;
	[tilespmem:$0x1E000] =	vst v63  }
0x2d1: {  	s19 =	sadd.s32 $0xFFFFFFFF, s19;
	_ =	sdelay $0x1  }
0x2d2: {  	s20 =	sadd.s32 $0x400, s20;
	_ =	swait.ge [sflag:s17], $0x18000  }
.Ltmp23:
0x2d3: {  	_ = 	snop;
	(pc) =	sbr.rel .LBB2_28-.Ltmp23, $1  }
0x2d4: {  	_ =	sdelay $0x3  }
.LBB2_30:
0x2d5: {  	_ =	sfence.sel $0x180000  }
0x2d6: {  	[bflag:$0x0] =	sbarrier.arrive $0xFFFF  }
0x2d7: {  	_ =	strace $0x90000047  }
0x2d8: {  	[bflag:$0x2] =	sbarrier.arrive $0xFFFF  }
0x2d9: {  	p0 =	sne.s32 s1, $0x0;
	s0 =	rddreg [dreg:$0x2]  }
0x2da: {  	s0 =	sadd.s32 @!p0 $0x100000, s0  }
0x2db: {  	[sflag:s0] =	ssyncadd.tile.s32 @!p0 $0x1;
	_ =	shalt  }
.Lfunc_end2:
_tile_overlayer_lowered:
.L_overlay_start_2:
0x2dc: {  	(tag) =	ssettag $0x2  }
0x2dd: {  	s0 =	rddreg [dreg:$0x0];
	s2 =	stileid.u32  }
0x2de: {  	s1 =	rddreg [dreg:$0x1];
	p0 =	sne.s32 s2, $0x0  }
0x2df: {  	s3 =	rddreg [dreg:$0x2];
	[bflag:$0x3] =	sbarrier.arrive $0xFFFF;
	s2 =	simm.s32 @!p0 $0x1C03  }
0x2e0: {  	[timem:s3], [sflag:s2] =	dma.local @!p0 [hbm:s0], s1  }
0x2e1: {  	s0 =	simm.s32 @!p0 $0x3  }
0x2e2: {  	_ =	swait.ge @!p0 [sflag:s0], s1  }
0x2e3: {  	s1 =	ssub.s32 @!p0 $0x0, s1;
	[sflag:s0] =	ssyncset.done @!p0 $0x0  }
0x2e4: {  	[sflag:s0] =	ssyncadd.s32 @!p0 s1  }
0x2e5: {  	[bflag:$0x3] =	sbarrier.arrive $0xFFFF  }
0x2e6: {  	_ =	shalt  }

</sc_bundles>
